<compile_context>
chip_gen: v7x
topology: tpu7x:2x2x1
jax: 0.10.2.dev20260603
libtpu: 0.0.44.dev20260713+nightly
codegen_flags: <defaults>
</compile_context>

<pallas_src>
import functools

import jax
import jax.numpy as jnp
from jax import lax
from jax.experimental import pallas as pl
from jax.experimental.pallas import tpu as pltpu
from jax.experimental.pallas import tpu_sc as plsc

N = 10000
E = 320000
D = 128
G = 128
NC = 2
NS = 16
NW = NC * NS
DH = D // NC
CHUNK = 128
KPT = 160
KB = 8
NSLAB = KPT // KB
N_PAD = 10112
RPT = N_PAD // NS


_SLICES = tuple((i, min(CHUNK, RPT - i)) for i in range(0, RPT, CHUNK))


def _agg_kernel_body(with_deg, *refs):
    if with_deg:
        (h_hbm, srci, dsti, z_hbm, z16_hbm, o16_hbm,
         out_hbm, dout_hbm, srcv, dstv, rows, rows1, onesv,
         sem, sem1, semd, acc, tbl, dacc) = refs
    else:
        (h_hbm, srci, dsti, z_hbm,
         out_hbm, srcv, dstv, rows, rows1, onesv,
         sem, sem1, semd, acc, tbl, dacc) = refs
    core = lax.axis_index("c")
    sid = lax.axis_index("s")
    r0 = sid * RPT
    c0 = core * DH
    pltpu.sync_copy(z_hbm, rows)
    for off, cnt in _SLICES:
        pltpu.sync_copy(rows.at[pl.ds(0, cnt)], acc.at[pl.ds(r0 + off, cnt)])
    for off, cnt in _SLICES:
        pltpu.sync_copy(h_hbm.at[pl.ds(r0 + off, cnt), pl.ds(c0, DH)],
                        rows.at[pl.ds(0, cnt)])
        pltpu.sync_copy(rows.at[pl.ds(0, cnt)], tbl.at[pl.ds(r0 + off, cnt)])
    if with_deg:
        pltpu.sync_copy(z16_hbm, onesv)
        for off, cnt in _SLICES:
            pltpu.sync_copy(onesv.at[pl.ds(0, cnt)], dacc.at[pl.ds(r0 + off, cnt)])
        pltpu.sync_copy(o16_hbm, onesv)
    plsc.subcore_barrier()

    base = sid * KPT
    half = NSLAB // 2

    @pl.loop(0, NSLAB)
    def _(s):
        pltpu.sync_copy(srci.at[pl.ds(base + s * KB, KB)], srcv)
        pltpu.sync_copy(dsti.at[pl.ds(base + s * KB, KB)], dstv)
        pltpu.async_copy(tbl.at[srcv.at[0]], rows, sem)

        @pl.loop(0, KB // 2 - 1)
        def _(jj):
            k = 2 * jj
            pltpu.make_async_copy(z_hbm, rows, sem).wait()
            pltpu.async_copy(tbl.at[srcv.at[k + 1]], rows1, sem1)
            pltpu.sync_copy(rows, acc.at[dstv.at[k]], add=True)
            pltpu.make_async_copy(z_hbm, rows1, sem1).wait()
            pltpu.async_copy(tbl.at[srcv.at[k + 2]], rows, sem)
            pltpu.sync_copy(rows1, acc.at[dstv.at[k + 1]], add=True)

        pltpu.make_async_copy(z_hbm, rows, sem).wait()
        pltpu.async_copy(tbl.at[srcv.at[KB - 1]], rows1, sem1)
        pltpu.sync_copy(rows, acc.at[dstv.at[KB - 2]], add=True)
        pltpu.make_async_copy(z_hbm, rows1, sem1).wait()
        pltpu.sync_copy(rows1, acc.at[dstv.at[KB - 1]], add=True)

    if with_deg:
        dbase = base + core * (KPT // 2)

        @pl.loop(0, half)
        def _(s):
            pltpu.sync_copy(dsti.at[pl.ds(dbase + s * KB, KB)], dstv)
            for k in range(KB):
                pltpu.sync_copy(onesv, dacc.at[dstv.at[k]], add=True)

    plsc.subcore_barrier()
    for off, cnt in _SLICES:
        pltpu.sync_copy(acc.at[pl.ds(r0 + off, cnt)], rows.at[pl.ds(0, cnt)])
        pltpu.sync_copy(rows.at[pl.ds(0, cnt)],
                        out_hbm.at[pl.ds(r0 + off, cnt), pl.ds(c0, DH)])
    if with_deg:
        for off, cnt in _SLICES:
            pltpu.sync_copy(dacc.at[pl.ds(r0 + off, cnt)], onesv.at[pl.ds(0, cnt)])
            pltpu.sync_copy(onesv.at[pl.ds(0, cnt)],
                            dout_hbm.at[pl.ds(core * N_PAD + r0 + off, cnt)])


def _make_agg(with_deg):
    mesh = plsc.VectorSubcoreMesh(core_axis_name="c", subcore_axis_name="s")
    if with_deg:
        out_type = (jax.ShapeDtypeStruct((N_PAD, D), jnp.float32),
                    jax.ShapeDtypeStruct((NC * N_PAD, 16), jnp.float32))
    else:
        out_type = jax.ShapeDtypeStruct((N_PAD, D), jnp.float32)
    scratch_types = [
        pltpu.VMEM((KB, CHUNK), jnp.int32),
        pltpu.VMEM((KB, CHUNK), jnp.int32),
        pltpu.VMEM((CHUNK, DH), jnp.float32),
        pltpu.VMEM((CHUNK, DH), jnp.float32),
        pltpu.VMEM((CHUNK, 16), jnp.float32),
        pltpu.SemaphoreType.DMA,
        pltpu.SemaphoreType.DMA,
        pltpu.SemaphoreType.DMA,
        pltpu.VMEM_SHARED((N_PAD, DH), jnp.float32),
        pltpu.VMEM_SHARED((N_PAD, DH), jnp.float32),
        pltpu.VMEM_SHARED((N_PAD, 16), jnp.float32),
    ]
    body = functools.partial(_agg_kernel_body, with_deg)
    return pl.kernel(body, out_type=out_type, mesh=mesh,
                     scratch_types=scratch_types,
                     compiler_params=pltpu.CompilerParams(
                         use_tc_tiling_on_sc=False))


_agg_deg = _make_agg(True)
_agg_nodeg = _make_agg(False)

BLK = 632
NBLK = N_PAD // BLK


def _layer_body(s_ref, d_ref, h_ref, wa_ref, wr_ref, b_ref, o_ref):
    deg = jnp.maximum(d_ref[...], 1.0)
    mean = s_ref[...] / deg
    o_ref[...] = (
        jnp.dot(mean, wa_ref[...], preferred_element_type=jnp.float32,
                precision=lax.Precision.HIGHEST)
        + jnp.dot(h_ref[...], wr_ref[...], preferred_element_type=jnp.float32,
                  precision=lax.Precision.HIGHEST)
        + b_ref[...])


def _layer(sums, deg_col, h, wa, wr, b):
    return pl.pallas_call(
        _layer_body,
        grid=(NBLK,),
        in_specs=[
            pl.BlockSpec((BLK, D), lambda i: (i, 0)),
            pl.BlockSpec((BLK, 1), lambda i: (i, 0)),
            pl.BlockSpec((BLK, D), lambda i: (i, 0)),
            pl.BlockSpec((D, D), lambda i: (0, 0)),
            pl.BlockSpec((D, D), lambda i: (0, 0)),
            pl.BlockSpec((1, D), lambda i: (0, 0)),
        ],
        out_specs=pl.BlockSpec((BLK, D), lambda i: (i, 0)),
        out_shape=jax.ShapeDtypeStruct((N_PAD, D), jnp.float32),
    )(sums, deg_col, h, wa, wr, b)


def _final_body(s_ref, d_ref, h1_ref, wa_ref, wr_ref, b_ref, bat_ref,
                wpa_ref, wpb_ref, bp_ref, o_ref, pa, pb, cnt):
    i = pl.program_id(0)

    @pl.when(i == 0)
    def _():
        pa[...] = jnp.zeros_like(pa)
        pb[...] = jnp.zeros_like(pb)
        cnt[...] = jnp.zeros_like(cnt)

    deg = jnp.maximum(d_ref[...], 1.0)
    mean = s_ref[...] / deg
    h1 = h1_ref[...]
    h2 = (jnp.dot(mean, wa_ref[...], preferred_element_type=jnp.float32,
                  precision=lax.Precision.HIGHEST)
          + jnp.dot(h1, wr_ref[...], preferred_element_type=jnp.float32,
                    precision=lax.Precision.HIGHEST)
          + b_ref[...])
    onehot = (bat_ref[...] == lax.broadcasted_iota(jnp.int32, (BLK, G), 1)
              ).astype(jnp.float32)
    dn = (((0,), (0,)), ((), ()))
    pa[...] += lax.dot_general(onehot, h1, dn,
                               preferred_element_type=jnp.float32,
                               precision=lax.Precision.HIGHEST)
    pb[...] += lax.dot_general(onehot, h2, dn,
                               preferred_element_type=jnp.float32,
                               precision=lax.Precision.HIGHEST)
    cnt[...] += lax.dot_general(onehot, jnp.ones((BLK, 8), jnp.float32), dn,
                                preferred_element_type=jnp.float32,
                                precision=lax.Precision.HIGHEST)

    @pl.when(i == NBLK - 1)
    def _():
        c = jnp.maximum(cnt[:, 0:1], 1.0)
        o_ref[...] = (
            jnp.dot(pa[...] / c, wpa_ref[...], preferred_element_type=jnp.float32,
                    precision=lax.Precision.HIGHEST)
            + jnp.dot(pb[...] / c, wpb_ref[...], preferred_element_type=jnp.float32,
                      precision=lax.Precision.HIGHEST)
            + bp_ref[...])


def _final(sums, deg_col, h1, wa, wr, b, batch2, wpa, wpb, bp_pad):
    return pl.pallas_call(
        _final_body,
        grid=(NBLK,),
        in_specs=[
            pl.BlockSpec((BLK, D), lambda i: (i, 0)),
            pl.BlockSpec((BLK, 1), lambda i: (i, 0)),
            pl.BlockSpec((BLK, D), lambda i: (i, 0)),
            pl.BlockSpec((D, D), lambda i: (0, 0)),
            pl.BlockSpec((D, D), lambda i: (0, 0)),
            pl.BlockSpec((1, D), lambda i: (0, 0)),
            pl.BlockSpec((BLK, 1), lambda i: (i, 0)),
            pl.BlockSpec((D, D), lambda i: (0, 0)),
            pl.BlockSpec((D, D), lambda i: (0, 0)),
            pl.BlockSpec((1, D), lambda i: (0, 0)),
        ],
        out_specs=pl.BlockSpec((G, D), lambda i: (0, 0)),
        out_shape=jax.ShapeDtypeStruct((G, D), jnp.float32),
        scratch_shapes=[
            pltpu.VMEM((G, D), jnp.float32),
            pltpu.VMEM((G, D), jnp.float32),
            pltpu.VMEM((G, 8), jnp.float32),
        ],
    )(sums, deg_col, h1, wa, wr, b, batch2, wpa, wpb, bp_pad)


def kernel(x, pos, edge_index, batch, W0a, b0a, W0r, b0r,
           W1a, b1a, W1r, b1r, Wp, bp):
    h0 = jnp.concatenate((x, pos), axis=1)
    h0p = jnp.concatenate(
        (h0, jnp.zeros((N_PAD - N, D), jnp.float32)), axis=0)

    ei = edge_index.astype(jnp.int32)
    pad = NS * KPT * CHUNK - E
    src2 = jnp.concatenate((ei[0], jnp.full((pad,), N, jnp.int32))
                           ).reshape(NS * KPT, CHUNK)
    dst2 = jnp.concatenate((ei[1], jnp.full((pad,), N, jnp.int32))
                           ).reshape(NS * KPT, CHUNK)
    z = jnp.zeros((CHUNK, DH), jnp.float32)
    z16 = jnp.zeros((CHUNK, 16), jnp.float32)
    o16 = jnp.ones((CHUNK, 16), jnp.float32)

    sums0, dacc = _agg_deg(h0p, src2, dst2, z, z16, o16)
    dacc = dacc.reshape(NC, N_PAD, 16)
    deg_col = (dacc[0, :, 0] + dacc[1, :, 0]).reshape(N_PAD, 1)
    h1 = _layer(sums0, deg_col, h0p, W0a, W0r, (b0a + b0r).reshape(1, D))

    sums1 = _agg_nodeg(h1, src2, dst2, z)

    batch2 = jnp.concatenate(
        (batch.astype(jnp.int32), jnp.full((N_PAD - N,), -1, jnp.int32))
    ).reshape(N_PAD, 1)
    wpa = Wp[:D]
    wpb = Wp[D:]
    pad_w = jnp.zeros((D, D - Wp.shape[1]), jnp.float32)
    wpa = jnp.concatenate((wpa, pad_w), axis=1)
    wpb = jnp.concatenate((wpb, pad_w), axis=1)
    bp_pad = jnp.concatenate((bp, jnp.zeros((D - bp.shape[0],), jnp.float32))
                             ).reshape(1, D)
    out = _final(sums1, deg_col, h1, W1a, W1r,
                 (b1a + b1r).reshape(1, D), batch2, wpa, wpb, bp_pad)
    return out[:, :Wp.shape[1]]

# --- scband reference (transcript-rebuilt; emitter-appended) ---
"""Pipeline reference for scband-graph-sagesuperpixels-49220325212351 (READ-ONLY COPY).

The authoritative reference and input builder live on the scoring server;
editing this copy changes nothing except your own understanding.
"""

import jax, jax.numpy as jnp
import numpy as np

N = 10000
E = 320000
D_IN = 128
D_HID = 128
NUM_LAYERS = 2
NUM_GRAPHS = 128
DIM_TARGET = 10


def setup_inputs(seed: int = 0) -> dict:
    key = jax.random.key(seed)
    ks = jax.random.split(key, 16)
    x = jax.random.normal(ks[0], (N, 126), dtype=jnp.float32)
    pos = jax.random.uniform(ks[1], (N, 2), dtype=jnp.float32)
    edge_index = jax.random.randint(ks[2], (2, E), 0, N, dtype=jnp.int64)
    batch = jnp.sort(jax.random.randint(ks[3], (N,), 0, NUM_GRAPHS, dtype=jnp.int64))
    # layer 0: in=128 -> 128 ; layer 1: 128 -> 128
    W0a = jax.random.normal(ks[4], (D_IN, D_HID), dtype=jnp.float32) * 0.05
    b0a = jnp.zeros((D_HID,), dtype=jnp.float32)
    W0r = jax.random.normal(ks[5], (D_IN, D_HID), dtype=jnp.float32) * 0.05
    b0r = jnp.zeros((D_HID,), dtype=jnp.float32)
    W1a = jax.random.normal(ks[6], (D_HID, D_HID), dtype=jnp.float32) * 0.05
    b1a = jnp.zeros((D_HID,), dtype=jnp.float32)
    W1r = jax.random.normal(ks[7], (D_HID, D_HID), dtype=jnp.float32) * 0.05
    b1r = jnp.zeros((D_HID,), dtype=jnp.float32)
    # predictor: linear over concatenated per-layer embeddings (128*2=256) after mean pool
    Wp = jax.random.normal(ks[8], (D_HID * NUM_LAYERS, DIM_TARGET), dtype=jnp.float32) * 0.05
    bp = jnp.zeros((DIM_TARGET,), dtype=jnp.float32)
    return {"x": x, "pos": pos, "edge_index": edge_index, "batch": batch,
            "W0a": W0a, "b0a": b0a, "W0r": W0r, "b0r": b0r,
            "W1a": W1a, "b1a": b1a, "W1r": W1r, "b1r": b1r,
            "Wp": Wp, "bp": bp}


def _sage_conv(h, edge_index, Wa, ba, Wr, br):
    # PyG SAGEConv with aggr='mean': out = lin_l(mean_{j in N(i)} x_j) + lin_r(x_i)
    src = edge_index[0]
    dst = edge_index[1]
    msg = jnp.take(h, src, axis=0)                      # gather  [E, d]
    summed = jax.ops.segment_sum(msg, dst, num_segments=N)  # scatter-add
    deg = jax.ops.segment_sum(jnp.ones((E,), dtype=h.dtype), dst, num_segments=N)
    mean = summed / jnp.clip(deg, 1.0, None)[:, None]
    return mean @ Wa + ba + h @ Wr + br


def reference(x, pos, edge_index, batch, W0a, b0a, W0r, b0r, W1a, b1a, W1r, b1r, Wp, bp):
    h = jnp.concatenate((x, pos), axis=1)  # [N, 128]
    x_all = []
    h = _sage_conv(h, edge_index, W0a, b0a, W0r, b0r)
    x_all.append(h)
    h = _sage_conv(h, edge_index, W1a, b1a, W1r, b1r)
    x_all.append(h)
    node_emb = jnp.concatenate(x_all, axis=1)  # [N, 256]
    # predictor: global mean pool per graph, then linear head
    pooled = jax.ops.segment_sum(node_emb, batch, num_segments=NUM_GRAPHS)
    counts = jax.ops.segment_sum(jnp.ones((N,), dtype=node_emb.dtype), batch, num_segments=NUM_GRAPHS)
    pooled = pooled / jnp.clip(counts, 1.0, None)[:, None]
    return pooled @ Wp + bp  # [NUM_GRAPHS, DIM_TARGET]

if __name__ == "__main__":
    import jax
    _d = setup_inputs()
    print(jax.jit(kernel)(*tuple(_d.values())))

</pallas_src>

<mosaic_0001>
#map = affine_map<(d0, d1) -> (0, 0)>
module attributes {stable_mosaic.version = 14 : i64} {
  func.func @_agg_kernel_body(%arg0: i32, %arg1: i32, %arg2: memref<10112x128xf32, #tpu.memory_space<hbm>>, %arg3: memref<2560x128xi32, #tpu.memory_space<hbm>>, %arg4: memref<2560x128xi32, #tpu.memory_space<hbm>>, %arg5: memref<128x64xf32, #tpu.memory_space<hbm>>, %arg6: memref<128x16xf32, #tpu.memory_space<hbm>>, %arg7: memref<128x16xf32, #tpu.memory_space<hbm>>, %arg8: memref<10112x128xf32, #tpu.memory_space<hbm>>, %arg9: memref<20224x16xf32, #tpu.memory_space<hbm>>, %arg10: memref<8x128xi32, #tpu.memory_space<vmem>>, %arg11: memref<8x128xi32, #tpu.memory_space<vmem>>, %arg12: memref<128x64xf32, #tpu.memory_space<vmem>>, %arg13: memref<128x64xf32, #tpu.memory_space<vmem>>, %arg14: memref<128x16xf32, #tpu.memory_space<vmem>>, %arg15: memref<!tpu.dma_semaphore, #tpu.memory_space<semaphore_mem>>, %arg16: memref<!tpu.dma_semaphore, #tpu.memory_space<semaphore_mem>>, %arg17: memref<!tpu.dma_semaphore, #tpu.memory_space<semaphore_mem>>, %arg18: memref<10112x64xf32, #tpu.memory_space<vmem_shared>>, %arg19: memref<10112x64xf32, #tpu.memory_space<vmem_shared>>, %arg20: memref<10112x16xf32, #tpu.memory_space<vmem_shared>>) attributes {dimension_semantics = [#tpu.dimension_semantics<core_parallel>, #tpu.dimension_semantics<subcore_parallel>], iteration_bounds = array<i64: 2, 16>, scalar_prefetch = 0 : i64, scratch_operands = 11 : i64, tpu.core_type = #tpu.core_type<sc_vector_subcore>, window_params = [{transform_indices = #map}, {transform_indices = #map}, {transform_indices = #map}, {transform_indices = #map}, {transform_indices = #map}, {transform_indices = #map}, {transform_indices = #map}, {transform_indices = #map}]} {
    %mul3A = arith.constant 632 : i32
    %mul3A_0 = arith.muli %arg1, %mul3A : i32
    %mul3A_1 = arith.constant 64 : i32
    %mul3A_2 = arith.muli %arg0, %mul3A_1 : i32
    "tpu.region"() ({
      %run_scoped3A = tpu.sem_alloc : memref<!tpu.dma_semaphore, #tpu.memory_space<semaphore_mem>>
      tpu.enqueue_dma source(%arg5 : memref<128x64xf32, #tpu.memory_space<hbm>>) target(%arg12 : memref<128x64xf32, #tpu.memory_space<vmem>>) target_semaphore(%run_scoped3A : memref<!tpu.dma_semaphore, #tpu.memory_space<semaphore_mem>>)
      tpu.wait_dma2 semaphore(%run_scoped3A : memref<!tpu.dma_semaphore, #tpu.memory_space<semaphore_mem>>) src(%arg5 : memref<128x64xf32, #tpu.memory_space<hbm>>) dst(%arg12 : memref<128x64xf32, #tpu.memory_space<vmem>>)
      tpu.yield
    }) : () -> ()
    %add3A = arith.constant 0 : i32
    %add3A_3 = arith.addi %mul3A_0, %add3A : i32
    "tpu.region"() ({
      %run_scoped3A = tpu.sem_alloc : memref<!tpu.dma_semaphore, #tpu.memory_space<semaphore_mem>>
      %dma_start3A = arith.constant 0 : i32
      %dma_start3A_112 = arith.constant 0 : i32
      %dma_start3A_113 = tpu.memref_slice %arg12[%dma_start3A, %dma_start3A_112] : memref<128x64xf32, #tpu.memory_space<vmem>> -> memref<128x64xf32, #tpu.memory_space<vmem>>
      %dma_start3A_114 = arith.constant 0 : i32
      %dma_start3A_115 = tpu.memref_slice %arg18[%add3A_3, %dma_start3A_114] : memref<10112x64xf32, #tpu.memory_space<vmem_shared>> -> memref<128x64xf32, #tpu.memory_space<vmem_shared>>
      %dma_start3A_116 = arith.constant 0 : i32
      %dma_start3A_117 = tpu.memref_slice %arg18[%add3A_3, %dma_start3A_116] : memref<10112x64xf32, #tpu.memory_space<vmem_shared>> -> memref<128x64xf32, #tpu.memory_space<vmem_shared>>
      %dma_start3A_118 = arith.constant 0 : i32
      %dma_start3A_119 = arith.constant 0 : i32
      %dma_start3A_120 = tpu.memref_slice %arg12[%dma_start3A_118, %dma_start3A_119] : memref<128x64xf32, #tpu.memory_space<vmem>> -> memref<128x64xf32, #tpu.memory_space<vmem>>
      tpu.enqueue_dma source(%dma_start3A_120 : memref<128x64xf32, #tpu.memory_space<vmem>>) target(%dma_start3A_117 : memref<128x64xf32, #tpu.memory_space<vmem_shared>>) target_semaphore(%run_scoped3A : memref<!tpu.dma_semaphore, #tpu.memory_space<semaphore_mem>>)
      %dma_wait3A = arith.constant 0 : i32
      %dma_wait3A_121 = arith.constant 0 : i32
      %dma_wait3A_122 = tpu.memref_slice %arg12[%dma_wait3A, %dma_wait3A_121] : memref<128x64xf32, #tpu.memory_space<vmem>> -> memref<128x64xf32, #tpu.memory_space<vmem>>
      %dma_wait3A_123 = arith.constant 0 : i32
      %dma_wait3A_124 = tpu.memref_slice %arg18[%add3A_3, %dma_wait3A_123] : memref<10112x64xf32, #tpu.memory_space<vmem_shared>> -> memref<128x64xf32, #tpu.memory_space<vmem_shared>>
      %dma_wait3A_125 = arith.constant 0 : i32
      %dma_wait3A_126 = tpu.memref_slice %arg18[%add3A_3, %dma_wait3A_125] : memref<10112x64xf32, #tpu.memory_space<vmem_shared>> -> memref<128x64xf32, #tpu.memory_space<vmem_shared>>
      %dma_wait3A_127 = arith.constant 0 : i32
      %dma_wait3A_128 = arith.constant 0 : i32
      %dma_wait3A_129 = tpu.memref_slice %arg12[%dma_wait3A_127, %dma_wait3A_128] : memref<128x64xf32, #tpu.memory_space<vmem>> -> memref<128x64xf32, #tpu.memory_space<vmem>>
      tpu.wait_dma2 semaphore(%run_scoped3A : memref<!tpu.dma_semaphore, #tpu.memory_space<semaphore_mem>>) src(%dma_wait3A_129 : memref<128x64xf32, #tpu.memory_space<vmem>>) dst(%dma_wait3A_126 : memref<128x64xf32, #tpu.memory_space<vmem_shared>>)
      tpu.yield
    }) : () -> ()
    %add3A_4 = arith.constant 128 : i32
    %add3A_5 = arith.addi %mul3A_0, %add3A_4 : i32
    "tpu.region"() ({
      %run_scoped3A = tpu.sem_alloc : memref<!tpu.dma_semaphore, #tpu.memory_space<semaphore_mem>>
      %dma_start3A = arith.constant 0 : i32
      %dma_start3A_112 = arith.constant 0 : i32
      %dma_start3A_113 = tpu.memref_slice %arg12[%dma_start3A, %dma_start3A_112] : memref<128x64xf32, #tpu.memory_space<vmem>> -> memref<128x64xf32, #tpu.memory_space<vmem>>
      %dma_start3A_114 = arith.constant 0 : i32
      %dma_start3A_115 = tpu.memref_slice %arg18[%add3A_5, %dma_start3A_114] : memref<10112x64xf32, #tpu.memory_space<vmem_shared>> -> memref<128x64xf32, #tpu.memory_space<vmem_shared>>
      %dma_start3A_116 = arith.constant 0 : i32
      %dma_start3A_117 = tpu.memref_slice %arg18[%add3A_5, %dma_start3A_116] : memref<10112x64xf32, #tpu.memory_space<vmem_shared>> -> memref<128x64xf32, #tpu.memory_space<vmem_shared>>
      %dma_start3A_118 = arith.constant 0 : i32
      %dma_start3A_119 = arith.constant 0 : i32
      %dma_start3A_120 = tpu.memref_slice %arg12[%dma_start3A_118, %dma_start3A_119] : memref<128x64xf32, #tpu.memory_space<vmem>> -> memref<128x64xf32, #tpu.memory_space<vmem>>
      tpu.enqueue_dma source(%dma_start3A_120 : memref<128x64xf32, #tpu.memory_space<vmem>>) target(%dma_start3A_117 : memref<128x64xf32, #tpu.memory_space<vmem_shared>>) target_semaphore(%run_scoped3A : memref<!tpu.dma_semaphore, #tpu.memory_space<semaphore_mem>>)
      %dma_wait3A = arith.constant 0 : i32
      %dma_wait3A_121 = arith.constant 0 : i32
      %dma_wait3A_122 = tpu.memref_slice %arg12[%dma_wait3A, %dma_wait3A_121] : memref<128x64xf32, #tpu.memory_space<vmem>> -> memref<128x64xf32, #tpu.memory_space<vmem>>
      %dma_wait3A_123 = arith.constant 0 : i32
      %dma_wait3A_124 = tpu.memref_slice %arg18[%add3A_5, %dma_wait3A_123] : memref<10112x64xf32, #tpu.memory_space<vmem_shared>> -> memref<128x64xf32, #tpu.memory_space<vmem_shared>>
      %dma_wait3A_125 = arith.constant 0 : i32
      %dma_wait3A_126 = tpu.memref_slice %arg18[%add3A_5, %dma_wait3A_125] : memref<10112x64xf32, #tpu.memory_space<vmem_shared>> -> memref<128x64xf32, #tpu.memory_space<vmem_shared>>
      %dma_wait3A_127 = arith.constant 0 : i32
      %dma_wait3A_128 = arith.constant 0 : i32
      %dma_wait3A_129 = tpu.memref_slice %arg12[%dma_wait3A_127, %dma_wait3A_128] : memref<128x64xf32, #tpu.memory_space<vmem>> -> memref<128x64xf32, #tpu.memory_space<vmem>>
      tpu.wait_dma2 semaphore(%run_scoped3A : memref<!tpu.dma_semaphore, #tpu.memory_space<semaphore_mem>>) src(%dma_wait3A_129 : memref<128x64xf32, #tpu.memory_space<vmem>>) dst(%dma_wait3A_126 : memref<128x64xf32, #tpu.memory_space<vmem_shared>>)
      tpu.yield
    }) : () -> ()
    %add3A_6 = arith.constant 256 : i32
    %add3A_7 = arith.addi %mul3A_0, %add3A_6 : i32
    "tpu.region"() ({
      %run_scoped3A = tpu.sem_alloc : memref<!tpu.dma_semaphore, #tpu.memory_space<semaphore_mem>>
      %dma_start3A = arith.constant 0 : i32
      %dma_start3A_112 = arith.constant 0 : i32
      %dma_start3A_113 = tpu.memref_slice %arg12[%dma_start3A, %dma_start3A_112] : memref<128x64xf32, #tpu.memory_space<vmem>> -> memref<128x64xf32, #tpu.memory_space<vmem>>
      %dma_start3A_114 = arith.constant 0 : i32
      %dma_start3A_115 = tpu.memref_slice %arg18[%add3A_7, %dma_start3A_114] : memref<10112x64xf32, #tpu.memory_space<vmem_shared>> -> memref<128x64xf32, #tpu.memory_space<vmem_shared>>
      %dma_start3A_116 = arith.constant 0 : i32
      %dma_start3A_117 = tpu.memref_slice %arg18[%add3A_7, %dma_start3A_116] : memref<10112x64xf32, #tpu.memory_space<vmem_shared>> -> memref<128x64xf32, #tpu.memory_space<vmem_shared>>
      %dma_start3A_118 = arith.constant 0 : i32
      %dma_start3A_119 = arith.constant 0 : i32
      %dma_start3A_120 = tpu.memref_slice %arg12[%dma_start3A_118, %dma_start3A_119] : memref<128x64xf32, #tpu.memory_space<vmem>> -> memref<128x64xf32, #tpu.memory_space<vmem>>
      tpu.enqueue_dma source(%dma_start3A_120 : memref<128x64xf32, #tpu.memory_space<vmem>>) target(%dma_start3A_117 : memref<128x64xf32, #tpu.memory_space<vmem_shared>>) target_semaphore(%run_scoped3A : memref<!tpu.dma_semaphore, #tpu.memory_space<semaphore_mem>>)
      %dma_wait3A = arith.constant 0 : i32
      %dma_wait3A_121 = arith.constant 0 : i32
      %dma_wait3A_122 = tpu.memref_slice %arg12[%dma_wait3A, %dma_wait3A_121] : memref<128x64xf32, #tpu.memory_space<vmem>> -> memref<128x64xf32, #tpu.memory_space<vmem>>
      %dma_wait3A_123 = arith.constant 0 : i32
      %dma_wait3A_124 = tpu.memref_slice %arg18[%add3A_7, %dma_wait3A_123] : memref<10112x64xf32, #tpu.memory_space<vmem_shared>> -> memref<128x64xf32, #tpu.memory_space<vmem_shared>>
      %dma_wait3A_125 = arith.constant 0 : i32
      %dma_wait3A_126 = tpu.memref_slice %arg18[%add3A_7, %dma_wait3A_125] : memref<10112x64xf32, #tpu.memory_space<vmem_shared>> -> memref<128x64xf32, #tpu.memory_space<vmem_shared>>
      %dma_wait3A_127 = arith.constant 0 : i32
      %dma_wait3A_128 = arith.constant 0 : i32
      %dma_wait3A_129 = tpu.memref_slice %arg12[%dma_wait3A_127, %dma_wait3A_128] : memref<128x64xf32, #tpu.memory_space<vmem>> -> memref<128x64xf32, #tpu.memory_space<vmem>>
      tpu.wait_dma2 semaphore(%run_scoped3A : memref<!tpu.dma_semaphore, #tpu.memory_space<semaphore_mem>>) src(%dma_wait3A_129 : memref<128x64xf32, #tpu.memory_space<vmem>>) dst(%dma_wait3A_126 : memref<128x64xf32, #tpu.memory_space<vmem_shared>>)
      tpu.yield
    }) : () -> ()
    %add3A_8 = arith.constant 384 : i32
    %add3A_9 = arith.addi %mul3A_0, %add3A_8 : i32
    "tpu.region"() ({
      %run_scoped3A = tpu.sem_alloc : memref<!tpu.dma_semaphore, #tpu.memory_space<semaphore_mem>>
      %dma_start3A = arith.constant 0 : i32
      %dma_start3A_112 = arith.constant 0 : i32
      %dma_start3A_113 = tpu.memref_slice %arg12[%dma_start3A, %dma_start3A_112] : memref<128x64xf32, #tpu.memory_space<vmem>> -> memref<128x64xf32, #tpu.memory_space<vmem>>
      %dma_start3A_114 = arith.constant 0 : i32
      %dma_start3A_115 = tpu.memref_slice %arg18[%add3A_9, %dma_start3A_114] : memref<10112x64xf32, #tpu.memory_space<vmem_shared>> -> memref<128x64xf32, #tpu.memory_space<vmem_shared>>
      %dma_start3A_116 = arith.constant 0 : i32
      %dma_start3A_117 = tpu.memref_slice %arg18[%add3A_9, %dma_start3A_116] : memref<10112x64xf32, #tpu.memory_space<vmem_shared>> -> memref<128x64xf32, #tpu.memory_space<vmem_shared>>
      %dma_start3A_118 = arith.constant 0 : i32
      %dma_start3A_119 = arith.constant 0 : i32
      %dma_start3A_120 = tpu.memref_slice %arg12[%dma_start3A_118, %dma_start3A_119] : memref<128x64xf32, #tpu.memory_space<vmem>> -> memref<128x64xf32, #tpu.memory_space<vmem>>
      tpu.enqueue_dma source(%dma_start3A_120 : memref<128x64xf32, #tpu.memory_space<vmem>>) target(%dma_start3A_117 : memref<128x64xf32, #tpu.memory_space<vmem_shared>>) target_semaphore(%run_scoped3A : memref<!tpu.dma_semaphore, #tpu.memory_space<semaphore_mem>>)
      %dma_wait3A = arith.constant 0 : i32
      %dma_wait3A_121 = arith.constant 0 : i32
      %dma_wait3A_122 = tpu.memref_slice %arg12[%dma_wait3A, %dma_wait3A_121] : memref<128x64xf32, #tpu.memory_space<vmem>> -> memref<128x64xf32, #tpu.memory_space<vmem>>
      %dma_wait3A_123 = arith.constant 0 : i32
      %dma_wait3A_124 = tpu.memref_slice %arg18[%add3A_9, %dma_wait3A_123] : memref<10112x64xf32, #tpu.memory_space<vmem_shared>> -> memref<128x64xf32, #tpu.memory_space<vmem_shared>>
      %dma_wait3A_125 = arith.constant 0 : i32
      %dma_wait3A_126 = tpu.memref_slice %arg18[%add3A_9, %dma_wait3A_125] : memref<10112x64xf32, #tpu.memory_space<vmem_shared>> -> memref<128x64xf32, #tpu.memory_space<vmem_shared>>
      %dma_wait3A_127 = arith.constant 0 : i32
      %dma_wait3A_128 = arith.constant 0 : i32
      %dma_wait3A_129 = tpu.memref_slice %arg12[%dma_wait3A_127, %dma_wait3A_128] : memref<128x64xf32, #tpu.memory_space<vmem>> -> memref<128x64xf32, #tpu.memory_space<vmem>>
      tpu.wait_dma2 semaphore(%run_scoped3A : memref<!tpu.dma_semaphore, #tpu.memory_space<semaphore_mem>>) src(%dma_wait3A_129 : memref<128x64xf32, #tpu.memory_space<vmem>>) dst(%dma_wait3A_126 : memref<128x64xf32, #tpu.memory_space<vmem_shared>>)
      tpu.yield
    }) : () -> ()
    %add3A_10 = arith.constant 512 : i32
    %add3A_11 = arith.addi %mul3A_0, %add3A_10 : i32
    "tpu.region"() ({
      %run_scoped3A = tpu.sem_alloc : memref<!tpu.dma_semaphore, #tpu.memory_space<semaphore_mem>>
      %dma_start3A = arith.constant 0 : i32
      %dma_start3A_112 = arith.constant 0 : i32
      %dma_start3A_113 = tpu.memref_slice %arg12[%dma_start3A, %dma_start3A_112] : memref<128x64xf32, #tpu.memory_space<vmem>> -> memref<120x64xf32, #tpu.memory_space<vmem>>
      %dma_start3A_114 = arith.constant 0 : i32
      %dma_start3A_115 = tpu.memref_slice %arg18[%add3A_11, %dma_start3A_114] : memref<10112x64xf32, #tpu.memory_space<vmem_shared>> -> memref<120x64xf32, #tpu.memory_space<vmem_shared>>
      %dma_start3A_116 = arith.constant 0 : i32
      %dma_start3A_117 = tpu.memref_slice %arg18[%add3A_11, %dma_start3A_116] : memref<10112x64xf32, #tpu.memory_space<vmem_shared>> -> memref<120x64xf32, #tpu.memory_space<vmem_shared>>
      %dma_start3A_118 = arith.constant 0 : i32
      %dma_start3A_119 = arith.constant 0 : i32
      %dma_start3A_120 = tpu.memref_slice %arg12[%dma_start3A_118, %dma_start3A_119] : memref<128x64xf32, #tpu.memory_space<vmem>> -> memref<120x64xf32, #tpu.memory_space<vmem>>
      tpu.enqueue_dma source(%dma_start3A_120 : memref<120x64xf32, #tpu.memory_space<vmem>>) target(%dma_start3A_117 : memref<120x64xf32, #tpu.memory_space<vmem_shared>>) target_semaphore(%run_scoped3A : memref<!tpu.dma_semaphore, #tpu.memory_space<semaphore_mem>>)
      %dma_wait3A = arith.constant 0 : i32
      %dma_wait3A_121 = arith.constant 0 : i32
      %dma_wait3A_122 = tpu.memref_slice %arg12[%dma_wait3A, %dma_wait3A_121] : memref<128x64xf32, #tpu.memory_space<vmem>> -> memref<120x64xf32, #tpu.memory_space<vmem>>
      %dma_wait3A_123 = arith.constant 0 : i32
      %dma_wait3A_124 = tpu.memref_slice %arg18[%add3A_11, %dma_wait3A_123] : memref<10112x64xf32, #tpu.memory_space<vmem_shared>> -> memref<120x64xf32, #tpu.memory_space<vmem_shared>>
      %dma_wait3A_125 = arith.constant 0 : i32
      %dma_wait3A_126 = tpu.memref_slice %arg18[%add3A_11, %dma_wait3A_125] : memref<10112x64xf32, #tpu.memory_space<vmem_shared>> -> memref<120x64xf32, #tpu.memory_space<vmem_shared>>
      %dma_wait3A_127 = arith.constant 0 : i32
      %dma_wait3A_128 = arith.constant 0 : i32
      %dma_wait3A_129 = tpu.memref_slice %arg12[%dma_wait3A_127, %dma_wait3A_128] : memref<128x64xf32, #tpu.memory_space<vmem>> -> memref<120x64xf32, #tpu.memory_space<vmem>>
      tpu.wait_dma2 semaphore(%run_scoped3A : memref<!tpu.dma_semaphore, #tpu.memory_space<semaphore_mem>>) src(%dma_wait3A_129 : memref<120x64xf32, #tpu.memory_space<vmem>>) dst(%dma_wait3A_126 : memref<120x64xf32, #tpu.memory_space<vmem_shared>>)
      tpu.yield
    }) : () -> ()
    %add3A_12 = arith.constant 0 : i32
    %add3A_13 = arith.addi %mul3A_0, %add3A_12 : i32
    "tpu.region"() ({
      %run_scoped3A = tpu.sem_alloc : memref<!tpu.dma_semaphore, #tpu.memory_space<semaphore_mem>>
      %dma_start3A = arith.constant 0 : i32
      %dma_start3A_112 = arith.constant 0 : i32
      %dma_start3A_113 = tpu.memref_slice %arg12[%dma_start3A, %dma_start3A_112] : memref<128x64xf32, #tpu.memory_space<vmem>> -> memref<128x64xf32, #tpu.memory_space<vmem>>
      %dma_start3A_114 = tpu.memref_slice %arg2[%add3A_13, %mul3A_2] : memref<10112x128xf32, #tpu.memory_space<hbm>> -> memref<128x64xf32, #tpu.memory_space<hbm>>
      %dma_start3A_115 = arith.constant 0 : i32
      %dma_start3A_116 = arith.constant 0 : i32
      %dma_start3A_117 = tpu.memref_slice %arg12[%dma_start3A_115, %dma_start3A_116] : memref<128x64xf32, #tpu.memory_space<vmem>> -> memref<128x64xf32, #tpu.memory_space<vmem>>
      %dma_start3A_118 = tpu.memref_slice %arg2[%add3A_13, %mul3A_2] : memref<10112x128xf32, #tpu.memory_space<hbm>> -> memref<128x64xf32, #tpu.memory_space<hbm>>
      tpu.enqueue_dma source(%dma_start3A_118 : memref<128x64xf32, #tpu.memory_space<hbm>>) target(%dma_start3A_117 : memref<128x64xf32, #tpu.memory_space<vmem>>) target_semaphore(%run_scoped3A : memref<!tpu.dma_semaphore, #tpu.memory_space<semaphore_mem>>)
      %dma_wait3A = arith.constant 0 : i32
      %dma_wait3A_119 = arith.constant 0 : i32
      %dma_wait3A_120 = tpu.memref_slice %arg12[%dma_wait3A, %dma_wait3A_119] : memref<128x64xf32, #tpu.memory_space<vmem>> -> memref<128x64xf32, #tpu.memory_space<vmem>>
      %dma_wait3A_121 = tpu.memref_slice %arg2[%add3A_13, %mul3A_2] : memref<10112x128xf32, #tpu.memory_space<hbm>> -> memref<128x64xf32, #tpu.memory_space<hbm>>
      %dma_wait3A_122 = arith.constant 0 : i32
      %dma_wait3A_123 = arith.constant 0 : i32
      %dma_wait3A_124 = tpu.memref_slice %arg12[%dma_wait3A_122, %dma_wait3A_123] : memref<128x64xf32, #tpu.memory_space<vmem>> -> memref<128x64xf32, #tpu.memory_space<vmem>>
      %dma_wait3A_125 = tpu.memref_slice %arg2[%add3A_13, %mul3A_2] : memref<10112x128xf32, #tpu.memory_space<hbm>> -> memref<128x64xf32, #tpu.memory_space<hbm>>
      tpu.wait_dma2 semaphore(%run_scoped3A : memref<!tpu.dma_semaphore, #tpu.memory_space<semaphore_mem>>) src(%dma_wait3A_125 : memref<128x64xf32, #tpu.memory_space<hbm>>) dst(%dma_wait3A_124 : memref<128x64xf32, #tpu.memory_space<vmem>>)
      tpu.yield
    }) : () -> ()
    %add3A_14 = arith.constant 0 : i32
    %add3A_15 = arith.addi %mul3A_0, %add3A_14 : i32
    "tpu.region"() ({
      %run_scoped3A = tpu.sem_alloc : memref<!tpu.dma_semaphore, #tpu.memory_space<semaphore_mem>>
      %dma_start3A = arith.constant 0 : i32
      %dma_start3A_112 = arith.constant 0 : i32
      %dma_start3A_113 = tpu.memref_slice %arg12[%dma_start3A, %dma_start3A_112] : memref<128x64xf32, #tpu.memory_space<vmem>> -> memref<128x64xf32, #tpu.memory_space<vmem>>
      %dma_start3A_114 = arith.constant 0 : i32
      %dma_start3A_115 = tpu.memref_slice %arg19[%add3A_15, %dma_start3A_114] : memref<10112x64xf32, #tpu.memory_space<vmem_shared>> -> memref<128x64xf32, #tpu.memory_space<vmem_shared>>
      %dma_start3A_116 = arith.constant 0 : i32
      %dma_start3A_117 = tpu.memref_slice %arg19[%add3A_15, %dma_start3A_116] : memref<10112x64xf32, #tpu.memory_space<vmem_shared>> -> memref<128x64xf32, #tpu.memory_space<vmem_shared>>
      %dma_start3A_118 = arith.constant 0 : i32
      %dma_start3A_119 = arith.constant 0 : i32
      %dma_start3A_120 = tpu.memref_slice %arg12[%dma_start3A_118, %dma_start3A_119] : memref<128x64xf32, #tpu.memory_space<vmem>> -> memref<128x64xf32, #tpu.memory_space<vmem>>
      tpu.enqueue_dma source(%dma_start3A_120 : memref<128x64xf32, #tpu.memory_space<vmem>>) target(%dma_start3A_117 : memref<128x64xf32, #tpu.memory_space<vmem_shared>>) target_semaphore(%run_scoped3A : memref<!tpu.dma_semaphore, #tpu.memory_space<semaphore_mem>>)
      %dma_wait3A = arith.constant 0 : i32
      %dma_wait3A_121 = arith.constant 0 : i32
      %dma_wait3A_122 = tpu.memref_slice %arg12[%dma_wait3A, %dma_wait3A_121] : memref<128x64xf32, #tpu.memory_space<vmem>> -> memref<128x64xf32, #tpu.memory_space<vmem>>
      %dma_wait3A_123 = arith.constant 0 : i32
      %dma_wait3A_124 = tpu.memref_slice %arg19[%add3A_15, %dma_wait3A_123] : memref<10112x64xf32, #tpu.memory_space<vmem_shared>> -> memref<128x64xf32, #tpu.memory_space<vmem_shared>>
      %dma_wait3A_125 = arith.constant 0 : i32
      %dma_wait3A_126 = tpu.memref_slice %arg19[%add3A_15, %dma_wait3A_125] : memref<10112x64xf32, #tpu.memory_space<vmem_shared>> -> memref<128x64xf32, #tpu.memory_space<vmem_shared>>
      %dma_wait3A_127 = arith.constant 0 : i32
      %dma_wait3A_128 = arith.constant 0 : i32
      %dma_wait3A_129 = tpu.memref_slice %arg12[%dma_wait3A_127, %dma_wait3A_128] : memref<128x64xf32, #tpu.memory_space<vmem>> -> memref<128x64xf32, #tpu.memory_space<vmem>>
      tpu.wait_dma2 semaphore(%run_scoped3A : memref<!tpu.dma_semaphore, #tpu.memory_space<semaphore_mem>>) src(%dma_wait3A_129 : memref<128x64xf32, #tpu.memory_space<vmem>>) dst(%dma_wait3A_126 : memref<128x64xf32, #tpu.memory_space<vmem_shared>>)
      tpu.yield
    }) : () -> ()
    %add3A_16 = arith.constant 128 : i32
    %add3A_17 = arith.addi %mul3A_0, %add3A_16 : i32
    "tpu.region"() ({
      %run_scoped3A = tpu.sem_alloc : memref<!tpu.dma_semaphore, #tpu.memory_space<semaphore_mem>>
      %dma_start3A = arith.constant 0 : i32
      %dma_start3A_112 = arith.constant 0 : i32
      %dma_start3A_113 = tpu.memref_slice %arg12[%dma_start3A, %dma_start3A_112] : memref<128x64xf32, #tpu.memory_space<vmem>> -> memref<128x64xf32, #tpu.memory_space<vmem>>
      %dma_start3A_114 = tpu.memref_slice %arg2[%add3A_17, %mul3A_2] : memref<10112x128xf32, #tpu.memory_space<hbm>> -> memref<128x64xf32, #tpu.memory_space<hbm>>
      %dma_start3A_115 = arith.constant 0 : i32
      %dma_start3A_116 = arith.constant 0 : i32
      %dma_start3A_117 = tpu.memref_slice %arg12[%dma_start3A_115, %dma_start3A_116] : memref<128x64xf32, #tpu.memory_space<vmem>> -> memref<128x64xf32, #tpu.memory_space<vmem>>
      %dma_start3A_118 = tpu.memref_slice %arg2[%add3A_17, %mul3A_2] : memref<10112x128xf32, #tpu.memory_space<hbm>> -> memref<128x64xf32, #tpu.memory_space<hbm>>
      tpu.enqueue_dma source(%dma_start3A_118 : memref<128x64xf32, #tpu.memory_space<hbm>>) target(%dma_start3A_117 : memref<128x64xf32, #tpu.memory_space<vmem>>) target_semaphore(%run_scoped3A : memref<!tpu.dma_semaphore, #tpu.memory_space<semaphore_mem>>)
      %dma_wait3A = arith.constant 0 : i32
      %dma_wait3A_119 = arith.constant 0 : i32
      %dma_wait3A_120 = tpu.memref_slice %arg12[%dma_wait3A, %dma_wait3A_119] : memref<128x64xf32, #tpu.memory_space<vmem>> -> memref<128x64xf32, #tpu.memory_space<vmem>>
      %dma_wait3A_121 = tpu.memref_slice %arg2[%add3A_17, %mul3A_2] : memref<10112x128xf32, #tpu.memory_space<hbm>> -> memref<128x64xf32, #tpu.memory_space<hbm>>
      %dma_wait3A_122 = arith.constant 0 : i32
      %dma_wait3A_123 = arith.constant 0 : i32
      %dma_wait3A_124 = tpu.memref_slice %arg12[%dma_wait3A_122, %dma_wait3A_123] : memref<128x64xf32, #tpu.memory_space<vmem>> -> memref<128x64xf32, #tpu.memory_space<vmem>>
      %dma_wait3A_125 = tpu.memref_slice %arg2[%add3A_17, %mul3A_2] : memref<10112x128xf32, #tpu.memory_space<hbm>> -> memref<128x64xf32, #tpu.memory_space<hbm>>
      tpu.wait_dma2 semaphore(%run_scoped3A : memref<!tpu.dma_semaphore, #tpu.memory_space<semaphore_mem>>) src(%dma_wait3A_125 : memref<128x64xf32, #tpu.memory_space<hbm>>) dst(%dma_wait3A_124 : memref<128x64xf32, #tpu.memory_space<vmem>>)
      tpu.yield
    }) : () -> ()
    %add3A_18 = arith.constant 128 : i32
    %add3A_19 = arith.addi %mul3A_0, %add3A_18 : i32
    "tpu.region"() ({
      %run_scoped3A = tpu.sem_alloc : memref<!tpu.dma_semaphore, #tpu.memory_space<semaphore_mem>>
      %dma_start3A = arith.constant 0 : i32
      %dma_start3A_112 = arith.constant 0 : i32
      %dma_start3A_113 = tpu.memref_slice %arg12[%dma_start3A, %dma_start3A_112] : memref<128x64xf32, #tpu.memory_space<vmem>> -> memref<128x64xf32, #tpu.memory_space<vmem>>
      %dma_start3A_114 = arith.constant 0 : i32
      %dma_start3A_115 = tpu.memref_slice %arg19[%add3A_19, %dma_start3A_114] : memref<10112x64xf32, #tpu.memory_space<vmem_shared>> -> memref<128x64xf32, #tpu.memory_space<vmem_shared>>
      %dma_start3A_116 = arith.constant 0 : i32
      %dma_start3A_117 = tpu.memref_slice %arg19[%add3A_19, %dma_start3A_116] : memref<10112x64xf32, #tpu.memory_space<vmem_shared>> -> memref<128x64xf32, #tpu.memory_space<vmem_shared>>
      %dma_start3A_118 = arith.constant 0 : i32
      %dma_start3A_119 = arith.constant 0 : i32
      %dma_start3A_120 = tpu.memref_slice %arg12[%dma_start3A_118, %dma_start3A_119] : memref<128x64xf32, #tpu.memory_space<vmem>> -> memref<128x64xf32, #tpu.memory_space<vmem>>
      tpu.enqueue_dma source(%dma_start3A_120 : memref<128x64xf32, #tpu.memory_space<vmem>>) target(%dma_start3A_117 : memref<128x64xf32, #tpu.memory_space<vmem_shared>>) target_semaphore(%run_scoped3A : memref<!tpu.dma_semaphore, #tpu.memory_space<semaphore_mem>>)
      %dma_wait3A = arith.constant 0 : i32
      %dma_wait3A_121 = arith.constant 0 : i32
      %dma_wait3A_122 = tpu.memref_slice %arg12[%dma_wait3A, %dma_wait3A_121] : memref<128x64xf32, #tpu.memory_space<vmem>> -> memref<128x64xf32, #tpu.memory_space<vmem>>
      %dma_wait3A_123 = arith.constant 0 : i32
      %dma_wait3A_124 = tpu.memref_slice %arg19[%add3A_19, %dma_wait3A_123] : memref<10112x64xf32, #tpu.memory_space<vmem_shared>> -> memref<128x64xf32, #tpu.memory_space<vmem_shared>>
      %dma_wait3A_125 = arith.constant 0 : i32
      %dma_wait3A_126 = tpu.memref_slice %arg19[%add3A_19, %dma_wait3A_125] : memref<10112x64xf32, #tpu.memory_space<vmem_shared>> -> memref<128x64xf32, #tpu.memory_space<vmem_shared>>
      %dma_wait3A_127 = arith.constant 0 : i32
      %dma_wait3A_128 = arith.constant 0 : i32
      %dma_wait3A_129 = tpu.memref_slice %arg12[%dma_wait3A_127, %dma_wait3A_128] : memref<128x64xf32, #tpu.memory_space<vmem>> -> memref<128x64xf32, #tpu.memory_space<vmem>>
      tpu.wait_dma2 semaphore(%run_scoped3A : memref<!tpu.dma_semaphore, #tpu.memory_space<semaphore_mem>>) src(%dma_wait3A_129 : memref<128x64xf32, #tpu.memory_space<vmem>>) dst(%dma_wait3A_126 : memref<128x64xf32, #tpu.memory_space<vmem_shared>>)
      tpu.yield
    }) : () -> ()
    %add3A_20 = arith.constant 256 : i32
    %add3A_21 = arith.addi %mul3A_0, %add3A_20 : i32
    "tpu.region"() ({
      %run_scoped3A = tpu.sem_alloc : memref<!tpu.dma_semaphore, #tpu.memory_space<semaphore_mem>>
      %dma_start3A = arith.constant 0 : i32
      %dma_start3A_112 = arith.constant 0 : i32
      %dma_start3A_113 = tpu.memref_slice %arg12[%dma_start3A, %dma_start3A_112] : memref<128x64xf32, #tpu.memory_space<vmem>> -> memref<128x64xf32, #tpu.memory_space<vmem>>
      %dma_start3A_114 = tpu.memref_slice %arg2[%add3A_21, %mul3A_2] : memref<10112x128xf32, #tpu.memory_space<hbm>> -> memref<128x64xf32, #tpu.memory_space<hbm>>
      %dma_start3A_115 = arith.constant 0 : i32
      %dma_start3A_116 = arith.constant 0 : i32
      %dma_start3A_117 = tpu.memref_slice %arg12[%dma_start3A_115, %dma_start3A_116] : memref<128x64xf32, #tpu.memory_space<vmem>> -> memref<128x64xf32, #tpu.memory_space<vmem>>
      %dma_start3A_118 = tpu.memref_slice %arg2[%add3A_21, %mul3A_2] : memref<10112x128xf32, #tpu.memory_space<hbm>> -> memref<128x64xf32, #tpu.memory_space<hbm>>
      tpu.enqueue_dma source(%dma_start3A_118 : memref<128x64xf32, #tpu.memory_space<hbm>>) target(%dma_start3A_117 : memref<128x64xf32, #tpu.memory_space<vmem>>) target_semaphore(%run_scoped3A : memref<!tpu.dma_semaphore, #tpu.memory_space<semaphore_mem>>)
      %dma_wait3A = arith.constant 0 : i32
      %dma_wait3A_119 = arith.constant 0 : i32
      %dma_wait3A_120 = tpu.memref_slice %arg12[%dma_wait3A, %dma_wait3A_119] : memref<128x64xf32, #tpu.memory_space<vmem>> -> memref<128x64xf32, #tpu.memory_space<vmem>>
      %dma_wait3A_121 = tpu.memref_slice %arg2[%add3A_21, %mul3A_2] : memref<10112x128xf32, #tpu.memory_space<hbm>> -> memref<128x64xf32, #tpu.memory_space<hbm>>
      %dma_wait3A_122 = arith.constant 0 : i32
      %dma_wait3A_123 = arith.constant 0 : i32
      %dma_wait3A_124 = tpu.memref_slice %arg12[%dma_wait3A_122, %dma_wait3A_123] : memref<128x64xf32, #tpu.memory_space<vmem>> -> memref<128x64xf32, #tpu.memory_space<vmem>>
      %dma_wait3A_125 = tpu.memref_slice %arg2[%add3A_21, %mul3A_2] : memref<10112x128xf32, #tpu.memory_space<hbm>> -> memref<128x64xf32, #tpu.memory_space<hbm>>
      tpu.wait_dma2 semaphore(%run_scoped3A : memref<!tpu.dma_semaphore, #tpu.memory_space<semaphore_mem>>) src(%dma_wait3A_125 : memref<128x64xf32, #tpu.memory_space<hbm>>) dst(%dma_wait3A_124 : memref<128x64xf32, #tpu.memory_space<vmem>>)
      tpu.yield
    }) : () -> ()
    %add3A_22 = arith.constant 256 : i32
    %add3A_23 = arith.addi %mul3A_0, %add3A_22 : i32
    "tpu.region"() ({
      %run_scoped3A = tpu.sem_alloc : memref<!tpu.dma_semaphore, #tpu.memory_space<semaphore_mem>>
      %dma_start3A = arith.constant 0 : i32
      %dma_start3A_112 = arith.constant 0 : i32
      %dma_start3A_113 = tpu.memref_slice %arg12[%dma_start3A, %dma_start3A_112] : memref<128x64xf32, #tpu.memory_space<vmem>> -> memref<128x64xf32, #tpu.memory_space<vmem>>
      %dma_start3A_114 = arith.constant 0 : i32
      %dma_start3A_115 = tpu.memref_slice %arg19[%add3A_23, %dma_start3A_114] : memref<10112x64xf32, #tpu.memory_space<vmem_shared>> -> memref<128x64xf32, #tpu.memory_space<vmem_shared>>
      %dma_start3A_116 = arith.constant 0 : i32
      %dma_start3A_117 = tpu.memref_slice %arg19[%add3A_23, %dma_start3A_116] : memref<10112x64xf32, #tpu.memory_space<vmem_shared>> -> memref<128x64xf32, #tpu.memory_space<vmem_shared>>
      %dma_start3A_118 = arith.constant 0 : i32
      %dma_start3A_119 = arith.constant 0 : i32
      %dma_start3A_120 = tpu.memref_slice %arg12[%dma_start3A_118, %dma_start3A_119] : memref<128x64xf32, #tpu.memory_space<vmem>> -> memref<128x64xf32, #tpu.memory_space<vmem>>
      tpu.enqueue_dma source(%dma_start3A_120 : memref<128x64xf32, #tpu.memory_space<vmem>>) target(%dma_start3A_117 : memref<128x64xf32, #tpu.memory_space<vmem_shared>>) target_semaphore(%run_scoped3A : memref<!tpu.dma_semaphore, #tpu.memory_space<semaphore_mem>>)
      %dma_wait3A = arith.constant 0 : i32
      %dma_wait3A_121 = arith.constant 0 : i32
      %dma_wait3A_122 = tpu.memref_slice %arg12[%dma_wait3A, %dma_wait3A_121] : memref<128x64xf32, #tpu.memory_space<vmem>> -> memref<128x64xf32, #tpu.memory_space<vmem>>
      %dma_wait3A_123 = arith.constant 0 : i32
      %dma_wait3A_124 = tpu.memref_slice %arg19[%add3A_23, %dma_wait3A_123] : memref<10112x64xf32, #tpu.memory_space<vmem_shared>> -> memref<128x64xf32, #tpu.memory_space<vmem_shared>>
      %dma_wait3A_125 = arith.constant 0 : i32
      %dma_wait3A_126 = tpu.memref_slice %arg19[%add3A_23, %dma_wait3A_125] : memref<10112x64xf32, #tpu.memory_space<vmem_shared>> -> memref<128x64xf32, #tpu.memory_space<vmem_shared>>
      %dma_wait3A_127 = arith.constant 0 : i32
      %dma_wait3A_128 = arith.constant 0 : i32
      %dma_wait3A_129 = tpu.memref_slice %arg12[%dma_wait3A_127, %dma_wait3A_128] : memref<128x64xf32, #tpu.memory_space<vmem>> -> memref<128x64xf32, #tpu.memory_space<vmem>>
      tpu.wait_dma2 semaphore(%run_scoped3A : memref<!tpu.dma_semaphore, #tpu.memory_space<semaphore_mem>>) src(%dma_wait3A_129 : memref<128x64xf32, #tpu.memory_space<vmem>>) dst(%dma_wait3A_126 : memref<128x64xf32, #tpu.memory_space<vmem_shared>>)
      tpu.yield
    }) : () -> ()
    %add3A_24 = arith.constant 384 : i32
    %add3A_25 = arith.addi %mul3A_0, %add3A_24 : i32
    "tpu.region"() ({
      %run_scoped3A = tpu.sem_alloc : memref<!tpu.dma_semaphore, #tpu.memory_space<semaphore_mem>>
      %dma_start3A = arith.constant 0 : i32
      %dma_start3A_112 = arith.constant 0 : i32
      %dma_start3A_113 = tpu.memref_slice %arg12[%dma_start3A, %dma_start3A_112] : memref<128x64xf32, #tpu.memory_space<vmem>> -> memref<128x64xf32, #tpu.memory_space<vmem>>
      %dma_start3A_114 = tpu.memref_slice %arg2[%add3A_25, %mul3A_2] : memref<10112x128xf32, #tpu.memory_space<hbm>> -> memref<128x64xf32, #tpu.memory_space<hbm>>
      %dma_start3A_115 = arith.constant 0 : i32
      %dma_start3A_116 = arith.constant 0 : i32
      %dma_start3A_117 = tpu.memref_slice %arg12[%dma_start3A_115, %dma_start3A_116] : memref<128x64xf32, #tpu.memory_space<vmem>> -> memref<128x64xf32, #tpu.memory_space<vmem>>
      %dma_start3A_118 = tpu.memref_slice %arg2[%add3A_25, %mul3A_2] : memref<10112x128xf32, #tpu.memory_space<hbm>> -> memref<128x64xf32, #tpu.memory_space<hbm>>
      tpu.enqueue_dma source(%dma_start3A_118 : memref<128x64xf32, #tpu.memory_space<hbm>>) target(%dma_start3A_117 : memref<128x64xf32, #tpu.memory_space<vmem>>) target_semaphore(%run_scoped3A : memref<!tpu.dma_semaphore, #tpu.memory_space<semaphore_mem>>)
      %dma_wait3A = arith.constant 0 : i32
      %dma_wait3A_119 = arith.constant 0 : i32
      %dma_wait3A_120 = tpu.memref_slice %arg12[%dma_wait3A, %dma_wait3A_119] : memref<128x64xf32, #tpu.memory_space<vmem>> -> memref<128x64xf32, #tpu.memory_space<vmem>>
      %dma_wait3A_121 = tpu.memref_slice %arg2[%add3A_25, %mul3A_2] : memref<10112x128xf32, #tpu.memory_space<hbm>> -> memref<128x64xf32, #tpu.memory_space<hbm>>
      %dma_wait3A_122 = arith.constant 0 : i32
      %dma_wait3A_123 = arith.constant 0 : i32
      %dma_wait3A_124 = tpu.memref_slice %arg12[%dma_wait3A_122, %dma_wait3A_123] : memref<128x64xf32, #tpu.memory_space<vmem>> -> memref<128x64xf32, #tpu.memory_space<vmem>>
      %dma_wait3A_125 = tpu.memref_slice %arg2[%add3A_25, %mul3A_2] : memref<10112x128xf32, #tpu.memory_space<hbm>> -> memref<128x64xf32, #tpu.memory_space<hbm>>
      tpu.wait_dma2 semaphore(%run_scoped3A : memref<!tpu.dma_semaphore, #tpu.memory_space<semaphore_mem>>) src(%dma_wait3A_125 : memref<128x64xf32, #tpu.memory_space<hbm>>) dst(%dma_wait3A_124 : memref<128x64xf32, #tpu.memory_space<vmem>>)
      tpu.yield
    }) : () -> ()
    %add3A_26 = arith.constant 384 : i32
    %add3A_27 = arith.addi %mul3A_0, %add3A_26 : i32
    "tpu.region"() ({
      %run_scoped3A = tpu.sem_alloc : memref<!tpu.dma_semaphore, #tpu.memory_space<semaphore_mem>>
      %dma_start3A = arith.constant 0 : i32
      %dma_start3A_112 = arith.constant 0 : i32
      %dma_start3A_113 = tpu.memref_slice %arg12[%dma_start3A, %dma_start3A_112] : memref<128x64xf32, #tpu.memory_space<vmem>> -> memref<128x64xf32, #tpu.memory_space<vmem>>
      %dma_start3A_114 = arith.constant 0 : i32
      %dma_start3A_115 = tpu.memref_slice %arg19[%add3A_27, %dma_start3A_114] : memref<10112x64xf32, #tpu.memory_space<vmem_shared>> -> memref<128x64xf32, #tpu.memory_space<vmem_shared>>
      %dma_start3A_116 = arith.constant 0 : i32
      %dma_start3A_117 = tpu.memref_slice %arg19[%add3A_27, %dma_start3A_116] : memref<10112x64xf32, #tpu.memory_space<vmem_shared>> -> memref<128x64xf32, #tpu.memory_space<vmem_shared>>
      %dma_start3A_118 = arith.constant 0 : i32
      %dma_start3A_119 = arith.constant 0 : i32
      %dma_start3A_120 = tpu.memref_slice %arg12[%dma_start3A_118, %dma_start3A_119] : memref<128x64xf32, #tpu.memory_space<vmem>> -> memref<128x64xf32, #tpu.memory_space<vmem>>
      tpu.enqueue_dma source(%dma_start3A_120 : memref<128x64xf32, #tpu.memory_space<vmem>>) target(%dma_start3A_117 : memref<128x64xf32, #tpu.memory_space<vmem_shared>>) target_semaphore(%run_scoped3A : memref<!tpu.dma_semaphore, #tpu.memory_space<semaphore_mem>>)
      %dma_wait3A = arith.constant 0 : i32
      %dma_wait3A_121 = arith.constant 0 : i32
      %dma_wait3A_122 = tpu.memref_slice %arg12[%dma_wait3A, %dma_wait3A_121] : memref<128x64xf32, #tpu.memory_space<vmem>> -> memref<128x64xf32, #tpu.memory_space<vmem>>
      %dma_wait3A_123 = arith.constant 0 : i32
      %dma_wait3A_124 = tpu.memref_slice %arg19[%add3A_27, %dma_wait3A_123] : memref<10112x64xf32, #tpu.memory_space<vmem_shared>> -> memref<128x64xf32, #tpu.memory_space<vmem_shared>>
      %dma_wait3A_125 = arith.constant 0 : i32
      %dma_wait3A_126 = tpu.memref_slice %arg19[%add3A_27, %dma_wait3A_125] : memref<10112x64xf32, #tpu.memory_space<vmem_shared>> -> memref<128x64xf32, #tpu.memory_space<vmem_shared>>
      %dma_wait3A_127 = arith.constant 0 : i32
      %dma_wait3A_128 = arith.constant 0 : i32
      %dma_wait3A_129 = tpu.memref_slice %arg12[%dma_wait3A_127, %dma_wait3A_128] : memref<128x64xf32, #tpu.memory_space<vmem>> -> memref<128x64xf32, #tpu.memory_space<vmem>>
      tpu.wait_dma2 semaphore(%run_scoped3A : memref<!tpu.dma_semaphore, #tpu.memory_space<semaphore_mem>>) src(%dma_wait3A_129 : memref<128x64xf32, #tpu.memory_space<vmem>>) dst(%dma_wait3A_126 : memref<128x64xf32, #tpu.memory_space<vmem_shared>>)
      tpu.yield
    }) : () -> ()
    %add3A_28 = arith.constant 512 : i32
    %add3A_29 = arith.addi %mul3A_0, %add3A_28 : i32
    "tpu.region"() ({
      %run_scoped3A = tpu.sem_alloc : memref<!tpu.dma_semaphore, #tpu.memory_space<semaphore_mem>>
      %dma_start3A = arith.constant 0 : i32
      %dma_start3A_112 = arith.constant 0 : i32
      %dma_start3A_113 = tpu.memref_slice %arg12[%dma_start3A, %dma_start3A_112] : memref<128x64xf32, #tpu.memory_space<vmem>> -> memref<120x64xf32, #tpu.memory_space<vmem>>
      %dma_start3A_114 = tpu.memref_slice %arg2[%add3A_29, %mul3A_2] : memref<10112x128xf32, #tpu.memory_space<hbm>> -> memref<120x64xf32, #tpu.memory_space<hbm>>
      %dma_start3A_115 = arith.constant 0 : i32
      %dma_start3A_116 = arith.constant 0 : i32
      %dma_start3A_117 = tpu.memref_slice %arg12[%dma_start3A_115, %dma_start3A_116] : memref<128x64xf32, #tpu.memory_space<vmem>> -> memref<120x64xf32, #tpu.memory_space<vmem>>
      %dma_start3A_118 = tpu.memref_slice %arg2[%add3A_29, %mul3A_2] : memref<10112x128xf32, #tpu.memory_space<hbm>> -> memref<120x64xf32, #tpu.memory_space<hbm>>
      tpu.enqueue_dma source(%dma_start3A_118 : memref<120x64xf32, #tpu.memory_space<hbm>>) target(%dma_start3A_117 : memref<120x64xf32, #tpu.memory_space<vmem>>) target_semaphore(%run_scoped3A : memref<!tpu.dma_semaphore, #tpu.memory_space<semaphore_mem>>)
      %dma_wait3A = arith.constant 0 : i32
      %dma_wait3A_119 = arith.constant 0 : i32
      %dma_wait3A_120 = tpu.memref_slice %arg12[%dma_wait3A, %dma_wait3A_119] : memref<128x64xf32, #tpu.memory_space<vmem>> -> memref<120x64xf32, #tpu.memory_space<vmem>>
      %dma_wait3A_121 = tpu.memref_slice %arg2[%add3A_29, %mul3A_2] : memref<10112x128xf32, #tpu.memory_space<hbm>> -> memref<120x64xf32, #tpu.memory_space<hbm>>
      %dma_wait3A_122 = arith.constant 0 : i32
      %dma_wait3A_123 = arith.constant 0 : i32
      %dma_wait3A_124 = tpu.memref_slice %arg12[%dma_wait3A_122, %dma_wait3A_123] : memref<128x64xf32, #tpu.memory_space<vmem>> -> memref<120x64xf32, #tpu.memory_space<vmem>>
      %dma_wait3A_125 = tpu.memref_slice %arg2[%add3A_29, %mul3A_2] : memref<10112x128xf32, #tpu.memory_space<hbm>> -> memref<120x64xf32, #tpu.memory_space<hbm>>
      tpu.wait_dma2 semaphore(%run_scoped3A : memref<!tpu.dma_semaphore, #tpu.memory_space<semaphore_mem>>) src(%dma_wait3A_125 : memref<120x64xf32, #tpu.memory_space<hbm>>) dst(%dma_wait3A_124 : memref<120x64xf32, #tpu.memory_space<vmem>>)
      tpu.yield
    }) : () -> ()
    %add3A_30 = arith.constant 512 : i32
    %add3A_31 = arith.addi %mul3A_0, %add3A_30 : i32
    "tpu.region"() ({
      %run_scoped3A = tpu.sem_alloc : memref<!tpu.dma_semaphore, #tpu.memory_space<semaphore_mem>>
      %dma_start3A = arith.constant 0 : i32
      %dma_start3A_112 = arith.constant 0 : i32
      %dma_start3A_113 = tpu.memref_slice %arg12[%dma_start3A, %dma_start3A_112] : memref<128x64xf32, #tpu.memory_space<vmem>> -> memref<120x64xf32, #tpu.memory_space<vmem>>
      %dma_start3A_114 = arith.constant 0 : i32
      %dma_start3A_115 = tpu.memref_slice %arg19[%add3A_31, %dma_start3A_114] : memref<10112x64xf32, #tpu.memory_space<vmem_shared>> -> memref<120x64xf32, #tpu.memory_space<vmem_shared>>
      %dma_start3A_116 = arith.constant 0 : i32
      %dma_start3A_117 = tpu.memref_slice %arg19[%add3A_31, %dma_start3A_116] : memref<10112x64xf32, #tpu.memory_space<vmem_shared>> -> memref<120x64xf32, #tpu.memory_space<vmem_shared>>
      %dma_start3A_118 = arith.constant 0 : i32
      %dma_start3A_119 = arith.constant 0 : i32
      %dma_start3A_120 = tpu.memref_slice %arg12[%dma_start3A_118, %dma_start3A_119] : memref<128x64xf32, #tpu.memory_space<vmem>> -> memref<120x64xf32, #tpu.memory_space<vmem>>
      tpu.enqueue_dma source(%dma_start3A_120 : memref<120x64xf32, #tpu.memory_space<vmem>>) target(%dma_start3A_117 : memref<120x64xf32, #tpu.memory_space<vmem_shared>>) target_semaphore(%run_scoped3A : memref<!tpu.dma_semaphore, #tpu.memory_space<semaphore_mem>>)
      %dma_wait3A = arith.constant 0 : i32
      %dma_wait3A_121 = arith.constant 0 : i32
      %dma_wait3A_122 = tpu.memref_slice %arg12[%dma_wait3A, %dma_wait3A_121] : memref<128x64xf32, #tpu.memory_space<vmem>> -> memref<120x64xf32, #tpu.memory_space<vmem>>
      %dma_wait3A_123 = arith.constant 0 : i32
      %dma_wait3A_124 = tpu.memref_slice %arg19[%add3A_31, %dma_wait3A_123] : memref<10112x64xf32, #tpu.memory_space<vmem_shared>> -> memref<120x64xf32, #tpu.memory_space<vmem_shared>>
      %dma_wait3A_125 = arith.constant 0 : i32
      %dma_wait3A_126 = tpu.memref_slice %arg19[%add3A_31, %dma_wait3A_125] : memref<10112x64xf32, #tpu.memory_space<vmem_shared>> -> memref<120x64xf32, #tpu.memory_space<vmem_shared>>
      %dma_wait3A_127 = arith.constant 0 : i32
      %dma_wait3A_128 = arith.constant 0 : i32
      %dma_wait3A_129 = tpu.memref_slice %arg12[%dma_wait3A_127, %dma_wait3A_128] : memref<128x64xf32, #tpu.memory_space<vmem>> -> memref<120x64xf32, #tpu.memory_space<vmem>>
      tpu.wait_dma2 semaphore(%run_scoped3A : memref<!tpu.dma_semaphore, #tpu.memory_space<semaphore_mem>>) src(%dma_wait3A_129 : memref<120x64xf32, #tpu.memory_space<vmem>>) dst(%dma_wait3A_126 : memref<120x64xf32, #tpu.memory_space<vmem_shared>>)
      tpu.yield
    }) : () -> ()
    "tpu.region"() ({
      %run_scoped3A = tpu.sem_alloc : memref<!tpu.dma_semaphore, #tpu.memory_space<semaphore_mem>>
      tpu.enqueue_dma source(%arg6 : memref<128x16xf32, #tpu.memory_space<hbm>>) target(%arg14 : memref<128x16xf32, #tpu.memory_space<vmem>>) target_semaphore(%run_scoped3A : memref<!tpu.dma_semaphore, #tpu.memory_space<semaphore_mem>>)
      tpu.wait_dma2 semaphore(%run_scoped3A : memref<!tpu.dma_semaphore, #tpu.memory_space<semaphore_mem>>) src(%arg6 : memref<128x16xf32, #tpu.memory_space<hbm>>) dst(%arg14 : memref<128x16xf32, #tpu.memory_space<vmem>>)
      tpu.yield
    }) : () -> ()
    %add3A_32 = arith.constant 0 : i32
    %add3A_33 = arith.addi %mul3A_0, %add3A_32 : i32
    "tpu.region"() ({
      %run_scoped3A = tpu.sem_alloc : memref<!tpu.dma_semaphore, #tpu.memory_space<semaphore_mem>>
      %dma_start3A = arith.constant 0 : i32
      %dma_start3A_112 = arith.constant 0 : i32
      %dma_start3A_113 = tpu.memref_slice %arg14[%dma_start3A, %dma_start3A_112] : memref<128x16xf32, #tpu.memory_space<vmem>> -> memref<128x16xf32, #tpu.memory_space<vmem>>
      %dma_start3A_114 = arith.constant 0 : i32
      %dma_start3A_115 = tpu.memref_slice %arg20[%add3A_33, %dma_start3A_114] : memref<10112x16xf32, #tpu.memory_space<vmem_shared>> -> memref<128x16xf32, #tpu.memory_space<vmem_shared>>
      %dma_start3A_116 = arith.constant 0 : i32
      %dma_start3A_117 = tpu.memref_slice %arg20[%add3A_33, %dma_start3A_116] : memref<10112x16xf32, #tpu.memory_space<vmem_shared>> -> memref<128x16xf32, #tpu.memory_space<vmem_shared>>
      %dma_start3A_118 = arith.constant 0 : i32
      %dma_start3A_119 = arith.constant 0 : i32
      %dma_start3A_120 = tpu.memref_slice %arg14[%dma_start3A_118, %dma_start3A_119] : memref<128x16xf32, #tpu.memory_space<vmem>> -> memref<128x16xf32, #tpu.memory_space<vmem>>
      tpu.enqueue_dma source(%dma_start3A_120 : memref<128x16xf32, #tpu.memory_space<vmem>>) target(%dma_start3A_117 : memref<128x16xf32, #tpu.memory_space<vmem_shared>>) target_semaphore(%run_scoped3A : memref<!tpu.dma_semaphore, #tpu.memory_space<semaphore_mem>>)
      %dma_wait3A = arith.constant 0 : i32
      %dma_wait3A_121 = arith.constant 0 : i32
      %dma_wait3A_122 = tpu.memref_slice %arg14[%dma_wait3A, %dma_wait3A_121] : memref<128x16xf32, #tpu.memory_space<vmem>> -> memref<128x16xf32, #tpu.memory_space<vmem>>
      %dma_wait3A_123 = arith.constant 0 : i32
      %dma_wait3A_124 = tpu.memref_slice %arg20[%add3A_33, %dma_wait3A_123] : memref<10112x16xf32, #tpu.memory_space<vmem_shared>> -> memref<128x16xf32, #tpu.memory_space<vmem_shared>>
      %dma_wait3A_125 = arith.constant 0 : i32
      %dma_wait3A_126 = tpu.memref_slice %arg20[%add3A_33, %dma_wait3A_125] : memref<10112x16xf32, #tpu.memory_space<vmem_shared>> -> memref<128x16xf32, #tpu.memory_space<vmem_shared>>
      %dma_wait3A_127 = arith.constant 0 : i32
      %dma_wait3A_128 = arith.constant 0 : i32
      %dma_wait3A_129 = tpu.memref_slice %arg14[%dma_wait3A_127, %dma_wait3A_128] : memref<128x16xf32, #tpu.memory_space<vmem>> -> memref<128x16xf32, #tpu.memory_space<vmem>>
      tpu.wait_dma2 semaphore(%run_scoped3A : memref<!tpu.dma_semaphore, #tpu.memory_space<semaphore_mem>>) src(%dma_wait3A_129 : memref<128x16xf32, #tpu.memory_space<vmem>>) dst(%dma_wait3A_126 : memref<128x16xf32, #tpu.memory_space<vmem_shared>>)
      tpu.yield
    }) : () -> ()
    %add3A_34 = arith.constant 128 : i32
    %add3A_35 = arith.addi %mul3A_0, %add3A_34 : i32
    "tpu.region"() ({
      %run_scoped3A = tpu.sem_alloc : memref<!tpu.dma_semaphore, #tpu.memory_space<semaphore_mem>>
      %dma_start3A = arith.constant 0 : i32
      %dma_start3A_112 = arith.constant 0 : i32
      %dma_start3A_113 = tpu.memref_slice %arg14[%dma_start3A, %dma_start3A_112] : memref<128x16xf32, #tpu.memory_space<vmem>> -> memref<128x16xf32, #tpu.memory_space<vmem>>
      %dma_start3A_114 = arith.constant 0 : i32
      %dma_start3A_115 = tpu.memref_slice %arg20[%add3A_35, %dma_start3A_114] : memref<10112x16xf32, #tpu.memory_space<vmem_shared>> -> memref<128x16xf32, #tpu.memory_space<vmem_shared>>
      %dma_start3A_116 = arith.constant 0 : i32
      %dma_start3A_117 = tpu.memref_slice %arg20[%add3A_35, %dma_start3A_116] : memref<10112x16xf32, #tpu.memory_space<vmem_shared>> -> memref<128x16xf32, #tpu.memory_space<vmem_shared>>
      %dma_start3A_118 = arith.constant 0 : i32
      %dma_start3A_119 = arith.constant 0 : i32
      %dma_start3A_120 = tpu.memref_slice %arg14[%dma_start3A_118, %dma_start3A_119] : memref<128x16xf32, #tpu.memory_space<vmem>> -> memref<128x16xf32, #tpu.memory_space<vmem>>
      tpu.enqueue_dma source(%dma_start3A_120 : memref<128x16xf32, #tpu.memory_space<vmem>>) target(%dma_start3A_117 : memref<128x16xf32, #tpu.memory_space<vmem_shared>>) target_semaphore(%run_scoped3A : memref<!tpu.dma_semaphore, #tpu.memory_space<semaphore_mem>>)
      %dma_wait3A = arith.constant 0 : i32
      %dma_wait3A_121 = arith.constant 0 : i32
      %dma_wait3A_122 = tpu.memref_slice %arg14[%dma_wait3A, %dma_wait3A_121] : memref<128x16xf32, #tpu.memory_space<vmem>> -> memref<128x16xf32, #tpu.memory_space<vmem>>
      %dma_wait3A_123 = arith.constant 0 : i32
      %dma_wait3A_124 = tpu.memref_slice %arg20[%add3A_35, %dma_wait3A_123] : memref<10112x16xf32, #tpu.memory_space<vmem_shared>> -> memref<128x16xf32, #tpu.memory_space<vmem_shared>>
      %dma_wait3A_125 = arith.constant 0 : i32
      %dma_wait3A_126 = tpu.memref_slice %arg20[%add3A_35, %dma_wait3A_125] : memref<10112x16xf32, #tpu.memory_space<vmem_shared>> -> memref<128x16xf32, #tpu.memory_space<vmem_shared>>
      %dma_wait3A_127 = arith.constant 0 : i32
      %dma_wait3A_128 = arith.constant 0 : i32
      %dma_wait3A_129 = tpu.memref_slice %arg14[%dma_wait3A_127, %dma_wait3A_128] : memref<128x16xf32, #tpu.memory_space<vmem>> -> memref<128x16xf32, #tpu.memory_space<vmem>>
      tpu.wait_dma2 semaphore(%run_scoped3A : memref<!tpu.dma_semaphore, #tpu.memory_space<semaphore_mem>>) src(%dma_wait3A_129 : memref<128x16xf32, #tpu.memory_space<vmem>>) dst(%dma_wait3A_126 : memref<128x16xf32, #tpu.memory_space<vmem_shared>>)
      tpu.yield
    }) : () -> ()
    %add3A_36 = arith.constant 256 : i32
    %add3A_37 = arith.addi %mul3A_0, %add3A_36 : i32
    "tpu.region"() ({
      %run_scoped3A = tpu.sem_alloc : memref<!tpu.dma_semaphore, #tpu.memory_space<semaphore_mem>>
      %dma_start3A = arith.constant 0 : i32
      %dma_start3A_112 = arith.constant 0 : i32
      %dma_start3A_113 = tpu.memref_slice %arg14[%dma_start3A, %dma_start3A_112] : memref<128x16xf32, #tpu.memory_space<vmem>> -> memref<128x16xf32, #tpu.memory_space<vmem>>
      %dma_start3A_114 = arith.constant 0 : i32
      %dma_start3A_115 = tpu.memref_slice %arg20[%add3A_37, %dma_start3A_114] : memref<10112x16xf32, #tpu.memory_space<vmem_shared>> -> memref<128x16xf32, #tpu.memory_space<vmem_shared>>
      %dma_start3A_116 = arith.constant 0 : i32
      %dma_start3A_117 = tpu.memref_slice %arg20[%add3A_37, %dma_start3A_116] : memref<10112x16xf32, #tpu.memory_space<vmem_shared>> -> memref<128x16xf32, #tpu.memory_space<vmem_shared>>
      %dma_start3A_118 = arith.constant 0 : i32
      %dma_start3A_119 = arith.constant 0 : i32
      %dma_start3A_120 = tpu.memref_slice %arg14[%dma_start3A_118, %dma_start3A_119] : memref<128x16xf32, #tpu.memory_space<vmem>> -> memref<128x16xf32, #tpu.memory_space<vmem>>
      tpu.enqueue_dma source(%dma_start3A_120 : memref<128x16xf32, #tpu.memory_space<vmem>>) target(%dma_start3A_117 : memref<128x16xf32, #tpu.memory_space<vmem_shared>>) target_semaphore(%run_scoped3A : memref<!tpu.dma_semaphore, #tpu.memory_space<semaphore_mem>>)
      %dma_wait3A = arith.constant 0 : i32
      %dma_wait3A_121 = arith.constant 0 : i32
      %dma_wait3A_122 = tpu.memref_slice %arg14[%dma_wait3A, %dma_wait3A_121] : memref<128x16xf32, #tpu.memory_space<vmem>> -> memref<128x16xf32, #tpu.memory_space<vmem>>
      %dma_wait3A_123 = arith.constant 0 : i32
      %dma_wait3A_124 = tpu.memref_slice %arg20[%add3A_37, %dma_wait3A_123] : memref<10112x16xf32, #tpu.memory_space<vmem_shared>> -> memref<128x16xf32, #tpu.memory_space<vmem_shared>>
      %dma_wait3A_125 = arith.constant 0 : i32
      %dma_wait3A_126 = tpu.memref_slice %arg20[%add3A_37, %dma_wait3A_125] : memref<10112x16xf32, #tpu.memory_space<vmem_shared>> -> memref<128x16xf32, #tpu.memory_space<vmem_shared>>
      %dma_wait3A_127 = arith.constant 0 : i32
      %dma_wait3A_128 = arith.constant 0 : i32
      %dma_wait3A_129 = tpu.memref_slice %arg14[%dma_wait3A_127, %dma_wait3A_128] : memref<128x16xf32, #tpu.memory_space<vmem>> -> memref<128x16xf32, #tpu.memory_space<vmem>>
      tpu.wait_dma2 semaphore(%run_scoped3A : memref<!tpu.dma_semaphore, #tpu.memory_space<semaphore_mem>>) src(%dma_wait3A_129 : memref<128x16xf32, #tpu.memory_space<vmem>>) dst(%dma_wait3A_126 : memref<128x16xf32, #tpu.memory_space<vmem_shared>>)
      tpu.yield
    }) : () -> ()
    %add3A_38 = arith.constant 384 : i32
    %add3A_39 = arith.addi %mul3A_0, %add3A_38 : i32
    "tpu.region"() ({
      %run_scoped3A = tpu.sem_alloc : memref<!tpu.dma_semaphore, #tpu.memory_space<semaphore_mem>>
      %dma_start3A = arith.constant 0 : i32
      %dma_start3A_112 = arith.constant 0 : i32
      %dma_start3A_113 = tpu.memref_slice %arg14[%dma_start3A, %dma_start3A_112] : memref<128x16xf32, #tpu.memory_space<vmem>> -> memref<128x16xf32, #tpu.memory_space<vmem>>
      %dma_start3A_114 = arith.constant 0 : i32
      %dma_start3A_115 = tpu.memref_slice %arg20[%add3A_39, %dma_start3A_114] : memref<10112x16xf32, #tpu.memory_space<vmem_shared>> -> memref<128x16xf32, #tpu.memory_space<vmem_shared>>
      %dma_start3A_116 = arith.constant 0 : i32
      %dma_start3A_117 = tpu.memref_slice %arg20[%add3A_39, %dma_start3A_116] : memref<10112x16xf32, #tpu.memory_space<vmem_shared>> -> memref<128x16xf32, #tpu.memory_space<vmem_shared>>
      %dma_start3A_118 = arith.constant 0 : i32
      %dma_start3A_119 = arith.constant 0 : i32
      %dma_start3A_120 = tpu.memref_slice %arg14[%dma_start3A_118, %dma_start3A_119] : memref<128x16xf32, #tpu.memory_space<vmem>> -> memref<128x16xf32, #tpu.memory_space<vmem>>
      tpu.enqueue_dma source(%dma_start3A_120 : memref<128x16xf32, #tpu.memory_space<vmem>>) target(%dma_start3A_117 : memref<128x16xf32, #tpu.memory_space<vmem_shared>>) target_semaphore(%run_scoped3A : memref<!tpu.dma_semaphore, #tpu.memory_space<semaphore_mem>>)
      %dma_wait3A = arith.constant 0 : i32
      %dma_wait3A_121 = arith.constant 0 : i32
      %dma_wait3A_122 = tpu.memref_slice %arg14[%dma_wait3A, %dma_wait3A_121] : memref<128x16xf32, #tpu.memory_space<vmem>> -> memref<128x16xf32, #tpu.memory_space<vmem>>
      %dma_wait3A_123 = arith.constant 0 : i32
      %dma_wait3A_124 = tpu.memref_slice %arg20[%add3A_39, %dma_wait3A_123] : memref<10112x16xf32, #tpu.memory_space<vmem_shared>> -> memref<128x16xf32, #tpu.memory_space<vmem_shared>>
      %dma_wait3A_125 = arith.constant 0 : i32
      %dma_wait3A_126 = tpu.memref_slice %arg20[%add3A_39, %dma_wait3A_125] : memref<10112x16xf32, #tpu.memory_space<vmem_shared>> -> memref<128x16xf32, #tpu.memory_space<vmem_shared>>
      %dma_wait3A_127 = arith.constant 0 : i32
      %dma_wait3A_128 = arith.constant 0 : i32
      %dma_wait3A_129 = tpu.memref_slice %arg14[%dma_wait3A_127, %dma_wait3A_128] : memref<128x16xf32, #tpu.memory_space<vmem>> -> memref<128x16xf32, #tpu.memory_space<vmem>>
      tpu.wait_dma2 semaphore(%run_scoped3A : memref<!tpu.dma_semaphore, #tpu.memory_space<semaphore_mem>>) src(%dma_wait3A_129 : memref<128x16xf32, #tpu.memory_space<vmem>>) dst(%dma_wait3A_126 : memref<128x16xf32, #tpu.memory_space<vmem_shared>>)
      tpu.yield
    }) : () -> ()
    %add3A_40 = arith.constant 512 : i32
    %add3A_41 = arith.addi %mul3A_0, %add3A_40 : i32
    "tpu.region"() ({
      %run_scoped3A = tpu.sem_alloc : memref<!tpu.dma_semaphore, #tpu.memory_space<semaphore_mem>>
      %dma_start3A = arith.constant 0 : i32
      %dma_start3A_112 = arith.constant 0 : i32
      %dma_start3A_113 = tpu.memref_slice %arg14[%dma_start3A, %dma_start3A_112] : memref<128x16xf32, #tpu.memory_space<vmem>> -> memref<120x16xf32, #tpu.memory_space<vmem>>
      %dma_start3A_114 = arith.constant 0 : i32
      %dma_start3A_115 = tpu.memref_slice %arg20[%add3A_41, %dma_start3A_114] : memref<10112x16xf32, #tpu.memory_space<vmem_shared>> -> memref<120x16xf32, #tpu.memory_space<vmem_shared>>
      %dma_start3A_116 = arith.constant 0 : i32
      %dma_start3A_117 = tpu.memref_slice %arg20[%add3A_41, %dma_start3A_116] : memref<10112x16xf32, #tpu.memory_space<vmem_shared>> -> memref<120x16xf32, #tpu.memory_space<vmem_shared>>
      %dma_start3A_118 = arith.constant 0 : i32
      %dma_start3A_119 = arith.constant 0 : i32
      %dma_start3A_120 = tpu.memref_slice %arg14[%dma_start3A_118, %dma_start3A_119] : memref<128x16xf32, #tpu.memory_space<vmem>> -> memref<120x16xf32, #tpu.memory_space<vmem>>
      tpu.enqueue_dma source(%dma_start3A_120 : memref<120x16xf32, #tpu.memory_space<vmem>>) target(%dma_start3A_117 : memref<120x16xf32, #tpu.memory_space<vmem_shared>>) target_semaphore(%run_scoped3A : memref<!tpu.dma_semaphore, #tpu.memory_space<semaphore_mem>>)
      %dma_wait3A = arith.constant 0 : i32
      %dma_wait3A_121 = arith.constant 0 : i32
      %dma_wait3A_122 = tpu.memref_slice %arg14[%dma_wait3A, %dma_wait3A_121] : memref<128x16xf32, #tpu.memory_space<vmem>> -> memref<120x16xf32, #tpu.memory_space<vmem>>
      %dma_wait3A_123 = arith.constant 0 : i32
      %dma_wait3A_124 = tpu.memref_slice %arg20[%add3A_41, %dma_wait3A_123] : memref<10112x16xf32, #tpu.memory_space<vmem_shared>> -> memref<120x16xf32, #tpu.memory_space<vmem_shared>>
      %dma_wait3A_125 = arith.constant 0 : i32
      %dma_wait3A_126 = tpu.memref_slice %arg20[%add3A_41, %dma_wait3A_125] : memref<10112x16xf32, #tpu.memory_space<vmem_shared>> -> memref<120x16xf32, #tpu.memory_space<vmem_shared>>
      %dma_wait3A_127 = arith.constant 0 : i32
      %dma_wait3A_128 = arith.constant 0 : i32
      %dma_wait3A_129 = tpu.memref_slice %arg14[%dma_wait3A_127, %dma_wait3A_128] : memref<128x16xf32, #tpu.memory_space<vmem>> -> memref<120x16xf32, #tpu.memory_space<vmem>>
      tpu.wait_dma2 semaphore(%run_scoped3A : memref<!tpu.dma_semaphore, #tpu.memory_space<semaphore_mem>>) src(%dma_wait3A_129 : memref<120x16xf32, #tpu.memory_space<vmem>>) dst(%dma_wait3A_126 : memref<120x16xf32, #tpu.memory_space<vmem_shared>>)
      tpu.yield
    }) : () -> ()
    "tpu.region"() ({
      %run_scoped3A = tpu.sem_alloc : memref<!tpu.dma_semaphore, #tpu.memory_space<semaphore_mem>>
      tpu.enqueue_dma source(%arg7 : memref<128x16xf32, #tpu.memory_space<hbm>>) target(%arg14 : memref<128x16xf32, #tpu.memory_space<vmem>>) target_semaphore(%run_scoped3A : memref<!tpu.dma_semaphore, #tpu.memory_space<semaphore_mem>>)
      tpu.wait_dma2 semaphore(%run_scoped3A : memref<!tpu.dma_semaphore, #tpu.memory_space<semaphore_mem>>) src(%arg7 : memref<128x16xf32, #tpu.memory_space<hbm>>) dst(%arg14 : memref<128x16xf32, #tpu.memory_space<vmem>>)
      tpu.yield
    }) : () -> ()
    %barrier3A = arith.constant 0 : index
    tpu.barrier barrier_id(%barrier3A)
    %mul3A_42 = arith.constant 160 : i32
    %mul3A_43 = arith.muli %arg1, %mul3A_42 : i32
    %scan3A = arith.constant 0 : i32
    %scan3A_44 = arith.constant 20 : i32
    %scan3A_45 = arith.addi %scan3A, %scan3A_44 : i32
    %scan3A_46 = arith.constant 1 : i32
    scf.for %scan3A_112 = %scan3A to %scan3A_45 step %scan3A_46  : i32 {
      %mul3A_113 = arith.constant 1 : i32
      %mul3A_114 = arith.muli %scan3A_112, %mul3A_113 : i32
      %add3A_115 = arith.constant 0 : i32
      %add3A_116 = arith.addi %add3A_115, %mul3A_114 : i32
      %mul3A_117 = arith.constant 8 : i32
      %mul3A_118 = arith.muli %add3A_116, %mul3A_117 : i32
      %add3A_119 = arith.addi %mul3A_43, %mul3A_118 : i32
      "tpu.region"() ({
        %run_scoped3A_142 = tpu.sem_alloc : memref<!tpu.dma_semaphore, #tpu.memory_space<semaphore_mem>>
        %dma_start3A_143 = arith.constant 0 : i32
        %dma_start3A_144 = tpu.memref_slice %arg3[%add3A_119, %dma_start3A_143] : memref<2560x128xi32, #tpu.memory_space<hbm>> -> memref<8x128xi32, #tpu.memory_space<hbm>>
        %dma_start3A_145 = arith.constant 0 : i32
        %dma_start3A_146 = tpu.memref_slice %arg3[%add3A_119, %dma_start3A_145] : memref<2560x128xi32, #tpu.memory_space<hbm>> -> memref<8x128xi32, #tpu.memory_space<hbm>>
        tpu.enqueue_dma source(%dma_start3A_146 : memref<8x128xi32, #tpu.memory_space<hbm>>) target(%arg10 : memref<8x128xi32, #tpu.memory_space<vmem>>) target_semaphore(%run_scoped3A_142 : memref<!tpu.dma_semaphore, #tpu.memory_space<semaphore_mem>>)
        %dma_wait3A = arith.constant 0 : i32
        %dma_wait3A_147 = tpu.memref_slice %arg3[%add3A_119, %dma_wait3A] : memref<2560x128xi32, #tpu.memory_space<hbm>> -> memref<8x128xi32, #tpu.memory_space<hbm>>
        %dma_wait3A_148 = arith.constant 0 : i32
        %dma_wait3A_149 = tpu.memref_slice %arg3[%add3A_119, %dma_wait3A_148] : memref<2560x128xi32, #tpu.memory_space<hbm>> -> memref<8x128xi32, #tpu.memory_space<hbm>>
        tpu.wait_dma2 semaphore(%run_scoped3A_142 : memref<!tpu.dma_semaphore, #tpu.memory_space<semaphore_mem>>) src(%dma_wait3A_149 : memref<8x128xi32, #tpu.memory_space<hbm>>) dst(%arg10 : memref<8x128xi32, #tpu.memory_space<vmem>>)
        tpu.yield
      }) : () -> ()
      %mul3A_120 = arith.constant 8 : i32
      %mul3A_121 = arith.muli %add3A_116, %mul3A_120 : i32
      %add3A_122 = arith.addi %mul3A_43, %mul3A_121 : i32
      "tpu.region"() ({
        %run_scoped3A_142 = tpu.sem_alloc : memref<!tpu.dma_semaphore, #tpu.memory_space<semaphore_mem>>
        %dma_start3A_143 = arith.constant 0 : i32
        %dma_start3A_144 = tpu.memref_slice %arg4[%add3A_122, %dma_start3A_143] : memref<2560x128xi32, #tpu.memory_space<hbm>> -> memref<8x128xi32, #tpu.memory_space<hbm>>
        %dma_start3A_145 = arith.constant 0 : i32
        %dma_start3A_146 = tpu.memref_slice %arg4[%add3A_122, %dma_start3A_145] : memref<2560x128xi32, #tpu.memory_space<hbm>> -> memref<8x128xi32, #tpu.memory_space<hbm>>
        tpu.enqueue_dma source(%dma_start3A_146 : memref<8x128xi32, #tpu.memory_space<hbm>>) target(%arg11 : memref<8x128xi32, #tpu.memory_space<vmem>>) target_semaphore(%run_scoped3A_142 : memref<!tpu.dma_semaphore, #tpu.memory_space<semaphore_mem>>)
        %dma_wait3A = arith.constant 0 : i32
        %dma_wait3A_147 = tpu.memref_slice %arg4[%add3A_122, %dma_wait3A] : memref<2560x128xi32, #tpu.memory_space<hbm>> -> memref<8x128xi32, #tpu.memory_space<hbm>>
        %dma_wait3A_148 = arith.constant 0 : i32
        %dma_wait3A_149 = tpu.memref_slice %arg4[%add3A_122, %dma_wait3A_148] : memref<2560x128xi32, #tpu.memory_space<hbm>> -> memref<8x128xi32, #tpu.memory_space<hbm>>
        tpu.wait_dma2 semaphore(%run_scoped3A_142 : memref<!tpu.dma_semaphore, #tpu.memory_space<semaphore_mem>>) src(%dma_wait3A_149 : memref<8x128xi32, #tpu.memory_space<hbm>>) dst(%arg11 : memref<8x128xi32, #tpu.memory_space<vmem>>)
        tpu.yield
      }) : () -> ()
      %dma_start3A = arith.constant 0 : i32
      %dma_start3A_123 = arith.constant 0 : i32
      %dma_start3A_124 = tpu.memref_slice %arg10[%dma_start3A, %dma_start3A_123] : memref<8x128xi32, #tpu.memory_space<vmem>> -> memref<1x128xi32, #tpu.memory_space<vmem>>
      %dma_start3A_125 = tpu.memref_squeeze %dma_start3A_124 : memref<1x128xi32, #tpu.memory_space<vmem>> -> memref<128xi32, #tpu.memory_space<vmem>>
      %dma_start3A_126 = arith.constant 0 : i32
      %dma_start3A_127 = arith.constant 0 : i32
      %dma_start3A_128 = tpu.memref_slice %arg19[%dma_start3A_126, %dma_start3A_127] : memref<10112x64xf32, #tpu.memory_space<vmem_shared>> -> memref<10112x64xf32, #tpu.memory_space<vmem_shared>>
      tpu.enqueue_indirect_dma source(%dma_start3A_128 : memref<10112x64xf32, #tpu.memory_space<vmem_shared>>) target(%arg12 : memref<128x64xf32, #tpu.memory_space<vmem>>) offsets(%dma_start3A_125 : memref<128xi32, #tpu.memory_space<vmem>>) semaphore(%arg15 : memref<!tpu.dma_semaphore, #tpu.memory_space<semaphore_mem>>)
      %scan3A_129 = arith.constant 0 : i32
      %scan3A_130 = arith.constant 3 : i32
      %scan3A_131 = arith.addi %scan3A_129, %scan3A_130 : i32
      %scan3A_132 = arith.constant 1 : i32
      scf.for %scan3A_142 = %scan3A_129 to %scan3A_131 step %scan3A_132  : i32 {
        %mul3A_143 = arith.constant 1 : i32
        %mul3A_144 = arith.muli %scan3A_142, %mul3A_143 : i32
        %add3A_145 = arith.constant 0 : i32
        %add3A_146 = arith.addi %add3A_145, %mul3A_144 : i32
        %mul3A_147 = arith.constant 2 : i32
        %mul3A_148 = arith.muli %mul3A_147, %add3A_146 : i32
        tpu.wait_dma2 semaphore(%arg15 : memref<!tpu.dma_semaphore, #tpu.memory_space<semaphore_mem>>) src(%arg5 : memref<128x64xf32, #tpu.memory_space<hbm>>) dst(%arg12 : memref<128x64xf32, #tpu.memory_space<vmem>>)
        %add3A_149 = arith.constant 1 : i32
        %add3A_150 = arith.addi %mul3A_148, %add3A_149 : i32
        %dma_start3A_151 = arith.constant 0 : i32
        %dma_start3A_152 = tpu.memref_slice %arg10[%add3A_150, %dma_start3A_151] : memref<8x128xi32, #tpu.memory_space<vmem>> -> memref<1x128xi32, #tpu.memory_space<vmem>>
        %dma_start3A_153 = tpu.memref_squeeze %dma_start3A_152 : memref<1x128xi32, #tpu.memory_space<vmem>> -> memref<128xi32, #tpu.memory_space<vmem>>
        %dma_start3A_154 = arith.constant 0 : i32
        %dma_start3A_155 = arith.constant 0 : i32
        %dma_start3A_156 = tpu.memref_slice %arg19[%dma_start3A_154, %dma_start3A_155] : memref<10112x64xf32, #tpu.memory_space<vmem_shared>> -> memref<10112x64xf32, #tpu.memory_space<vmem_shared>>
        tpu.enqueue_indirect_dma source(%dma_start3A_156 : memref<10112x64xf32, #tpu.memory_space<vmem_shared>>) target(%arg13 : memref<128x64xf32, #tpu.memory_space<vmem>>) offsets(%dma_start3A_153 : memref<128xi32, #tpu.memory_space<vmem>>) semaphore(%arg16 : memref<!tpu.dma_semaphore, #tpu.memory_space<semaphore_mem>>)
        "tpu.region"() ({
          %run_scoped3A_167 = tpu.sem_alloc : memref<!tpu.dma_semaphore, #tpu.memory_space<semaphore_mem>>
          %dma_start3A_168 = arith.constant 0 : i32
          %dma_start3A_169 = tpu.memref_slice %arg11[%mul3A_148, %dma_start3A_168] : memref<8x128xi32, #tpu.memory_space<vmem>> -> memref<1x128xi32, #tpu.memory_space<vmem>>
          %dma_start3A_170 = tpu.memref_squeeze %dma_start3A_169 : memref<1x128xi32, #tpu.memory_space<vmem>> -> memref<128xi32, #tpu.memory_space<vmem>>
          %dma_start3A_171 = arith.constant 0 : i32
          %dma_start3A_172 = arith.constant 0 : i32
          %dma_start3A_173 = tpu.memref_slice %arg18[%dma_start3A_171, %dma_start3A_172] : memref<10112x64xf32, #tpu.memory_space<vmem_shared>> -> memref<10112x64xf32, #tpu.memory_space<vmem_shared>>
          tpu.enqueue_indirect_dma source(%arg12 : memref<128x64xf32, #tpu.memory_space<vmem>>) target(%dma_start3A_173 : memref<10112x64xf32, #tpu.memory_space<vmem_shared>>) offsets(%dma_start3A_170 : memref<128xi32, #tpu.memory_space<vmem>>) semaphore(%run_scoped3A_167 : memref<!tpu.dma_semaphore, #tpu.memory_space<semaphore_mem>>) {add = true}
          %dma_wait3A = arith.constant 0 : i32
          %dma_wait3A_174 = tpu.memref_slice %arg11[%mul3A_148, %dma_wait3A] : memref<8x128xi32, #tpu.memory_space<vmem>> -> memref<1x128xi32, #tpu.memory_space<vmem>>
          %dma_wait3A_175 = tpu.memref_squeeze %dma_wait3A_174 : memref<1x128xi32, #tpu.memory_space<vmem>> -> memref<128xi32, #tpu.memory_space<vmem>>
          %dma_wait3A_176 = arith.constant 0 : i32
          %dma_wait3A_177 = arith.constant 0 : i32
          %dma_wait3A_178 = tpu.memref_slice %arg18[%dma_wait3A_176, %dma_wait3A_177] : memref<10112x64xf32, #tpu.memory_space<vmem_shared>> -> memref<10112x64xf32, #tpu.memory_space<vmem_shared>>
          tpu.wait_indirect_dma semaphore(%run_scoped3A_167 : memref<!tpu.dma_semaphore, #tpu.memory_space<semaphore_mem>>) src(%arg12 : memref<128x64xf32, #tpu.memory_space<vmem>>) dst(%dma_wait3A_178 : memref<10112x64xf32, #tpu.memory_space<vmem_shared>>)
          tpu.yield
        }) : () -> ()
        tpu.wait_dma2 semaphore(%arg16 : memref<!tpu.dma_semaphore, #tpu.memory_space<semaphore_mem>>) src(%arg5 : memref<128x64xf32, #tpu.memory_space<hbm>>) dst(%arg13 : memref<128x64xf32, #tpu.memory_space<vmem>>)
        %add3A_157 = arith.constant 2 : i32
        %add3A_158 = arith.addi %mul3A_148, %add3A_157 : i32
        %dma_start3A_159 = arith.constant 0 : i32
        %dma_start3A_160 = tpu.memref_slice %arg10[%add3A_158, %dma_start3A_159] : memref<8x128xi32, #tpu.memory_space<vmem>> -> memref<1x128xi32, #tpu.memory_space<vmem>>
        %dma_start3A_161 = tpu.memref_squeeze %dma_start3A_160 : memref<1x128xi32, #tpu.memory_space<vmem>> -> memref<128xi32, #tpu.memory_space<vmem>>
        %dma_start3A_162 = arith.constant 0 : i32
        %dma_start3A_163 = arith.constant 0 : i32
        %dma_start3A_164 = tpu.memref_slice %arg19[%dma_start3A_162, %dma_start3A_163] : memref<10112x64xf32, #tpu.memory_space<vmem_shared>> -> memref<10112x64xf32, #tpu.memory_space<vmem_shared>>
        tpu.enqueue_indirect_dma source(%dma_start3A_164 : memref<10112x64xf32, #tpu.memory_space<vmem_shared>>) target(%arg12 : memref<128x64xf32, #tpu.memory_space<vmem>>) offsets(%dma_start3A_161 : memref<128xi32, #tpu.memory_space<vmem>>) semaphore(%arg15 : memref<!tpu.dma_semaphore, #tpu.memory_space<semaphore_mem>>)
        %add3A_165 = arith.constant 1 : i32
        %add3A_166 = arith.addi %mul3A_148, %add3A_165 : i32
        "tpu.region"() ({
          %run_scoped3A_167 = tpu.sem_alloc : memref<!tpu.dma_semaphore, #tpu.memory_space<semaphore_mem>>
          %dma_start3A_168 = arith.constant 0 : i32
          %dma_start3A_169 = tpu.memref_slice %arg11[%add3A_166, %dma_start3A_168] : memref<8x128xi32, #tpu.memory_space<vmem>> -> memref<1x128xi32, #tpu.memory_space<vmem>>
          %dma_start3A_170 = tpu.memref_squeeze %dma_start3A_169 : memref<1x128xi32, #tpu.memory_space<vmem>> -> memref<128xi32, #tpu.memory_space<vmem>>
          %dma_start3A_171 = arith.constant 0 : i32
          %dma_start3A_172 = arith.constant 0 : i32
          %dma_start3A_173 = tpu.memref_slice %arg18[%dma_start3A_171, %dma_start3A_172] : memref<10112x64xf32, #tpu.memory_space<vmem_shared>> -> memref<10112x64xf32, #tpu.memory_space<vmem_shared>>
          tpu.enqueue_indirect_dma source(%arg13 : memref<128x64xf32, #tpu.memory_space<vmem>>) target(%dma_start3A_173 : memref<10112x64xf32, #tpu.memory_space<vmem_shared>>) offsets(%dma_start3A_170 : memref<128xi32, #tpu.memory_space<vmem>>) semaphore(%run_scoped3A_167 : memref<!tpu.dma_semaphore, #tpu.memory_space<semaphore_mem>>) {add = true}
          %dma_wait3A = arith.constant 0 : i32
          %dma_wait3A_174 = tpu.memref_slice %arg11[%add3A_166, %dma_wait3A] : memref<8x128xi32, #tpu.memory_space<vmem>> -> memref<1x128xi32, #tpu.memory_space<vmem>>
          %dma_wait3A_175 = tpu.memref_squeeze %dma_wait3A_174 : memref<1x128xi32, #tpu.memory_space<vmem>> -> memref<128xi32, #tpu.memory_space<vmem>>
          %dma_wait3A_176 = arith.constant 0 : i32
          %dma_wait3A_177 = arith.constant 0 : i32
          %dma_wait3A_178 = tpu.memref_slice %arg18[%dma_wait3A_176, %dma_wait3A_177] : memref<10112x64xf32, #tpu.memory_space<vmem_shared>> -> memref<10112x64xf32, #tpu.memory_space<vmem_shared>>
          tpu.wait_indirect_dma semaphore(%run_scoped3A_167 : memref<!tpu.dma_semaphore, #tpu.memory_space<semaphore_mem>>) src(%arg13 : memref<128x64xf32, #tpu.memory_space<vmem>>) dst(%dma_wait3A_178 : memref<10112x64xf32, #tpu.memory_space<vmem_shared>>)
          tpu.yield
        }) : () -> ()
      }
      %scan3A_133 = arith.constant 3 : i32
      tpu.wait_dma2 semaphore(%arg15 : memref<!tpu.dma_semaphore, #tpu.memory_space<semaphore_mem>>) src(%arg5 : memref<128x64xf32, #tpu.memory_space<hbm>>) dst(%arg12 : memref<128x64xf32, #tpu.memory_space<vmem>>)
      %dma_start3A_134 = arith.constant 7 : i32
      %dma_start3A_135 = arith.constant 0 : i32
      %dma_start3A_136 = tpu.memref_slice %arg10[%dma_start3A_134, %dma_start3A_135] : memref<8x128xi32, #tpu.memory_space<vmem>> -> memref<1x128xi32, #tpu.memory_space<vmem>>
      %dma_start3A_137 = tpu.memref_squeeze %dma_start3A_136 : memref<1x128xi32, #tpu.memory_space<vmem>> -> memref<128xi32, #tpu.memory_space<vmem>>
      %dma_start3A_138 = arith.constant 0 : i32
      %dma_start3A_139 = arith.constant 0 : i32
      %dma_start3A_140 = tpu.memref_slice %arg19[%dma_start3A_138, %dma_start3A_139] : memref<10112x64xf32, #tpu.memory_space<vmem_shared>> -> memref<10112x64xf32, #tpu.memory_space<vmem_shared>>
      tpu.enqueue_indirect_dma source(%dma_start3A_140 : memref<10112x64xf32, #tpu.memory_space<vmem_shared>>) target(%arg13 : memref<128x64xf32, #tpu.memory_space<vmem>>) offsets(%dma_start3A_137 : memref<128xi32, #tpu.memory_space<vmem>>) semaphore(%arg16 : memref<!tpu.dma_semaphore, #tpu.memory_space<semaphore_mem>>)
      %run_scoped3A = arith.constant 6 : i32
      "tpu.region"() ({
        %run_scoped3A_142 = tpu.sem_alloc : memref<!tpu.dma_semaphore, #tpu.memory_space<semaphore_mem>>
        %dma_start3A_143 = arith.constant 0 : i32
        %dma_start3A_144 = tpu.memref_slice %arg11[%run_scoped3A, %dma_start3A_143] : memref<8x128xi32, #tpu.memory_space<vmem>> -> memref<1x128xi32, #tpu.memory_space<vmem>>
        %dma_start3A_145 = tpu.memref_squeeze %dma_start3A_144 : memref<1x128xi32, #tpu.memory_space<vmem>> -> memref<128xi32, #tpu.memory_space<vmem>>
        %dma_start3A_146 = arith.constant 0 : i32
        %dma_start3A_147 = arith.constant 0 : i32
        %dma_start3A_148 = tpu.memref_slice %arg18[%dma_start3A_146, %dma_start3A_147] : memref<10112x64xf32, #tpu.memory_space<vmem_shared>> -> memref<10112x64xf32, #tpu.memory_space<vmem_shared>>
        tpu.enqueue_indirect_dma source(%arg12 : memref<128x64xf32, #tpu.memory_space<vmem>>) target(%dma_start3A_148 : memref<10112x64xf32, #tpu.memory_space<vmem_shared>>) offsets(%dma_start3A_145 : memref<128xi32, #tpu.memory_space<vmem>>) semaphore(%run_scoped3A_142 : memref<!tpu.dma_semaphore, #tpu.memory_space<semaphore_mem>>) {add = true}
        %dma_wait3A = arith.constant 0 : i32
        %dma_wait3A_149 = tpu.memref_slice %arg11[%run_scoped3A, %dma_wait3A] : memref<8x128xi32, #tpu.memory_space<vmem>> -> memref<1x128xi32, #tpu.memory_space<vmem>>
        %dma_wait3A_150 = tpu.memref_squeeze %dma_wait3A_149 : memref<1x128xi32, #tpu.memory_space<vmem>> -> memref<128xi32, #tpu.memory_space<vmem>>
        %dma_wait3A_151 = arith.constant 0 : i32
        %dma_wait3A_152 = arith.constant 0 : i32
        %dma_wait3A_153 = tpu.memref_slice %arg18[%dma_wait3A_151, %dma_wait3A_152] : memref<10112x64xf32, #tpu.memory_space<vmem_shared>> -> memref<10112x64xf32, #tpu.memory_space<vmem_shared>>
        tpu.wait_indirect_dma semaphore(%run_scoped3A_142 : memref<!tpu.dma_semaphore, #tpu.memory_space<semaphore_mem>>) src(%arg12 : memref<128x64xf32, #tpu.memory_space<vmem>>) dst(%dma_wait3A_153 : memref<10112x64xf32, #tpu.memory_space<vmem_shared>>)
        tpu.yield
      }) : () -> ()
      tpu.wait_dma2 semaphore(%arg16 : memref<!tpu.dma_semaphore, #tpu.memory_space<semaphore_mem>>) src(%arg5 : memref<128x64xf32, #tpu.memory_space<hbm>>) dst(%arg13 : memref<128x64xf32, #tpu.memory_space<vmem>>)
      %run_scoped3A_141 = arith.constant 7 : i32
      "tpu.region"() ({
        %run_scoped3A_142 = tpu.sem_alloc : memref<!tpu.dma_semaphore, #tpu.memory_space<semaphore_mem>>
        %dma_start3A_143 = arith.constant 0 : i32
        %dma_start3A_144 = tpu.memref_slice %arg11[%run_scoped3A_141, %dma_start3A_143] : memref<8x128xi32, #tpu.memory_space<vmem>> -> memref<1x128xi32, #tpu.memory_space<vmem>>
        %dma_start3A_145 = tpu.memref_squeeze %dma_start3A_144 : memref<1x128xi32, #tpu.memory_space<vmem>> -> memref<128xi32, #tpu.memory_space<vmem>>
        %dma_start3A_146 = arith.constant 0 : i32
        %dma_start3A_147 = arith.constant 0 : i32
        %dma_start3A_148 = tpu.memref_slice %arg18[%dma_start3A_146, %dma_start3A_147] : memref<10112x64xf32, #tpu.memory_space<vmem_shared>> -> memref<10112x64xf32, #tpu.memory_space<vmem_shared>>
        tpu.enqueue_indirect_dma source(%arg13 : memref<128x64xf32, #tpu.memory_space<vmem>>) target(%dma_start3A_148 : memref<10112x64xf32, #tpu.memory_space<vmem_shared>>) offsets(%dma_start3A_145 : memref<128xi32, #tpu.memory_space<vmem>>) semaphore(%run_scoped3A_142 : memref<!tpu.dma_semaphore, #tpu.memory_space<semaphore_mem>>) {add = true}
        %dma_wait3A = arith.constant 0 : i32
        %dma_wait3A_149 = tpu.memref_slice %arg11[%run_scoped3A_141, %dma_wait3A] : memref<8x128xi32, #tpu.memory_space<vmem>> -> memref<1x128xi32, #tpu.memory_space<vmem>>
        %dma_wait3A_150 = tpu.memref_squeeze %dma_wait3A_149 : memref<1x128xi32, #tpu.memory_space<vmem>> -> memref<128xi32, #tpu.memory_space<vmem>>
        %dma_wait3A_151 = arith.constant 0 : i32
        %dma_wait3A_152 = arith.constant 0 : i32
        %dma_wait3A_153 = tpu.memref_slice %arg18[%dma_wait3A_151, %dma_wait3A_152] : memref<10112x64xf32, #tpu.memory_space<vmem_shared>> -> memref<10112x64xf32, #tpu.memory_space<vmem_shared>>
        tpu.wait_indirect_dma semaphore(%run_scoped3A_142 : memref<!tpu.dma_semaphore, #tpu.memory_space<semaphore_mem>>) src(%arg13 : memref<128x64xf32, #tpu.memory_space<vmem>>) dst(%dma_wait3A_153 : memref<10112x64xf32, #tpu.memory_space<vmem_shared>>)
        tpu.yield
      }) : () -> ()
    }
    %scan3A_47 = arith.constant 20 : i32
    %mul3A_48 = arith.constant 80 : i32
    %mul3A_49 = arith.muli %arg0, %mul3A_48 : i32
    %add3A_50 = arith.addi %mul3A_43, %mul3A_49 : i32
    %scan3A_51 = arith.constant 0 : i32
    %scan3A_52 = arith.constant 10 : i32
    %scan3A_53 = arith.addi %scan3A_51, %scan3A_52 : i32
    %scan3A_54 = arith.constant 1 : i32
    scf.for %scan3A_112 = %scan3A_51 to %scan3A_53 step %scan3A_54  : i32 {
      %mul3A_113 = arith.constant 1 : i32
      %mul3A_114 = arith.muli %scan3A_112, %mul3A_113 : i32
      %add3A_115 = arith.constant 0 : i32
      %add3A_116 = arith.addi %add3A_115, %mul3A_114 : i32
      %mul3A_117 = arith.constant 8 : i32
      %mul3A_118 = arith.muli %add3A_116, %mul3A_117 : i32
      %add3A_119 = arith.addi %add3A_50, %mul3A_118 : i32
      "tpu.region"() ({
        %run_scoped3A_127 = tpu.sem_alloc : memref<!tpu.dma_semaphore, #tpu.memory_space<semaphore_mem>>
        %dma_start3A = arith.constant 0 : i32
        %dma_start3A_128 = tpu.memref_slice %arg4[%add3A_119, %dma_start3A] : memref<2560x128xi32, #tpu.memory_space<hbm>> -> memref<8x128xi32, #tpu.memory_space<hbm>>
        %dma_start3A_129 = arith.constant 0 : i32
        %dma_start3A_130 = tpu.memref_slice %arg4[%add3A_119, %dma_start3A_129] : memref<2560x128xi32, #tpu.memory_space<hbm>> -> memref<8x128xi32, #tpu.memory_space<hbm>>
        tpu.enqueue_dma source(%dma_start3A_130 : memref<8x128xi32, #tpu.memory_space<hbm>>) target(%arg11 : memref<8x128xi32, #tpu.memory_space<vmem>>) target_semaphore(%run_scoped3A_127 : memref<!tpu.dma_semaphore, #tpu.memory_space<semaphore_mem>>)
        %dma_wait3A = arith.constant 0 : i32
        %dma_wait3A_131 = tpu.memref_slice %arg4[%add3A_119, %dma_wait3A] : memref<2560x128xi32, #tpu.memory_space<hbm>> -> memref<8x128xi32, #tpu.memory_space<hbm>>
        %dma_wait3A_132 = arith.constant 0 : i32
        %dma_wait3A_133 = tpu.memref_slice %arg4[%add3A_119, %dma_wait3A_132] : memref<2560x128xi32, #tpu.memory_space<hbm>> -> memref<8x128xi32, #tpu.memory_space<hbm>>
        tpu.wait_dma2 semaphore(%run_scoped3A_127 : memref<!tpu.dma_semaphore, #tpu.memory_space<semaphore_mem>>) src(%dma_wait3A_133 : memref<8x128xi32, #tpu.memory_space<hbm>>) dst(%arg11 : memref<8x128xi32, #tpu.memory_space<vmem>>)
        tpu.yield
      }) : () -> ()
      %run_scoped3A = arith.constant 0 : i32
      "tpu.region"() ({
        %run_scoped3A_127 = tpu.sem_alloc : memref<!tpu.dma_semaphore, #tpu.memory_space<semaphore_mem>>
        %dma_start3A = arith.constant 0 : i32
        %dma_start3A_128 = tpu.memref_slice %arg11[%run_scoped3A, %dma_start3A] : memref<8x128xi32, #tpu.memory_space<vmem>> -> memref<1x128xi32, #tpu.memory_space<vmem>>
        %dma_start3A_129 = tpu.memref_squeeze %dma_start3A_128 : memref<1x128xi32, #tpu.memory_space<vmem>> -> memref<128xi32, #tpu.memory_space<vmem>>
        %dma_start3A_130 = arith.constant 0 : i32
        %dma_start3A_131 = arith.constant 0 : i32
        %dma_start3A_132 = tpu.memref_slice %arg20[%dma_start3A_130, %dma_start3A_131] : memref<10112x16xf32, #tpu.memory_space<vmem_shared>> -> memref<10112x16xf32, #tpu.memory_space<vmem_shared>>
        tpu.enqueue_indirect_dma source(%arg14 : memref<128x16xf32, #tpu.memory_space<vmem>>) target(%dma_start3A_132 : memref<10112x16xf32, #tpu.memory_space<vmem_shared>>) offsets(%dma_start3A_129 : memref<128xi32, #tpu.memory_space<vmem>>) semaphore(%run_scoped3A_127 : memref<!tpu.dma_semaphore, #tpu.memory_space<semaphore_mem>>) {add = true}
        %dma_wait3A = arith.constant 0 : i32
        %dma_wait3A_133 = tpu.memref_slice %arg11[%run_scoped3A, %dma_wait3A] : memref<8x128xi32, #tpu.memory_space<vmem>> -> memref<1x128xi32, #tpu.memory_space<vmem>>
        %dma_wait3A_134 = tpu.memref_squeeze %dma_wait3A_133 : memref<1x128xi32, #tpu.memory_space<vmem>> -> memref<128xi32, #tpu.memory_space<vmem>>
        %dma_wait3A_135 = arith.constant 0 : i32
        %dma_wait3A_136 = arith.constant 0 : i32
        %dma_wait3A_137 = tpu.memref_slice %arg20[%dma_wait3A_135, %dma_wait3A_136] : memref<10112x16xf32, #tpu.memory_space<vmem_shared>> -> memref<10112x16xf32, #tpu.memory_space<vmem_shared>>
        tpu.wait_indirect_dma semaphore(%run_scoped3A_127 : memref<!tpu.dma_semaphore, #tpu.memory_space<semaphore_mem>>) src(%arg14 : memref<128x16xf32, #tpu.memory_space<vmem>>) dst(%dma_wait3A_137 : memref<10112x16xf32, #tpu.memory_space<vmem_shared>>)
        tpu.yield
      }) : () -> ()
      %run_scoped3A_120 = arith.constant 1 : i32
      "tpu.region"() ({
        %run_scoped3A_127 = tpu.sem_alloc : memref<!tpu.dma_semaphore, #tpu.memory_space<semaphore_mem>>
        %dma_start3A = arith.constant 0 : i32
        %dma_start3A_128 = tpu.memref_slice %arg11[%run_scoped3A_120, %dma_start3A] : memref<8x128xi32, #tpu.memory_space<vmem>> -> memref<1x128xi32, #tpu.memory_space<vmem>>
        %dma_start3A_129 = tpu.memref_squeeze %dma_start3A_128 : memref<1x128xi32, #tpu.memory_space<vmem>> -> memref<128xi32, #tpu.memory_space<vmem>>
        %dma_start3A_130 = arith.constant 0 : i32
        %dma_start3A_131 = arith.constant 0 : i32
        %dma_start3A_132 = tpu.memref_slice %arg20[%dma_start3A_130, %dma_start3A_131] : memref<10112x16xf32, #tpu.memory_space<vmem_shared>> -> memref<10112x16xf32, #tpu.memory_space<vmem_shared>>
        tpu.enqueue_indirect_dma source(%arg14 : memref<128x16xf32, #tpu.memory_space<vmem>>) target(%dma_start3A_132 : memref<10112x16xf32, #tpu.memory_space<vmem_shared>>) offsets(%dma_start3A_129 : memref<128xi32, #tpu.memory_space<vmem>>) semaphore(%run_scoped3A_127 : memref<!tpu.dma_semaphore, #tpu.memory_space<semaphore_mem>>) {add = true}
        %dma_wait3A = arith.constant 0 : i32
        %dma_wait3A_133 = tpu.memref_slice %arg11[%run_scoped3A_120, %dma_wait3A] : memref<8x128xi32, #tpu.memory_space<vmem>> -> memref<1x128xi32, #tpu.memory_space<vmem>>
        %dma_wait3A_134 = tpu.memref_squeeze %dma_wait3A_133 : memref<1x128xi32, #tpu.memory_space<vmem>> -> memref<128xi32, #tpu.memory_space<vmem>>
        %dma_wait3A_135 = arith.constant 0 : i32
        %dma_wait3A_136 = arith.constant 0 : i32
        %dma_wait3A_137 = tpu.memref_slice %arg20[%dma_wait3A_135, %dma_wait3A_136] : memref<10112x16xf32, #tpu.memory_space<vmem_shared>> -> memref<10112x16xf32, #tpu.memory_space<vmem_shared>>
        tpu.wait_indirect_dma semaphore(%run_scoped3A_127 : memref<!tpu.dma_semaphore, #tpu.memory_space<semaphore_mem>>) src(%arg14 : memref<128x16xf32, #tpu.memory_space<vmem>>) dst(%dma_wait3A_137 : memref<10112x16xf32, #tpu.memory_space<vmem_shared>>)
        tpu.yield
      }) : () -> ()
      %run_scoped3A_121 = arith.constant 2 : i32
      "tpu.region"() ({
        %run_scoped3A_127 = tpu.sem_alloc : memref<!tpu.dma_semaphore, #tpu.memory_space<semaphore_mem>>
        %dma_start3A = arith.constant 0 : i32
        %dma_start3A_128 = tpu.memref_slice %arg11[%run_scoped3A_121, %dma_start3A] : memref<8x128xi32, #tpu.memory_space<vmem>> -> memref<1x128xi32, #tpu.memory_space<vmem>>
        %dma_start3A_129 = tpu.memref_squeeze %dma_start3A_128 : memref<1x128xi32, #tpu.memory_space<vmem>> -> memref<128xi32, #tpu.memory_space<vmem>>
        %dma_start3A_130 = arith.constant 0 : i32
        %dma_start3A_131 = arith.constant 0 : i32
        %dma_start3A_132 = tpu.memref_slice %arg20[%dma_start3A_130, %dma_start3A_131] : memref<10112x16xf32, #tpu.memory_space<vmem_shared>> -> memref<10112x16xf32, #tpu.memory_space<vmem_shared>>
        tpu.enqueue_indirect_dma source(%arg14 : memref<128x16xf32, #tpu.memory_space<vmem>>) target(%dma_start3A_132 : memref<10112x16xf32, #tpu.memory_space<vmem_shared>>) offsets(%dma_start3A_129 : memref<128xi32, #tpu.memory_space<vmem>>) semaphore(%run_scoped3A_127 : memref<!tpu.dma_semaphore, #tpu.memory_space<semaphore_mem>>) {add = true}
        %dma_wait3A = arith.constant 0 : i32
        %dma_wait3A_133 = tpu.memref_slice %arg11[%run_scoped3A_121, %dma_wait3A] : memref<8x128xi32, #tpu.memory_space<vmem>> -> memref<1x128xi32, #tpu.memory_space<vmem>>
        %dma_wait3A_134 = tpu.memref_squeeze %dma_wait3A_133 : memref<1x128xi32, #tpu.memory_space<vmem>> -> memref<128xi32, #tpu.memory_space<vmem>>
        %dma_wait3A_135 = arith.constant 0 : i32
        %dma_wait3A_136 = arith.constant 0 : i32
        %dma_wait3A_137 = tpu.memref_slice %arg20[%dma_wait3A_135, %dma_wait3A_136] : memref<10112x16xf32, #tpu.memory_space<vmem_shared>> -> memref<10112x16xf32, #tpu.memory_space<vmem_shared>>
        tpu.wait_indirect_dma semaphore(%run_scoped3A_127 : memref<!tpu.dma_semaphore, #tpu.memory_space<semaphore_mem>>) src(%arg14 : memref<128x16xf32, #tpu.memory_space<vmem>>) dst(%dma_wait3A_137 : memref<10112x16xf32, #tpu.memory_space<vmem_shared>>)
        tpu.yield
      }) : () -> ()
      %run_scoped3A_122 = arith.constant 3 : i32
      "tpu.region"() ({
        %run_scoped3A_127 = tpu.sem_alloc : memref<!tpu.dma_semaphore, #tpu.memory_space<semaphore_mem>>
        %dma_start3A = arith.constant 0 : i32
        %dma_start3A_128 = tpu.memref_slice %arg11[%run_scoped3A_122, %dma_start3A] : memref<8x128xi32, #tpu.memory_space<vmem>> -> memref<1x128xi32, #tpu.memory_space<vmem>>
        %dma_start3A_129 = tpu.memref_squeeze %dma_start3A_128 : memref<1x128xi32, #tpu.memory_space<vmem>> -> memref<128xi32, #tpu.memory_space<vmem>>
        %dma_start3A_130 = arith.constant 0 : i32
        %dma_start3A_131 = arith.constant 0 : i32
        %dma_start3A_132 = tpu.memref_slice %arg20[%dma_start3A_130, %dma_start3A_131] : memref<10112x16xf32, #tpu.memory_space<vmem_shared>> -> memref<10112x16xf32, #tpu.memory_space<vmem_shared>>
        tpu.enqueue_indirect_dma source(%arg14 : memref<128x16xf32, #tpu.memory_space<vmem>>) target(%dma_start3A_132 : memref<10112x16xf32, #tpu.memory_space<vmem_shared>>) offsets(%dma_start3A_129 : memref<128xi32, #tpu.memory_space<vmem>>) semaphore(%run_scoped3A_127 : memref<!tpu.dma_semaphore, #tpu.memory_space<semaphore_mem>>) {add = true}
        %dma_wait3A = arith.constant 0 : i32
        %dma_wait3A_133 = tpu.memref_slice %arg11[%run_scoped3A_122, %dma_wait3A] : memref<8x128xi32, #tpu.memory_space<vmem>> -> memref<1x128xi32, #tpu.memory_space<vmem>>
        %dma_wait3A_134 = tpu.memref_squeeze %dma_wait3A_133 : memref<1x128xi32, #tpu.memory_space<vmem>> -> memref<128xi32, #tpu.memory_space<vmem>>
        %dma_wait3A_135 = arith.constant 0 : i32
        %dma_wait3A_136 = arith.constant 0 : i32
        %dma_wait3A_137 = tpu.memref_slice %arg20[%dma_wait3A_135, %dma_wait3A_136] : memref<10112x16xf32, #tpu.memory_space<vmem_shared>> -> memref<10112x16xf32, #tpu.memory_space<vmem_shared>>
        tpu.wait_indirect_dma semaphore(%run_scoped3A_127 : memref<!tpu.dma_semaphore, #tpu.memory_space<semaphore_mem>>) src(%arg14 : memref<128x16xf32, #tpu.memory_space<vmem>>) dst(%dma_wait3A_137 : memref<10112x16xf32, #tpu.memory_space<vmem_shared>>)
        tpu.yield
      }) : () -> ()
      %run_scoped3A_123 = arith.constant 4 : i32
      "tpu.region"() ({
        %run_scoped3A_127 = tpu.sem_alloc : memref<!tpu.dma_semaphore, #tpu.memory_space<semaphore_mem>>
        %dma_start3A = arith.constant 0 : i32
        %dma_start3A_128 = tpu.memref_slice %arg11[%run_scoped3A_123, %dma_start3A] : memref<8x128xi32, #tpu.memory_space<vmem>> -> memref<1x128xi32, #tpu.memory_space<vmem>>
        %dma_start3A_129 = tpu.memref_squeeze %dma_start3A_128 : memref<1x128xi32, #tpu.memory_space<vmem>> -> memref<128xi32, #tpu.memory_space<vmem>>
        %dma_start3A_130 = arith.constant 0 : i32
        %dma_start3A_131 = arith.constant 0 : i32
        %dma_start3A_132 = tpu.memref_slice %arg20[%dma_start3A_130, %dma_start3A_131] : memref<10112x16xf32, #tpu.memory_space<vmem_shared>> -> memref<10112x16xf32, #tpu.memory_space<vmem_shared>>
        tpu.enqueue_indirect_dma source(%arg14 : memref<128x16xf32, #tpu.memory_space<vmem>>) target(%dma_start3A_132 : memref<10112x16xf32, #tpu.memory_space<vmem_shared>>) offsets(%dma_start3A_129 : memref<128xi32, #tpu.memory_space<vmem>>) semaphore(%run_scoped3A_127 : memref<!tpu.dma_semaphore, #tpu.memory_space<semaphore_mem>>) {add = true}
        %dma_wait3A = arith.constant 0 : i32
        %dma_wait3A_133 = tpu.memref_slice %arg11[%run_scoped3A_123, %dma_wait3A] : memref<8x128xi32, #tpu.memory_space<vmem>> -> memref<1x128xi32, #tpu.memory_space<vmem>>
        %dma_wait3A_134 = tpu.memref_squeeze %dma_wait3A_133 : memref<1x128xi32, #tpu.memory_space<vmem>> -> memref<128xi32, #tpu.memory_space<vmem>>
        %dma_wait3A_135 = arith.constant 0 : i32
        %dma_wait3A_136 = arith.constant 0 : i32
        %dma_wait3A_137 = tpu.memref_slice %arg20[%dma_wait3A_135, %dma_wait3A_136] : memref<10112x16xf32, #tpu.memory_space<vmem_shared>> -> memref<10112x16xf32, #tpu.memory_space<vmem_shared>>
        tpu.wait_indirect_dma semaphore(%run_scoped3A_127 : memref<!tpu.dma_semaphore, #tpu.memory_space<semaphore_mem>>) src(%arg14 : memref<128x16xf32, #tpu.memory_space<vmem>>) dst(%dma_wait3A_137 : memref<10112x16xf32, #tpu.memory_space<vmem_shared>>)
        tpu.yield
      }) : () -> ()
      %run_scoped3A_124 = arith.constant 5 : i32
      "tpu.region"() ({
        %run_scoped3A_127 = tpu.sem_alloc : memref<!tpu.dma_semaphore, #tpu.memory_space<semaphore_mem>>
        %dma_start3A = arith.constant 0 : i32
        %dma_start3A_128 = tpu.memref_slice %arg11[%run_scoped3A_124, %dma_start3A] : memref<8x128xi32, #tpu.memory_space<vmem>> -> memref<1x128xi32, #tpu.memory_space<vmem>>
        %dma_start3A_129 = tpu.memref_squeeze %dma_start3A_128 : memref<1x128xi32, #tpu.memory_space<vmem>> -> memref<128xi32, #tpu.memory_space<vmem>>
        %dma_start3A_130 = arith.constant 0 : i32
        %dma_start3A_131 = arith.constant 0 : i32
        %dma_start3A_132 = tpu.memref_slice %arg20[%dma_start3A_130, %dma_start3A_131] : memref<10112x16xf32, #tpu.memory_space<vmem_shared>> -> memref<10112x16xf32, #tpu.memory_space<vmem_shared>>
        tpu.enqueue_indirect_dma source(%arg14 : memref<128x16xf32, #tpu.memory_space<vmem>>) target(%dma_start3A_132 : memref<10112x16xf32, #tpu.memory_space<vmem_shared>>) offsets(%dma_start3A_129 : memref<128xi32, #tpu.memory_space<vmem>>) semaphore(%run_scoped3A_127 : memref<!tpu.dma_semaphore, #tpu.memory_space<semaphore_mem>>) {add = true}
        %dma_wait3A = arith.constant 0 : i32
        %dma_wait3A_133 = tpu.memref_slice %arg11[%run_scoped3A_124, %dma_wait3A] : memref<8x128xi32, #tpu.memory_space<vmem>> -> memref<1x128xi32, #tpu.memory_space<vmem>>
        %dma_wait3A_134 = tpu.memref_squeeze %dma_wait3A_133 : memref<1x128xi32, #tpu.memory_space<vmem>> -> memref<128xi32, #tpu.memory_space<vmem>>
        %dma_wait3A_135 = arith.constant 0 : i32
        %dma_wait3A_136 = arith.constant 0 : i32
        %dma_wait3A_137 = tpu.memref_slice %arg20[%dma_wait3A_135, %dma_wait3A_136] : memref<10112x16xf32, #tpu.memory_space<vmem_shared>> -> memref<10112x16xf32, #tpu.memory_space<vmem_shared>>
        tpu.wait_indirect_dma semaphore(%run_scoped3A_127 : memref<!tpu.dma_semaphore, #tpu.memory_space<semaphore_mem>>) src(%arg14 : memref<128x16xf32, #tpu.memory_space<vmem>>) dst(%dma_wait3A_137 : memref<10112x16xf32, #tpu.memory_space<vmem_shared>>)
        tpu.yield
      }) : () -> ()
      %run_scoped3A_125 = arith.constant 6 : i32
      "tpu.region"() ({
        %run_scoped3A_127 = tpu.sem_alloc : memref<!tpu.dma_semaphore, #tpu.memory_space<semaphore_mem>>
        %dma_start3A = arith.constant 0 : i32
        %dma_start3A_128 = tpu.memref_slice %arg11[%run_scoped3A_125, %dma_start3A] : memref<8x128xi32, #tpu.memory_space<vmem>> -> memref<1x128xi32, #tpu.memory_space<vmem>>
        %dma_start3A_129 = tpu.memref_squeeze %dma_start3A_128 : memref<1x128xi32, #tpu.memory_space<vmem>> -> memref<128xi32, #tpu.memory_space<vmem>>
        %dma_start3A_130 = arith.constant 0 : i32
        %dma_start3A_131 = arith.constant 0 : i32
        %dma_start3A_132 = tpu.memref_slice %arg20[%dma_start3A_130, %dma_start3A_131] : memref<10112x16xf32, #tpu.memory_space<vmem_shared>> -> memref<10112x16xf32, #tpu.memory_space<vmem_shared>>
        tpu.enqueue_indirect_dma source(%arg14 : memref<128x16xf32, #tpu.memory_space<vmem>>) target(%dma_start3A_132 : memref<10112x16xf32, #tpu.memory_space<vmem_shared>>) offsets(%dma_start3A_129 : memref<128xi32, #tpu.memory_space<vmem>>) semaphore(%run_scoped3A_127 : memref<!tpu.dma_semaphore, #tpu.memory_space<semaphore_mem>>) {add = true}
        %dma_wait3A = arith.constant 0 : i32
        %dma_wait3A_133 = tpu.memref_slice %arg11[%run_scoped3A_125, %dma_wait3A] : memref<8x128xi32, #tpu.memory_space<vmem>> -> memref<1x128xi32, #tpu.memory_space<vmem>>
        %dma_wait3A_134 = tpu.memref_squeeze %dma_wait3A_133 : memref<1x128xi32, #tpu.memory_space<vmem>> -> memref<128xi32, #tpu.memory_space<vmem>>
        %dma_wait3A_135 = arith.constant 0 : i32
        %dma_wait3A_136 = arith.constant 0 : i32
        %dma_wait3A_137 = tpu.memref_slice %arg20[%dma_wait3A_135, %dma_wait3A_136] : memref<10112x16xf32, #tpu.memory_space<vmem_shared>> -> memref<10112x16xf32, #tpu.memory_space<vmem_shared>>
        tpu.wait_indirect_dma semaphore(%run_scoped3A_127 : memref<!tpu.dma_semaphore, #tpu.memory_space<semaphore_mem>>) src(%arg14 : memref<128x16xf32, #tpu.memory_space<vmem>>) dst(%dma_wait3A_137 : memref<10112x16xf32, #tpu.memory_space<vmem_shared>>)
        tpu.yield
      }) : () -> ()
      %run_scoped3A_126 = arith.constant 7 : i32
      "tpu.region"() ({
        %run_scoped3A_127 = tpu.sem_alloc : memref<!tpu.dma_semaphore, #tpu.memory_space<semaphore_mem>>
        %dma_start3A = arith.constant 0 : i32
        %dma_start3A_128 = tpu.memref_slice %arg11[%run_scoped3A_126, %dma_start3A] : memref<8x128xi32, #tpu.memory_space<vmem>> -> memref<1x128xi32, #tpu.memory_space<vmem>>
        %dma_start3A_129 = tpu.memref_squeeze %dma_start3A_128 : memref<1x128xi32, #tpu.memory_space<vmem>> -> memref<128xi32, #tpu.memory_space<vmem>>
        %dma_start3A_130 = arith.constant 0 : i32
        %dma_start3A_131 = arith.constant 0 : i32
        %dma_start3A_132 = tpu.memref_slice %arg20[%dma_start3A_130, %dma_start3A_131] : memref<10112x16xf32, #tpu.memory_space<vmem_shared>> -> memref<10112x16xf32, #tpu.memory_space<vmem_shared>>
        tpu.enqueue_indirect_dma source(%arg14 : memref<128x16xf32, #tpu.memory_space<vmem>>) target(%dma_start3A_132 : memref<10112x16xf32, #tpu.memory_space<vmem_shared>>) offsets(%dma_start3A_129 : memref<128xi32, #tpu.memory_space<vmem>>) semaphore(%run_scoped3A_127 : memref<!tpu.dma_semaphore, #tpu.memory_space<semaphore_mem>>) {add = true}
        %dma_wait3A = arith.constant 0 : i32
        %dma_wait3A_133 = tpu.memref_slice %arg11[%run_scoped3A_126, %dma_wait3A] : memref<8x128xi32, #tpu.memory_space<vmem>> -> memref<1x128xi32, #tpu.memory_space<vmem>>
        %dma_wait3A_134 = tpu.memref_squeeze %dma_wait3A_133 : memref<1x128xi32, #tpu.memory_space<vmem>> -> memref<128xi32, #tpu.memory_space<vmem>>
        %dma_wait3A_135 = arith.constant 0 : i32
        %dma_wait3A_136 = arith.constant 0 : i32
        %dma_wait3A_137 = tpu.memref_slice %arg20[%dma_wait3A_135, %dma_wait3A_136] : memref<10112x16xf32, #tpu.memory_space<vmem_shared>> -> memref<10112x16xf32, #tpu.memory_space<vmem_shared>>
        tpu.wait_indirect_dma semaphore(%run_scoped3A_127 : memref<!tpu.dma_semaphore, #tpu.memory_space<semaphore_mem>>) src(%arg14 : memref<128x16xf32, #tpu.memory_space<vmem>>) dst(%dma_wait3A_137 : memref<10112x16xf32, #tpu.memory_space<vmem_shared>>)
        tpu.yield
      }) : () -> ()
    }
    %scan3A_55 = arith.constant 10 : i32
    %barrier3A_56 = arith.constant 0 : index
    tpu.barrier barrier_id(%barrier3A_56)
    %add3A_57 = arith.constant 0 : i32
    %add3A_58 = arith.addi %mul3A_0, %add3A_57 : i32
    "tpu.region"() ({
      %run_scoped3A = tpu.sem_alloc : memref<!tpu.dma_semaphore, #tpu.memory_space<semaphore_mem>>
      %dma_start3A = arith.constant 0 : i32
      %dma_start3A_112 = arith.constant 0 : i32
      %dma_start3A_113 = tpu.memref_slice %arg12[%dma_start3A, %dma_start3A_112] : memref<128x64xf32, #tpu.memory_space<vmem>> -> memref<128x64xf32, #tpu.memory_space<vmem>>
      %dma_start3A_114 = arith.constant 0 : i32
      %dma_start3A_115 = tpu.memref_slice %arg18[%add3A_58, %dma_start3A_114] : memref<10112x64xf32, #tpu.memory_space<vmem_shared>> -> memref<128x64xf32, #tpu.memory_space<vmem_shared>>
      %dma_start3A_116 = arith.constant 0 : i32
      %dma_start3A_117 = arith.constant 0 : i32
      %dma_start3A_118 = tpu.memref_slice %arg12[%dma_start3A_116, %dma_start3A_117] : memref<128x64xf32, #tpu.memory_space<vmem>> -> memref<128x64xf32, #tpu.memory_space<vmem>>
      %dma_start3A_119 = arith.constant 0 : i32
      %dma_start3A_120 = tpu.memref_slice %arg18[%add3A_58, %dma_start3A_119] : memref<10112x64xf32, #tpu.memory_space<vmem_shared>> -> memref<128x64xf32, #tpu.memory_space<vmem_shared>>
      tpu.enqueue_dma source(%dma_start3A_120 : memref<128x64xf32, #tpu.memory_space<vmem_shared>>) target(%dma_start3A_118 : memref<128x64xf32, #tpu.memory_space<vmem>>) target_semaphore(%run_scoped3A : memref<!tpu.dma_semaphore, #tpu.memory_space<semaphore_mem>>)
      %dma_wait3A = arith.constant 0 : i32
      %dma_wait3A_121 = arith.constant 0 : i32
      %dma_wait3A_122 = tpu.memref_slice %arg12[%dma_wait3A, %dma_wait3A_121] : memref<128x64xf32, #tpu.memory_space<vmem>> -> memref<128x64xf32, #tpu.memory_space<vmem>>
      %dma_wait3A_123 = arith.constant 0 : i32
      %dma_wait3A_124 = tpu.memref_slice %arg18[%add3A_58, %dma_wait3A_123] : memref<10112x64xf32, #tpu.memory_space<vmem_shared>> -> memref<128x64xf32, #tpu.memory_space<vmem_shared>>
      %dma_wait3A_125 = arith.constant 0 : i32
      %dma_wait3A_126 = arith.constant 0 : i32
      %dma_wait3A_127 = tpu.memref_slice %arg12[%dma_wait3A_125, %dma_wait3A_126] : memref<128x64xf32, #tpu.memory_space<vmem>> -> memref<128x64xf32, #tpu.memory_space<vmem>>
      %dma_wait3A_128 = arith.constant 0 : i32
      %dma_wait3A_129 = tpu.memref_slice %arg18[%add3A_58, %dma_wait3A_128] : memref<10112x64xf32, #tpu.memory_space<vmem_shared>> -> memref<128x64xf32, #tpu.memory_space<vmem_shared>>
      tpu.wait_dma2 semaphore(%run_scoped3A : memref<!tpu.dma_semaphore, #tpu.memory_space<semaphore_mem>>) src(%dma_wait3A_129 : memref<128x64xf32, #tpu.memory_space<vmem_shared>>) dst(%dma_wait3A_127 : memref<128x64xf32, #tpu.memory_space<vmem>>)
      tpu.yield
    }) : () -> ()
    %add3A_59 = arith.constant 0 : i32
    %add3A_60 = arith.addi %mul3A_0, %add3A_59 : i32
    "tpu.region"() ({
      %run_scoped3A = tpu.sem_alloc : memref<!tpu.dma_semaphore, #tpu.memory_space<semaphore_mem>>
      %dma_start3A = arith.constant 0 : i32
      %dma_start3A_112 = arith.constant 0 : i32
      %dma_start3A_113 = tpu.memref_slice %arg12[%dma_start3A, %dma_start3A_112] : memref<128x64xf32, #tpu.memory_space<vmem>> -> memref<128x64xf32, #tpu.memory_space<vmem>>
      %dma_start3A_114 = tpu.memref_slice %arg8[%add3A_60, %mul3A_2] : memref<10112x128xf32, #tpu.memory_space<hbm>> -> memref<128x64xf32, #tpu.memory_space<hbm>>
      %dma_start3A_115 = tpu.memref_slice %arg8[%add3A_60, %mul3A_2] : memref<10112x128xf32, #tpu.memory_space<hbm>> -> memref<128x64xf32, #tpu.memory_space<hbm>>
      %dma_start3A_116 = arith.constant 0 : i32
      %dma_start3A_117 = arith.constant 0 : i32
      %dma_start3A_118 = tpu.memref_slice %arg12[%dma_start3A_116, %dma_start3A_117] : memref<128x64xf32, #tpu.memory_space<vmem>> -> memref<128x64xf32, #tpu.memory_space<vmem>>
      tpu.enqueue_dma source(%dma_start3A_118 : memref<128x64xf32, #tpu.memory_space<vmem>>) target(%dma_start3A_115 : memref<128x64xf32, #tpu.memory_space<hbm>>) target_semaphore(%run_scoped3A : memref<!tpu.dma_semaphore, #tpu.memory_space<semaphore_mem>>)
      %dma_wait3A = arith.constant 0 : i32
      %dma_wait3A_119 = arith.constant 0 : i32
      %dma_wait3A_120 = tpu.memref_slice %arg12[%dma_wait3A, %dma_wait3A_119] : memref<128x64xf32, #tpu.memory_space<vmem>> -> memref<128x64xf32, #tpu.memory_space<vmem>>
      %dma_wait3A_121 = tpu.memref_slice %arg8[%add3A_60, %mul3A_2] : memref<10112x128xf32, #tpu.memory_space<hbm>> -> memref<128x64xf32, #tpu.memory_space<hbm>>
      %dma_wait3A_122 = tpu.memref_slice %arg8[%add3A_60, %mul3A_2] : memref<10112x128xf32, #tpu.memory_space<hbm>> -> memref<128x64xf32, #tpu.memory_space<hbm>>
      %dma_wait3A_123 = arith.constant 0 : i32
      %dma_wait3A_124 = arith.constant 0 : i32
      %dma_wait3A_125 = tpu.memref_slice %arg12[%dma_wait3A_123, %dma_wait3A_124] : memref<128x64xf32, #tpu.memory_space<vmem>> -> memref<128x64xf32, #tpu.memory_space<vmem>>
      tpu.wait_dma2 semaphore(%run_scoped3A : memref<!tpu.dma_semaphore, #tpu.memory_space<semaphore_mem>>) src(%dma_wait3A_125 : memref<128x64xf32, #tpu.memory_space<vmem>>) dst(%dma_wait3A_122 : memref<128x64xf32, #tpu.memory_space<hbm>>)
      tpu.yield
    }) : () -> ()
    %add3A_61 = arith.constant 128 : i32
    %add3A_62 = arith.addi %mul3A_0, %add3A_61 : i32
    "tpu.region"() ({
      %run_scoped3A = tpu.sem_alloc : memref<!tpu.dma_semaphore, #tpu.memory_space<semaphore_mem>>
      %dma_start3A = arith.constant 0 : i32
      %dma_start3A_112 = arith.constant 0 : i32
      %dma_start3A_113 = tpu.memref_slice %arg12[%dma_start3A, %dma_start3A_112] : memref<128x64xf32, #tpu.memory_space<vmem>> -> memref<128x64xf32, #tpu.memory_space<vmem>>
      %dma_start3A_114 = arith.constant 0 : i32
      %dma_start3A_115 = tpu.memref_slice %arg18[%add3A_62, %dma_start3A_114] : memref<10112x64xf32, #tpu.memory_space<vmem_shared>> -> memref<128x64xf32, #tpu.memory_space<vmem_shared>>
      %dma_start3A_116 = arith.constant 0 : i32
      %dma_start3A_117 = arith.constant 0 : i32
      %dma_start3A_118 = tpu.memref_slice %arg12[%dma_start3A_116, %dma_start3A_117] : memref<128x64xf32, #tpu.memory_space<vmem>> -> memref<128x64xf32, #tpu.memory_space<vmem>>
      %dma_start3A_119 = arith.constant 0 : i32
      %dma_start3A_120 = tpu.memref_slice %arg18[%add3A_62, %dma_start3A_119] : memref<10112x64xf32, #tpu.memory_space<vmem_shared>> -> memref<128x64xf32, #tpu.memory_space<vmem_shared>>
      tpu.enqueue_dma source(%dma_start3A_120 : memref<128x64xf32, #tpu.memory_space<vmem_shared>>) target(%dma_start3A_118 : memref<128x64xf32, #tpu.memory_space<vmem>>) target_semaphore(%run_scoped3A : memref<!tpu.dma_semaphore, #tpu.memory_space<semaphore_mem>>)
      %dma_wait3A = arith.constant 0 : i32
      %dma_wait3A_121 = arith.constant 0 : i32
      %dma_wait3A_122 = tpu.memref_slice %arg12[%dma_wait3A, %dma_wait3A_121] : memref<128x64xf32, #tpu.memory_space<vmem>> -> memref<128x64xf32, #tpu.memory_space<vmem>>
      %dma_wait3A_123 = arith.constant 0 : i32
      %dma_wait3A_124 = tpu.memref_slice %arg18[%add3A_62, %dma_wait3A_123] : memref<10112x64xf32, #tpu.memory_space<vmem_shared>> -> memref<128x64xf32, #tpu.memory_space<vmem_shared>>
      %dma_wait3A_125 = arith.constant 0 : i32
      %dma_wait3A_126 = arith.constant 0 : i32
      %dma_wait3A_127 = tpu.memref_slice %arg12[%dma_wait3A_125, %dma_wait3A_126] : memref<128x64xf32, #tpu.memory_space<vmem>> -> memref<128x64xf32, #tpu.memory_space<vmem>>
      %dma_wait3A_128 = arith.constant 0 : i32
      %dma_wait3A_129 = tpu.memref_slice %arg18[%add3A_62, %dma_wait3A_128] : memref<10112x64xf32, #tpu.memory_space<vmem_shared>> -> memref<128x64xf32, #tpu.memory_space<vmem_shared>>
      tpu.wait_dma2 semaphore(%run_scoped3A : memref<!tpu.dma_semaphore, #tpu.memory_space<semaphore_mem>>) src(%dma_wait3A_129 : memref<128x64xf32, #tpu.memory_space<vmem_shared>>) dst(%dma_wait3A_127 : memref<128x64xf32, #tpu.memory_space<vmem>>)
      tpu.yield
    }) : () -> ()
    %add3A_63 = arith.constant 128 : i32
    %add3A_64 = arith.addi %mul3A_0, %add3A_63 : i32
    "tpu.region"() ({
      %run_scoped3A = tpu.sem_alloc : memref<!tpu.dma_semaphore, #tpu.memory_space<semaphore_mem>>
      %dma_start3A = arith.constant 0 : i32
      %dma_start3A_112 = arith.constant 0 : i32
      %dma_start3A_113 = tpu.memref_slice %arg12[%dma_start3A, %dma_start3A_112] : memref<128x64xf32, #tpu.memory_space<vmem>> -> memref<128x64xf32, #tpu.memory_space<vmem>>
      %dma_start3A_114 = tpu.memref_slice %arg8[%add3A_64, %mul3A_2] : memref<10112x128xf32, #tpu.memory_space<hbm>> -> memref<128x64xf32, #tpu.memory_space<hbm>>
      %dma_start3A_115 = tpu.memref_slice %arg8[%add3A_64, %mul3A_2] : memref<10112x128xf32, #tpu.memory_space<hbm>> -> memref<128x64xf32, #tpu.memory_space<hbm>>
      %dma_start3A_116 = arith.constant 0 : i32
      %dma_start3A_117 = arith.constant 0 : i32
      %dma_start3A_118 = tpu.memref_slice %arg12[%dma_start3A_116, %dma_start3A_117] : memref<128x64xf32, #tpu.memory_space<vmem>> -> memref<128x64xf32, #tpu.memory_space<vmem>>
      tpu.enqueue_dma source(%dma_start3A_118 : memref<128x64xf32, #tpu.memory_space<vmem>>) target(%dma_start3A_115 : memref<128x64xf32, #tpu.memory_space<hbm>>) target_semaphore(%run_scoped3A : memref<!tpu.dma_semaphore, #tpu.memory_space<semaphore_mem>>)
      %dma_wait3A = arith.constant 0 : i32
      %dma_wait3A_119 = arith.constant 0 : i32
      %dma_wait3A_120 = tpu.memref_slice %arg12[%dma_wait3A, %dma_wait3A_119] : memref<128x64xf32, #tpu.memory_space<vmem>> -> memref<128x64xf32, #tpu.memory_space<vmem>>
      %dma_wait3A_121 = tpu.memref_slice %arg8[%add3A_64, %mul3A_2] : memref<10112x128xf32, #tpu.memory_space<hbm>> -> memref<128x64xf32, #tpu.memory_space<hbm>>
      %dma_wait3A_122 = tpu.memref_slice %arg8[%add3A_64, %mul3A_2] : memref<10112x128xf32, #tpu.memory_space<hbm>> -> memref<128x64xf32, #tpu.memory_space<hbm>>
      %dma_wait3A_123 = arith.constant 0 : i32
      %dma_wait3A_124 = arith.constant 0 : i32
      %dma_wait3A_125 = tpu.memref_slice %arg12[%dma_wait3A_123, %dma_wait3A_124] : memref<128x64xf32, #tpu.memory_space<vmem>> -> memref<128x64xf32, #tpu.memory_space<vmem>>
      tpu.wait_dma2 semaphore(%run_scoped3A : memref<!tpu.dma_semaphore, #tpu.memory_space<semaphore_mem>>) src(%dma_wait3A_125 : memref<128x64xf32, #tpu.memory_space<vmem>>) dst(%dma_wait3A_122 : memref<128x64xf32, #tpu.memory_space<hbm>>)
      tpu.yield
    }) : () -> ()
    %add3A_65 = arith.constant 256 : i32
    %add3A_66 = arith.addi %mul3A_0, %add3A_65 : i32
    "tpu.region"() ({
      %run_scoped3A = tpu.sem_alloc : memref<!tpu.dma_semaphore, #tpu.memory_space<semaphore_mem>>
      %dma_start3A = arith.constant 0 : i32
      %dma_start3A_112 = arith.constant 0 : i32
      %dma_start3A_113 = tpu.memref_slice %arg12[%dma_start3A, %dma_start3A_112] : memref<128x64xf32, #tpu.memory_space<vmem>> -> memref<128x64xf32, #tpu.memory_space<vmem>>
      %dma_start3A_114 = arith.constant 0 : i32
      %dma_start3A_115 = tpu.memref_slice %arg18[%add3A_66, %dma_start3A_114] : memref<10112x64xf32, #tpu.memory_space<vmem_shared>> -> memref<128x64xf32, #tpu.memory_space<vmem_shared>>
      %dma_start3A_116 = arith.constant 0 : i32
      %dma_start3A_117 = arith.constant 0 : i32
      %dma_start3A_118 = tpu.memref_slice %arg12[%dma_start3A_116, %dma_start3A_117] : memref<128x64xf32, #tpu.memory_space<vmem>> -> memref<128x64xf32, #tpu.memory_space<vmem>>
      %dma_start3A_119 = arith.constant 0 : i32
      %dma_start3A_120 = tpu.memref_slice %arg18[%add3A_66, %dma_start3A_119] : memref<10112x64xf32, #tpu.memory_space<vmem_shared>> -> memref<128x64xf32, #tpu.memory_space<vmem_shared>>
      tpu.enqueue_dma source(%dma_start3A_120 : memref<128x64xf32, #tpu.memory_space<vmem_shared>>) target(%dma_start3A_118 : memref<128x64xf32, #tpu.memory_space<vmem>>) target_semaphore(%run_scoped3A : memref<!tpu.dma_semaphore, #tpu.memory_space<semaphore_mem>>)
      %dma_wait3A = arith.constant 0 : i32
      %dma_wait3A_121 = arith.constant 0 : i32
      %dma_wait3A_122 = tpu.memref_slice %arg12[%dma_wait3A, %dma_wait3A_121] : memref<128x64xf32, #tpu.memory_space<vmem>> -> memref<128x64xf32, #tpu.memory_space<vmem>>
      %dma_wait3A_123 = arith.constant 0 : i32
      %dma_wait3A_124 = tpu.memref_slice %arg18[%add3A_66, %dma_wait3A_123] : memref<10112x64xf32, #tpu.memory_space<vmem_shared>> -> memref<128x64xf32, #tpu.memory_space<vmem_shared>>
      %dma_wait3A_125 = arith.constant 0 : i32
      %dma_wait3A_126 = arith.constant 0 : i32
      %dma_wait3A_127 = tpu.memref_slice %arg12[%dma_wait3A_125, %dma_wait3A_126] : memref<128x64xf32, #tpu.memory_space<vmem>> -> memref<128x64xf32, #tpu.memory_space<vmem>>
      %dma_wait3A_128 = arith.constant 0 : i32
      %dma_wait3A_129 = tpu.memref_slice %arg18[%add3A_66, %dma_wait3A_128] : memref<10112x64xf32, #tpu.memory_space<vmem_shared>> -> memref<128x64xf32, #tpu.memory_space<vmem_shared>>
      tpu.wait_dma2 semaphore(%run_scoped3A : memref<!tpu.dma_semaphore, #tpu.memory_space<semaphore_mem>>) src(%dma_wait3A_129 : memref<128x64xf32, #tpu.memory_space<vmem_shared>>) dst(%dma_wait3A_127 : memref<128x64xf32, #tpu.memory_space<vmem>>)
      tpu.yield
    }) : () -> ()
    %add3A_67 = arith.constant 256 : i32
    %add3A_68 = arith.addi %mul3A_0, %add3A_67 : i32
    "tpu.region"() ({
      %run_scoped3A = tpu.sem_alloc : memref<!tpu.dma_semaphore, #tpu.memory_space<semaphore_mem>>
      %dma_start3A = arith.constant 0 : i32
      %dma_start3A_112 = arith.constant 0 : i32
      %dma_start3A_113 = tpu.memref_slice %arg12[%dma_start3A, %dma_start3A_112] : memref<128x64xf32, #tpu.memory_space<vmem>> -> memref<128x64xf32, #tpu.memory_space<vmem>>
      %dma_start3A_114 = tpu.memref_slice %arg8[%add3A_68, %mul3A_2] : memref<10112x128xf32, #tpu.memory_space<hbm>> -> memref<128x64xf32, #tpu.memory_space<hbm>>
      %dma_start3A_115 = tpu.memref_slice %arg8[%add3A_68, %mul3A_2] : memref<10112x128xf32, #tpu.memory_space<hbm>> -> memref<128x64xf32, #tpu.memory_space<hbm>>
      %dma_start3A_116 = arith.constant 0 : i32
      %dma_start3A_117 = arith.constant 0 : i32
      %dma_start3A_118 = tpu.memref_slice %arg12[%dma_start3A_116, %dma_start3A_117] : memref<128x64xf32, #tpu.memory_space<vmem>> -> memref<128x64xf32, #tpu.memory_space<vmem>>
      tpu.enqueue_dma source(%dma_start3A_118 : memref<128x64xf32, #tpu.memory_space<vmem>>) target(%dma_start3A_115 : memref<128x64xf32, #tpu.memory_space<hbm>>) target_semaphore(%run_scoped3A : memref<!tpu.dma_semaphore, #tpu.memory_space<semaphore_mem>>)
      %dma_wait3A = arith.constant 0 : i32
      %dma_wait3A_119 = arith.constant 0 : i32
      %dma_wait3A_120 = tpu.memref_slice %arg12[%dma_wait3A, %dma_wait3A_119] : memref<128x64xf32, #tpu.memory_space<vmem>> -> memref<128x64xf32, #tpu.memory_space<vmem>>
      %dma_wait3A_121 = tpu.memref_slice %arg8[%add3A_68, %mul3A_2] : memref<10112x128xf32, #tpu.memory_space<hbm>> -> memref<128x64xf32, #tpu.memory_space<hbm>>
      %dma_wait3A_122 = tpu.memref_slice %arg8[%add3A_68, %mul3A_2] : memref<10112x128xf32, #tpu.memory_space<hbm>> -> memref<128x64xf32, #tpu.memory_space<hbm>>
      %dma_wait3A_123 = arith.constant 0 : i32
      %dma_wait3A_124 = arith.constant 0 : i32
      %dma_wait3A_125 = tpu.memref_slice %arg12[%dma_wait3A_123, %dma_wait3A_124] : memref<128x64xf32, #tpu.memory_space<vmem>> -> memref<128x64xf32, #tpu.memory_space<vmem>>
      tpu.wait_dma2 semaphore(%run_scoped3A : memref<!tpu.dma_semaphore, #tpu.memory_space<semaphore_mem>>) src(%dma_wait3A_125 : memref<128x64xf32, #tpu.memory_space<vmem>>) dst(%dma_wait3A_122 : memref<128x64xf32, #tpu.memory_space<hbm>>)
      tpu.yield
    }) : () -> ()
    %add3A_69 = arith.constant 384 : i32
    %add3A_70 = arith.addi %mul3A_0, %add3A_69 : i32
    "tpu.region"() ({
      %run_scoped3A = tpu.sem_alloc : memref<!tpu.dma_semaphore, #tpu.memory_space<semaphore_mem>>
      %dma_start3A = arith.constant 0 : i32
      %dma_start3A_112 = arith.constant 0 : i32
      %dma_start3A_113 = tpu.memref_slice %arg12[%dma_start3A, %dma_start3A_112] : memref<128x64xf32, #tpu.memory_space<vmem>> -> memref<128x64xf32, #tpu.memory_space<vmem>>
      %dma_start3A_114 = arith.constant 0 : i32
      %dma_start3A_115 = tpu.memref_slice %arg18[%add3A_70, %dma_start3A_114] : memref<10112x64xf32, #tpu.memory_space<vmem_shared>> -> memref<128x64xf32, #tpu.memory_space<vmem_shared>>
      %dma_start3A_116 = arith.constant 0 : i32
      %dma_start3A_117 = arith.constant 0 : i32
      %dma_start3A_118 = tpu.memref_slice %arg12[%dma_start3A_116, %dma_start3A_117] : memref<128x64xf32, #tpu.memory_space<vmem>> -> memref<128x64xf32, #tpu.memory_space<vmem>>
      %dma_start3A_119 = arith.constant 0 : i32
      %dma_start3A_120 = tpu.memref_slice %arg18[%add3A_70, %dma_start3A_119] : memref<10112x64xf32, #tpu.memory_space<vmem_shared>> -> memref<128x64xf32, #tpu.memory_space<vmem_shared>>
      tpu.enqueue_dma source(%dma_start3A_120 : memref<128x64xf32, #tpu.memory_space<vmem_shared>>) target(%dma_start3A_118 : memref<128x64xf32, #tpu.memory_space<vmem>>) target_semaphore(%run_scoped3A : memref<!tpu.dma_semaphore, #tpu.memory_space<semaphore_mem>>)
      %dma_wait3A = arith.constant 0 : i32
      %dma_wait3A_121 = arith.constant 0 : i32
      %dma_wait3A_122 = tpu.memref_slice %arg12[%dma_wait3A, %dma_wait3A_121] : memref<128x64xf32, #tpu.memory_space<vmem>> -> memref<128x64xf32, #tpu.memory_space<vmem>>
      %dma_wait3A_123 = arith.constant 0 : i32
      %dma_wait3A_124 = tpu.memref_slice %arg18[%add3A_70, %dma_wait3A_123] : memref<10112x64xf32, #tpu.memory_space<vmem_shared>> -> memref<128x64xf32, #tpu.memory_space<vmem_shared>>
      %dma_wait3A_125 = arith.constant 0 : i32
      %dma_wait3A_126 = arith.constant 0 : i32
      %dma_wait3A_127 = tpu.memref_slice %arg12[%dma_wait3A_125, %dma_wait3A_126] : memref<128x64xf32, #tpu.memory_space<vmem>> -> memref<128x64xf32, #tpu.memory_space<vmem>>
      %dma_wait3A_128 = arith.constant 0 : i32
      %dma_wait3A_129 = tpu.memref_slice %arg18[%add3A_70, %dma_wait3A_128] : memref<10112x64xf32, #tpu.memory_space<vmem_shared>> -> memref<128x64xf32, #tpu.memory_space<vmem_shared>>
      tpu.wait_dma2 semaphore(%run_scoped3A : memref<!tpu.dma_semaphore, #tpu.memory_space<semaphore_mem>>) src(%dma_wait3A_129 : memref<128x64xf32, #tpu.memory_space<vmem_shared>>) dst(%dma_wait3A_127 : memref<128x64xf32, #tpu.memory_space<vmem>>)
      tpu.yield
    }) : () -> ()
    %add3A_71 = arith.constant 384 : i32
    %add3A_72 = arith.addi %mul3A_0, %add3A_71 : i32
    "tpu.region"() ({
      %run_scoped3A = tpu.sem_alloc : memref<!tpu.dma_semaphore, #tpu.memory_space<semaphore_mem>>
      %dma_start3A = arith.constant 0 : i32
      %dma_start3A_112 = arith.constant 0 : i32
      %dma_start3A_113 = tpu.memref_slice %arg12[%dma_start3A, %dma_start3A_112] : memref<128x64xf32, #tpu.memory_space<vmem>> -> memref<128x64xf32, #tpu.memory_space<vmem>>
      %dma_start3A_114 = tpu.memref_slice %arg8[%add3A_72, %mul3A_2] : memref<10112x128xf32, #tpu.memory_space<hbm>> -> memref<128x64xf32, #tpu.memory_space<hbm>>
      %dma_start3A_115 = tpu.memref_slice %arg8[%add3A_72, %mul3A_2] : memref<10112x128xf32, #tpu.memory_space<hbm>> -> memref<128x64xf32, #tpu.memory_space<hbm>>
      %dma_start3A_116 = arith.constant 0 : i32
      %dma_start3A_117 = arith.constant 0 : i32
      %dma_start3A_118 = tpu.memref_slice %arg12[%dma_start3A_116, %dma_start3A_117] : memref<128x64xf32, #tpu.memory_space<vmem>> -> memref<128x64xf32, #tpu.memory_space<vmem>>
      tpu.enqueue_dma source(%dma_start3A_118 : memref<128x64xf32, #tpu.memory_space<vmem>>) target(%dma_start3A_115 : memref<128x64xf32, #tpu.memory_space<hbm>>) target_semaphore(%run_scoped3A : memref<!tpu.dma_semaphore, #tpu.memory_space<semaphore_mem>>)
      %dma_wait3A = arith.constant 0 : i32
      %dma_wait3A_119 = arith.constant 0 : i32
      %dma_wait3A_120 = tpu.memref_slice %arg12[%dma_wait3A, %dma_wait3A_119] : memref<128x64xf32, #tpu.memory_space<vmem>> -> memref<128x64xf32, #tpu.memory_space<vmem>>
      %dma_wait3A_121 = tpu.memref_slice %arg8[%add3A_72, %mul3A_2] : memref<10112x128xf32, #tpu.memory_space<hbm>> -> memref<128x64xf32, #tpu.memory_space<hbm>>
      %dma_wait3A_122 = tpu.memref_slice %arg8[%add3A_72, %mul3A_2] : memref<10112x128xf32, #tpu.memory_space<hbm>> -> memref<128x64xf32, #tpu.memory_space<hbm>>
      %dma_wait3A_123 = arith.constant 0 : i32
      %dma_wait3A_124 = arith.constant 0 : i32
      %dma_wait3A_125 = tpu.memref_slice %arg12[%dma_wait3A_123, %dma_wait3A_124] : memref<128x64xf32, #tpu.memory_space<vmem>> -> memref<128x64xf32, #tpu.memory_space<vmem>>
      tpu.wait_dma2 semaphore(%run_scoped3A : memref<!tpu.dma_semaphore, #tpu.memory_space<semaphore_mem>>) src(%dma_wait3A_125 : memref<128x64xf32, #tpu.memory_space<vmem>>) dst(%dma_wait3A_122 : memref<128x64xf32, #tpu.memory_space<hbm>>)
      tpu.yield
    }) : () -> ()
    %add3A_73 = arith.constant 512 : i32
    %add3A_74 = arith.addi %mul3A_0, %add3A_73 : i32
    "tpu.region"() ({
      %run_scoped3A = tpu.sem_alloc : memref<!tpu.dma_semaphore, #tpu.memory_space<semaphore_mem>>
      %dma_start3A = arith.constant 0 : i32
      %dma_start3A_112 = arith.constant 0 : i32
      %dma_start3A_113 = tpu.memref_slice %arg12[%dma_start3A, %dma_start3A_112] : memref<128x64xf32, #tpu.memory_space<vmem>> -> memref<120x64xf32, #tpu.memory_space<vmem>>
      %dma_start3A_114 = arith.constant 0 : i32
      %dma_start3A_115 = tpu.memref_slice %arg18[%add3A_74, %dma_start3A_114] : memref<10112x64xf32, #tpu.memory_space<vmem_shared>> -> memref<120x64xf32, #tpu.memory_space<vmem_shared>>
      %dma_start3A_116 = arith.constant 0 : i32
      %dma_start3A_117 = arith.constant 0 : i32
      %dma_start3A_118 = tpu.memref_slice %arg12[%dma_start3A_116, %dma_start3A_117] : memref<128x64xf32, #tpu.memory_space<vmem>> -> memref<120x64xf32, #tpu.memory_space<vmem>>
      %dma_start3A_119 = arith.constant 0 : i32
      %dma_start3A_120 = tpu.memref_slice %arg18[%add3A_74, %dma_start3A_119] : memref<10112x64xf32, #tpu.memory_space<vmem_shared>> -> memref<120x64xf32, #tpu.memory_space<vmem_shared>>
      tpu.enqueue_dma source(%dma_start3A_120 : memref<120x64xf32, #tpu.memory_space<vmem_shared>>) target(%dma_start3A_118 : memref<120x64xf32, #tpu.memory_space<vmem>>) target_semaphore(%run_scoped3A : memref<!tpu.dma_semaphore, #tpu.memory_space<semaphore_mem>>)
      %dma_wait3A = arith.constant 0 : i32
      %dma_wait3A_121 = arith.constant 0 : i32
      %dma_wait3A_122 = tpu.memref_slice %arg12[%dma_wait3A, %dma_wait3A_121] : memref<128x64xf32, #tpu.memory_space<vmem>> -> memref<120x64xf32, #tpu.memory_space<vmem>>
      %dma_wait3A_123 = arith.constant 0 : i32
      %dma_wait3A_124 = tpu.memref_slice %arg18[%add3A_74, %dma_wait3A_123] : memref<10112x64xf32, #tpu.memory_space<vmem_shared>> -> memref<120x64xf32, #tpu.memory_space<vmem_shared>>
      %dma_wait3A_125 = arith.constant 0 : i32
      %dma_wait3A_126 = arith.constant 0 : i32
      %dma_wait3A_127 = tpu.memref_slice %arg12[%dma_wait3A_125, %dma_wait3A_126] : memref<128x64xf32, #tpu.memory_space<vmem>> -> memref<120x64xf32, #tpu.memory_space<vmem>>
      %dma_wait3A_128 = arith.constant 0 : i32
      %dma_wait3A_129 = tpu.memref_slice %arg18[%add3A_74, %dma_wait3A_128] : memref<10112x64xf32, #tpu.memory_space<vmem_shared>> -> memref<120x64xf32, #tpu.memory_space<vmem_shared>>
      tpu.wait_dma2 semaphore(%run_scoped3A : memref<!tpu.dma_semaphore, #tpu.memory_space<semaphore_mem>>) src(%dma_wait3A_129 : memref<120x64xf32, #tpu.memory_space<vmem_shared>>) dst(%dma_wait3A_127 : memref<120x64xf32, #tpu.memory_space<vmem>>)
      tpu.yield
    }) : () -> ()
    %add3A_75 = arith.constant 512 : i32
    %add3A_76 = arith.addi %mul3A_0, %add3A_75 : i32
    "tpu.region"() ({
      %run_scoped3A = tpu.sem_alloc : memref<!tpu.dma_semaphore, #tpu.memory_space<semaphore_mem>>
      %dma_start3A = arith.constant 0 : i32
      %dma_start3A_112 = arith.constant 0 : i32
      %dma_start3A_113 = tpu.memref_slice %arg12[%dma_start3A, %dma_start3A_112] : memref<128x64xf32, #tpu.memory_space<vmem>> -> memref<120x64xf32, #tpu.memory_space<vmem>>
      %dma_start3A_114 = tpu.memref_slice %arg8[%add3A_76, %mul3A_2] : memref<10112x128xf32, #tpu.memory_space<hbm>> -> memref<120x64xf32, #tpu.memory_space<hbm>>
      %dma_start3A_115 = tpu.memref_slice %arg8[%add3A_76, %mul3A_2] : memref<10112x128xf32, #tpu.memory_space<hbm>> -> memref<120x64xf32, #tpu.memory_space<hbm>>
      %dma_start3A_116 = arith.constant 0 : i32
      %dma_start3A_117 = arith.constant 0 : i32
      %dma_start3A_118 = tpu.memref_slice %arg12[%dma_start3A_116, %dma_start3A_117] : memref<128x64xf32, #tpu.memory_space<vmem>> -> memref<120x64xf32, #tpu.memory_space<vmem>>
      tpu.enqueue_dma source(%dma_start3A_118 : memref<120x64xf32, #tpu.memory_space<vmem>>) target(%dma_start3A_115 : memref<120x64xf32, #tpu.memory_space<hbm>>) target_semaphore(%run_scoped3A : memref<!tpu.dma_semaphore, #tpu.memory_space<semaphore_mem>>)
      %dma_wait3A = arith.constant 0 : i32
      %dma_wait3A_119 = arith.constant 0 : i32
      %dma_wait3A_120 = tpu.memref_slice %arg12[%dma_wait3A, %dma_wait3A_119] : memref<128x64xf32, #tpu.memory_space<vmem>> -> memref<120x64xf32, #tpu.memory_space<vmem>>
      %dma_wait3A_121 = tpu.memref_slice %arg8[%add3A_76, %mul3A_2] : memref<10112x128xf32, #tpu.memory_space<hbm>> -> memref<120x64xf32, #tpu.memory_space<hbm>>
      %dma_wait3A_122 = tpu.memref_slice %arg8[%add3A_76, %mul3A_2] : memref<10112x128xf32, #tpu.memory_space<hbm>> -> memref<120x64xf32, #tpu.memory_space<hbm>>
      %dma_wait3A_123 = arith.constant 0 : i32
      %dma_wait3A_124 = arith.constant 0 : i32
      %dma_wait3A_125 = tpu.memref_slice %arg12[%dma_wait3A_123, %dma_wait3A_124] : memref<128x64xf32, #tpu.memory_space<vmem>> -> memref<120x64xf32, #tpu.memory_space<vmem>>
      tpu.wait_dma2 semaphore(%run_scoped3A : memref<!tpu.dma_semaphore, #tpu.memory_space<semaphore_mem>>) src(%dma_wait3A_125 : memref<120x64xf32, #tpu.memory_space<vmem>>) dst(%dma_wait3A_122 : memref<120x64xf32, #tpu.memory_space<hbm>>)
      tpu.yield
    }) : () -> ()
    %add3A_77 = arith.constant 0 : i32
    %add3A_78 = arith.addi %mul3A_0, %add3A_77 : i32
    "tpu.region"() ({
      %run_scoped3A = tpu.sem_alloc : memref<!tpu.dma_semaphore, #tpu.memory_space<semaphore_mem>>
      %dma_start3A = arith.constant 0 : i32
      %dma_start3A_112 = arith.constant 0 : i32
      %dma_start3A_113 = tpu.memref_slice %arg14[%dma_start3A, %dma_start3A_112] : memref<128x16xf32, #tpu.memory_space<vmem>> -> memref<128x16xf32, #tpu.memory_space<vmem>>
      %dma_start3A_114 = arith.constant 0 : i32
      %dma_start3A_115 = tpu.memref_slice %arg20[%add3A_78, %dma_start3A_114] : memref<10112x16xf32, #tpu.memory_space<vmem_shared>> -> memref<128x16xf32, #tpu.memory_space<vmem_shared>>
      %dma_start3A_116 = arith.constant 0 : i32
      %dma_start3A_117 = arith.constant 0 : i32
      %dma_start3A_118 = tpu.memref_slice %arg14[%dma_start3A_116, %dma_start3A_117] : memref<128x16xf32, #tpu.memory_space<vmem>> -> memref<128x16xf32, #tpu.memory_space<vmem>>
      %dma_start3A_119 = arith.constant 0 : i32
      %dma_start3A_120 = tpu.memref_slice %arg20[%add3A_78, %dma_start3A_119] : memref<10112x16xf32, #tpu.memory_space<vmem_shared>> -> memref<128x16xf32, #tpu.memory_space<vmem_shared>>
      tpu.enqueue_dma source(%dma_start3A_120 : memref<128x16xf32, #tpu.memory_space<vmem_shared>>) target(%dma_start3A_118 : memref<128x16xf32, #tpu.memory_space<vmem>>) target_semaphore(%run_scoped3A : memref<!tpu.dma_semaphore, #tpu.memory_space<semaphore_mem>>)
      %dma_wait3A = arith.constant 0 : i32
      %dma_wait3A_121 = arith.constant 0 : i32
      %dma_wait3A_122 = tpu.memref_slice %arg14[%dma_wait3A, %dma_wait3A_121] : memref<128x16xf32, #tpu.memory_space<vmem>> -> memref<128x16xf32, #tpu.memory_space<vmem>>
      %dma_wait3A_123 = arith.constant 0 : i32
      %dma_wait3A_124 = tpu.memref_slice %arg20[%add3A_78, %dma_wait3A_123] : memref<10112x16xf32, #tpu.memory_space<vmem_shared>> -> memref<128x16xf32, #tpu.memory_space<vmem_shared>>
      %dma_wait3A_125 = arith.constant 0 : i32
      %dma_wait3A_126 = arith.constant 0 : i32
      %dma_wait3A_127 = tpu.memref_slice %arg14[%dma_wait3A_125, %dma_wait3A_126] : memref<128x16xf32, #tpu.memory_space<vmem>> -> memref<128x16xf32, #tpu.memory_space<vmem>>
      %dma_wait3A_128 = arith.constant 0 : i32
      %dma_wait3A_129 = tpu.memref_slice %arg20[%add3A_78, %dma_wait3A_128] : memref<10112x16xf32, #tpu.memory_space<vmem_shared>> -> memref<128x16xf32, #tpu.memory_space<vmem_shared>>
      tpu.wait_dma2 semaphore(%run_scoped3A : memref<!tpu.dma_semaphore, #tpu.memory_space<semaphore_mem>>) src(%dma_wait3A_129 : memref<128x16xf32, #tpu.memory_space<vmem_shared>>) dst(%dma_wait3A_127 : memref<128x16xf32, #tpu.memory_space<vmem>>)
      tpu.yield
    }) : () -> ()
    %mul3A_79 = arith.constant 10112 : i32
    %mul3A_80 = arith.muli %arg0, %mul3A_79 : i32
    %add3A_81 = arith.addi %mul3A_80, %mul3A_0 : i32
    %add3A_82 = arith.constant 0 : i32
    %add3A_83 = arith.addi %add3A_81, %add3A_82 : i32
    "tpu.region"() ({
      %run_scoped3A = tpu.sem_alloc : memref<!tpu.dma_semaphore, #tpu.memory_space<semaphore_mem>>
      %dma_start3A = arith.constant 0 : i32
      %dma_start3A_112 = arith.constant 0 : i32
      %dma_start3A_113 = tpu.memref_slice %arg14[%dma_start3A, %dma_start3A_112] : memref<128x16xf32, #tpu.memory_space<vmem>> -> memref<128x16xf32, #tpu.memory_space<vmem>>
      %dma_start3A_114 = arith.constant 0 : i32
      %dma_start3A_115 = tpu.memref_slice %arg9[%add3A_83, %dma_start3A_114] : memref<20224x16xf32, #tpu.memory_space<hbm>> -> memref<128x16xf32, #tpu.memory_space<hbm>>
      %dma_start3A_116 = arith.constant 0 : i32
      %dma_start3A_117 = tpu.memref_slice %arg9[%add3A_83, %dma_start3A_116] : memref<20224x16xf32, #tpu.memory_space<hbm>> -> memref<128x16xf32, #tpu.memory_space<hbm>>
      %dma_start3A_118 = arith.constant 0 : i32
      %dma_start3A_119 = arith.constant 0 : i32
      %dma_start3A_120 = tpu.memref_slice %arg14[%dma_start3A_118, %dma_start3A_119] : memref<128x16xf32, #tpu.memory_space<vmem>> -> memref<128x16xf32, #tpu.memory_space<vmem>>
      tpu.enqueue_dma source(%dma_start3A_120 : memref<128x16xf32, #tpu.memory_space<vmem>>) target(%dma_start3A_117 : memref<128x16xf32, #tpu.memory_space<hbm>>) target_semaphore(%run_scoped3A : memref<!tpu.dma_semaphore, #tpu.memory_space<semaphore_mem>>)
      %dma_wait3A = arith.constant 0 : i32
      %dma_wait3A_121 = arith.constant 0 : i32
      %dma_wait3A_122 = tpu.memref_slice %arg14[%dma_wait3A, %dma_wait3A_121] : memref<128x16xf32, #tpu.memory_space<vmem>> -> memref<128x16xf32, #tpu.memory_space<vmem>>
      %dma_wait3A_123 = arith.constant 0 : i32
      %dma_wait3A_124 = tpu.memref_slice %arg9[%add3A_83, %dma_wait3A_123] : memref<20224x16xf32, #tpu.memory_space<hbm>> -> memref<128x16xf32, #tpu.memory_space<hbm>>
      %dma_wait3A_125 = arith.constant 0 : i32
      %dma_wait3A_126 = tpu.memref_slice %arg9[%add3A_83, %dma_wait3A_125] : memref<20224x16xf32, #tpu.memory_space<hbm>> -> memref<128x16xf32, #tpu.memory_space<hbm>>
      %dma_wait3A_127 = arith.constant 0 : i32
      %dma_wait3A_128 = arith.constant 0 : i32
      %dma_wait3A_129 = tpu.memref_slice %arg14[%dma_wait3A_127, %dma_wait3A_128] : memref<128x16xf32, #tpu.memory_space<vmem>> -> memref<128x16xf32, #tpu.memory_space<vmem>>
      tpu.wait_dma2 semaphore(%run_scoped3A : memref<!tpu.dma_semaphore, #tpu.memory_space<semaphore_mem>>) src(%dma_wait3A_129 : memref<128x16xf32, #tpu.memory_space<vmem>>) dst(%dma_wait3A_126 : memref<128x16xf32, #tpu.memory_space<hbm>>)
      tpu.yield
    }) : () -> ()
    %add3A_84 = arith.constant 128 : i32
    %add3A_85 = arith.addi %mul3A_0, %add3A_84 : i32
    "tpu.region"() ({
      %run_scoped3A = tpu.sem_alloc : memref<!tpu.dma_semaphore, #tpu.memory_space<semaphore_mem>>
      %dma_start3A = arith.constant 0 : i32
      %dma_start3A_112 = arith.constant 0 : i32
      %dma_start3A_113 = tpu.memref_slice %arg14[%dma_start3A, %dma_start3A_112] : memref<128x16xf32, #tpu.memory_space<vmem>> -> memref<128x16xf32, #tpu.memory_space<vmem>>
      %dma_start3A_114 = arith.constant 0 : i32
      %dma_start3A_115 = tpu.memref_slice %arg20[%add3A_85, %dma_start3A_114] : memref<10112x16xf32, #tpu.memory_space<vmem_shared>> -> memref<128x16xf32, #tpu.memory_space<vmem_shared>>
      %dma_start3A_116 = arith.constant 0 : i32
      %dma_start3A_117 = arith.constant 0 : i32
      %dma_start3A_118 = tpu.memref_slice %arg14[%dma_start3A_116, %dma_start3A_117] : memref<128x16xf32, #tpu.memory_space<vmem>> -> memref<128x16xf32, #tpu.memory_space<vmem>>
      %dma_start3A_119 = arith.constant 0 : i32
      %dma_start3A_120 = tpu.memref_slice %arg20[%add3A_85, %dma_start3A_119] : memref<10112x16xf32, #tpu.memory_space<vmem_shared>> -> memref<128x16xf32, #tpu.memory_space<vmem_shared>>
      tpu.enqueue_dma source(%dma_start3A_120 : memref<128x16xf32, #tpu.memory_space<vmem_shared>>) target(%dma_start3A_118 : memref<128x16xf32, #tpu.memory_space<vmem>>) target_semaphore(%run_scoped3A : memref<!tpu.dma_semaphore, #tpu.memory_space<semaphore_mem>>)
      %dma_wait3A = arith.constant 0 : i32
      %dma_wait3A_121 = arith.constant 0 : i32
      %dma_wait3A_122 = tpu.memref_slice %arg14[%dma_wait3A, %dma_wait3A_121] : memref<128x16xf32, #tpu.memory_space<vmem>> -> memref<128x16xf32, #tpu.memory_space<vmem>>
      %dma_wait3A_123 = arith.constant 0 : i32
      %dma_wait3A_124 = tpu.memref_slice %arg20[%add3A_85, %dma_wait3A_123] : memref<10112x16xf32, #tpu.memory_space<vmem_shared>> -> memref<128x16xf32, #tpu.memory_space<vmem_shared>>
      %dma_wait3A_125 = arith.constant 0 : i32
      %dma_wait3A_126 = arith.constant 0 : i32
      %dma_wait3A_127 = tpu.memref_slice %arg14[%dma_wait3A_125, %dma_wait3A_126] : memref<128x16xf32, #tpu.memory_space<vmem>> -> memref<128x16xf32, #tpu.memory_space<vmem>>
      %dma_wait3A_128 = arith.constant 0 : i32
      %dma_wait3A_129 = tpu.memref_slice %arg20[%add3A_85, %dma_wait3A_128] : memref<10112x16xf32, #tpu.memory_space<vmem_shared>> -> memref<128x16xf32, #tpu.memory_space<vmem_shared>>
      tpu.wait_dma2 semaphore(%run_scoped3A : memref<!tpu.dma_semaphore, #tpu.memory_space<semaphore_mem>>) src(%dma_wait3A_129 : memref<128x16xf32, #tpu.memory_space<vmem_shared>>) dst(%dma_wait3A_127 : memref<128x16xf32, #tpu.memory_space<vmem>>)
      tpu.yield
    }) : () -> ()
    %mul3A_86 = arith.constant 10112 : i32
    %mul3A_87 = arith.muli %arg0, %mul3A_86 : i32
    %add3A_88 = arith.addi %mul3A_87, %mul3A_0 : i32
    %add3A_89 = arith.constant 128 : i32
    %add3A_90 = arith.addi %add3A_88, %add3A_89 : i32
    "tpu.region"() ({
      %run_scoped3A = tpu.sem_alloc : memref<!tpu.dma_semaphore, #tpu.memory_space<semaphore_mem>>
      %dma_start3A = arith.constant 0 : i32
      %dma_start3A_112 = arith.constant 0 : i32
      %dma_start3A_113 = tpu.memref_slice %arg14[%dma_start3A, %dma_start3A_112] : memref<128x16xf32, #tpu.memory_space<vmem>> -> memref<128x16xf32, #tpu.memory_space<vmem>>
      %dma_start3A_114 = arith.constant 0 : i32
      %dma_start3A_115 = tpu.memref_slice %arg9[%add3A_90, %dma_start3A_114] : memref<20224x16xf32, #tpu.memory_space<hbm>> -> memref<128x16xf32, #tpu.memory_space<hbm>>
      %dma_start3A_116 = arith.constant 0 : i32
      %dma_start3A_117 = tpu.memref_slice %arg9[%add3A_90, %dma_start3A_116] : memref<20224x16xf32, #tpu.memory_space<hbm>> -> memref<128x16xf32, #tpu.memory_space<hbm>>
      %dma_start3A_118 = arith.constant 0 : i32
      %dma_start3A_119 = arith.constant 0 : i32
      %dma_start3A_120 = tpu.memref_slice %arg14[%dma_start3A_118, %dma_start3A_119] : memref<128x16xf32, #tpu.memory_space<vmem>> -> memref<128x16xf32, #tpu.memory_space<vmem>>
      tpu.enqueue_dma source(%dma_start3A_120 : memref<128x16xf32, #tpu.memory_space<vmem>>) target(%dma_start3A_117 : memref<128x16xf32, #tpu.memory_space<hbm>>) target_semaphore(%run_scoped3A : memref<!tpu.dma_semaphore, #tpu.memory_space<semaphore_mem>>)
      %dma_wait3A = arith.constant 0 : i32
      %dma_wait3A_121 = arith.constant 0 : i32
      %dma_wait3A_122 = tpu.memref_slice %arg14[%dma_wait3A, %dma_wait3A_121] : memref<128x16xf32, #tpu.memory_space<vmem>> -> memref<128x16xf32, #tpu.memory_space<vmem>>
      %dma_wait3A_123 = arith.constant 0 : i32
      %dma_wait3A_124 = tpu.memref_slice %arg9[%add3A_90, %dma_wait3A_123] : memref<20224x16xf32, #tpu.memory_space<hbm>> -> memref<128x16xf32, #tpu.memory_space<hbm>>
      %dma_wait3A_125 = arith.constant 0 : i32
      %dma_wait3A_126 = tpu.memref_slice %arg9[%add3A_90, %dma_wait3A_125] : memref<20224x16xf32, #tpu.memory_space<hbm>> -> memref<128x16xf32, #tpu.memory_space<hbm>>
      %dma_wait3A_127 = arith.constant 0 : i32
      %dma_wait3A_128 = arith.constant 0 : i32
      %dma_wait3A_129 = tpu.memref_slice %arg14[%dma_wait3A_127, %dma_wait3A_128] : memref<128x16xf32, #tpu.memory_space<vmem>> -> memref<128x16xf32, #tpu.memory_space<vmem>>
      tpu.wait_dma2 semaphore(%run_scoped3A : memref<!tpu.dma_semaphore, #tpu.memory_space<semaphore_mem>>) src(%dma_wait3A_129 : memref<128x16xf32, #tpu.memory_space<vmem>>) dst(%dma_wait3A_126 : memref<128x16xf32, #tpu.memory_space<hbm>>)
      tpu.yield
    }) : () -> ()
    %add3A_91 = arith.constant 256 : i32
    %add3A_92 = arith.addi %mul3A_0, %add3A_91 : i32
    "tpu.region"() ({
      %run_scoped3A = tpu.sem_alloc : memref<!tpu.dma_semaphore, #tpu.memory_space<semaphore_mem>>
      %dma_start3A = arith.constant 0 : i32
      %dma_start3A_112 = arith.constant 0 : i32
      %dma_start3A_113 = tpu.memref_slice %arg14[%dma_start3A, %dma_start3A_112] : memref<128x16xf32, #tpu.memory_space<vmem>> -> memref<128x16xf32, #tpu.memory_space<vmem>>
      %dma_start3A_114 = arith.constant 0 : i32
      %dma_start3A_115 = tpu.memref_slice %arg20[%add3A_92, %dma_start3A_114] : memref<10112x16xf32, #tpu.memory_space<vmem_shared>> -> memref<128x16xf32, #tpu.memory_space<vmem_shared>>
      %dma_start3A_116 = arith.constant 0 : i32
      %dma_start3A_117 = arith.constant 0 : i32
      %dma_start3A_118 = tpu.memref_slice %arg14[%dma_start3A_116, %dma_start3A_117] : memref<128x16xf32, #tpu.memory_space<vmem>> -> memref<128x16xf32, #tpu.memory_space<vmem>>
      %dma_start3A_119 = arith.constant 0 : i32
      %dma_start3A_120 = tpu.memref_slice %arg20[%add3A_92, %dma_start3A_119] : memref<10112x16xf32, #tpu.memory_space<vmem_shared>> -> memref<128x16xf32, #tpu.memory_space<vmem_shared>>
      tpu.enqueue_dma source(%dma_start3A_120 : memref<128x16xf32, #tpu.memory_space<vmem_shared>>) target(%dma_start3A_118 : memref<128x16xf32, #tpu.memory_space<vmem>>) target_semaphore(%run_scoped3A : memref<!tpu.dma_semaphore, #tpu.memory_space<semaphore_mem>>)
      %dma_wait3A = arith.constant 0 : i32
      %dma_wait3A_121 = arith.constant 0 : i32
      %dma_wait3A_122 = tpu.memref_slice %arg14[%dma_wait3A, %dma_wait3A_121] : memref<128x16xf32, #tpu.memory_space<vmem>> -> memref<128x16xf32, #tpu.memory_space<vmem>>
      %dma_wait3A_123 = arith.constant 0 : i32
      %dma_wait3A_124 = tpu.memref_slice %arg20[%add3A_92, %dma_wait3A_123] : memref<10112x16xf32, #tpu.memory_space<vmem_shared>> -> memref<128x16xf32, #tpu.memory_space<vmem_shared>>
      %dma_wait3A_125 = arith.constant 0 : i32
      %dma_wait3A_126 = arith.constant 0 : i32
      %dma_wait3A_127 = tpu.memref_slice %arg14[%dma_wait3A_125, %dma_wait3A_126] : memref<128x16xf32, #tpu.memory_space<vmem>> -> memref<128x16xf32, #tpu.memory_space<vmem>>
      %dma_wait3A_128 = arith.constant 0 : i32
      %dma_wait3A_129 = tpu.memref_slice %arg20[%add3A_92, %dma_wait3A_128] : memref<10112x16xf32, #tpu.memory_space<vmem_shared>> -> memref<128x16xf32, #tpu.memory_space<vmem_shared>>
      tpu.wait_dma2 semaphore(%run_scoped3A : memref<!tpu.dma_semaphore, #tpu.memory_space<semaphore_mem>>) src(%dma_wait3A_129 : memref<128x16xf32, #tpu.memory_space<vmem_shared>>) dst(%dma_wait3A_127 : memref<128x16xf32, #tpu.memory_space<vmem>>)
      tpu.yield
    }) : () -> ()
    %mul3A_93 = arith.constant 10112 : i32
    %mul3A_94 = arith.muli %arg0, %mul3A_93 : i32
    %add3A_95 = arith.addi %mul3A_94, %mul3A_0 : i32
    %add3A_96 = arith.constant 256 : i32
    %add3A_97 = arith.addi %add3A_95, %add3A_96 : i32
    "tpu.region"() ({
      %run_scoped3A = tpu.sem_alloc : memref<!tpu.dma_semaphore, #tpu.memory_space<semaphore_mem>>
      %dma_start3A = arith.constant 0 : i32
      %dma_start3A_112 = arith.constant 0 : i32
      %dma_start3A_113 = tpu.memref_slice %arg14[%dma_start3A, %dma_start3A_112] : memref<128x16xf32, #tpu.memory_space<vmem>> -> memref<128x16xf32, #tpu.memory_space<vmem>>
      %dma_start3A_114 = arith.constant 0 : i32
      %dma_start3A_115 = tpu.memref_slice %arg9[%add3A_97, %dma_start3A_114] : memref<20224x16xf32, #tpu.memory_space<hbm>> -> memref<128x16xf32, #tpu.memory_space<hbm>>
      %dma_start3A_116 = arith.constant 0 : i32
      %dma_start3A_117 = tpu.memref_slice %arg9[%add3A_97, %dma_start3A_116] : memref<20224x16xf32, #tpu.memory_space<hbm>> -> memref<128x16xf32, #tpu.memory_space<hbm>>
      %dma_start3A_118 = arith.constant 0 : i32
      %dma_start3A_119 = arith.constant 0 : i32
      %dma_start3A_120 = tpu.memref_slice %arg14[%dma_start3A_118, %dma_start3A_119] : memref<128x16xf32, #tpu.memory_space<vmem>> -> memref<128x16xf32, #tpu.memory_space<vmem>>
      tpu.enqueue_dma source(%dma_start3A_120 : memref<128x16xf32, #tpu.memory_space<vmem>>) target(%dma_start3A_117 : memref<128x16xf32, #tpu.memory_space<hbm>>) target_semaphore(%run_scoped3A : memref<!tpu.dma_semaphore, #tpu.memory_space<semaphore_mem>>)
      %dma_wait3A = arith.constant 0 : i32
      %dma_wait3A_121 = arith.constant 0 : i32
      %dma_wait3A_122 = tpu.memref_slice %arg14[%dma_wait3A, %dma_wait3A_121] : memref<128x16xf32, #tpu.memory_space<vmem>> -> memref<128x16xf32, #tpu.memory_space<vmem>>
      %dma_wait3A_123 = arith.constant 0 : i32
      %dma_wait3A_124 = tpu.memref_slice %arg9[%add3A_97, %dma_wait3A_123] : memref<20224x16xf32, #tpu.memory_space<hbm>> -> memref<128x16xf32, #tpu.memory_space<hbm>>
      %dma_wait3A_125 = arith.constant 0 : i32
      %dma_wait3A_126 = tpu.memref_slice %arg9[%add3A_97, %dma_wait3A_125] : memref<20224x16xf32, #tpu.memory_space<hbm>> -> memref<128x16xf32, #tpu.memory_space<hbm>>
      %dma_wait3A_127 = arith.constant 0 : i32
      %dma_wait3A_128 = arith.constant 0 : i32
      %dma_wait3A_129 = tpu.memref_slice %arg14[%dma_wait3A_127, %dma_wait3A_128] : memref<128x16xf32, #tpu.memory_space<vmem>> -> memref<128x16xf32, #tpu.memory_space<vmem>>
      tpu.wait_dma2 semaphore(%run_scoped3A : memref<!tpu.dma_semaphore, #tpu.memory_space<semaphore_mem>>) src(%dma_wait3A_129 : memref<128x16xf32, #tpu.memory_space<vmem>>) dst(%dma_wait3A_126 : memref<128x16xf32, #tpu.memory_space<hbm>>)
      tpu.yield
    }) : () -> ()
    %add3A_98 = arith.constant 384 : i32
    %add3A_99 = arith.addi %mul3A_0, %add3A_98 : i32
    "tpu.region"() ({
      %run_scoped3A = tpu.sem_alloc : memref<!tpu.dma_semaphore, #tpu.memory_space<semaphore_mem>>
      %dma_start3A = arith.constant 0 : i32
      %dma_start3A_112 = arith.constant 0 : i32
      %dma_start3A_113 = tpu.memref_slice %arg14[%dma_start3A, %dma_start3A_112] : memref<128x16xf32, #tpu.memory_space<vmem>> -> memref<128x16xf32, #tpu.memory_space<vmem>>
      %dma_start3A_114 = arith.constant 0 : i32
      %dma_start3A_115 = tpu.memref_slice %arg20[%add3A_99, %dma_start3A_114] : memref<10112x16xf32, #tpu.memory_space<vmem_shared>> -> memref<128x16xf32, #tpu.memory_space<vmem_shared>>
      %dma_start3A_116 = arith.constant 0 : i32
      %dma_start3A_117 = arith.constant 0 : i32
      %dma_start3A_118 = tpu.memref_slice %arg14[%dma_start3A_116, %dma_start3A_117] : memref<128x16xf32, #tpu.memory_space<vmem>> -> memref<128x16xf32, #tpu.memory_space<vmem>>
      %dma_start3A_119 = arith.constant 0 : i32
      %dma_start3A_120 = tpu.memref_slice %arg20[%add3A_99, %dma_start3A_119] : memref<10112x16xf32, #tpu.memory_space<vmem_shared>> -> memref<128x16xf32, #tpu.memory_space<vmem_shared>>
      tpu.enqueue_dma source(%dma_start3A_120 : memref<128x16xf32, #tpu.memory_space<vmem_shared>>) target(%dma_start3A_118 : memref<128x16xf32, #tpu.memory_space<vmem>>) target_semaphore(%run_scoped3A : memref<!tpu.dma_semaphore, #tpu.memory_space<semaphore_mem>>)
      %dma_wait3A = arith.constant 0 : i32
      %dma_wait3A_121 = arith.constant 0 : i32
      %dma_wait3A_122 = tpu.memref_slice %arg14[%dma_wait3A, %dma_wait3A_121] : memref<128x16xf32, #tpu.memory_space<vmem>> -> memref<128x16xf32, #tpu.memory_space<vmem>>
      %dma_wait3A_123 = arith.constant 0 : i32
      %dma_wait3A_124 = tpu.memref_slice %arg20[%add3A_99, %dma_wait3A_123] : memref<10112x16xf32, #tpu.memory_space<vmem_shared>> -> memref<128x16xf32, #tpu.memory_space<vmem_shared>>
      %dma_wait3A_125 = arith.constant 0 : i32
      %dma_wait3A_126 = arith.constant 0 : i32
      %dma_wait3A_127 = tpu.memref_slice %arg14[%dma_wait3A_125, %dma_wait3A_126] : memref<128x16xf32, #tpu.memory_space<vmem>> -> memref<128x16xf32, #tpu.memory_space<vmem>>
      %dma_wait3A_128 = arith.constant 0 : i32
      %dma_wait3A_129 = tpu.memref_slice %arg20[%add3A_99, %dma_wait3A_128] : memref<10112x16xf32, #tpu.memory_space<vmem_shared>> -> memref<128x16xf32, #tpu.memory_space<vmem_shared>>
      tpu.wait_dma2 semaphore(%run_scoped3A : memref<!tpu.dma_semaphore, #tpu.memory_space<semaphore_mem>>) src(%dma_wait3A_129 : memref<128x16xf32, #tpu.memory_space<vmem_shared>>) dst(%dma_wait3A_127 : memref<128x16xf32, #tpu.memory_space<vmem>>)
      tpu.yield
    }) : () -> ()
    %mul3A_100 = arith.constant 10112 : i32
    %mul3A_101 = arith.muli %arg0, %mul3A_100 : i32
    %add3A_102 = arith.addi %mul3A_101, %mul3A_0 : i32
    %add3A_103 = arith.constant 384 : i32
    %add3A_104 = arith.addi %add3A_102, %add3A_103 : i32
    "tpu.region"() ({
      %run_scoped3A = tpu.sem_alloc : memref<!tpu.dma_semaphore, #tpu.memory_space<semaphore_mem>>
      %dma_start3A = arith.constant 0 : i32
      %dma_start3A_112 = arith.constant 0 : i32
      %dma_start3A_113 = tpu.memref_slice %arg14[%dma_start3A, %dma_start3A_112] : memref<128x16xf32, #tpu.memory_space<vmem>> -> memref<128x16xf32, #tpu.memory_space<vmem>>
      %dma_start3A_114 = arith.constant 0 : i32
      %dma_start3A_115 = tpu.memref_slice %arg9[%add3A_104, %dma_start3A_114] : memref<20224x16xf32, #tpu.memory_space<hbm>> -> memref<128x16xf32, #tpu.memory_space<hbm>>
      %dma_start3A_116 = arith.constant 0 : i32
      %dma_start3A_117 = tpu.memref_slice %arg9[%add3A_104, %dma_start3A_116] : memref<20224x16xf32, #tpu.memory_space<hbm>> -> memref<128x16xf32, #tpu.memory_space<hbm>>
      %dma_start3A_118 = arith.constant 0 : i32
      %dma_start3A_119 = arith.constant 0 : i32
      %dma_start3A_120 = tpu.memref_slice %arg14[%dma_start3A_118, %dma_start3A_119] : memref<128x16xf32, #tpu.memory_space<vmem>> -> memref<128x16xf32, #tpu.memory_space<vmem>>
      tpu.enqueue_dma source(%dma_start3A_120 : memref<128x16xf32, #tpu.memory_space<vmem>>) target(%dma_start3A_117 : memref<128x16xf32, #tpu.memory_space<hbm>>) target_semaphore(%run_scoped3A : memref<!tpu.dma_semaphore, #tpu.memory_space<semaphore_mem>>)
      %dma_wait3A = arith.constant 0 : i32
      %dma_wait3A_121 = arith.constant 0 : i32
      %dma_wait3A_122 = tpu.memref_slice %arg14[%dma_wait3A, %dma_wait3A_121] : memref<128x16xf32, #tpu.memory_space<vmem>> -> memref<128x16xf32, #tpu.memory_space<vmem>>
      %dma_wait3A_123 = arith.constant 0 : i32
      %dma_wait3A_124 = tpu.memref_slice %arg9[%add3A_104, %dma_wait3A_123] : memref<20224x16xf32, #tpu.memory_space<hbm>> -> memref<128x16xf32, #tpu.memory_space<hbm>>
      %dma_wait3A_125 = arith.constant 0 : i32
      %dma_wait3A_126 = tpu.memref_slice %arg9[%add3A_104, %dma_wait3A_125] : memref<20224x16xf32, #tpu.memory_space<hbm>> -> memref<128x16xf32, #tpu.memory_space<hbm>>
      %dma_wait3A_127 = arith.constant 0 : i32
      %dma_wait3A_128 = arith.constant 0 : i32
      %dma_wait3A_129 = tpu.memref_slice %arg14[%dma_wait3A_127, %dma_wait3A_128] : memref<128x16xf32, #tpu.memory_space<vmem>> -> memref<128x16xf32, #tpu.memory_space<vmem>>
      tpu.wait_dma2 semaphore(%run_scoped3A : memref<!tpu.dma_semaphore, #tpu.memory_space<semaphore_mem>>) src(%dma_wait3A_129 : memref<128x16xf32, #tpu.memory_space<vmem>>) dst(%dma_wait3A_126 : memref<128x16xf32, #tpu.memory_space<hbm>>)
      tpu.yield
    }) : () -> ()
    %add3A_105 = arith.constant 512 : i32
    %add3A_106 = arith.addi %mul3A_0, %add3A_105 : i32
    "tpu.region"() ({
      %run_scoped3A = tpu.sem_alloc : memref<!tpu.dma_semaphore, #tpu.memory_space<semaphore_mem>>
      %dma_start3A = arith.constant 0 : i32
      %dma_start3A_112 = arith.constant 0 : i32
      %dma_start3A_113 = tpu.memref_slice %arg14[%dma_start3A, %dma_start3A_112] : memref<128x16xf32, #tpu.memory_space<vmem>> -> memref<120x16xf32, #tpu.memory_space<vmem>>
      %dma_start3A_114 = arith.constant 0 : i32
      %dma_start3A_115 = tpu.memref_slice %arg20[%add3A_106, %dma_start3A_114] : memref<10112x16xf32, #tpu.memory_space<vmem_shared>> -> memref<120x16xf32, #tpu.memory_space<vmem_shared>>
      %dma_start3A_116 = arith.constant 0 : i32
      %dma_start3A_117 = arith.constant 0 : i32
      %dma_start3A_118 = tpu.memref_slice %arg14[%dma_start3A_116, %dma_start3A_117] : memref<128x16xf32, #tpu.memory_space<vmem>> -> memref<120x16xf32, #tpu.memory_space<vmem>>
      %dma_start3A_119 = arith.constant 0 : i32
      %dma_start3A_120 = tpu.memref_slice %arg20[%add3A_106, %dma_start3A_119] : memref<10112x16xf32, #tpu.memory_space<vmem_shared>> -> memref<120x16xf32, #tpu.memory_space<vmem_shared>>
      tpu.enqueue_dma source(%dma_start3A_120 : memref<120x16xf32, #tpu.memory_space<vmem_shared>>) target(%dma_start3A_118 : memref<120x16xf32, #tpu.memory_space<vmem>>) target_semaphore(%run_scoped3A : memref<!tpu.dma_semaphore, #tpu.memory_space<semaphore_mem>>)
      %dma_wait3A = arith.constant 0 : i32
      %dma_wait3A_121 = arith.constant 0 : i32
      %dma_wait3A_122 = tpu.memref_slice %arg14[%dma_wait3A, %dma_wait3A_121] : memref<128x16xf32, #tpu.memory_space<vmem>> -> memref<120x16xf32, #tpu.memory_space<vmem>>
      %dma_wait3A_123 = arith.constant 0 : i32
      %dma_wait3A_124 = tpu.memref_slice %arg20[%add3A_106, %dma_wait3A_123] : memref<10112x16xf32, #tpu.memory_space<vmem_shared>> -> memref<120x16xf32, #tpu.memory_space<vmem_shared>>
      %dma_wait3A_125 = arith.constant 0 : i32
      %dma_wait3A_126 = arith.constant 0 : i32
      %dma_wait3A_127 = tpu.memref_slice %arg14[%dma_wait3A_125, %dma_wait3A_126] : memref<128x16xf32, #tpu.memory_space<vmem>> -> memref<120x16xf32, #tpu.memory_space<vmem>>
      %dma_wait3A_128 = arith.constant 0 : i32
      %dma_wait3A_129 = tpu.memref_slice %arg20[%add3A_106, %dma_wait3A_128] : memref<10112x16xf32, #tpu.memory_space<vmem_shared>> -> memref<120x16xf32, #tpu.memory_space<vmem_shared>>
      tpu.wait_dma2 semaphore(%run_scoped3A : memref<!tpu.dma_semaphore, #tpu.memory_space<semaphore_mem>>) src(%dma_wait3A_129 : memref<120x16xf32, #tpu.memory_space<vmem_shared>>) dst(%dma_wait3A_127 : memref<120x16xf32, #tpu.memory_space<vmem>>)
      tpu.yield
    }) : () -> ()
    %mul3A_107 = arith.constant 10112 : i32
    %mul3A_108 = arith.muli %arg0, %mul3A_107 : i32
    %add3A_109 = arith.addi %mul3A_108, %mul3A_0 : i32
    %add3A_110 = arith.constant 512 : i32
    %add3A_111 = arith.addi %add3A_109, %add3A_110 : i32
    "tpu.region"() ({
      %run_scoped3A = tpu.sem_alloc : memref<!tpu.dma_semaphore, #tpu.memory_space<semaphore_mem>>
      %dma_start3A = arith.constant 0 : i32
      %dma_start3A_112 = arith.constant 0 : i32
      %dma_start3A_113 = tpu.memref_slice %arg14[%dma_start3A, %dma_start3A_112] : memref<128x16xf32, #tpu.memory_space<vmem>> -> memref<120x16xf32, #tpu.memory_space<vmem>>
      %dma_start3A_114 = arith.constant 0 : i32
      %dma_start3A_115 = tpu.memref_slice %arg9[%add3A_111, %dma_start3A_114] : memref<20224x16xf32, #tpu.memory_space<hbm>> -> memref<120x16xf32, #tpu.memory_space<hbm>>
      %dma_start3A_116 = arith.constant 0 : i32
      %dma_start3A_117 = tpu.memref_slice %arg9[%add3A_111, %dma_start3A_116] : memref<20224x16xf32, #tpu.memory_space<hbm>> -> memref<120x16xf32, #tpu.memory_space<hbm>>
      %dma_start3A_118 = arith.constant 0 : i32
      %dma_start3A_119 = arith.constant 0 : i32
      %dma_start3A_120 = tpu.memref_slice %arg14[%dma_start3A_118, %dma_start3A_119] : memref<128x16xf32, #tpu.memory_space<vmem>> -> memref<120x16xf32, #tpu.memory_space<vmem>>
      tpu.enqueue_dma source(%dma_start3A_120 : memref<120x16xf32, #tpu.memory_space<vmem>>) target(%dma_start3A_117 : memref<120x16xf32, #tpu.memory_space<hbm>>) target_semaphore(%run_scoped3A : memref<!tpu.dma_semaphore, #tpu.memory_space<semaphore_mem>>)
      %dma_wait3A = arith.constant 0 : i32
      %dma_wait3A_121 = arith.constant 0 : i32
      %dma_wait3A_122 = tpu.memref_slice %arg14[%dma_wait3A, %dma_wait3A_121] : memref<128x16xf32, #tpu.memory_space<vmem>> -> memref<120x16xf32, #tpu.memory_space<vmem>>
      %dma_wait3A_123 = arith.constant 0 : i32
      %dma_wait3A_124 = tpu.memref_slice %arg9[%add3A_111, %dma_wait3A_123] : memref<20224x16xf32, #tpu.memory_space<hbm>> -> memref<120x16xf32, #tpu.memory_space<hbm>>
      %dma_wait3A_125 = arith.constant 0 : i32
      %dma_wait3A_126 = tpu.memref_slice %arg9[%add3A_111, %dma_wait3A_125] : memref<20224x16xf32, #tpu.memory_space<hbm>> -> memref<120x16xf32, #tpu.memory_space<hbm>>
      %dma_wait3A_127 = arith.constant 0 : i32
      %dma_wait3A_128 = arith.constant 0 : i32
      %dma_wait3A_129 = tpu.memref_slice %arg14[%dma_wait3A_127, %dma_wait3A_128] : memref<128x16xf32, #tpu.memory_space<vmem>> -> memref<120x16xf32, #tpu.memory_space<vmem>>
      tpu.wait_dma2 semaphore(%run_scoped3A : memref<!tpu.dma_semaphore, #tpu.memory_space<semaphore_mem>>) src(%dma_wait3A_129 : memref<120x16xf32, #tpu.memory_space<vmem>>) dst(%dma_wait3A_126 : memref<120x16xf32, #tpu.memory_space<hbm>>)
      tpu.yield
    }) : () -> ()
    return
  }
}

#map = affine_map<(d0, d1) -> (0, 0)>
module attributes {stable_mosaic.version = 14 : i64} {
  func.func @_agg_kernel_body(%arg0: i32, %arg1: i32, %arg2: memref<10112x128xf32, #tpu.memory_space<hbm>>, %arg3: memref<2560x128xi32, #tpu.memory_space<hbm>>, %arg4: memref<2560x128xi32, #tpu.memory_space<hbm>>, %arg5: memref<128x64xf32, #tpu.memory_space<hbm>>, %arg6: memref<10112x128xf32, #tpu.memory_space<hbm>>, %arg7: memref<8x128xi32, #tpu.memory_space<vmem>>, %arg8: memref<8x128xi32, #tpu.memory_space<vmem>>, %arg9: memref<128x64xf32, #tpu.memory_space<vmem>>, %arg10: memref<128x64xf32, #tpu.memory_space<vmem>>, %arg11: memref<128x16xf32, #tpu.memory_space<vmem>>, %arg12: memref<!tpu.dma_semaphore, #tpu.memory_space<semaphore_mem>>, %arg13: memref<!tpu.dma_semaphore, #tpu.memory_space<semaphore_mem>>, %arg14: memref<!tpu.dma_semaphore, #tpu.memory_space<semaphore_mem>>, %arg15: memref<10112x64xf32, #tpu.memory_space<vmem_shared>>, %arg16: memref<10112x64xf32, #tpu.memory_space<vmem_shared>>, %arg17: memref<10112x16xf32, #tpu.memory_space<vmem_shared>>) attributes {dimension_semantics = [#tpu.dimension_semantics<core_parallel>, #tpu.dimension_semantics<subcore_parallel>], iteration_bounds = array<i64: 2, 16>, scalar_prefetch = 0 : i64, scratch_operands = 11 : i64, tpu.core_type = #tpu.core_type<sc_vector_subcore>, window_params = [{transform_indices = #map}, {transform_indices = #map}, {transform_indices = #map}, {transform_indices = #map}, {transform_indices = #map}]} {
    %mul3A = arith.constant 632 : i32
    %mul3A_0 = arith.muli %arg1, %mul3A : i32
    %mul3A_1 = arith.constant 64 : i32
    %mul3A_2 = arith.muli %arg0, %mul3A_1 : i32
    "tpu.region"() ({
      %run_scoped3A = tpu.sem_alloc : memref<!tpu.dma_semaphore, #tpu.memory_space<semaphore_mem>>
      tpu.enqueue_dma source(%arg5 : memref<128x64xf32, #tpu.memory_space<hbm>>) target(%arg9 : memref<128x64xf32, #tpu.memory_space<vmem>>) target_semaphore(%run_scoped3A : memref<!tpu.dma_semaphore, #tpu.memory_space<semaphore_mem>>)
      tpu.wait_dma2 semaphore(%run_scoped3A : memref<!tpu.dma_semaphore, #tpu.memory_space<semaphore_mem>>) src(%arg5 : memref<128x64xf32, #tpu.memory_space<hbm>>) dst(%arg9 : memref<128x64xf32, #tpu.memory_space<vmem>>)
      tpu.yield
    }) : () -> ()
    %add3A = arith.constant 0 : i32
    %add3A_3 = arith.addi %mul3A_0, %add3A : i32
    "tpu.region"() ({
      %run_scoped3A = tpu.sem_alloc : memref<!tpu.dma_semaphore, #tpu.memory_space<semaphore_mem>>
      %dma_start3A = arith.constant 0 : i32
      %dma_start3A_59 = arith.constant 0 : i32
      %dma_start3A_60 = tpu.memref_slice %arg9[%dma_start3A, %dma_start3A_59] : memref<128x64xf32, #tpu.memory_space<vmem>> -> memref<128x64xf32, #tpu.memory_space<vmem>>
      %dma_start3A_61 = arith.constant 0 : i32
      %dma_start3A_62 = tpu.memref_slice %arg15[%add3A_3, %dma_start3A_61] : memref<10112x64xf32, #tpu.memory_space<vmem_shared>> -> memref<128x64xf32, #tpu.memory_space<vmem_shared>>
      %dma_start3A_63 = arith.constant 0 : i32
      %dma_start3A_64 = tpu.memref_slice %arg15[%add3A_3, %dma_start3A_63] : memref<10112x64xf32, #tpu.memory_space<vmem_shared>> -> memref<128x64xf32, #tpu.memory_space<vmem_shared>>
      %dma_start3A_65 = arith.constant 0 : i32
      %dma_start3A_66 = arith.constant 0 : i32
      %dma_start3A_67 = tpu.memref_slice %arg9[%dma_start3A_65, %dma_start3A_66] : memref<128x64xf32, #tpu.memory_space<vmem>> -> memref<128x64xf32, #tpu.memory_space<vmem>>
      tpu.enqueue_dma source(%dma_start3A_67 : memref<128x64xf32, #tpu.memory_space<vmem>>) target(%dma_start3A_64 : memref<128x64xf32, #tpu.memory_space<vmem_shared>>) target_semaphore(%run_scoped3A : memref<!tpu.dma_semaphore, #tpu.memory_space<semaphore_mem>>)
      %dma_wait3A = arith.constant 0 : i32
      %dma_wait3A_68 = arith.constant 0 : i32
      %dma_wait3A_69 = tpu.memref_slice %arg9[%dma_wait3A, %dma_wait3A_68] : memref<128x64xf32, #tpu.memory_space<vmem>> -> memref<128x64xf32, #tpu.memory_space<vmem>>
      %dma_wait3A_70 = arith.constant 0 : i32
      %dma_wait3A_71 = tpu.memref_slice %arg15[%add3A_3, %dma_wait3A_70] : memref<10112x64xf32, #tpu.memory_space<vmem_shared>> -> memref<128x64xf32, #tpu.memory_space<vmem_shared>>
      %dma_wait3A_72 = arith.constant 0 : i32
      %dma_wait3A_73 = tpu.memref_slice %arg15[%add3A_3, %dma_wait3A_72] : memref<10112x64xf32, #tpu.memory_space<vmem_shared>> -> memref<128x64xf32, #tpu.memory_space<vmem_shared>>
      %dma_wait3A_74 = arith.constant 0 : i32
      %dma_wait3A_75 = arith.constant 0 : i32
      %dma_wait3A_76 = tpu.memref_slice %arg9[%dma_wait3A_74, %dma_wait3A_75] : memref<128x64xf32, #tpu.memory_space<vmem>> -> memref<128x64xf32, #tpu.memory_space<vmem>>
      tpu.wait_dma2 semaphore(%run_scoped3A : memref<!tpu.dma_semaphore, #tpu.memory_space<semaphore_mem>>) src(%dma_wait3A_76 : memref<128x64xf32, #tpu.memory_space<vmem>>) dst(%dma_wait3A_73 : memref<128x64xf32, #tpu.memory_space<vmem_shared>>)
      tpu.yield
    }) : () -> ()
    %add3A_4 = arith.constant 128 : i32
    %add3A_5 = arith.addi %mul3A_0, %add3A_4 : i32
    "tpu.region"() ({
      %run_scoped3A = tpu.sem_alloc : memref<!tpu.dma_semaphore, #tpu.memory_space<semaphore_mem>>
      %dma_start3A = arith.constant 0 : i32
      %dma_start3A_59 = arith.constant 0 : i32
      %dma_start3A_60 = tpu.memref_slice %arg9[%dma_start3A, %dma_start3A_59] : memref<128x64xf32, #tpu.memory_space<vmem>> -> memref<128x64xf32, #tpu.memory_space<vmem>>
      %dma_start3A_61 = arith.constant 0 : i32
      %dma_start3A_62 = tpu.memref_slice %arg15[%add3A_5, %dma_start3A_61] : memref<10112x64xf32, #tpu.memory_space<vmem_shared>> -> memref<128x64xf32, #tpu.memory_space<vmem_shared>>
      %dma_start3A_63 = arith.constant 0 : i32
      %dma_start3A_64 = tpu.memref_slice %arg15[%add3A_5, %dma_start3A_63] : memref<10112x64xf32, #tpu.memory_space<vmem_shared>> -> memref<128x64xf32, #tpu.memory_space<vmem_shared>>
      %dma_start3A_65 = arith.constant 0 : i32
      %dma_start3A_66 = arith.constant 0 : i32
      %dma_start3A_67 = tpu.memref_slice %arg9[%dma_start3A_65, %dma_start3A_66] : memref<128x64xf32, #tpu.memory_space<vmem>> -> memref<128x64xf32, #tpu.memory_space<vmem>>
      tpu.enqueue_dma source(%dma_start3A_67 : memref<128x64xf32, #tpu.memory_space<vmem>>) target(%dma_start3A_64 : memref<128x64xf32, #tpu.memory_space<vmem_shared>>) target_semaphore(%run_scoped3A : memref<!tpu.dma_semaphore, #tpu.memory_space<semaphore_mem>>)
      %dma_wait3A = arith.constant 0 : i32
      %dma_wait3A_68 = arith.constant 0 : i32
      %dma_wait3A_69 = tpu.memref_slice %arg9[%dma_wait3A, %dma_wait3A_68] : memref<128x64xf32, #tpu.memory_space<vmem>> -> memref<128x64xf32, #tpu.memory_space<vmem>>
      %dma_wait3A_70 = arith.constant 0 : i32
      %dma_wait3A_71 = tpu.memref_slice %arg15[%add3A_5, %dma_wait3A_70] : memref<10112x64xf32, #tpu.memory_space<vmem_shared>> -> memref<128x64xf32, #tpu.memory_space<vmem_shared>>
      %dma_wait3A_72 = arith.constant 0 : i32
      %dma_wait3A_73 = tpu.memref_slice %arg15[%add3A_5, %dma_wait3A_72] : memref<10112x64xf32, #tpu.memory_space<vmem_shared>> -> memref<128x64xf32, #tpu.memory_space<vmem_shared>>
      %dma_wait3A_74 = arith.constant 0 : i32
      %dma_wait3A_75 = arith.constant 0 : i32
      %dma_wait3A_76 = tpu.memref_slice %arg9[%dma_wait3A_74, %dma_wait3A_75] : memref<128x64xf32, #tpu.memory_space<vmem>> -> memref<128x64xf32, #tpu.memory_space<vmem>>
      tpu.wait_dma2 semaphore(%run_scoped3A : memref<!tpu.dma_semaphore, #tpu.memory_space<semaphore_mem>>) src(%dma_wait3A_76 : memref<128x64xf32, #tpu.memory_space<vmem>>) dst(%dma_wait3A_73 : memref<128x64xf32, #tpu.memory_space<vmem_shared>>)
      tpu.yield
    }) : () -> ()
    %add3A_6 = arith.constant 256 : i32
    %add3A_7 = arith.addi %mul3A_0, %add3A_6 : i32
    "tpu.region"() ({
      %run_scoped3A = tpu.sem_alloc : memref<!tpu.dma_semaphore, #tpu.memory_space<semaphore_mem>>
      %dma_start3A = arith.constant 0 : i32
      %dma_start3A_59 = arith.constant 0 : i32
      %dma_start3A_60 = tpu.memref_slice %arg9[%dma_start3A, %dma_start3A_59] : memref<128x64xf32, #tpu.memory_space<vmem>> -> memref<128x64xf32, #tpu.memory_space<vmem>>
      %dma_start3A_61 = arith.constant 0 : i32
      %dma_start3A_62 = tpu.memref_slice %arg15[%add3A_7, %dma_start3A_61] : memref<10112x64xf32, #tpu.memory_space<vmem_shared>> -> memref<128x64xf32, #tpu.memory_space<vmem_shared>>
      %dma_start3A_63 = arith.constant 0 : i32
      %dma_start3A_64 = tpu.memref_slice %arg15[%add3A_7, %dma_start3A_63] : memref<10112x64xf32, #tpu.memory_space<vmem_shared>> -> memref<128x64xf32, #tpu.memory_space<vmem_shared>>
      %dma_start3A_65 = arith.constant 0 : i32
      %dma_start3A_66 = arith.constant 0 : i32
      %dma_start3A_67 = tpu.memref_slice %arg9[%dma_start3A_65, %dma_start3A_66] : memref<128x64xf32, #tpu.memory_space<vmem>> -> memref<128x64xf32, #tpu.memory_space<vmem>>
      tpu.enqueue_dma source(%dma_start3A_67 : memref<128x64xf32, #tpu.memory_space<vmem>>) target(%dma_start3A_64 : memref<128x64xf32, #tpu.memory_space<vmem_shared>>) target_semaphore(%run_scoped3A : memref<!tpu.dma_semaphore, #tpu.memory_space<semaphore_mem>>)
      %dma_wait3A = arith.constant 0 : i32
      %dma_wait3A_68 = arith.constant 0 : i32
      %dma_wait3A_69 = tpu.memref_slice %arg9[%dma_wait3A, %dma_wait3A_68] : memref<128x64xf32, #tpu.memory_space<vmem>> -> memref<128x64xf32, #tpu.memory_space<vmem>>
      %dma_wait3A_70 = arith.constant 0 : i32
      %dma_wait3A_71 = tpu.memref_slice %arg15[%add3A_7, %dma_wait3A_70] : memref<10112x64xf32, #tpu.memory_space<vmem_shared>> -> memref<128x64xf32, #tpu.memory_space<vmem_shared>>
      %dma_wait3A_72 = arith.constant 0 : i32
      %dma_wait3A_73 = tpu.memref_slice %arg15[%add3A_7, %dma_wait3A_72] : memref<10112x64xf32, #tpu.memory_space<vmem_shared>> -> memref<128x64xf32, #tpu.memory_space<vmem_shared>>
      %dma_wait3A_74 = arith.constant 0 : i32
      %dma_wait3A_75 = arith.constant 0 : i32
      %dma_wait3A_76 = tpu.memref_slice %arg9[%dma_wait3A_74, %dma_wait3A_75] : memref<128x64xf32, #tpu.memory_space<vmem>> -> memref<128x64xf32, #tpu.memory_space<vmem>>
      tpu.wait_dma2 semaphore(%run_scoped3A : memref<!tpu.dma_semaphore, #tpu.memory_space<semaphore_mem>>) src(%dma_wait3A_76 : memref<128x64xf32, #tpu.memory_space<vmem>>) dst(%dma_wait3A_73 : memref<128x64xf32, #tpu.memory_space<vmem_shared>>)
      tpu.yield
    }) : () -> ()
    %add3A_8 = arith.constant 384 : i32
    %add3A_9 = arith.addi %mul3A_0, %add3A_8 : i32
    "tpu.region"() ({
      %run_scoped3A = tpu.sem_alloc : memref<!tpu.dma_semaphore, #tpu.memory_space<semaphore_mem>>
      %dma_start3A = arith.constant 0 : i32
      %dma_start3A_59 = arith.constant 0 : i32
      %dma_start3A_60 = tpu.memref_slice %arg9[%dma_start3A, %dma_start3A_59] : memref<128x64xf32, #tpu.memory_space<vmem>> -> memref<128x64xf32, #tpu.memory_space<vmem>>
      %dma_start3A_61 = arith.constant 0 : i32
      %dma_start3A_62 = tpu.memref_slice %arg15[%add3A_9, %dma_start3A_61] : memref<10112x64xf32, #tpu.memory_space<vmem_shared>> -> memref<128x64xf32, #tpu.memory_space<vmem_shared>>
      %dma_start3A_63 = arith.constant 0 : i32
      %dma_start3A_64 = tpu.memref_slice %arg15[%add3A_9, %dma_start3A_63] : memref<10112x64xf32, #tpu.memory_space<vmem_shared>> -> memref<128x64xf32, #tpu.memory_space<vmem_shared>>
      %dma_start3A_65 = arith.constant 0 : i32
      %dma_start3A_66 = arith.constant 0 : i32
      %dma_start3A_67 = tpu.memref_slice %arg9[%dma_start3A_65, %dma_start3A_66] : memref<128x64xf32, #tpu.memory_space<vmem>> -> memref<128x64xf32, #tpu.memory_space<vmem>>
      tpu.enqueue_dma source(%dma_start3A_67 : memref<128x64xf32, #tpu.memory_space<vmem>>) target(%dma_start3A_64 : memref<128x64xf32, #tpu.memory_space<vmem_shared>>) target_semaphore(%run_scoped3A : memref<!tpu.dma_semaphore, #tpu.memory_space<semaphore_mem>>)
      %dma_wait3A = arith.constant 0 : i32
      %dma_wait3A_68 = arith.constant 0 : i32
      %dma_wait3A_69 = tpu.memref_slice %arg9[%dma_wait3A, %dma_wait3A_68] : memref<128x64xf32, #tpu.memory_space<vmem>> -> memref<128x64xf32, #tpu.memory_space<vmem>>
      %dma_wait3A_70 = arith.constant 0 : i32
      %dma_wait3A_71 = tpu.memref_slice %arg15[%add3A_9, %dma_wait3A_70] : memref<10112x64xf32, #tpu.memory_space<vmem_shared>> -> memref<128x64xf32, #tpu.memory_space<vmem_shared>>
      %dma_wait3A_72 = arith.constant 0 : i32
      %dma_wait3A_73 = tpu.memref_slice %arg15[%add3A_9, %dma_wait3A_72] : memref<10112x64xf32, #tpu.memory_space<vmem_shared>> -> memref<128x64xf32, #tpu.memory_space<vmem_shared>>
      %dma_wait3A_74 = arith.constant 0 : i32
      %dma_wait3A_75 = arith.constant 0 : i32
      %dma_wait3A_76 = tpu.memref_slice %arg9[%dma_wait3A_74, %dma_wait3A_75] : memref<128x64xf32, #tpu.memory_space<vmem>> -> memref<128x64xf32, #tpu.memory_space<vmem>>
      tpu.wait_dma2 semaphore(%run_scoped3A : memref<!tpu.dma_semaphore, #tpu.memory_space<semaphore_mem>>) src(%dma_wait3A_76 : memref<128x64xf32, #tpu.memory_space<vmem>>) dst(%dma_wait3A_73 : memref<128x64xf32, #tpu.memory_space<vmem_shared>>)
      tpu.yield
    }) : () -> ()
    %add3A_10 = arith.constant 512 : i32
    %add3A_11 = arith.addi %mul3A_0, %add3A_10 : i32
    "tpu.region"() ({
      %run_scoped3A = tpu.sem_alloc : memref<!tpu.dma_semaphore, #tpu.memory_space<semaphore_mem>>
      %dma_start3A = arith.constant 0 : i32
      %dma_start3A_59 = arith.constant 0 : i32
      %dma_start3A_60 = tpu.memref_slice %arg9[%dma_start3A, %dma_start3A_59] : memref<128x64xf32, #tpu.memory_space<vmem>> -> memref<120x64xf32, #tpu.memory_space<vmem>>
      %dma_start3A_61 = arith.constant 0 : i32
      %dma_start3A_62 = tpu.memref_slice %arg15[%add3A_11, %dma_start3A_61] : memref<10112x64xf32, #tpu.memory_space<vmem_shared>> -> memref<120x64xf32, #tpu.memory_space<vmem_shared>>
      %dma_start3A_63 = arith.constant 0 : i32
      %dma_start3A_64 = tpu.memref_slice %arg15[%add3A_11, %dma_start3A_63] : memref<10112x64xf32, #tpu.memory_space<vmem_shared>> -> memref<120x64xf32, #tpu.memory_space<vmem_shared>>
      %dma_start3A_65 = arith.constant 0 : i32
      %dma_start3A_66 = arith.constant 0 : i32
      %dma_start3A_67 = tpu.memref_slice %arg9[%dma_start3A_65, %dma_start3A_66] : memref<128x64xf32, #tpu.memory_space<vmem>> -> memref<120x64xf32, #tpu.memory_space<vmem>>
      tpu.enqueue_dma source(%dma_start3A_67 : memref<120x64xf32, #tpu.memory_space<vmem>>) target(%dma_start3A_64 : memref<120x64xf32, #tpu.memory_space<vmem_shared>>) target_semaphore(%run_scoped3A : memref<!tpu.dma_semaphore, #tpu.memory_space<semaphore_mem>>)
      %dma_wait3A = arith.constant 0 : i32
      %dma_wait3A_68 = arith.constant 0 : i32
      %dma_wait3A_69 = tpu.memref_slice %arg9[%dma_wait3A, %dma_wait3A_68] : memref<128x64xf32, #tpu.memory_space<vmem>> -> memref<120x64xf32, #tpu.memory_space<vmem>>
      %dma_wait3A_70 = arith.constant 0 : i32
      %dma_wait3A_71 = tpu.memref_slice %arg15[%add3A_11, %dma_wait3A_70] : memref<10112x64xf32, #tpu.memory_space<vmem_shared>> -> memref<120x64xf32, #tpu.memory_space<vmem_shared>>
      %dma_wait3A_72 = arith.constant 0 : i32
      %dma_wait3A_73 = tpu.memref_slice %arg15[%add3A_11, %dma_wait3A_72] : memref<10112x64xf32, #tpu.memory_space<vmem_shared>> -> memref<120x64xf32, #tpu.memory_space<vmem_shared>>
      %dma_wait3A_74 = arith.constant 0 : i32
      %dma_wait3A_75 = arith.constant 0 : i32
      %dma_wait3A_76 = tpu.memref_slice %arg9[%dma_wait3A_74, %dma_wait3A_75] : memref<128x64xf32, #tpu.memory_space<vmem>> -> memref<120x64xf32, #tpu.memory_space<vmem>>
      tpu.wait_dma2 semaphore(%run_scoped3A : memref<!tpu.dma_semaphore, #tpu.memory_space<semaphore_mem>>) src(%dma_wait3A_76 : memref<120x64xf32, #tpu.memory_space<vmem>>) dst(%dma_wait3A_73 : memref<120x64xf32, #tpu.memory_space<vmem_shared>>)
      tpu.yield
    }) : () -> ()
    %add3A_12 = arith.constant 0 : i32
    %add3A_13 = arith.addi %mul3A_0, %add3A_12 : i32
    "tpu.region"() ({
      %run_scoped3A = tpu.sem_alloc : memref<!tpu.dma_semaphore, #tpu.memory_space<semaphore_mem>>
      %dma_start3A = arith.constant 0 : i32
      %dma_start3A_59 = arith.constant 0 : i32
      %dma_start3A_60 = tpu.memref_slice %arg9[%dma_start3A, %dma_start3A_59] : memref<128x64xf32, #tpu.memory_space<vmem>> -> memref<128x64xf32, #tpu.memory_space<vmem>>
      %dma_start3A_61 = tpu.memref_slice %arg2[%add3A_13, %mul3A_2] : memref<10112x128xf32, #tpu.memory_space<hbm>> -> memref<128x64xf32, #tpu.memory_space<hbm>>
      %dma_start3A_62 = arith.constant 0 : i32
      %dma_start3A_63 = arith.constant 0 : i32
      %dma_start3A_64 = tpu.memref_slice %arg9[%dma_start3A_62, %dma_start3A_63] : memref<128x64xf32, #tpu.memory_space<vmem>> -> memref<128x64xf32, #tpu.memory_space<vmem>>
      %dma_start3A_65 = tpu.memref_slice %arg2[%add3A_13, %mul3A_2] : memref<10112x128xf32, #tpu.memory_space<hbm>> -> memref<128x64xf32, #tpu.memory_space<hbm>>
      tpu.enqueue_dma source(%dma_start3A_65 : memref<128x64xf32, #tpu.memory_space<hbm>>) target(%dma_start3A_64 : memref<128x64xf32, #tpu.memory_space<vmem>>) target_semaphore(%run_scoped3A : memref<!tpu.dma_semaphore, #tpu.memory_space<semaphore_mem>>)
      %dma_wait3A = arith.constant 0 : i32
      %dma_wait3A_66 = arith.constant 0 : i32
      %dma_wait3A_67 = tpu.memref_slice %arg9[%dma_wait3A, %dma_wait3A_66] : memref<128x64xf32, #tpu.memory_space<vmem>> -> memref<128x64xf32, #tpu.memory_space<vmem>>
      %dma_wait3A_68 = tpu.memref_slice %arg2[%add3A_13, %mul3A_2] : memref<10112x128xf32, #tpu.memory_space<hbm>> -> memref<128x64xf32, #tpu.memory_space<hbm>>
      %dma_wait3A_69 = arith.constant 0 : i32
      %dma_wait3A_70 = arith.constant 0 : i32
      %dma_wait3A_71 = tpu.memref_slice %arg9[%dma_wait3A_69, %dma_wait3A_70] : memref<128x64xf32, #tpu.memory_space<vmem>> -> memref<128x64xf32, #tpu.memory_space<vmem>>
      %dma_wait3A_72 = tpu.memref_slice %arg2[%add3A_13, %mul3A_2] : memref<10112x128xf32, #tpu.memory_space<hbm>> -> memref<128x64xf32, #tpu.memory_space<hbm>>
      tpu.wait_dma2 semaphore(%run_scoped3A : memref<!tpu.dma_semaphore, #tpu.memory_space<semaphore_mem>>) src(%dma_wait3A_72 : memref<128x64xf32, #tpu.memory_space<hbm>>) dst(%dma_wait3A_71 : memref<128x64xf32, #tpu.memory_space<vmem>>)
      tpu.yield
    }) : () -> ()
    %add3A_14 = arith.constant 0 : i32
    %add3A_15 = arith.addi %mul3A_0, %add3A_14 : i32
    "tpu.region"() ({
      %run_scoped3A = tpu.sem_alloc : memref<!tpu.dma_semaphore, #tpu.memory_space<semaphore_mem>>
      %dma_start3A = arith.constant 0 : i32
      %dma_start3A_59 = arith.constant 0 : i32
      %dma_start3A_60 = tpu.memref_slice %arg9[%dma_start3A, %dma_start3A_59] : memref<128x64xf32, #tpu.memory_space<vmem>> -> memref<128x64xf32, #tpu.memory_space<vmem>>
      %dma_start3A_61 = arith.constant 0 : i32
      %dma_start3A_62 = tpu.memref_slice %arg16[%add3A_15, %dma_start3A_61] : memref<10112x64xf32, #tpu.memory_space<vmem_shared>> -> memref<128x64xf32, #tpu.memory_space<vmem_shared>>
      %dma_start3A_63 = arith.constant 0 : i32
      %dma_start3A_64 = tpu.memref_slice %arg16[%add3A_15, %dma_start3A_63] : memref<10112x64xf32, #tpu.memory_space<vmem_shared>> -> memref<128x64xf32, #tpu.memory_space<vmem_shared>>
      %dma_start3A_65 = arith.constant 0 : i32
      %dma_start3A_66 = arith.constant 0 : i32
      %dma_start3A_67 = tpu.memref_slice %arg9[%dma_start3A_65, %dma_start3A_66] : memref<128x64xf32, #tpu.memory_space<vmem>> -> memref<128x64xf32, #tpu.memory_space<vmem>>
      tpu.enqueue_dma source(%dma_start3A_67 : memref<128x64xf32, #tpu.memory_space<vmem>>) target(%dma_start3A_64 : memref<128x64xf32, #tpu.memory_space<vmem_shared>>) target_semaphore(%run_scoped3A : memref<!tpu.dma_semaphore, #tpu.memory_space<semaphore_mem>>)
      %dma_wait3A = arith.constant 0 : i32
      %dma_wait3A_68 = arith.constant 0 : i32
      %dma_wait3A_69 = tpu.memref_slice %arg9[%dma_wait3A, %dma_wait3A_68] : memref<128x64xf32, #tpu.memory_space<vmem>> -> memref<128x64xf32, #tpu.memory_space<vmem>>
      %dma_wait3A_70 = arith.constant 0 : i32
      %dma_wait3A_71 = tpu.memref_slice %arg16[%add3A_15, %dma_wait3A_70] : memref<10112x64xf32, #tpu.memory_space<vmem_shared>> -> memref<128x64xf32, #tpu.memory_space<vmem_shared>>
      %dma_wait3A_72 = arith.constant 0 : i32
      %dma_wait3A_73 = tpu.memref_slice %arg16[%add3A_15, %dma_wait3A_72] : memref<10112x64xf32, #tpu.memory_space<vmem_shared>> -> memref<128x64xf32, #tpu.memory_space<vmem_shared>>
      %dma_wait3A_74 = arith.constant 0 : i32
      %dma_wait3A_75 = arith.constant 0 : i32
      %dma_wait3A_76 = tpu.memref_slice %arg9[%dma_wait3A_74, %dma_wait3A_75] : memref<128x64xf32, #tpu.memory_space<vmem>> -> memref<128x64xf32, #tpu.memory_space<vmem>>
      tpu.wait_dma2 semaphore(%run_scoped3A : memref<!tpu.dma_semaphore, #tpu.memory_space<semaphore_mem>>) src(%dma_wait3A_76 : memref<128x64xf32, #tpu.memory_space<vmem>>) dst(%dma_wait3A_73 : memref<128x64xf32, #tpu.memory_space<vmem_shared>>)
      tpu.yield
    }) : () -> ()
    %add3A_16 = arith.constant 128 : i32
    %add3A_17 = arith.addi %mul3A_0, %add3A_16 : i32
    "tpu.region"() ({
      %run_scoped3A = tpu.sem_alloc : memref<!tpu.dma_semaphore, #tpu.memory_space<semaphore_mem>>
      %dma_start3A = arith.constant 0 : i32
      %dma_start3A_59 = arith.constant 0 : i32
      %dma_start3A_60 = tpu.memref_slice %arg9[%dma_start3A, %dma_start3A_59] : memref<128x64xf32, #tpu.memory_space<vmem>> -> memref<128x64xf32, #tpu.memory_space<vmem>>
      %dma_start3A_61 = tpu.memref_slice %arg2[%add3A_17, %mul3A_2] : memref<10112x128xf32, #tpu.memory_space<hbm>> -> memref<128x64xf32, #tpu.memory_space<hbm>>
      %dma_start3A_62 = arith.constant 0 : i32
      %dma_start3A_63 = arith.constant 0 : i32
      %dma_start3A_64 = tpu.memref_slice %arg9[%dma_start3A_62, %dma_start3A_63] : memref<128x64xf32, #tpu.memory_space<vmem>> -> memref<128x64xf32, #tpu.memory_space<vmem>>
      %dma_start3A_65 = tpu.memref_slice %arg2[%add3A_17, %mul3A_2] : memref<10112x128xf32, #tpu.memory_space<hbm>> -> memref<128x64xf32, #tpu.memory_space<hbm>>
      tpu.enqueue_dma source(%dma_start3A_65 : memref<128x64xf32, #tpu.memory_space<hbm>>) target(%dma_start3A_64 : memref<128x64xf32, #tpu.memory_space<vmem>>) target_semaphore(%run_scoped3A : memref<!tpu.dma_semaphore, #tpu.memory_space<semaphore_mem>>)
      %dma_wait3A = arith.constant 0 : i32
      %dma_wait3A_66 = arith.constant 0 : i32
      %dma_wait3A_67 = tpu.memref_slice %arg9[%dma_wait3A, %dma_wait3A_66] : memref<128x64xf32, #tpu.memory_space<vmem>> -> memref<128x64xf32, #tpu.memory_space<vmem>>
      %dma_wait3A_68 = tpu.memref_slice %arg2[%add3A_17, %mul3A_2] : memref<10112x128xf32, #tpu.memory_space<hbm>> -> memref<128x64xf32, #tpu.memory_space<hbm>>
      %dma_wait3A_69 = arith.constant 0 : i32
      %dma_wait3A_70 = arith.constant 0 : i32
      %dma_wait3A_71 = tpu.memref_slice %arg9[%dma_wait3A_69, %dma_wait3A_70] : memref<128x64xf32, #tpu.memory_space<vmem>> -> memref<128x64xf32, #tpu.memory_space<vmem>>
      %dma_wait3A_72 = tpu.memref_slice %arg2[%add3A_17, %mul3A_2] : memref<10112x128xf32, #tpu.memory_space<hbm>> -> memref<128x64xf32, #tpu.memory_space<hbm>>
      tpu.wait_dma2 semaphore(%run_scoped3A : memref<!tpu.dma_semaphore, #tpu.memory_space<semaphore_mem>>) src(%dma_wait3A_72 : memref<128x64xf32, #tpu.memory_space<hbm>>) dst(%dma_wait3A_71 : memref<128x64xf32, #tpu.memory_space<vmem>>)
      tpu.yield
    }) : () -> ()
    %add3A_18 = arith.constant 128 : i32
    %add3A_19 = arith.addi %mul3A_0, %add3A_18 : i32
    "tpu.region"() ({
      %run_scoped3A = tpu.sem_alloc : memref<!tpu.dma_semaphore, #tpu.memory_space<semaphore_mem>>
      %dma_start3A = arith.constant 0 : i32
      %dma_start3A_59 = arith.constant 0 : i32
      %dma_start3A_60 = tpu.memref_slice %arg9[%dma_start3A, %dma_start3A_59] : memref<128x64xf32, #tpu.memory_space<vmem>> -> memref<128x64xf32, #tpu.memory_space<vmem>>
      %dma_start3A_61 = arith.constant 0 : i32
      %dma_start3A_62 = tpu.memref_slice %arg16[%add3A_19, %dma_start3A_61] : memref<10112x64xf32, #tpu.memory_space<vmem_shared>> -> memref<128x64xf32, #tpu.memory_space<vmem_shared>>
      %dma_start3A_63 = arith.constant 0 : i32
      %dma_start3A_64 = tpu.memref_slice %arg16[%add3A_19, %dma_start3A_63] : memref<10112x64xf32, #tpu.memory_space<vmem_shared>> -> memref<128x64xf32, #tpu.memory_space<vmem_shared>>
      %dma_start3A_65 = arith.constant 0 : i32
      %dma_start3A_66 = arith.constant 0 : i32
      %dma_start3A_67 = tpu.memref_slice %arg9[%dma_start3A_65, %dma_start3A_66] : memref<128x64xf32, #tpu.memory_space<vmem>> -> memref<128x64xf32, #tpu.memory_space<vmem>>
      tpu.enqueue_dma source(%dma_start3A_67 : memref<128x64xf32, #tpu.memory_space<vmem>>) target(%dma_start3A_64 : memref<128x64xf32, #tpu.memory_space<vmem_shared>>) target_semaphore(%run_scoped3A : memref<!tpu.dma_semaphore, #tpu.memory_space<semaphore_mem>>)
      %dma_wait3A = arith.constant 0 : i32
      %dma_wait3A_68 = arith.constant 0 : i32
      %dma_wait3A_69 = tpu.memref_slice %arg9[%dma_wait3A, %dma_wait3A_68] : memref<128x64xf32, #tpu.memory_space<vmem>> -> memref<128x64xf32, #tpu.memory_space<vmem>>
      %dma_wait3A_70 = arith.constant 0 : i32
      %dma_wait3A_71 = tpu.memref_slice %arg16[%add3A_19, %dma_wait3A_70] : memref<10112x64xf32, #tpu.memory_space<vmem_shared>> -> memref<128x64xf32, #tpu.memory_space<vmem_shared>>
      %dma_wait3A_72 = arith.constant 0 : i32
      %dma_wait3A_73 = tpu.memref_slice %arg16[%add3A_19, %dma_wait3A_72] : memref<10112x64xf32, #tpu.memory_space<vmem_shared>> -> memref<128x64xf32, #tpu.memory_space<vmem_shared>>
      %dma_wait3A_74 = arith.constant 0 : i32
      %dma_wait3A_75 = arith.constant 0 : i32
      %dma_wait3A_76 = tpu.memref_slice %arg9[%dma_wait3A_74, %dma_wait3A_75] : memref<128x64xf32, #tpu.memory_space<vmem>> -> memref<128x64xf32, #tpu.memory_space<vmem>>
      tpu.wait_dma2 semaphore(%run_scoped3A : memref<!tpu.dma_semaphore, #tpu.memory_space<semaphore_mem>>) src(%dma_wait3A_76 : memref<128x64xf32, #tpu.memory_space<vmem>>) dst(%dma_wait3A_73 : memref<128x64xf32, #tpu.memory_space<vmem_shared>>)
      tpu.yield
    }) : () -> ()
    %add3A_20 = arith.constant 256 : i32
    %add3A_21 = arith.addi %mul3A_0, %add3A_20 : i32
    "tpu.region"() ({
      %run_scoped3A = tpu.sem_alloc : memref<!tpu.dma_semaphore, #tpu.memory_space<semaphore_mem>>
      %dma_start3A = arith.constant 0 : i32
      %dma_start3A_59 = arith.constant 0 : i32
      %dma_start3A_60 = tpu.memref_slice %arg9[%dma_start3A, %dma_start3A_59] : memref<128x64xf32, #tpu.memory_space<vmem>> -> memref<128x64xf32, #tpu.memory_space<vmem>>
      %dma_start3A_61 = tpu.memref_slice %arg2[%add3A_21, %mul3A_2] : memref<10112x128xf32, #tpu.memory_space<hbm>> -> memref<128x64xf32, #tpu.memory_space<hbm>>
      %dma_start3A_62 = arith.constant 0 : i32
      %dma_start3A_63 = arith.constant 0 : i32
      %dma_start3A_64 = tpu.memref_slice %arg9[%dma_start3A_62, %dma_start3A_63] : memref<128x64xf32, #tpu.memory_space<vmem>> -> memref<128x64xf32, #tpu.memory_space<vmem>>
      %dma_start3A_65 = tpu.memref_slice %arg2[%add3A_21, %mul3A_2] : memref<10112x128xf32, #tpu.memory_space<hbm>> -> memref<128x64xf32, #tpu.memory_space<hbm>>
      tpu.enqueue_dma source(%dma_start3A_65 : memref<128x64xf32, #tpu.memory_space<hbm>>) target(%dma_start3A_64 : memref<128x64xf32, #tpu.memory_space<vmem>>) target_semaphore(%run_scoped3A : memref<!tpu.dma_semaphore, #tpu.memory_space<semaphore_mem>>)
      %dma_wait3A = arith.constant 0 : i32
      %dma_wait3A_66 = arith.constant 0 : i32
      %dma_wait3A_67 = tpu.memref_slice %arg9[%dma_wait3A, %dma_wait3A_66] : memref<128x64xf32, #tpu.memory_space<vmem>> -> memref<128x64xf32, #tpu.memory_space<vmem>>
      %dma_wait3A_68 = tpu.memref_slice %arg2[%add3A_21, %mul3A_2] : memref<10112x128xf32, #tpu.memory_space<hbm>> -> memref<128x64xf32, #tpu.memory_space<hbm>>
      %dma_wait3A_69 = arith.constant 0 : i32
      %dma_wait3A_70 = arith.constant 0 : i32
      %dma_wait3A_71 = tpu.memref_slice %arg9[%dma_wait3A_69, %dma_wait3A_70] : memref<128x64xf32, #tpu.memory_space<vmem>> -> memref<128x64xf32, #tpu.memory_space<vmem>>
      %dma_wait3A_72 = tpu.memref_slice %arg2[%add3A_21, %mul3A_2] : memref<10112x128xf32, #tpu.memory_space<hbm>> -> memref<128x64xf32, #tpu.memory_space<hbm>>
      tpu.wait_dma2 semaphore(%run_scoped3A : memref<!tpu.dma_semaphore, #tpu.memory_space<semaphore_mem>>) src(%dma_wait3A_72 : memref<128x64xf32, #tpu.memory_space<hbm>>) dst(%dma_wait3A_71 : memref<128x64xf32, #tpu.memory_space<vmem>>)
      tpu.yield
    }) : () -> ()
    %add3A_22 = arith.constant 256 : i32
    %add3A_23 = arith.addi %mul3A_0, %add3A_22 : i32
    "tpu.region"() ({
      %run_scoped3A = tpu.sem_alloc : memref<!tpu.dma_semaphore, #tpu.memory_space<semaphore_mem>>
      %dma_start3A = arith.constant 0 : i32
      %dma_start3A_59 = arith.constant 0 : i32
      %dma_start3A_60 = tpu.memref_slice %arg9[%dma_start3A, %dma_start3A_59] : memref<128x64xf32, #tpu.memory_space<vmem>> -> memref<128x64xf32, #tpu.memory_space<vmem>>
      %dma_start3A_61 = arith.constant 0 : i32
      %dma_start3A_62 = tpu.memref_slice %arg16[%add3A_23, %dma_start3A_61] : memref<10112x64xf32, #tpu.memory_space<vmem_shared>> -> memref<128x64xf32, #tpu.memory_space<vmem_shared>>
      %dma_start3A_63 = arith.constant 0 : i32
      %dma_start3A_64 = tpu.memref_slice %arg16[%add3A_23, %dma_start3A_63] : memref<10112x64xf32, #tpu.memory_space<vmem_shared>> -> memref<128x64xf32, #tpu.memory_space<vmem_shared>>
      %dma_start3A_65 = arith.constant 0 : i32
      %dma_start3A_66 = arith.constant 0 : i32
      %dma_start3A_67 = tpu.memref_slice %arg9[%dma_start3A_65, %dma_start3A_66] : memref<128x64xf32, #tpu.memory_space<vmem>> -> memref<128x64xf32, #tpu.memory_space<vmem>>
      tpu.enqueue_dma source(%dma_start3A_67 : memref<128x64xf32, #tpu.memory_space<vmem>>) target(%dma_start3A_64 : memref<128x64xf32, #tpu.memory_space<vmem_shared>>) target_semaphore(%run_scoped3A : memref<!tpu.dma_semaphore, #tpu.memory_space<semaphore_mem>>)
      %dma_wait3A = arith.constant 0 : i32
      %dma_wait3A_68 = arith.constant 0 : i32
      %dma_wait3A_69 = tpu.memref_slice %arg9[%dma_wait3A, %dma_wait3A_68] : memref<128x64xf32, #tpu.memory_space<vmem>> -> memref<128x64xf32, #tpu.memory_space<vmem>>
      %dma_wait3A_70 = arith.constant 0 : i32
      %dma_wait3A_71 = tpu.memref_slice %arg16[%add3A_23, %dma_wait3A_70] : memref<10112x64xf32, #tpu.memory_space<vmem_shared>> -> memref<128x64xf32, #tpu.memory_space<vmem_shared>>
      %dma_wait3A_72 = arith.constant 0 : i32
      %dma_wait3A_73 = tpu.memref_slice %arg16[%add3A_23, %dma_wait3A_72] : memref<10112x64xf32, #tpu.memory_space<vmem_shared>> -> memref<128x64xf32, #tpu.memory_space<vmem_shared>>
      %dma_wait3A_74 = arith.constant 0 : i32
      %dma_wait3A_75 = arith.constant 0 : i32
      %dma_wait3A_76 = tpu.memref_slice %arg9[%dma_wait3A_74, %dma_wait3A_75] : memref<128x64xf32, #tpu.memory_space<vmem>> -> memref<128x64xf32, #tpu.memory_space<vmem>>
      tpu.wait_dma2 semaphore(%run_scoped3A : memref<!tpu.dma_semaphore, #tpu.memory_space<semaphore_mem>>) src(%dma_wait3A_76 : memref<128x64xf32, #tpu.memory_space<vmem>>) dst(%dma_wait3A_73 : memref<128x64xf32, #tpu.memory_space<vmem_shared>>)
      tpu.yield
    }) : () -> ()
    %add3A_24 = arith.constant 384 : i32
    %add3A_25 = arith.addi %mul3A_0, %add3A_24 : i32
    "tpu.region"() ({
      %run_scoped3A = tpu.sem_alloc : memref<!tpu.dma_semaphore, #tpu.memory_space<semaphore_mem>>
      %dma_start3A = arith.constant 0 : i32
      %dma_start3A_59 = arith.constant 0 : i32
      %dma_start3A_60 = tpu.memref_slice %arg9[%dma_start3A, %dma_start3A_59] : memref<128x64xf32, #tpu.memory_space<vmem>> -> memref<128x64xf32, #tpu.memory_space<vmem>>
      %dma_start3A_61 = tpu.memref_slice %arg2[%add3A_25, %mul3A_2] : memref<10112x128xf32, #tpu.memory_space<hbm>> -> memref<128x64xf32, #tpu.memory_space<hbm>>
      %dma_start3A_62 = arith.constant 0 : i32
      %dma_start3A_63 = arith.constant 0 : i32
      %dma_start3A_64 = tpu.memref_slice %arg9[%dma_start3A_62, %dma_start3A_63] : memref<128x64xf32, #tpu.memory_space<vmem>> -> memref<128x64xf32, #tpu.memory_space<vmem>>
      %dma_start3A_65 = tpu.memref_slice %arg2[%add3A_25, %mul3A_2] : memref<10112x128xf32, #tpu.memory_space<hbm>> -> memref<128x64xf32, #tpu.memory_space<hbm>>
      tpu.enqueue_dma source(%dma_start3A_65 : memref<128x64xf32, #tpu.memory_space<hbm>>) target(%dma_start3A_64 : memref<128x64xf32, #tpu.memory_space<vmem>>) target_semaphore(%run_scoped3A : memref<!tpu.dma_semaphore, #tpu.memory_space<semaphore_mem>>)
      %dma_wait3A = arith.constant 0 : i32
      %dma_wait3A_66 = arith.constant 0 : i32
      %dma_wait3A_67 = tpu.memref_slice %arg9[%dma_wait3A, %dma_wait3A_66] : memref<128x64xf32, #tpu.memory_space<vmem>> -> memref<128x64xf32, #tpu.memory_space<vmem>>
      %dma_wait3A_68 = tpu.memref_slice %arg2[%add3A_25, %mul3A_2] : memref<10112x128xf32, #tpu.memory_space<hbm>> -> memref<128x64xf32, #tpu.memory_space<hbm>>
      %dma_wait3A_69 = arith.constant 0 : i32
      %dma_wait3A_70 = arith.constant 0 : i32
      %dma_wait3A_71 = tpu.memref_slice %arg9[%dma_wait3A_69, %dma_wait3A_70] : memref<128x64xf32, #tpu.memory_space<vmem>> -> memref<128x64xf32, #tpu.memory_space<vmem>>
      %dma_wait3A_72 = tpu.memref_slice %arg2[%add3A_25, %mul3A_2] : memref<10112x128xf32, #tpu.memory_space<hbm>> -> memref<128x64xf32, #tpu.memory_space<hbm>>
      tpu.wait_dma2 semaphore(%run_scoped3A : memref<!tpu.dma_semaphore, #tpu.memory_space<semaphore_mem>>) src(%dma_wait3A_72 : memref<128x64xf32, #tpu.memory_space<hbm>>) dst(%dma_wait3A_71 : memref<128x64xf32, #tpu.memory_space<vmem>>)
      tpu.yield
    }) : () -> ()
    %add3A_26 = arith.constant 384 : i32
    %add3A_27 = arith.addi %mul3A_0, %add3A_26 : i32
    "tpu.region"() ({
      %run_scoped3A = tpu.sem_alloc : memref<!tpu.dma_semaphore, #tpu.memory_space<semaphore_mem>>
      %dma_start3A = arith.constant 0 : i32
      %dma_start3A_59 = arith.constant 0 : i32
      %dma_start3A_60 = tpu.memref_slice %arg9[%dma_start3A, %dma_start3A_59] : memref<128x64xf32, #tpu.memory_space<vmem>> -> memref<128x64xf32, #tpu.memory_space<vmem>>
      %dma_start3A_61 = arith.constant 0 : i32
      %dma_start3A_62 = tpu.memref_slice %arg16[%add3A_27, %dma_start3A_61] : memref<10112x64xf32, #tpu.memory_space<vmem_shared>> -> memref<128x64xf32, #tpu.memory_space<vmem_shared>>
      %dma_start3A_63 = arith.constant 0 : i32
      %dma_start3A_64 = tpu.memref_slice %arg16[%add3A_27, %dma_start3A_63] : memref<10112x64xf32, #tpu.memory_space<vmem_shared>> -> memref<128x64xf32, #tpu.memory_space<vmem_shared>>
      %dma_start3A_65 = arith.constant 0 : i32
      %dma_start3A_66 = arith.constant 0 : i32
      %dma_start3A_67 = tpu.memref_slice %arg9[%dma_start3A_65, %dma_start3A_66] : memref<128x64xf32, #tpu.memory_space<vmem>> -> memref<128x64xf32, #tpu.memory_space<vmem>>
      tpu.enqueue_dma source(%dma_start3A_67 : memref<128x64xf32, #tpu.memory_space<vmem>>) target(%dma_start3A_64 : memref<128x64xf32, #tpu.memory_space<vmem_shared>>) target_semaphore(%run_scoped3A : memref<!tpu.dma_semaphore, #tpu.memory_space<semaphore_mem>>)
      %dma_wait3A = arith.constant 0 : i32
      %dma_wait3A_68 = arith.constant 0 : i32
      %dma_wait3A_69 = tpu.memref_slice %arg9[%dma_wait3A, %dma_wait3A_68] : memref<128x64xf32, #tpu.memory_space<vmem>> -> memref<128x64xf32, #tpu.memory_space<vmem>>
      %dma_wait3A_70 = arith.constant 0 : i32
      %dma_wait3A_71 = tpu.memref_slice %arg16[%add3A_27, %dma_wait3A_70] : memref<10112x64xf32, #tpu.memory_space<vmem_shared>> -> memref<128x64xf32, #tpu.memory_space<vmem_shared>>
      %dma_wait3A_72 = arith.constant 0 : i32
      %dma_wait3A_73 = tpu.memref_slice %arg16[%add3A_27, %dma_wait3A_72] : memref<10112x64xf32, #tpu.memory_space<vmem_shared>> -> memref<128x64xf32, #tpu.memory_space<vmem_shared>>
      %dma_wait3A_74 = arith.constant 0 : i32
      %dma_wait3A_75 = arith.constant 0 : i32
      %dma_wait3A_76 = tpu.memref_slice %arg9[%dma_wait3A_74, %dma_wait3A_75] : memref<128x64xf32, #tpu.memory_space<vmem>> -> memref<128x64xf32, #tpu.memory_space<vmem>>
      tpu.wait_dma2 semaphore(%run_scoped3A : memref<!tpu.dma_semaphore, #tpu.memory_space<semaphore_mem>>) src(%dma_wait3A_76 : memref<128x64xf32, #tpu.memory_space<vmem>>) dst(%dma_wait3A_73 : memref<128x64xf32, #tpu.memory_space<vmem_shared>>)
      tpu.yield
    }) : () -> ()
    %add3A_28 = arith.constant 512 : i32
    %add3A_29 = arith.addi %mul3A_0, %add3A_28 : i32
    "tpu.region"() ({
      %run_scoped3A = tpu.sem_alloc : memref<!tpu.dma_semaphore, #tpu.memory_space<semaphore_mem>>
      %dma_start3A = arith.constant 0 : i32
      %dma_start3A_59 = arith.constant 0 : i32
      %dma_start3A_60 = tpu.memref_slice %arg9[%dma_start3A, %dma_start3A_59] : memref<128x64xf32, #tpu.memory_space<vmem>> -> memref<120x64xf32, #tpu.memory_space<vmem>>
      %dma_start3A_61 = tpu.memref_slice %arg2[%add3A_29, %mul3A_2] : memref<10112x128xf32, #tpu.memory_space<hbm>> -> memref<120x64xf32, #tpu.memory_space<hbm>>
      %dma_start3A_62 = arith.constant 0 : i32
      %dma_start3A_63 = arith.constant 0 : i32
      %dma_start3A_64 = tpu.memref_slice %arg9[%dma_start3A_62, %dma_start3A_63] : memref<128x64xf32, #tpu.memory_space<vmem>> -> memref<120x64xf32, #tpu.memory_space<vmem>>
      %dma_start3A_65 = tpu.memref_slice %arg2[%add3A_29, %mul3A_2] : memref<10112x128xf32, #tpu.memory_space<hbm>> -> memref<120x64xf32, #tpu.memory_space<hbm>>
      tpu.enqueue_dma source(%dma_start3A_65 : memref<120x64xf32, #tpu.memory_space<hbm>>) target(%dma_start3A_64 : memref<120x64xf32, #tpu.memory_space<vmem>>) target_semaphore(%run_scoped3A : memref<!tpu.dma_semaphore, #tpu.memory_space<semaphore_mem>>)
      %dma_wait3A = arith.constant 0 : i32
      %dma_wait3A_66 = arith.constant 0 : i32
      %dma_wait3A_67 = tpu.memref_slice %arg9[%dma_wait3A, %dma_wait3A_66] : memref<128x64xf32, #tpu.memory_space<vmem>> -> memref<120x64xf32, #tpu.memory_space<vmem>>
      %dma_wait3A_68 = tpu.memref_slice %arg2[%add3A_29, %mul3A_2] : memref<10112x128xf32, #tpu.memory_space<hbm>> -> memref<120x64xf32, #tpu.memory_space<hbm>>
      %dma_wait3A_69 = arith.constant 0 : i32
      %dma_wait3A_70 = arith.constant 0 : i32
      %dma_wait3A_71 = tpu.memref_slice %arg9[%dma_wait3A_69, %dma_wait3A_70] : memref<128x64xf32, #tpu.memory_space<vmem>> -> memref<120x64xf32, #tpu.memory_space<vmem>>
      %dma_wait3A_72 = tpu.memref_slice %arg2[%add3A_29, %mul3A_2] : memref<10112x128xf32, #tpu.memory_space<hbm>> -> memref<120x64xf32, #tpu.memory_space<hbm>>
      tpu.wait_dma2 semaphore(%run_scoped3A : memref<!tpu.dma_semaphore, #tpu.memory_space<semaphore_mem>>) src(%dma_wait3A_72 : memref<120x64xf32, #tpu.memory_space<hbm>>) dst(%dma_wait3A_71 : memref<120x64xf32, #tpu.memory_space<vmem>>)
      tpu.yield
    }) : () -> ()
    %add3A_30 = arith.constant 512 : i32
    %add3A_31 = arith.addi %mul3A_0, %add3A_30 : i32
    "tpu.region"() ({
      %run_scoped3A = tpu.sem_alloc : memref<!tpu.dma_semaphore, #tpu.memory_space<semaphore_mem>>
      %dma_start3A = arith.constant 0 : i32
      %dma_start3A_59 = arith.constant 0 : i32
      %dma_start3A_60 = tpu.memref_slice %arg9[%dma_start3A, %dma_start3A_59] : memref<128x64xf32, #tpu.memory_space<vmem>> -> memref<120x64xf32, #tpu.memory_space<vmem>>
      %dma_start3A_61 = arith.constant 0 : i32
      %dma_start3A_62 = tpu.memref_slice %arg16[%add3A_31, %dma_start3A_61] : memref<10112x64xf32, #tpu.memory_space<vmem_shared>> -> memref<120x64xf32, #tpu.memory_space<vmem_shared>>
      %dma_start3A_63 = arith.constant 0 : i32
      %dma_start3A_64 = tpu.memref_slice %arg16[%add3A_31, %dma_start3A_63] : memref<10112x64xf32, #tpu.memory_space<vmem_shared>> -> memref<120x64xf32, #tpu.memory_space<vmem_shared>>
      %dma_start3A_65 = arith.constant 0 : i32
      %dma_start3A_66 = arith.constant 0 : i32
      %dma_start3A_67 = tpu.memref_slice %arg9[%dma_start3A_65, %dma_start3A_66] : memref<128x64xf32, #tpu.memory_space<vmem>> -> memref<120x64xf32, #tpu.memory_space<vmem>>
      tpu.enqueue_dma source(%dma_start3A_67 : memref<120x64xf32, #tpu.memory_space<vmem>>) target(%dma_start3A_64 : memref<120x64xf32, #tpu.memory_space<vmem_shared>>) target_semaphore(%run_scoped3A : memref<!tpu.dma_semaphore, #tpu.memory_space<semaphore_mem>>)
      %dma_wait3A = arith.constant 0 : i32
      %dma_wait3A_68 = arith.constant 0 : i32
      %dma_wait3A_69 = tpu.memref_slice %arg9[%dma_wait3A, %dma_wait3A_68] : memref<128x64xf32, #tpu.memory_space<vmem>> -> memref<120x64xf32, #tpu.memory_space<vmem>>
      %dma_wait3A_70 = arith.constant 0 : i32
      %dma_wait3A_71 = tpu.memref_slice %arg16[%add3A_31, %dma_wait3A_70] : memref<10112x64xf32, #tpu.memory_space<vmem_shared>> -> memref<120x64xf32, #tpu.memory_space<vmem_shared>>
      %dma_wait3A_72 = arith.constant 0 : i32
      %dma_wait3A_73 = tpu.memref_slice %arg16[%add3A_31, %dma_wait3A_72] : memref<10112x64xf32, #tpu.memory_space<vmem_shared>> -> memref<120x64xf32, #tpu.memory_space<vmem_shared>>
      %dma_wait3A_74 = arith.constant 0 : i32
      %dma_wait3A_75 = arith.constant 0 : i32
      %dma_wait3A_76 = tpu.memref_slice %arg9[%dma_wait3A_74, %dma_wait3A_75] : memref<128x64xf32, #tpu.memory_space<vmem>> -> memref<120x64xf32, #tpu.memory_space<vmem>>
      tpu.wait_dma2 semaphore(%run_scoped3A : memref<!tpu.dma_semaphore, #tpu.memory_space<semaphore_mem>>) src(%dma_wait3A_76 : memref<120x64xf32, #tpu.memory_space<vmem>>) dst(%dma_wait3A_73 : memref<120x64xf32, #tpu.memory_space<vmem_shared>>)
      tpu.yield
    }) : () -> ()
    %barrier3A = arith.constant 0 : index
    tpu.barrier barrier_id(%barrier3A)
    %mul3A_32 = arith.constant 160 : i32
    %mul3A_33 = arith.muli %arg1, %mul3A_32 : i32
    %scan3A = arith.constant 0 : i32
    %scan3A_34 = arith.constant 20 : i32
    %scan3A_35 = arith.addi %scan3A, %scan3A_34 : i32
    %scan3A_36 = arith.constant 1 : i32
    scf.for %scan3A_59 = %scan3A to %scan3A_35 step %scan3A_36  : i32 {
      %mul3A_60 = arith.constant 1 : i32
      %mul3A_61 = arith.muli %scan3A_59, %mul3A_60 : i32
      %add3A_62 = arith.constant 0 : i32
      %add3A_63 = arith.addi %add3A_62, %mul3A_61 : i32
      %mul3A_64 = arith.constant 8 : i32
      %mul3A_65 = arith.muli %add3A_63, %mul3A_64 : i32
      %add3A_66 = arith.addi %mul3A_33, %mul3A_65 : i32
      "tpu.region"() ({
        %run_scoped3A_89 = tpu.sem_alloc : memref<!tpu.dma_semaphore, #tpu.memory_space<semaphore_mem>>
        %dma_start3A_90 = arith.constant 0 : i32
        %dma_start3A_91 = tpu.memref_slice %arg3[%add3A_66, %dma_start3A_90] : memref<2560x128xi32, #tpu.memory_space<hbm>> -> memref<8x128xi32, #tpu.memory_space<hbm>>
        %dma_start3A_92 = arith.constant 0 : i32
        %dma_start3A_93 = tpu.memref_slice %arg3[%add3A_66, %dma_start3A_92] : memref<2560x128xi32, #tpu.memory_space<hbm>> -> memref<8x128xi32, #tpu.memory_space<hbm>>
        tpu.enqueue_dma source(%dma_start3A_93 : memref<8x128xi32, #tpu.memory_space<hbm>>) target(%arg7 : memref<8x128xi32, #tpu.memory_space<vmem>>) target_semaphore(%run_scoped3A_89 : memref<!tpu.dma_semaphore, #tpu.memory_space<semaphore_mem>>)
        %dma_wait3A = arith.constant 0 : i32
        %dma_wait3A_94 = tpu.memref_slice %arg3[%add3A_66, %dma_wait3A] : memref<2560x128xi32, #tpu.memory_space<hbm>> -> memref<8x128xi32, #tpu.memory_space<hbm>>
        %dma_wait3A_95 = arith.constant 0 : i32
        %dma_wait3A_96 = tpu.memref_slice %arg3[%add3A_66, %dma_wait3A_95] : memref<2560x128xi32, #tpu.memory_space<hbm>> -> memref<8x128xi32, #tpu.memory_space<hbm>>
        tpu.wait_dma2 semaphore(%run_scoped3A_89 : memref<!tpu.dma_semaphore, #tpu.memory_space<semaphore_mem>>) src(%dma_wait3A_96 : memref<8x128xi32, #tpu.memory_space<hbm>>) dst(%arg7 : memref<8x128xi32, #tpu.memory_space<vmem>>)
        tpu.yield
      }) : () -> ()
      %mul3A_67 = arith.constant 8 : i32
      %mul3A_68 = arith.muli %add3A_63, %mul3A_67 : i32
      %add3A_69 = arith.addi %mul3A_33, %mul3A_68 : i32
      "tpu.region"() ({
        %run_scoped3A_89 = tpu.sem_alloc : memref<!tpu.dma_semaphore, #tpu.memory_space<semaphore_mem>>
        %dma_start3A_90 = arith.constant 0 : i32
        %dma_start3A_91 = tpu.memref_slice %arg4[%add3A_69, %dma_start3A_90] : memref<2560x128xi32, #tpu.memory_space<hbm>> -> memref<8x128xi32, #tpu.memory_space<hbm>>
        %dma_start3A_92 = arith.constant 0 : i32
        %dma_start3A_93 = tpu.memref_slice %arg4[%add3A_69, %dma_start3A_92] : memref<2560x128xi32, #tpu.memory_space<hbm>> -> memref<8x128xi32, #tpu.memory_space<hbm>>
        tpu.enqueue_dma source(%dma_start3A_93 : memref<8x128xi32, #tpu.memory_space<hbm>>) target(%arg8 : memref<8x128xi32, #tpu.memory_space<vmem>>) target_semaphore(%run_scoped3A_89 : memref<!tpu.dma_semaphore, #tpu.memory_space<semaphore_mem>>)
        %dma_wait3A = arith.constant 0 : i32
        %dma_wait3A_94 = tpu.memref_slice %arg4[%add3A_69, %dma_wait3A] : memref<2560x128xi32, #tpu.memory_space<hbm>> -> memref<8x128xi32, #tpu.memory_space<hbm>>
        %dma_wait3A_95 = arith.constant 0 : i32
        %dma_wait3A_96 = tpu.memref_slice %arg4[%add3A_69, %dma_wait3A_95] : memref<2560x128xi32, #tpu.memory_space<hbm>> -> memref<8x128xi32, #tpu.memory_space<hbm>>
        tpu.wait_dma2 semaphore(%run_scoped3A_89 : memref<!tpu.dma_semaphore, #tpu.memory_space<semaphore_mem>>) src(%dma_wait3A_96 : memref<8x128xi32, #tpu.memory_space<hbm>>) dst(%arg8 : memref<8x128xi32, #tpu.memory_space<vmem>>)
        tpu.yield
      }) : () -> ()
      %dma_start3A = arith.constant 0 : i32
      %dma_start3A_70 = arith.constant 0 : i32
      %dma_start3A_71 = tpu.memref_slice %arg7[%dma_start3A, %dma_start3A_70] : memref<8x128xi32, #tpu.memory_space<vmem>> -> memref<1x128xi32, #tpu.memory_space<vmem>>
      %dma_start3A_72 = tpu.memref_squeeze %dma_start3A_71 : memref<1x128xi32, #tpu.memory_space<vmem>> -> memref<128xi32, #tpu.memory_space<vmem>>
      %dma_start3A_73 = arith.constant 0 : i32
      %dma_start3A_74 = arith.constant 0 : i32
      %dma_start3A_75 = tpu.memref_slice %arg16[%dma_start3A_73, %dma_start3A_74] : memref<10112x64xf32, #tpu.memory_space<vmem_shared>> -> memref<10112x64xf32, #tpu.memory_space<vmem_shared>>
      tpu.enqueue_indirect_dma source(%dma_start3A_75 : memref<10112x64xf32, #tpu.memory_space<vmem_shared>>) target(%arg9 : memref<128x64xf32, #tpu.memory_space<vmem>>) offsets(%dma_start3A_72 : memref<128xi32, #tpu.memory_space<vmem>>) semaphore(%arg12 : memref<!tpu.dma_semaphore, #tpu.memory_space<semaphore_mem>>)
      %scan3A_76 = arith.constant 0 : i32
      %scan3A_77 = arith.constant 3 : i32
      %scan3A_78 = arith.addi %scan3A_76, %scan3A_77 : i32
      %scan3A_79 = arith.constant 1 : i32
      scf.for %scan3A_89 = %scan3A_76 to %scan3A_78 step %scan3A_79  : i32 {
        %mul3A_90 = arith.constant 1 : i32
        %mul3A_91 = arith.muli %scan3A_89, %mul3A_90 : i32
        %add3A_92 = arith.constant 0 : i32
        %add3A_93 = arith.addi %add3A_92, %mul3A_91 : i32
        %mul3A_94 = arith.constant 2 : i32
        %mul3A_95 = arith.muli %mul3A_94, %add3A_93 : i32
        tpu.wait_dma2 semaphore(%arg12 : memref<!tpu.dma_semaphore, #tpu.memory_space<semaphore_mem>>) src(%arg5 : memref<128x64xf32, #tpu.memory_space<hbm>>) dst(%arg9 : memref<128x64xf32, #tpu.memory_space<vmem>>)
        %add3A_96 = arith.constant 1 : i32
        %add3A_97 = arith.addi %mul3A_95, %add3A_96 : i32
        %dma_start3A_98 = arith.constant 0 : i32
        %dma_start3A_99 = tpu.memref_slice %arg7[%add3A_97, %dma_start3A_98] : memref<8x128xi32, #tpu.memory_space<vmem>> -> memref<1x128xi32, #tpu.memory_space<vmem>>
        %dma_start3A_100 = tpu.memref_squeeze %dma_start3A_99 : memref<1x128xi32, #tpu.memory_space<vmem>> -> memref<128xi32, #tpu.memory_space<vmem>>
        %dma_start3A_101 = arith.constant 0 : i32
        %dma_start3A_102 = arith.constant 0 : i32
        %dma_start3A_103 = tpu.memref_slice %arg16[%dma_start3A_101, %dma_start3A_102] : memref<10112x64xf32, #tpu.memory_space<vmem_shared>> -> memref<10112x64xf32, #tpu.memory_space<vmem_shared>>
        tpu.enqueue_indirect_dma source(%dma_start3A_103 : memref<10112x64xf32, #tpu.memory_space<vmem_shared>>) target(%arg10 : memref<128x64xf32, #tpu.memory_space<vmem>>) offsets(%dma_start3A_100 : memref<128xi32, #tpu.memory_space<vmem>>) semaphore(%arg13 : memref<!tpu.dma_semaphore, #tpu.memory_space<semaphore_mem>>)
        "tpu.region"() ({
          %run_scoped3A_114 = tpu.sem_alloc : memref<!tpu.dma_semaphore, #tpu.memory_space<semaphore_mem>>
          %dma_start3A_115 = arith.constant 0 : i32
          %dma_start3A_116 = tpu.memref_slice %arg8[%mul3A_95, %dma_start3A_115] : memref<8x128xi32, #tpu.memory_space<vmem>> -> memref<1x128xi32, #tpu.memory_space<vmem>>
          %dma_start3A_117 = tpu.memref_squeeze %dma_start3A_116 : memref<1x128xi32, #tpu.memory_space<vmem>> -> memref<128xi32, #tpu.memory_space<vmem>>
          %dma_start3A_118 = arith.constant 0 : i32
          %dma_start3A_119 = arith.constant 0 : i32
          %dma_start3A_120 = tpu.memref_slice %arg15[%dma_start3A_118, %dma_start3A_119] : memref<10112x64xf32, #tpu.memory_space<vmem_shared>> -> memref<10112x64xf32, #tpu.memory_space<vmem_shared>>
          tpu.enqueue_indirect_dma source(%arg9 : memref<128x64xf32, #tpu.memory_space<vmem>>) target(%dma_start3A_120 : memref<10112x64xf32, #tpu.memory_space<vmem_shared>>) offsets(%dma_start3A_117 : memref<128xi32, #tpu.memory_space<vmem>>) semaphore(%run_scoped3A_114 : memref<!tpu.dma_semaphore, #tpu.memory_space<semaphore_mem>>) {add = true}
          %dma_wait3A = arith.constant 0 : i32
          %dma_wait3A_121 = tpu.memref_slice %arg8[%mul3A_95, %dma_wait3A] : memref<8x128xi32, #tpu.memory_space<vmem>> -> memref<1x128xi32, #tpu.memory_space<vmem>>
          %dma_wait3A_122 = tpu.memref_squeeze %dma_wait3A_121 : memref<1x128xi32, #tpu.memory_space<vmem>> -> memref<128xi32, #tpu.memory_space<vmem>>
          %dma_wait3A_123 = arith.constant 0 : i32
          %dma_wait3A_124 = arith.constant 0 : i32
          %dma_wait3A_125 = tpu.memref_slice %arg15[%dma_wait3A_123, %dma_wait3A_124] : memref<10112x64xf32, #tpu.memory_space<vmem_shared>> -> memref<10112x64xf32, #tpu.memory_space<vmem_shared>>
          tpu.wait_indirect_dma semaphore(%run_scoped3A_114 : memref<!tpu.dma_semaphore, #tpu.memory_space<semaphore_mem>>) src(%arg9 : memref<128x64xf32, #tpu.memory_space<vmem>>) dst(%dma_wait3A_125 : memref<10112x64xf32, #tpu.memory_space<vmem_shared>>)
          tpu.yield
        }) : () -> ()
        tpu.wait_dma2 semaphore(%arg13 : memref<!tpu.dma_semaphore, #tpu.memory_space<semaphore_mem>>) src(%arg5 : memref<128x64xf32, #tpu.memory_space<hbm>>) dst(%arg10 : memref<128x64xf32, #tpu.memory_space<vmem>>)
        %add3A_104 = arith.constant 2 : i32
        %add3A_105 = arith.addi %mul3A_95, %add3A_104 : i32
        %dma_start3A_106 = arith.constant 0 : i32
        %dma_start3A_107 = tpu.memref_slice %arg7[%add3A_105, %dma_start3A_106] : memref<8x128xi32, #tpu.memory_space<vmem>> -> memref<1x128xi32, #tpu.memory_space<vmem>>
        %dma_start3A_108 = tpu.memref_squeeze %dma_start3A_107 : memref<1x128xi32, #tpu.memory_space<vmem>> -> memref<128xi32, #tpu.memory_space<vmem>>
        %dma_start3A_109 = arith.constant 0 : i32
        %dma_start3A_110 = arith.constant 0 : i32
        %dma_start3A_111 = tpu.memref_slice %arg16[%dma_start3A_109, %dma_start3A_110] : memref<10112x64xf32, #tpu.memory_space<vmem_shared>> -> memref<10112x64xf32, #tpu.memory_space<vmem_shared>>
        tpu.enqueue_indirect_dma source(%dma_start3A_111 : memref<10112x64xf32, #tpu.memory_space<vmem_shared>>) target(%arg9 : memref<128x64xf32, #tpu.memory_space<vmem>>) offsets(%dma_start3A_108 : memref<128xi32, #tpu.memory_space<vmem>>) semaphore(%arg12 : memref<!tpu.dma_semaphore, #tpu.memory_space<semaphore_mem>>)
        %add3A_112 = arith.constant 1 : i32
        %add3A_113 = arith.addi %mul3A_95, %add3A_112 : i32
        "tpu.region"() ({
          %run_scoped3A_114 = tpu.sem_alloc : memref<!tpu.dma_semaphore, #tpu.memory_space<semaphore_mem>>
          %dma_start3A_115 = arith.constant 0 : i32
          %dma_start3A_116 = tpu.memref_slice %arg8[%add3A_113, %dma_start3A_115] : memref<8x128xi32, #tpu.memory_space<vmem>> -> memref<1x128xi32, #tpu.memory_space<vmem>>
          %dma_start3A_117 = tpu.memref_squeeze %dma_start3A_116 : memref<1x128xi32, #tpu.memory_space<vmem>> -> memref<128xi32, #tpu.memory_space<vmem>>
          %dma_start3A_118 = arith.constant 0 : i32
          %dma_start3A_119 = arith.constant 0 : i32
          %dma_start3A_120 = tpu.memref_slice %arg15[%dma_start3A_118, %dma_start3A_119] : memref<10112x64xf32, #tpu.memory_space<vmem_shared>> -> memref<10112x64xf32, #tpu.memory_space<vmem_shared>>
          tpu.enqueue_indirect_dma source(%arg10 : memref<128x64xf32, #tpu.memory_space<vmem>>) target(%dma_start3A_120 : memref<10112x64xf32, #tpu.memory_space<vmem_shared>>) offsets(%dma_start3A_117 : memref<128xi32, #tpu.memory_space<vmem>>) semaphore(%run_scoped3A_114 : memref<!tpu.dma_semaphore, #tpu.memory_space<semaphore_mem>>) {add = true}
          %dma_wait3A = arith.constant 0 : i32
          %dma_wait3A_121 = tpu.memref_slice %arg8[%add3A_113, %dma_wait3A] : memref<8x128xi32, #tpu.memory_space<vmem>> -> memref<1x128xi32, #tpu.memory_space<vmem>>
          %dma_wait3A_122 = tpu.memref_squeeze %dma_wait3A_121 : memref<1x128xi32, #tpu.memory_space<vmem>> -> memref<128xi32, #tpu.memory_space<vmem>>
          %dma_wait3A_123 = arith.constant 0 : i32
          %dma_wait3A_124 = arith.constant 0 : i32
          %dma_wait3A_125 = tpu.memref_slice %arg15[%dma_wait3A_123, %dma_wait3A_124] : memref<10112x64xf32, #tpu.memory_space<vmem_shared>> -> memref<10112x64xf32, #tpu.memory_space<vmem_shared>>
          tpu.wait_indirect_dma semaphore(%run_scoped3A_114 : memref<!tpu.dma_semaphore, #tpu.memory_space<semaphore_mem>>) src(%arg10 : memref<128x64xf32, #tpu.memory_space<vmem>>) dst(%dma_wait3A_125 : memref<10112x64xf32, #tpu.memory_space<vmem_shared>>)
          tpu.yield
        }) : () -> ()
      }
      %scan3A_80 = arith.constant 3 : i32
      tpu.wait_dma2 semaphore(%arg12 : memref<!tpu.dma_semaphore, #tpu.memory_space<semaphore_mem>>) src(%arg5 : memref<128x64xf32, #tpu.memory_space<hbm>>) dst(%arg9 : memref<128x64xf32, #tpu.memory_space<vmem>>)
      %dma_start3A_81 = arith.constant 7 : i32
      %dma_start3A_82 = arith.constant 0 : i32
      %dma_start3A_83 = tpu.memref_slice %arg7[%dma_start3A_81, %dma_start3A_82] : memref<8x128xi32, #tpu.memory_space<vmem>> -> memref<1x128xi32, #tpu.memory_space<vmem>>
      %dma_start3A_84 = tpu.memref_squeeze %dma_start3A_83 : memref<1x128xi32, #tpu.memory_space<vmem>> -> memref<128xi32, #tpu.memory_space<vmem>>
      %dma_start3A_85 = arith.constant 0 : i32
      %dma_start3A_86 = arith.constant 0 : i32
      %dma_start3A_87 = tpu.memref_slice %arg16[%dma_start3A_85, %dma_start3A_86] : memref<10112x64xf32, #tpu.memory_space<vmem_shared>> -> memref<10112x64xf32, #tpu.memory_space<vmem_shared>>
      tpu.enqueue_indirect_dma source(%dma_start3A_87 : memref<10112x64xf32, #tpu.memory_space<vmem_shared>>) target(%arg10 : memref<128x64xf32, #tpu.memory_space<vmem>>) offsets(%dma_start3A_84 : memref<128xi32, #tpu.memory_space<vmem>>) semaphore(%arg13 : memref<!tpu.dma_semaphore, #tpu.memory_space<semaphore_mem>>)
      %run_scoped3A = arith.constant 6 : i32
      "tpu.region"() ({
        %run_scoped3A_89 = tpu.sem_alloc : memref<!tpu.dma_semaphore, #tpu.memory_space<semaphore_mem>>
        %dma_start3A_90 = arith.constant 0 : i32
        %dma_start3A_91 = tpu.memref_slice %arg8[%run_scoped3A, %dma_start3A_90] : memref<8x128xi32, #tpu.memory_space<vmem>> -> memref<1x128xi32, #tpu.memory_space<vmem>>
        %dma_start3A_92 = tpu.memref_squeeze %dma_start3A_91 : memref<1x128xi32, #tpu.memory_space<vmem>> -> memref<128xi32, #tpu.memory_space<vmem>>
        %dma_start3A_93 = arith.constant 0 : i32
        %dma_start3A_94 = arith.constant 0 : i32
        %dma_start3A_95 = tpu.memref_slice %arg15[%dma_start3A_93, %dma_start3A_94] : memref<10112x64xf32, #tpu.memory_space<vmem_shared>> -> memref<10112x64xf32, #tpu.memory_space<vmem_shared>>
        tpu.enqueue_indirect_dma source(%arg9 : memref<128x64xf32, #tpu.memory_space<vmem>>) target(%dma_start3A_95 : memref<10112x64xf32, #tpu.memory_space<vmem_shared>>) offsets(%dma_start3A_92 : memref<128xi32, #tpu.memory_space<vmem>>) semaphore(%run_scoped3A_89 : memref<!tpu.dma_semaphore, #tpu.memory_space<semaphore_mem>>) {add = true}
        %dma_wait3A = arith.constant 0 : i32
        %dma_wait3A_96 = tpu.memref_slice %arg8[%run_scoped3A, %dma_wait3A] : memref<8x128xi32, #tpu.memory_space<vmem>> -> memref<1x128xi32, #tpu.memory_space<vmem>>
        %dma_wait3A_97 = tpu.memref_squeeze %dma_wait3A_96 : memref<1x128xi32, #tpu.memory_space<vmem>> -> memref<128xi32, #tpu.memory_space<vmem>>
        %dma_wait3A_98 = arith.constant 0 : i32
        %dma_wait3A_99 = arith.constant 0 : i32
        %dma_wait3A_100 = tpu.memref_slice %arg15[%dma_wait3A_98, %dma_wait3A_99] : memref<10112x64xf32, #tpu.memory_space<vmem_shared>> -> memref<10112x64xf32, #tpu.memory_space<vmem_shared>>
        tpu.wait_indirect_dma semaphore(%run_scoped3A_89 : memref<!tpu.dma_semaphore, #tpu.memory_space<semaphore_mem>>) src(%arg9 : memref<128x64xf32, #tpu.memory_space<vmem>>) dst(%dma_wait3A_100 : memref<10112x64xf32, #tpu.memory_space<vmem_shared>>)
        tpu.yield
      }) : () -> ()
      tpu.wait_dma2 semaphore(%arg13 : memref<!tpu.dma_semaphore, #tpu.memory_space<semaphore_mem>>) src(%arg5 : memref<128x64xf32, #tpu.memory_space<hbm>>) dst(%arg10 : memref<128x64xf32, #tpu.memory_space<vmem>>)
      %run_scoped3A_88 = arith.constant 7 : i32
      "tpu.region"() ({
        %run_scoped3A_89 = tpu.sem_alloc : memref<!tpu.dma_semaphore, #tpu.memory_space<semaphore_mem>>
        %dma_start3A_90 = arith.constant 0 : i32
        %dma_start3A_91 = tpu.memref_slice %arg8[%run_scoped3A_88, %dma_start3A_90] : memref<8x128xi32, #tpu.memory_space<vmem>> -> memref<1x128xi32, #tpu.memory_space<vmem>>
        %dma_start3A_92 = tpu.memref_squeeze %dma_start3A_91 : memref<1x128xi32, #tpu.memory_space<vmem>> -> memref<128xi32, #tpu.memory_space<vmem>>
        %dma_start3A_93 = arith.constant 0 : i32
        %dma_start3A_94 = arith.constant 0 : i32
        %dma_start3A_95 = tpu.memref_slice %arg15[%dma_start3A_93, %dma_start3A_94] : memref<10112x64xf32, #tpu.memory_space<vmem_shared>> -> memref<10112x64xf32, #tpu.memory_space<vmem_shared>>
        tpu.enqueue_indirect_dma source(%arg10 : memref<128x64xf32, #tpu.memory_space<vmem>>) target(%dma_start3A_95 : memref<10112x64xf32, #tpu.memory_space<vmem_shared>>) offsets(%dma_start3A_92 : memref<128xi32, #tpu.memory_space<vmem>>) semaphore(%run_scoped3A_89 : memref<!tpu.dma_semaphore, #tpu.memory_space<semaphore_mem>>) {add = true}
        %dma_wait3A = arith.constant 0 : i32
        %dma_wait3A_96 = tpu.memref_slice %arg8[%run_scoped3A_88, %dma_wait3A] : memref<8x128xi32, #tpu.memory_space<vmem>> -> memref<1x128xi32, #tpu.memory_space<vmem>>
        %dma_wait3A_97 = tpu.memref_squeeze %dma_wait3A_96 : memref<1x128xi32, #tpu.memory_space<vmem>> -> memref<128xi32, #tpu.memory_space<vmem>>
        %dma_wait3A_98 = arith.constant 0 : i32
        %dma_wait3A_99 = arith.constant 0 : i32
        %dma_wait3A_100 = tpu.memref_slice %arg15[%dma_wait3A_98, %dma_wait3A_99] : memref<10112x64xf32, #tpu.memory_space<vmem_shared>> -> memref<10112x64xf32, #tpu.memory_space<vmem_shared>>
        tpu.wait_indirect_dma semaphore(%run_scoped3A_89 : memref<!tpu.dma_semaphore, #tpu.memory_space<semaphore_mem>>) src(%arg10 : memref<128x64xf32, #tpu.memory_space<vmem>>) dst(%dma_wait3A_100 : memref<10112x64xf32, #tpu.memory_space<vmem_shared>>)
        tpu.yield
      }) : () -> ()
    }
    %scan3A_37 = arith.constant 20 : i32
    %barrier3A_38 = arith.constant 0 : index
    tpu.barrier barrier_id(%barrier3A_38)
    %add3A_39 = arith.constant 0 : i32
    %add3A_40 = arith.addi %mul3A_0, %add3A_39 : i32
    "tpu.region"() ({
      %run_scoped3A = tpu.sem_alloc : memref<!tpu.dma_semaphore, #tpu.memory_space<semaphore_mem>>
      %dma_start3A = arith.constant 0 : i32
      %dma_start3A_59 = arith.constant 0 : i32
      %dma_start3A_60 = tpu.memref_slice %arg9[%dma_start3A, %dma_start3A_59] : memref<128x64xf32, #tpu.memory_space<vmem>> -> memref<128x64xf32, #tpu.memory_space<vmem>>
      %dma_start3A_61 = arith.constant 0 : i32
      %dma_start3A_62 = tpu.memref_slice %arg15[%add3A_40, %dma_start3A_61] : memref<10112x64xf32, #tpu.memory_space<vmem_shared>> -> memref<128x64xf32, #tpu.memory_space<vmem_shared>>
      %dma_start3A_63 = arith.constant 0 : i32
      %dma_start3A_64 = arith.constant 0 : i32
      %dma_start3A_65 = tpu.memref_slice %arg9[%dma_start3A_63, %dma_start3A_64] : memref<128x64xf32, #tpu.memory_space<vmem>> -> memref<128x64xf32, #tpu.memory_space<vmem>>
      %dma_start3A_66 = arith.constant 0 : i32
      %dma_start3A_67 = tpu.memref_slice %arg15[%add3A_40, %dma_start3A_66] : memref<10112x64xf32, #tpu.memory_space<vmem_shared>> -> memref<128x64xf32, #tpu.memory_space<vmem_shared>>
      tpu.enqueue_dma source(%dma_start3A_67 : memref<128x64xf32, #tpu.memory_space<vmem_shared>>) target(%dma_start3A_65 : memref<128x64xf32, #tpu.memory_space<vmem>>) target_semaphore(%run_scoped3A : memref<!tpu.dma_semaphore, #tpu.memory_space<semaphore_mem>>)
      %dma_wait3A = arith.constant 0 : i32
      %dma_wait3A_68 = arith.constant 0 : i32
      %dma_wait3A_69 = tpu.memref_slice %arg9[%dma_wait3A, %dma_wait3A_68] : memref<128x64xf32, #tpu.memory_space<vmem>> -> memref<128x64xf32, #tpu.memory_space<vmem>>
      %dma_wait3A_70 = arith.constant 0 : i32
      %dma_wait3A_71 = tpu.memref_slice %arg15[%add3A_40, %dma_wait3A_70] : memref<10112x64xf32, #tpu.memory_space<vmem_shared>> -> memref<128x64xf32, #tpu.memory_space<vmem_shared>>
      %dma_wait3A_72 = arith.constant 0 : i32
      %dma_wait3A_73 = arith.constant 0 : i32
      %dma_wait3A_74 = tpu.memref_slice %arg9[%dma_wait3A_72, %dma_wait3A_73] : memref<128x64xf32, #tpu.memory_space<vmem>> -> memref<128x64xf32, #tpu.memory_space<vmem>>
      %dma_wait3A_75 = arith.constant 0 : i32
      %dma_wait3A_76 = tpu.memref_slice %arg15[%add3A_40, %dma_wait3A_75] : memref<10112x64xf32, #tpu.memory_space<vmem_shared>> -> memref<128x64xf32, #tpu.memory_space<vmem_shared>>
      tpu.wait_dma2 semaphore(%run_scoped3A : memref<!tpu.dma_semaphore, #tpu.memory_space<semaphore_mem>>) src(%dma_wait3A_76 : memref<128x64xf32, #tpu.memory_space<vmem_shared>>) dst(%dma_wait3A_74 : memref<128x64xf32, #tpu.memory_space<vmem>>)
      tpu.yield
    }) : () -> ()
    %add3A_41 = arith.constant 0 : i32
    %add3A_42 = arith.addi %mul3A_0, %add3A_41 : i32
    "tpu.region"() ({
      %run_scoped3A = tpu.sem_alloc : memref<!tpu.dma_semaphore, #tpu.memory_space<semaphore_mem>>
      %dma_start3A = arith.constant 0 : i32
      %dma_start3A_59 = arith.constant 0 : i32
      %dma_start3A_60 = tpu.memref_slice %arg9[%dma_start3A, %dma_start3A_59] : memref<128x64xf32, #tpu.memory_space<vmem>> -> memref<128x64xf32, #tpu.memory_space<vmem>>
      %dma_start3A_61 = tpu.memref_slice %arg6[%add3A_42, %mul3A_2] : memref<10112x128xf32, #tpu.memory_space<hbm>> -> memref<128x64xf32, #tpu.memory_space<hbm>>
      %dma_start3A_62 = tpu.memref_slice %arg6[%add3A_42, %mul3A_2] : memref<10112x128xf32, #tpu.memory_space<hbm>> -> memref<128x64xf32, #tpu.memory_space<hbm>>
      %dma_start3A_63 = arith.constant 0 : i32
      %dma_start3A_64 = arith.constant 0 : i32
      %dma_start3A_65 = tpu.memref_slice %arg9[%dma_start3A_63, %dma_start3A_64] : memref<128x64xf32, #tpu.memory_space<vmem>> -> memref<128x64xf32, #tpu.memory_space<vmem>>
      tpu.enqueue_dma source(%dma_start3A_65 : memref<128x64xf32, #tpu.memory_space<vmem>>) target(%dma_start3A_62 : memref<128x64xf32, #tpu.memory_space<hbm>>) target_semaphore(%run_scoped3A : memref<!tpu.dma_semaphore, #tpu.memory_space<semaphore_mem>>)
      %dma_wait3A = arith.constant 0 : i32
      %dma_wait3A_66 = arith.constant 0 : i32
      %dma_wait3A_67 = tpu.memref_slice %arg9[%dma_wait3A, %dma_wait3A_66] : memref<128x64xf32, #tpu.memory_space<vmem>> -> memref<128x64xf32, #tpu.memory_space<vmem>>
      %dma_wait3A_68 = tpu.memref_slice %arg6[%add3A_42, %mul3A_2] : memref<10112x128xf32, #tpu.memory_space<hbm>> -> memref<128x64xf32, #tpu.memory_space<hbm>>
      %dma_wait3A_69 = tpu.memref_slice %arg6[%add3A_42, %mul3A_2] : memref<10112x128xf32, #tpu.memory_space<hbm>> -> memref<128x64xf32, #tpu.memory_space<hbm>>
      %dma_wait3A_70 = arith.constant 0 : i32
      %dma_wait3A_71 = arith.constant 0 : i32
      %dma_wait3A_72 = tpu.memref_slice %arg9[%dma_wait3A_70, %dma_wait3A_71] : memref<128x64xf32, #tpu.memory_space<vmem>> -> memref<128x64xf32, #tpu.memory_space<vmem>>
      tpu.wait_dma2 semaphore(%run_scoped3A : memref<!tpu.dma_semaphore, #tpu.memory_space<semaphore_mem>>) src(%dma_wait3A_72 : memref<128x64xf32, #tpu.memory_space<vmem>>) dst(%dma_wait3A_69 : memref<128x64xf32, #tpu.memory_space<hbm>>)
      tpu.yield
    }) : () -> ()
    %add3A_43 = arith.constant 128 : i32
    %add3A_44 = arith.addi %mul3A_0, %add3A_43 : i32
    "tpu.region"() ({
      %run_scoped3A = tpu.sem_alloc : memref<!tpu.dma_semaphore, #tpu.memory_space<semaphore_mem>>
      %dma_start3A = arith.constant 0 : i32
      %dma_start3A_59 = arith.constant 0 : i32
      %dma_start3A_60 = tpu.memref_slice %arg9[%dma_start3A, %dma_start3A_59] : memref<128x64xf32, #tpu.memory_space<vmem>> -> memref<128x64xf32, #tpu.memory_space<vmem>>
      %dma_start3A_61 = arith.constant 0 : i32
      %dma_start3A_62 = tpu.memref_slice %arg15[%add3A_44, %dma_start3A_61] : memref<10112x64xf32, #tpu.memory_space<vmem_shared>> -> memref<128x64xf32, #tpu.memory_space<vmem_shared>>
      %dma_start3A_63 = arith.constant 0 : i32
      %dma_start3A_64 = arith.constant 0 : i32
      %dma_start3A_65 = tpu.memref_slice %arg9[%dma_start3A_63, %dma_start3A_64] : memref<128x64xf32, #tpu.memory_space<vmem>> -> memref<128x64xf32, #tpu.memory_space<vmem>>
      %dma_start3A_66 = arith.constant 0 : i32
      %dma_start3A_67 = tpu.memref_slice %arg15[%add3A_44, %dma_start3A_66] : memref<10112x64xf32, #tpu.memory_space<vmem_shared>> -> memref<128x64xf32, #tpu.memory_space<vmem_shared>>
      tpu.enqueue_dma source(%dma_start3A_67 : memref<128x64xf32, #tpu.memory_space<vmem_shared>>) target(%dma_start3A_65 : memref<128x64xf32, #tpu.memory_space<vmem>>) target_semaphore(%run_scoped3A : memref<!tpu.dma_semaphore, #tpu.memory_space<semaphore_mem>>)
      %dma_wait3A = arith.constant 0 : i32
      %dma_wait3A_68 = arith.constant 0 : i32
      %dma_wait3A_69 = tpu.memref_slice %arg9[%dma_wait3A, %dma_wait3A_68] : memref<128x64xf32, #tpu.memory_space<vmem>> -> memref<128x64xf32, #tpu.memory_space<vmem>>
      %dma_wait3A_70 = arith.constant 0 : i32
      %dma_wait3A_71 = tpu.memref_slice %arg15[%add3A_44, %dma_wait3A_70] : memref<10112x64xf32, #tpu.memory_space<vmem_shared>> -> memref<128x64xf32, #tpu.memory_space<vmem_shared>>
      %dma_wait3A_72 = arith.constant 0 : i32
      %dma_wait3A_73 = arith.constant 0 : i32
      %dma_wait3A_74 = tpu.memref_slice %arg9[%dma_wait3A_72, %dma_wait3A_73] : memref<128x64xf32, #tpu.memory_space<vmem>> -> memref<128x64xf32, #tpu.memory_space<vmem>>
      %dma_wait3A_75 = arith.constant 0 : i32
      %dma_wait3A_76 = tpu.memref_slice %arg15[%add3A_44, %dma_wait3A_75] : memref<10112x64xf32, #tpu.memory_space<vmem_shared>> -> memref<128x64xf32, #tpu.memory_space<vmem_shared>>
      tpu.wait_dma2 semaphore(%run_scoped3A : memref<!tpu.dma_semaphore, #tpu.memory_space<semaphore_mem>>) src(%dma_wait3A_76 : memref<128x64xf32, #tpu.memory_space<vmem_shared>>) dst(%dma_wait3A_74 : memref<128x64xf32, #tpu.memory_space<vmem>>)
      tpu.yield
    }) : () -> ()
    %add3A_45 = arith.constant 128 : i32
    %add3A_46 = arith.addi %mul3A_0, %add3A_45 : i32
    "tpu.region"() ({
      %run_scoped3A = tpu.sem_alloc : memref<!tpu.dma_semaphore, #tpu.memory_space<semaphore_mem>>
      %dma_start3A = arith.constant 0 : i32
      %dma_start3A_59 = arith.constant 0 : i32
      %dma_start3A_60 = tpu.memref_slice %arg9[%dma_start3A, %dma_start3A_59] : memref<128x64xf32, #tpu.memory_space<vmem>> -> memref<128x64xf32, #tpu.memory_space<vmem>>
      %dma_start3A_61 = tpu.memref_slice %arg6[%add3A_46, %mul3A_2] : memref<10112x128xf32, #tpu.memory_space<hbm>> -> memref<128x64xf32, #tpu.memory_space<hbm>>
      %dma_start3A_62 = tpu.memref_slice %arg6[%add3A_46, %mul3A_2] : memref<10112x128xf32, #tpu.memory_space<hbm>> -> memref<128x64xf32, #tpu.memory_space<hbm>>
      %dma_start3A_63 = arith.constant 0 : i32
      %dma_start3A_64 = arith.constant 0 : i32
      %dma_start3A_65 = tpu.memref_slice %arg9[%dma_start3A_63, %dma_start3A_64] : memref<128x64xf32, #tpu.memory_space<vmem>> -> memref<128x64xf32, #tpu.memory_space<vmem>>
      tpu.enqueue_dma source(%dma_start3A_65 : memref<128x64xf32, #tpu.memory_space<vmem>>) target(%dma_start3A_62 : memref<128x64xf32, #tpu.memory_space<hbm>>) target_semaphore(%run_scoped3A : memref<!tpu.dma_semaphore, #tpu.memory_space<semaphore_mem>>)
      %dma_wait3A = arith.constant 0 : i32
      %dma_wait3A_66 = arith.constant 0 : i32
      %dma_wait3A_67 = tpu.memref_slice %arg9[%dma_wait3A, %dma_wait3A_66] : memref<128x64xf32, #tpu.memory_space<vmem>> -> memref<128x64xf32, #tpu.memory_space<vmem>>
      %dma_wait3A_68 = tpu.memref_slice %arg6[%add3A_46, %mul3A_2] : memref<10112x128xf32, #tpu.memory_space<hbm>> -> memref<128x64xf32, #tpu.memory_space<hbm>>
      %dma_wait3A_69 = tpu.memref_slice %arg6[%add3A_46, %mul3A_2] : memref<10112x128xf32, #tpu.memory_space<hbm>> -> memref<128x64xf32, #tpu.memory_space<hbm>>
      %dma_wait3A_70 = arith.constant 0 : i32
      %dma_wait3A_71 = arith.constant 0 : i32
      %dma_wait3A_72 = tpu.memref_slice %arg9[%dma_wait3A_70, %dma_wait3A_71] : memref<128x64xf32, #tpu.memory_space<vmem>> -> memref<128x64xf32, #tpu.memory_space<vmem>>
      tpu.wait_dma2 semaphore(%run_scoped3A : memref<!tpu.dma_semaphore, #tpu.memory_space<semaphore_mem>>) src(%dma_wait3A_72 : memref<128x64xf32, #tpu.memory_space<vmem>>) dst(%dma_wait3A_69 : memref<128x64xf32, #tpu.memory_space<hbm>>)
      tpu.yield
    }) : () -> ()
    %add3A_47 = arith.constant 256 : i32
    %add3A_48 = arith.addi %mul3A_0, %add3A_47 : i32
    "tpu.region"() ({
      %run_scoped3A = tpu.sem_alloc : memref<!tpu.dma_semaphore, #tpu.memory_space<semaphore_mem>>
      %dma_start3A = arith.constant 0 : i32
      %dma_start3A_59 = arith.constant 0 : i32
      %dma_start3A_60 = tpu.memref_slice %arg9[%dma_start3A, %dma_start3A_59] : memref<128x64xf32, #tpu.memory_space<vmem>> -> memref<128x64xf32, #tpu.memory_space<vmem>>
      %dma_start3A_61 = arith.constant 0 : i32
      %dma_start3A_62 = tpu.memref_slice %arg15[%add3A_48, %dma_start3A_61] : memref<10112x64xf32, #tpu.memory_space<vmem_shared>> -> memref<128x64xf32, #tpu.memory_space<vmem_shared>>
      %dma_start3A_63 = arith.constant 0 : i32
      %dma_start3A_64 = arith.constant 0 : i32
      %dma_start3A_65 = tpu.memref_slice %arg9[%dma_start3A_63, %dma_start3A_64] : memref<128x64xf32, #tpu.memory_space<vmem>> -> memref<128x64xf32, #tpu.memory_space<vmem>>
      %dma_start3A_66 = arith.constant 0 : i32
      %dma_start3A_67 = tpu.memref_slice %arg15[%add3A_48, %dma_start3A_66] : memref<10112x64xf32, #tpu.memory_space<vmem_shared>> -> memref<128x64xf32, #tpu.memory_space<vmem_shared>>
      tpu.enqueue_dma source(%dma_start3A_67 : memref<128x64xf32, #tpu.memory_space<vmem_shared>>) target(%dma_start3A_65 : memref<128x64xf32, #tpu.memory_space<vmem>>) target_semaphore(%run_scoped3A : memref<!tpu.dma_semaphore, #tpu.memory_space<semaphore_mem>>)
      %dma_wait3A = arith.constant 0 : i32
      %dma_wait3A_68 = arith.constant 0 : i32
      %dma_wait3A_69 = tpu.memref_slice %arg9[%dma_wait3A, %dma_wait3A_68] : memref<128x64xf32, #tpu.memory_space<vmem>> -> memref<128x64xf32, #tpu.memory_space<vmem>>
      %dma_wait3A_70 = arith.constant 0 : i32
      %dma_wait3A_71 = tpu.memref_slice %arg15[%add3A_48, %dma_wait3A_70] : memref<10112x64xf32, #tpu.memory_space<vmem_shared>> -> memref<128x64xf32, #tpu.memory_space<vmem_shared>>
      %dma_wait3A_72 = arith.constant 0 : i32
      %dma_wait3A_73 = arith.constant 0 : i32
      %dma_wait3A_74 = tpu.memref_slice %arg9[%dma_wait3A_72, %dma_wait3A_73] : memref<128x64xf32, #tpu.memory_space<vmem>> -> memref<128x64xf32, #tpu.memory_space<vmem>>
      %dma_wait3A_75 = arith.constant 0 : i32
      %dma_wait3A_76 = tpu.memref_slice %arg15[%add3A_48, %dma_wait3A_75] : memref<10112x64xf32, #tpu.memory_space<vmem_shared>> -> memref<128x64xf32, #tpu.memory_space<vmem_shared>>
      tpu.wait_dma2 semaphore(%run_scoped3A : memref<!tpu.dma_semaphore, #tpu.memory_space<semaphore_mem>>) src(%dma_wait3A_76 : memref<128x64xf32, #tpu.memory_space<vmem_shared>>) dst(%dma_wait3A_74 : memref<128x64xf32, #tpu.memory_space<vmem>>)
      tpu.yield
    }) : () -> ()
    %add3A_49 = arith.constant 256 : i32
    %add3A_50 = arith.addi %mul3A_0, %add3A_49 : i32
    "tpu.region"() ({
      %run_scoped3A = tpu.sem_alloc : memref<!tpu.dma_semaphore, #tpu.memory_space<semaphore_mem>>
      %dma_start3A = arith.constant 0 : i32
      %dma_start3A_59 = arith.constant 0 : i32
      %dma_start3A_60 = tpu.memref_slice %arg9[%dma_start3A, %dma_start3A_59] : memref<128x64xf32, #tpu.memory_space<vmem>> -> memref<128x64xf32, #tpu.memory_space<vmem>>
      %dma_start3A_61 = tpu.memref_slice %arg6[%add3A_50, %mul3A_2] : memref<10112x128xf32, #tpu.memory_space<hbm>> -> memref<128x64xf32, #tpu.memory_space<hbm>>
      %dma_start3A_62 = tpu.memref_slice %arg6[%add3A_50, %mul3A_2] : memref<10112x128xf32, #tpu.memory_space<hbm>> -> memref<128x64xf32, #tpu.memory_space<hbm>>
      %dma_start3A_63 = arith.constant 0 : i32
      %dma_start3A_64 = arith.constant 0 : i32
      %dma_start3A_65 = tpu.memref_slice %arg9[%dma_start3A_63, %dma_start3A_64] : memref<128x64xf32, #tpu.memory_space<vmem>> -> memref<128x64xf32, #tpu.memory_space<vmem>>
      tpu.enqueue_dma source(%dma_start3A_65 : memref<128x64xf32, #tpu.memory_space<vmem>>) target(%dma_start3A_62 : memref<128x64xf32, #tpu.memory_space<hbm>>) target_semaphore(%run_scoped3A : memref<!tpu.dma_semaphore, #tpu.memory_space<semaphore_mem>>)
      %dma_wait3A = arith.constant 0 : i32
      %dma_wait3A_66 = arith.constant 0 : i32
      %dma_wait3A_67 = tpu.memref_slice %arg9[%dma_wait3A, %dma_wait3A_66] : memref<128x64xf32, #tpu.memory_space<vmem>> -> memref<128x64xf32, #tpu.memory_space<vmem>>
      %dma_wait3A_68 = tpu.memref_slice %arg6[%add3A_50, %mul3A_2] : memref<10112x128xf32, #tpu.memory_space<hbm>> -> memref<128x64xf32, #tpu.memory_space<hbm>>
      %dma_wait3A_69 = tpu.memref_slice %arg6[%add3A_50, %mul3A_2] : memref<10112x128xf32, #tpu.memory_space<hbm>> -> memref<128x64xf32, #tpu.memory_space<hbm>>
      %dma_wait3A_70 = arith.constant 0 : i32
      %dma_wait3A_71 = arith.constant 0 : i32
      %dma_wait3A_72 = tpu.memref_slice %arg9[%dma_wait3A_70, %dma_wait3A_71] : memref<128x64xf32, #tpu.memory_space<vmem>> -> memref<128x64xf32, #tpu.memory_space<vmem>>
      tpu.wait_dma2 semaphore(%run_scoped3A : memref<!tpu.dma_semaphore, #tpu.memory_space<semaphore_mem>>) src(%dma_wait3A_72 : memref<128x64xf32, #tpu.memory_space<vmem>>) dst(%dma_wait3A_69 : memref<128x64xf32, #tpu.memory_space<hbm>>)
      tpu.yield
    }) : () -> ()
    %add3A_51 = arith.constant 384 : i32
    %add3A_52 = arith.addi %mul3A_0, %add3A_51 : i32
    "tpu.region"() ({
      %run_scoped3A = tpu.sem_alloc : memref<!tpu.dma_semaphore, #tpu.memory_space<semaphore_mem>>
      %dma_start3A = arith.constant 0 : i32
      %dma_start3A_59 = arith.constant 0 : i32
      %dma_start3A_60 = tpu.memref_slice %arg9[%dma_start3A, %dma_start3A_59] : memref<128x64xf32, #tpu.memory_space<vmem>> -> memref<128x64xf32, #tpu.memory_space<vmem>>
      %dma_start3A_61 = arith.constant 0 : i32
      %dma_start3A_62 = tpu.memref_slice %arg15[%add3A_52, %dma_start3A_61] : memref<10112x64xf32, #tpu.memory_space<vmem_shared>> -> memref<128x64xf32, #tpu.memory_space<vmem_shared>>
      %dma_start3A_63 = arith.constant 0 : i32
      %dma_start3A_64 = arith.constant 0 : i32
      %dma_start3A_65 = tpu.memref_slice %arg9[%dma_start3A_63, %dma_start3A_64] : memref<128x64xf32, #tpu.memory_space<vmem>> -> memref<128x64xf32, #tpu.memory_space<vmem>>
      %dma_start3A_66 = arith.constant 0 : i32
      %dma_start3A_67 = tpu.memref_slice %arg15[%add3A_52, %dma_start3A_66] : memref<10112x64xf32, #tpu.memory_space<vmem_shared>> -> memref<128x64xf32, #tpu.memory_space<vmem_shared>>
      tpu.enqueue_dma source(%dma_start3A_67 : memref<128x64xf32, #tpu.memory_space<vmem_shared>>) target(%dma_start3A_65 : memref<128x64xf32, #tpu.memory_space<vmem>>) target_semaphore(%run_scoped3A : memref<!tpu.dma_semaphore, #tpu.memory_space<semaphore_mem>>)
      %dma_wait3A = arith.constant 0 : i32
      %dma_wait3A_68 = arith.constant 0 : i32
      %dma_wait3A_69 = tpu.memref_slice %arg9[%dma_wait3A, %dma_wait3A_68] : memref<128x64xf32, #tpu.memory_space<vmem>> -> memref<128x64xf32, #tpu.memory_space<vmem>>
      %dma_wait3A_70 = arith.constant 0 : i32
      %dma_wait3A_71 = tpu.memref_slice %arg15[%add3A_52, %dma_wait3A_70] : memref<10112x64xf32, #tpu.memory_space<vmem_shared>> -> memref<128x64xf32, #tpu.memory_space<vmem_shared>>
      %dma_wait3A_72 = arith.constant 0 : i32
      %dma_wait3A_73 = arith.constant 0 : i32
      %dma_wait3A_74 = tpu.memref_slice %arg9[%dma_wait3A_72, %dma_wait3A_73] : memref<128x64xf32, #tpu.memory_space<vmem>> -> memref<128x64xf32, #tpu.memory_space<vmem>>
      %dma_wait3A_75 = arith.constant 0 : i32
      %dma_wait3A_76 = tpu.memref_slice %arg15[%add3A_52, %dma_wait3A_75] : memref<10112x64xf32, #tpu.memory_space<vmem_shared>> -> memref<128x64xf32, #tpu.memory_space<vmem_shared>>
      tpu.wait_dma2 semaphore(%run_scoped3A : memref<!tpu.dma_semaphore, #tpu.memory_space<semaphore_mem>>) src(%dma_wait3A_76 : memref<128x64xf32, #tpu.memory_space<vmem_shared>>) dst(%dma_wait3A_74 : memref<128x64xf32, #tpu.memory_space<vmem>>)
      tpu.yield
    }) : () -> ()
    %add3A_53 = arith.constant 384 : i32
    %add3A_54 = arith.addi %mul3A_0, %add3A_53 : i32
    "tpu.region"() ({
      %run_scoped3A = tpu.sem_alloc : memref<!tpu.dma_semaphore, #tpu.memory_space<semaphore_mem>>
      %dma_start3A = arith.constant 0 : i32
      %dma_start3A_59 = arith.constant 0 : i32
      %dma_start3A_60 = tpu.memref_slice %arg9[%dma_start3A, %dma_start3A_59] : memref<128x64xf32, #tpu.memory_space<vmem>> -> memref<128x64xf32, #tpu.memory_space<vmem>>
      %dma_start3A_61 = tpu.memref_slice %arg6[%add3A_54, %mul3A_2] : memref<10112x128xf32, #tpu.memory_space<hbm>> -> memref<128x64xf32, #tpu.memory_space<hbm>>
      %dma_start3A_62 = tpu.memref_slice %arg6[%add3A_54, %mul3A_2] : memref<10112x128xf32, #tpu.memory_space<hbm>> -> memref<128x64xf32, #tpu.memory_space<hbm>>
      %dma_start3A_63 = arith.constant 0 : i32
      %dma_start3A_64 = arith.constant 0 : i32
      %dma_start3A_65 = tpu.memref_slice %arg9[%dma_start3A_63, %dma_start3A_64] : memref<128x64xf32, #tpu.memory_space<vmem>> -> memref<128x64xf32, #tpu.memory_space<vmem>>
      tpu.enqueue_dma source(%dma_start3A_65 : memref<128x64xf32, #tpu.memory_space<vmem>>) target(%dma_start3A_62 : memref<128x64xf32, #tpu.memory_space<hbm>>) target_semaphore(%run_scoped3A : memref<!tpu.dma_semaphore, #tpu.memory_space<semaphore_mem>>)
      %dma_wait3A = arith.constant 0 : i32
      %dma_wait3A_66 = arith.constant 0 : i32
      %dma_wait3A_67 = tpu.memref_slice %arg9[%dma_wait3A, %dma_wait3A_66] : memref<128x64xf32, #tpu.memory_space<vmem>> -> memref<128x64xf32, #tpu.memory_space<vmem>>
      %dma_wait3A_68 = tpu.memref_slice %arg6[%add3A_54, %mul3A_2] : memref<10112x128xf32, #tpu.memory_space<hbm>> -> memref<128x64xf32, #tpu.memory_space<hbm>>
      %dma_wait3A_69 = tpu.memref_slice %arg6[%add3A_54, %mul3A_2] : memref<10112x128xf32, #tpu.memory_space<hbm>> -> memref<128x64xf32, #tpu.memory_space<hbm>>
      %dma_wait3A_70 = arith.constant 0 : i32
      %dma_wait3A_71 = arith.constant 0 : i32
      %dma_wait3A_72 = tpu.memref_slice %arg9[%dma_wait3A_70, %dma_wait3A_71] : memref<128x64xf32, #tpu.memory_space<vmem>> -> memref<128x64xf32, #tpu.memory_space<vmem>>
      tpu.wait_dma2 semaphore(%run_scoped3A : memref<!tpu.dma_semaphore, #tpu.memory_space<semaphore_mem>>) src(%dma_wait3A_72 : memref<128x64xf32, #tpu.memory_space<vmem>>) dst(%dma_wait3A_69 : memref<128x64xf32, #tpu.memory_space<hbm>>)
      tpu.yield
    }) : () -> ()
    %add3A_55 = arith.constant 512 : i32
    %add3A_56 = arith.addi %mul3A_0, %add3A_55 : i32
    "tpu.region"() ({
      %run_scoped3A = tpu.sem_alloc : memref<!tpu.dma_semaphore, #tpu.memory_space<semaphore_mem>>
      %dma_start3A = arith.constant 0 : i32
      %dma_start3A_59 = arith.constant 0 : i32
      %dma_start3A_60 = tpu.memref_slice %arg9[%dma_start3A, %dma_start3A_59] : memref<128x64xf32, #tpu.memory_space<vmem>> -> memref<120x64xf32, #tpu.memory_space<vmem>>
      %dma_start3A_61 = arith.constant 0 : i32
      %dma_start3A_62 = tpu.memref_slice %arg15[%add3A_56, %dma_start3A_61] : memref<10112x64xf32, #tpu.memory_space<vmem_shared>> -> memref<120x64xf32, #tpu.memory_space<vmem_shared>>
      %dma_start3A_63 = arith.constant 0 : i32
      %dma_start3A_64 = arith.constant 0 : i32
      %dma_start3A_65 = tpu.memref_slice %arg9[%dma_start3A_63, %dma_start3A_64] : memref<128x64xf32, #tpu.memory_space<vmem>> -> memref<120x64xf32, #tpu.memory_space<vmem>>
      %dma_start3A_66 = arith.constant 0 : i32
      %dma_start3A_67 = tpu.memref_slice %arg15[%add3A_56, %dma_start3A_66] : memref<10112x64xf32, #tpu.memory_space<vmem_shared>> -> memref<120x64xf32, #tpu.memory_space<vmem_shared>>
      tpu.enqueue_dma source(%dma_start3A_67 : memref<120x64xf32, #tpu.memory_space<vmem_shared>>) target(%dma_start3A_65 : memref<120x64xf32, #tpu.memory_space<vmem>>) target_semaphore(%run_scoped3A : memref<!tpu.dma_semaphore, #tpu.memory_space<semaphore_mem>>)
      %dma_wait3A = arith.constant 0 : i32
      %dma_wait3A_68 = arith.constant 0 : i32
      %dma_wait3A_69 = tpu.memref_slice %arg9[%dma_wait3A, %dma_wait3A_68] : memref<128x64xf32, #tpu.memory_space<vmem>> -> memref<120x64xf32, #tpu.memory_space<vmem>>
      %dma_wait3A_70 = arith.constant 0 : i32
      %dma_wait3A_71 = tpu.memref_slice %arg15[%add3A_56, %dma_wait3A_70] : memref<10112x64xf32, #tpu.memory_space<vmem_shared>> -> memref<120x64xf32, #tpu.memory_space<vmem_shared>>
      %dma_wait3A_72 = arith.constant 0 : i32
      %dma_wait3A_73 = arith.constant 0 : i32
      %dma_wait3A_74 = tpu.memref_slice %arg9[%dma_wait3A_72, %dma_wait3A_73] : memref<128x64xf32, #tpu.memory_space<vmem>> -> memref<120x64xf32, #tpu.memory_space<vmem>>
      %dma_wait3A_75 = arith.constant 0 : i32
      %dma_wait3A_76 = tpu.memref_slice %arg15[%add3A_56, %dma_wait3A_75] : memref<10112x64xf32, #tpu.memory_space<vmem_shared>> -> memref<120x64xf32, #tpu.memory_space<vmem_shared>>
      tpu.wait_dma2 semaphore(%run_scoped3A : memref<!tpu.dma_semaphore, #tpu.memory_space<semaphore_mem>>) src(%dma_wait3A_76 : memref<120x64xf32, #tpu.memory_space<vmem_shared>>) dst(%dma_wait3A_74 : memref<120x64xf32, #tpu.memory_space<vmem>>)
      tpu.yield
    }) : () -> ()
    %add3A_57 = arith.constant 512 : i32
    %add3A_58 = arith.addi %mul3A_0, %add3A_57 : i32
    "tpu.region"() ({
      %run_scoped3A = tpu.sem_alloc : memref<!tpu.dma_semaphore, #tpu.memory_space<semaphore_mem>>
      %dma_start3A = arith.constant 0 : i32
      %dma_start3A_59 = arith.constant 0 : i32
      %dma_start3A_60 = tpu.memref_slice %arg9[%dma_start3A, %dma_start3A_59] : memref<128x64xf32, #tpu.memory_space<vmem>> -> memref<120x64xf32, #tpu.memory_space<vmem>>
      %dma_start3A_61 = tpu.memref_slice %arg6[%add3A_58, %mul3A_2] : memref<10112x128xf32, #tpu.memory_space<hbm>> -> memref<120x64xf32, #tpu.memory_space<hbm>>
      %dma_start3A_62 = tpu.memref_slice %arg6[%add3A_58, %mul3A_2] : memref<10112x128xf32, #tpu.memory_space<hbm>> -> memref<120x64xf32, #tpu.memory_space<hbm>>
      %dma_start3A_63 = arith.constant 0 : i32
      %dma_start3A_64 = arith.constant 0 : i32
      %dma_start3A_65 = tpu.memref_slice %arg9[%dma_start3A_63, %dma_start3A_64] : memref<128x64xf32, #tpu.memory_space<vmem>> -> memref<120x64xf32, #tpu.memory_space<vmem>>
      tpu.enqueue_dma source(%dma_start3A_65 : memref<120x64xf32, #tpu.memory_space<vmem>>) target(%dma_start3A_62 : memref<120x64xf32, #tpu.memory_space<hbm>>) target_semaphore(%run_scoped3A : memref<!tpu.dma_semaphore, #tpu.memory_space<semaphore_mem>>)
      %dma_wait3A = arith.constant 0 : i32
      %dma_wait3A_66 = arith.constant 0 : i32
      %dma_wait3A_67 = tpu.memref_slice %arg9[%dma_wait3A, %dma_wait3A_66] : memref<128x64xf32, #tpu.memory_space<vmem>> -> memref<120x64xf32, #tpu.memory_space<vmem>>
      %dma_wait3A_68 = tpu.memref_slice %arg6[%add3A_58, %mul3A_2] : memref<10112x128xf32, #tpu.memory_space<hbm>> -> memref<120x64xf32, #tpu.memory_space<hbm>>
      %dma_wait3A_69 = tpu.memref_slice %arg6[%add3A_58, %mul3A_2] : memref<10112x128xf32, #tpu.memory_space<hbm>> -> memref<120x64xf32, #tpu.memory_space<hbm>>
      %dma_wait3A_70 = arith.constant 0 : i32
      %dma_wait3A_71 = arith.constant 0 : i32
      %dma_wait3A_72 = tpu.memref_slice %arg9[%dma_wait3A_70, %dma_wait3A_71] : memref<128x64xf32, #tpu.memory_space<vmem>> -> memref<120x64xf32, #tpu.memory_space<vmem>>
      tpu.wait_dma2 semaphore(%run_scoped3A : memref<!tpu.dma_semaphore, #tpu.memory_space<semaphore_mem>>) src(%dma_wait3A_72 : memref<120x64xf32, #tpu.memory_space<vmem>>) dst(%dma_wait3A_69 : memref<120x64xf32, #tpu.memory_space<hbm>>)
      tpu.yield
    }) : () -> ()
    return
  }
}

module attributes {stable_mosaic.version = 14 : i64} {
  func.func @_layer_body(%arg0: i32, %arg1: memref<632x128xf32, #tpu.memory_space<vmem>>, %arg2: memref<632x1xf32, #tpu.memory_space<vmem>>, %arg3: memref<632x128xf32, #tpu.memory_space<vmem>>, %arg4: memref<128x128xf32, #tpu.memory_space<vmem>>, %arg5: memref<128x128xf32, #tpu.memory_space<vmem>>, %arg6: memref<1x128xf32, #tpu.memory_space<vmem>>, %arg7: memref<632x128xf32, #tpu.memory_space<vmem>>) attributes {dimension_semantics = [#tpu.dimension_semantics<arbitrary>], iteration_bounds = array<i64: 16>, scalar_prefetch = 0 : i64, scratch_operands = 0 : i64, tpu.core_type = #tpu.core_type<tc>, window_params = [{transform_indices = @transform_0, window_bounds = array<i64: 632, 128>}, {transform_indices = @transform_1, window_bounds = array<i64: 632, 1>}, {transform_indices = @transform_2, window_bounds = array<i64: 632, 128>}, {pipeline_mode = #tpu.pipeline_mode<synchronous>, transform_indices = @transform_3, window_bounds = array<i64: 128, 128>}, {pipeline_mode = #tpu.pipeline_mode<synchronous>, transform_indices = @transform_4, window_bounds = array<i64: 128, 128>}, {pipeline_mode = #tpu.pipeline_mode<synchronous>, transform_indices = @transform_5, window_bounds = array<i64: 1, 128>}, {transform_indices = @transform_6, window_bounds = array<i64: 632, 128>}]} {
    %get3A = arith.constant 0 : index
    %get3A_0 = arith.constant 0 : index
    %get3A_1 = vector.load %arg2[%get3A, %get3A_0] : memref<632x1xf32, #tpu.memory_space<vmem>>, vector<632x1xf32>
    %max3A = arith.constant 1.000000e+00 : f32
    %max3A_2 = vector.broadcast %max3A : f32 to vector<632x1xf32>
    %max3A_3 = arith.maximumf %get3A_1, %max3A_2 : vector<632x1xf32>
    %get3A_4 = arith.constant 0 : index
    %get3A_5 = arith.constant 0 : index
    %get3A_6 = vector.load %arg1[%get3A_4, %get3A_5] : memref<632x128xf32, #tpu.memory_space<vmem>>, vector<632x128xf32>
    %div3A = vector.broadcast %max3A_3 : vector<632x1xf32> to vector<632x128xf32>
    %div3A_7 = arith.divf %get3A_6, %div3A : vector<632x128xf32>
    %get3A_8 = arith.constant 0 : index
    %get3A_9 = arith.constant 0 : index
    %get3A_10 = vector.load %arg4[%get3A_8, %get3A_9] : memref<128x128xf32, #tpu.memory_space<vmem>>, vector<128x128xf32>
    %dot_general3A = arith.constant dense<0.000000e+00> : vector<632x128xf32>
    %dot_general3A_11 = tpu.matmul %div3A_7, %get3A_10, %dot_general3A {dimension_numbers = #tpu.dot_dimension_numbers<[1], [0], [0], [1], [0, 0, 1, 1], [], []>, precision = #tpu.contract_precision<fp32>, transpose_lhs_hint = false} : vector<632x128xf32>, vector<128x128xf32>, vector<632x128xf32> -> vector<632x128xf32>
    %get3A_12 = arith.constant 0 : index
    %get3A_13 = arith.constant 0 : index
    %get3A_14 = vector.load %arg3[%get3A_12, %get3A_13] : memref<632x128xf32, #tpu.memory_space<vmem>>, vector<632x128xf32>
    %get3A_15 = arith.constant 0 : index
    %get3A_16 = arith.constant 0 : index
    %get3A_17 = vector.load %arg5[%get3A_15, %get3A_16] : memref<128x128xf32, #tpu.memory_space<vmem>>, vector<128x128xf32>
    %dot_general3A_18 = arith.constant dense<0.000000e+00> : vector<632x128xf32>
    %dot_general3A_19 = tpu.matmul %get3A_14, %get3A_17, %dot_general3A_18 {dimension_numbers = #tpu.dot_dimension_numbers<[1], [0], [0], [1], [0, 0, 1, 1], [], []>, precision = #tpu.contract_precision<fp32>, transpose_lhs_hint = false} : vector<632x128xf32>, vector<128x128xf32>, vector<632x128xf32> -> vector<632x128xf32>
    %add3A = arith.addf %dot_general3A_11, %dot_general3A_19 : vector<632x128xf32>
    %get3A_20 = arith.constant 0 : index
    %get3A_21 = arith.constant 0 : index
    %get3A_22 = vector.load %arg6[%get3A_20, %get3A_21] : memref<1x128xf32, #tpu.memory_space<vmem>>, vector<1x128xf32>
    %add3A_23 = vector.broadcast %get3A_22 : vector<1x128xf32> to vector<632x128xf32>
    %add3A_24 = arith.addf %add3A, %add3A_23 : vector<632x128xf32>
    %swap3A = arith.constant 0 : index
    %swap3A_25 = arith.constant 0 : index
    %swap3A_26 = vector.load %arg7[%swap3A, %swap3A_25] : memref<632x128xf32, #tpu.memory_space<vmem>>, vector<632x128xf32>
    tpu.vector_store %arg7[%swap3A, %swap3A_25], %add3A_24 {strides = array<i32>} : memref<632x128xf32, #tpu.memory_space<vmem>>, vector<632x128xf32>,
    return
  }
  func.func @transform_0(%arg0: i32) -> (i32, i32) {
    %c0_i32 = arith.constant 0 : i32
    %c0_i32_0 = arith.constant 0 : i32
    return %arg0, %c0_i32 : i32, i32
  }
  func.func @transform_1(%arg0: i32) -> (i32, i32) {
    %c0_i32 = arith.constant 0 : i32
    %c0_i32_0 = arith.constant 0 : i32
    return %arg0, %c0_i32 : i32, i32
  }
  func.func @transform_2(%arg0: i32) -> (i32, i32) {
    %c0_i32 = arith.constant 0 : i32
    %c0_i32_0 = arith.constant 0 : i32
    return %arg0, %c0_i32 : i32, i32
  }
  func.func @transform_3(%arg0: i32) -> (i32, i32) {
    %c0_i32 = arith.constant 0 : i32
    %c0_i32_0 = arith.constant 0 : i32
    %c0_i32_1 = arith.constant 0 : i32
    return %c0_i32, %c0_i32_0 : i32, i32
  }
  func.func @transform_4(%arg0: i32) -> (i32, i32) {
    %c0_i32 = arith.constant 0 : i32
    %c0_i32_0 = arith.constant 0 : i32
    %c0_i32_1 = arith.constant 0 : i32
    return %c0_i32, %c0_i32_0 : i32, i32
  }
  func.func @transform_5(%arg0: i32) -> (i32, i32) {
    %c0_i32 = arith.constant 0 : i32
    %c0_i32_0 = arith.constant 0 : i32
    %c0_i32_1 = arith.constant 0 : i32
    return %c0_i32, %c0_i32_0 : i32, i32
  }
  func.func @transform_6(%arg0: i32) -> (i32, i32) {
    %c0_i32 = arith.constant 0 : i32
    %c0_i32_0 = arith.constant 0 : i32
    return %arg0, %c0_i32 : i32, i32
  }
}

module attributes {stable_mosaic.version = 14 : i64} {
  func.func @_final_body(%arg0: i32, %arg1: memref<632x128xf32, #tpu.memory_space<vmem>>, %arg2: memref<632x1xf32, #tpu.memory_space<vmem>>, %arg3: memref<632x128xf32, #tpu.memory_space<vmem>>, %arg4: memref<128x128xf32, #tpu.memory_space<vmem>>, %arg5: memref<128x128xf32, #tpu.memory_space<vmem>>, %arg6: memref<1x128xf32, #tpu.memory_space<vmem>>, %arg7: memref<632x1xi32, #tpu.memory_space<vmem>>, %arg8: memref<128x128xf32, #tpu.memory_space<vmem>>, %arg9: memref<128x128xf32, #tpu.memory_space<vmem>>, %arg10: memref<1x128xf32, #tpu.memory_space<vmem>>, %arg11: memref<128x128xf32, #tpu.memory_space<vmem>>, %arg12: memref<128x128xf32, #tpu.memory_space<vmem>>, %arg13: memref<128x128xf32, #tpu.memory_space<vmem>>, %arg14: memref<128x8xf32, #tpu.memory_space<vmem>>) attributes {dimension_semantics = [#tpu.dimension_semantics<arbitrary>], iteration_bounds = array<i64: 16>, scalar_prefetch = 0 : i64, scratch_operands = 3 : i64, tpu.core_type = #tpu.core_type<tc>, window_params = [{transform_indices = @transform_0, window_bounds = array<i64: 632, 128>}, {transform_indices = @transform_1, window_bounds = array<i64: 632, 1>}, {transform_indices = @transform_2, window_bounds = array<i64: 632, 128>}, {pipeline_mode = #tpu.pipeline_mode<synchronous>, transform_indices = @transform_3, window_bounds = array<i64: 128, 128>}, {pipeline_mode = #tpu.pipeline_mode<synchronous>, transform_indices = @transform_4, window_bounds = array<i64: 128, 128>}, {pipeline_mode = #tpu.pipeline_mode<synchronous>, transform_indices = @transform_5, window_bounds = array<i64: 1, 128>}, {transform_indices = @transform_6, window_bounds = array<i64: 632, 1>}, {pipeline_mode = #tpu.pipeline_mode<synchronous>, transform_indices = @transform_7, window_bounds = array<i64: 128, 128>}, {pipeline_mode = #tpu.pipeline_mode<synchronous>, transform_indices = @transform_8, window_bounds = array<i64: 128, 128>}, {pipeline_mode = #tpu.pipeline_mode<synchronous>, transform_indices = @transform_9, window_bounds = array<i64: 1, 128>}, {pipeline_mode = #tpu.pipeline_mode<synchronous>, transform_indices = @transform_10, window_bounds = array<i64: 128, 128>}]} {
    %eq3A = arith.constant 0 : i32
    %eq3A_0 = arith.cmpi eq, %arg0, %eq3A : i32
    %convert_element_type3A = arith.extui %eq3A_0 : i1 to i32
    %cond3A = arith.constant 0 : i32
    %cond3A_1 = arith.cmpi ne, %convert_element_type3A, %cond3A : i32
    scf.if %cond3A_1 {
      %broadcast_in_dim3A_66 = arith.constant 0.000000e+00 : f32
      %broadcast_in_dim3A_67 = vector.broadcast %broadcast_in_dim3A_66 : f32 to vector<128x128xf32>
      %swap3A_68 = arith.constant 0 : index
      %swap3A_69 = arith.constant 0 : index
      %swap3A_70 = vector.load %arg12[%swap3A_68, %swap3A_69] : memref<128x128xf32, #tpu.memory_space<vmem>>, vector<128x128xf32>
      tpu.vector_store %arg12[%swap3A_68, %swap3A_69], %broadcast_in_dim3A_67 {strides = array<i32>} : memref<128x128xf32, #tpu.memory_space<vmem>>, vector<128x128xf32>,
      %broadcast_in_dim3A_71 = arith.constant 0.000000e+00 : f32
      %broadcast_in_dim3A_72 = vector.broadcast %broadcast_in_dim3A_71 : f32 to vector<128x128xf32>
      %swap3A_73 = arith.constant 0 : index
      %swap3A_74 = arith.constant 0 : index
      %swap3A_75 = vector.load %arg13[%swap3A_73, %swap3A_74] : memref<128x128xf32, #tpu.memory_space<vmem>>, vector<128x128xf32>
      tpu.vector_store %arg13[%swap3A_73, %swap3A_74], %broadcast_in_dim3A_72 {strides = array<i32>} : memref<128x128xf32, #tpu.memory_space<vmem>>, vector<128x128xf32>,
      %broadcast_in_dim3A_76 = arith.constant 0.000000e+00 : f32
      %broadcast_in_dim3A_77 = vector.broadcast %broadcast_in_dim3A_76 : f32 to vector<128x8xf32>
      %swap3A_78 = arith.constant 0 : index
      %swap3A_79 = arith.constant 0 : index
      %swap3A_80 = vector.load %arg14[%swap3A_78, %swap3A_79] : memref<128x8xf32, #tpu.memory_space<vmem>>, vector<128x8xf32>
      tpu.vector_store %arg14[%swap3A_78, %swap3A_79], %broadcast_in_dim3A_77 {strides = array<i32>} : memref<128x8xf32, #tpu.memory_space<vmem>>, vector<128x8xf32>,
    } else {
    }
    %get3A = arith.constant 0 : index
    %get3A_2 = arith.constant 0 : index
    %get3A_3 = vector.load %arg2[%get3A, %get3A_2] : memref<632x1xf32, #tpu.memory_space<vmem>>, vector<632x1xf32>
    %max3A = arith.constant 1.000000e+00 : f32
    %max3A_4 = vector.broadcast %max3A : f32 to vector<632x1xf32>
    %max3A_5 = arith.maximumf %get3A_3, %max3A_4 : vector<632x1xf32>
    %get3A_6 = arith.constant 0 : index
    %get3A_7 = arith.constant 0 : index
    %get3A_8 = vector.load %arg1[%get3A_6, %get3A_7] : memref<632x128xf32, #tpu.memory_space<vmem>>, vector<632x128xf32>
    %div3A = vector.broadcast %max3A_5 : vector<632x1xf32> to vector<632x128xf32>
    %div3A_9 = arith.divf %get3A_8, %div3A : vector<632x128xf32>
    %get3A_10 = arith.constant 0 : index
    %get3A_11 = arith.constant 0 : index
    %get3A_12 = vector.load %arg3[%get3A_10, %get3A_11] : memref<632x128xf32, #tpu.memory_space<vmem>>, vector<632x128xf32>
    %get3A_13 = arith.constant 0 : index
    %get3A_14 = arith.constant 0 : index
    %get3A_15 = vector.load %arg4[%get3A_13, %get3A_14] : memref<128x128xf32, #tpu.memory_space<vmem>>, vector<128x128xf32>
    %dot_general3A = arith.constant dense<0.000000e+00> : vector<632x128xf32>
    %dot_general3A_16 = tpu.matmul %div3A_9, %get3A_15, %dot_general3A {dimension_numbers = #tpu.dot_dimension_numbers<[1], [0], [0], [1], [0, 0, 1, 1], [], []>, precision = #tpu.contract_precision<fp32>, transpose_lhs_hint = false} : vector<632x128xf32>, vector<128x128xf32>, vector<632x128xf32> -> vector<632x128xf32>
    %get3A_17 = arith.constant 0 : index
    %get3A_18 = arith.constant 0 : index
    %get3A_19 = vector.load %arg5[%get3A_17, %get3A_18] : memref<128x128xf32, #tpu.memory_space<vmem>>, vector<128x128xf32>
    %dot_general3A_20 = arith.constant dense<0.000000e+00> : vector<632x128xf32>
    %dot_general3A_21 = tpu.matmul %get3A_12, %get3A_19, %dot_general3A_20 {dimension_numbers = #tpu.dot_dimension_numbers<[1], [0], [0], [1], [0, 0, 1, 1], [], []>, precision = #tpu.contract_precision<fp32>, transpose_lhs_hint = false} : vector<632x128xf32>, vector<128x128xf32>, vector<632x128xf32> -> vector<632x128xf32>
    %add3A = arith.addf %dot_general3A_16, %dot_general3A_21 : vector<632x128xf32>
    %get3A_22 = arith.constant 0 : index
    %get3A_23 = arith.constant 0 : index
    %get3A_24 = vector.load %arg6[%get3A_22, %get3A_23] : memref<1x128xf32, #tpu.memory_space<vmem>>, vector<1x128xf32>
    %add3A_25 = vector.broadcast %get3A_24 : vector<1x128xf32> to vector<632x128xf32>
    %add3A_26 = arith.addf %add3A, %add3A_25 : vector<632x128xf32>
    %get3A_27 = arith.constant 0 : index
    %get3A_28 = arith.constant 0 : index
    %get3A_29 = vector.load %arg7[%get3A_27, %get3A_28] : memref<632x1xi32, #tpu.memory_space<vmem>>, vector<632x1xi32>
    %iota3A = tpu.iota {dimensions = array<i32: 1>} : vector<632x128xi32>
    %eq3A_30 = vector.broadcast %get3A_29 : vector<632x1xi32> to vector<632x128xi32>
    %eq3A_31 = arith.cmpi eq, %eq3A_30, %iota3A : vector<632x128xi32>
    %convert_element_type3A_32 = arith.extui %eq3A_31 : vector<632x128xi1> to vector<632x128xi32>
    %convert_element_type3A_33 = arith.sitofp %convert_element_type3A_32 : vector<632x128xi32> to vector<632x128xf32>
    %get3A_34 = arith.constant 0 : index
    %get3A_35 = arith.constant 0 : index
    %get3A_36 = vector.load %arg12[%get3A_34, %get3A_35] : memref<128x128xf32, #tpu.memory_space<vmem>>, vector<128x128xf32>
    %dot_general3A_37 = arith.constant dense<0.000000e+00> : vector<128x128xf32>
    %dot_general3A_38 = tpu.matmul %convert_element_type3A_33, %get3A_12, %dot_general3A_37 {dimension_numbers = #tpu.dot_dimension_numbers<[0], [0], [1], [1], [0, 1, 1, 1], [], []>, precision = #tpu.contract_precision<fp32>, transpose_lhs_hint = false} : vector<632x128xf32>, vector<632x128xf32>, vector<128x128xf32> -> vector<128x128xf32>
    %add3A_39 = arith.addf %get3A_36, %dot_general3A_38 : vector<128x128xf32>
    %swap3A = arith.constant 0 : index
    %swap3A_40 = arith.constant 0 : index
    %swap3A_41 = vector.load %arg12[%swap3A, %swap3A_40] : memref<128x128xf32, #tpu.memory_space<vmem>>, vector<128x128xf32>
    tpu.vector_store %arg12[%swap3A, %swap3A_40], %add3A_39 {strides = array<i32>} : memref<128x128xf32, #tpu.memory_space<vmem>>, vector<128x128xf32>,
    %get3A_42 = arith.constant 0 : index
    %get3A_43 = arith.constant 0 : index
    %get3A_44 = vector.load %arg13[%get3A_42, %get3A_43] : memref<128x128xf32, #tpu.memory_space<vmem>>, vector<128x128xf32>
    %dot_general3A_45 = arith.constant dense<0.000000e+00> : vector<128x128xf32>
    %dot_general3A_46 = tpu.matmul %convert_element_type3A_33, %add3A_26, %dot_general3A_45 {dimension_numbers = #tpu.dot_dimension_numbers<[0], [0], [1], [1], [0, 1, 1, 1], [], []>, precision = #tpu.contract_precision<fp32>, transpose_lhs_hint = false} : vector<632x128xf32>, vector<632x128xf32>, vector<128x128xf32> -> vector<128x128xf32>
    %add3A_47 = arith.addf %get3A_44, %dot_general3A_46 : vector<128x128xf32>
    %swap3A_48 = arith.constant 0 : index
    %swap3A_49 = arith.constant 0 : index
    %swap3A_50 = vector.load %arg13[%swap3A_48, %swap3A_49] : memref<128x128xf32, #tpu.memory_space<vmem>>, vector<128x128xf32>
    tpu.vector_store %arg13[%swap3A_48, %swap3A_49], %add3A_47 {strides = array<i32>} : memref<128x128xf32, #tpu.memory_space<vmem>>, vector<128x128xf32>,
    %get3A_51 = arith.constant 0 : index
    %get3A_52 = arith.constant 0 : index
    %get3A_53 = vector.load %arg14[%get3A_51, %get3A_52] : memref<128x8xf32, #tpu.memory_space<vmem>>, vector<128x8xf32>
    %broadcast_in_dim3A = arith.constant 1.000000e+00 : f32
    %broadcast_in_dim3A_54 = vector.broadcast %broadcast_in_dim3A : f32 to vector<632x8xf32>
    %dot_general3A_55 = arith.constant dense<0.000000e+00> : vector<128x8xf32>
    %dot_general3A_56 = tpu.matmul %convert_element_type3A_33, %broadcast_in_dim3A_54, %dot_general3A_55 {dimension_numbers = #tpu.dot_dimension_numbers<[0], [0], [1], [1], [0, 1, 1, 1], [], []>, precision = #tpu.contract_precision<fp32>, transpose_lhs_hint = false} : vector<632x128xf32>, vector<632x8xf32>, vector<128x8xf32> -> vector<128x8xf32>
    %add3A_57 = arith.addf %get3A_53, %dot_general3A_56 : vector<128x8xf32>
    %swap3A_58 = arith.constant 0 : index
    %swap3A_59 = arith.constant 0 : index
    %swap3A_60 = vector.load %arg14[%swap3A_58, %swap3A_59] : memref<128x8xf32, #tpu.memory_space<vmem>>, vector<128x8xf32>
    tpu.vector_store %arg14[%swap3A_58, %swap3A_59], %add3A_57 {strides = array<i32>} : memref<128x8xf32, #tpu.memory_space<vmem>>, vector<128x8xf32>,
    %eq3A_61 = arith.constant 15 : i32
    %eq3A_62 = arith.cmpi eq, %arg0, %eq3A_61 : i32
    %convert_element_type3A_63 = arith.extui %eq3A_62 : i1 to i32
    %cond3A_64 = arith.constant 0 : i32
    %cond3A_65 = arith.cmpi ne, %convert_element_type3A_63, %cond3A_64 : i32
    scf.if %cond3A_65 {
      %get3A_66 = arith.constant 0 : index
      %get3A_67 = arith.constant 0 : index
      %get3A_68 = vector.load %arg14[%get3A_66, %get3A_67] : memref<128x8xf32, #tpu.memory_space<vmem>>, vector<128x1xf32>
      %max3A_69 = arith.constant 1.000000e+00 : f32
      %max3A_70 = vector.broadcast %max3A_69 : f32 to vector<128x1xf32>
      %max3A_71 = arith.maximumf %get3A_68, %max3A_70 : vector<128x1xf32>
      %get3A_72 = arith.constant 0 : index
      %get3A_73 = arith.constant 0 : index
      %get3A_74 = vector.load %arg12[%get3A_72, %get3A_73] : memref<128x128xf32, #tpu.memory_space<vmem>>, vector<128x128xf32>
      %div3A_75 = vector.broadcast %max3A_71 : vector<128x1xf32> to vector<128x128xf32>
      %div3A_76 = arith.divf %get3A_74, %div3A_75 : vector<128x128xf32>
      %get3A_77 = arith.constant 0 : index
      %get3A_78 = arith.constant 0 : index
      %get3A_79 = vector.load %arg8[%get3A_77, %get3A_78] : memref<128x128xf32, #tpu.memory_space<vmem>>, vector<128x128xf32>
      %dot_general3A_80 = arith.constant dense<0.000000e+00> : vector<128x128xf32>
      %dot_general3A_81 = tpu.matmul %div3A_76, %get3A_79, %dot_general3A_80 {dimension_numbers = #tpu.dot_dimension_numbers<[1], [0], [0], [1], [0, 0, 1, 1], [], []>, precision = #tpu.contract_precision<fp32>, transpose_lhs_hint = false} : vector<128x128xf32>, vector<128x128xf32>, vector<128x128xf32> -> vector<128x128xf32>
      %get3A_82 = arith.constant 0 : index
      %get3A_83 = arith.constant 0 : index
      %get3A_84 = vector.load %arg13[%get3A_82, %get3A_83] : memref<128x128xf32, #tpu.memory_space<vmem>>, vector<128x128xf32>
      %div3A_85 = vector.broadcast %max3A_71 : vector<128x1xf32> to vector<128x128xf32>
      %div3A_86 = arith.divf %get3A_84, %div3A_85 : vector<128x128xf32>
      %get3A_87 = arith.constant 0 : index
      %get3A_88 = arith.constant 0 : index
      %get3A_89 = vector.load %arg9[%get3A_87, %get3A_88] : memref<128x128xf32, #tpu.memory_space<vmem>>, vector<128x128xf32>
      %dot_general3A_90 = arith.constant dense<0.000000e+00> : vector<128x128xf32>
      %dot_general3A_91 = tpu.matmul %div3A_86, %get3A_89, %dot_general3A_90 {dimension_numbers = #tpu.dot_dimension_numbers<[1], [0], [0], [1], [0, 0, 1, 1], [], []>, precision = #tpu.contract_precision<fp32>, transpose_lhs_hint = false} : vector<128x128xf32>, vector<128x128xf32>, vector<128x128xf32> -> vector<128x128xf32>
      %add3A_92 = arith.addf %dot_general3A_81, %dot_general3A_91 : vector<128x128xf32>
      %get3A_93 = arith.constant 0 : index
      %get3A_94 = arith.constant 0 : index
      %get3A_95 = vector.load %arg10[%get3A_93, %get3A_94] : memref<1x128xf32, #tpu.memory_space<vmem>>, vector<1x128xf32>
      %add3A_96 = vector.broadcast %get3A_95 : vector<1x128xf32> to vector<128x128xf32>
      %add3A_97 = arith.addf %add3A_92, %add3A_96 : vector<128x128xf32>
      %swap3A_98 = arith.constant 0 : index
      %swap3A_99 = arith.constant 0 : index
      %swap3A_100 = vector.load %arg11[%swap3A_98, %swap3A_99] : memref<128x128xf32, #tpu.memory_space<vmem>>, vector<128x128xf32>
      tpu.vector_store %arg11[%swap3A_98, %swap3A_99], %add3A_97 {strides = array<i32>} : memref<128x128xf32, #tpu.memory_space<vmem>>, vector<128x128xf32>,
    } else {
    }
    return
  }
  func.func @transform_0(%arg0: i32) -> (i32, i32) {
    %c0_i32 = arith.constant 0 : i32
    %c0_i32_0 = arith.constant 0 : i32
    return %arg0, %c0_i32 : i32, i32
  }
  func.func @transform_1(%arg0: i32) -> (i32, i32) {
    %c0_i32 = arith.constant 0 : i32
    %c0_i32_0 = arith.constant 0 : i32
    return %arg0, %c0_i32 : i32, i32
  }
  func.func @transform_2(%arg0: i32) -> (i32, i32) {
    %c0_i32 = arith.constant 0 : i32
    %c0_i32_0 = arith.constant 0 : i32
    return %arg0, %c0_i32 : i32, i32
  }
  func.func @transform_3(%arg0: i32) -> (i32, i32) {
    %c0_i32 = arith.constant 0 : i32
    %c0_i32_0 = arith.constant 0 : i32
    %c0_i32_1 = arith.constant 0 : i32
    return %c0_i32, %c0_i32_0 : i32, i32
  }
  func.func @transform_4(%arg0: i32) -> (i32, i32) {
    %c0_i32 = arith.constant 0 : i32
    %c0_i32_0 = arith.constant 0 : i32
    %c0_i32_1 = arith.constant 0 : i32
    return %c0_i32, %c0_i32_0 : i32, i32
  }
  func.func @transform_5(%arg0: i32) -> (i32, i32) {
    %c0_i32 = arith.constant 0 : i32
    %c0_i32_0 = arith.constant 0 : i32
    %c0_i32_1 = arith.constant 0 : i32
    return %c0_i32, %c0_i32_0 : i32, i32
  }
  func.func @transform_6(%arg0: i32) -> (i32, i32) {
    %c0_i32 = arith.constant 0 : i32
    %c0_i32_0 = arith.constant 0 : i32
    return %arg0, %c0_i32 : i32, i32
  }
  func.func @transform_7(%arg0: i32) -> (i32, i32) {
    %c0_i32 = arith.constant 0 : i32
    %c0_i32_0 = arith.constant 0 : i32
    %c0_i32_1 = arith.constant 0 : i32
    return %c0_i32, %c0_i32_0 : i32, i32
  }
  func.func @transform_8(%arg0: i32) -> (i32, i32) {
    %c0_i32 = arith.constant 0 : i32
    %c0_i32_0 = arith.constant 0 : i32
    %c0_i32_1 = arith.constant 0 : i32
    return %c0_i32, %c0_i32_0 : i32, i32
  }
  func.func @transform_9(%arg0: i32) -> (i32, i32) {
    %c0_i32 = arith.constant 0 : i32
    %c0_i32_0 = arith.constant 0 : i32
    %c0_i32_1 = arith.constant 0 : i32
    return %c0_i32, %c0_i32_0 : i32, i32
  }
  func.func @transform_10(%arg0: i32) -> (i32, i32) {
    %c0_i32 = arith.constant 0 : i32
    %c0_i32_0 = arith.constant 0 : i32
    %c0_i32_1 = arith.constant 0 : i32
    return %c0_i32, %c0_i32_0 : i32, i32
  }
}

</mosaic_0001>

<sc_bundles>
// kernel: kernel.6.cloned.1.call-start
scs
__scs_entry_jumppad:
0x0: {  	(pc) =	sbr.rel $0x88, $3  }
0x1: {  	(tag) =	ssettag $0x0;
	lr =	simm.s32 $0x1  }
0x2: {  	[smem:$0x3F93] =	sst lr;
	_ =	strace $0xD0000000  }
0x3: {  	_ = 	snop  }
0x4: {  	_ = 	snop  }
0x5: {  	_ = 	snop  }
0x6: {  	_ = 	snop  }
0x7: {  	_ = 	snop  }
__scs_overlays_trampoline_lowered:
0x8: {  	[smem:$0x3FA2] =	sst s0  }
0x9: {  	[smem:$0x3FA3] =	sst s1  }
0xa: {  	[smem:$0x3FA4] =	sst s2  }
0xb: {  	[smem:$0x3FA5] =	sst s3  }
0xc: {  	[smem:$0x3FA6] =	sst s4  }
0xd: {  	[smem:$0x3FA7] =	sst s5  }
0xe: {  	[smem:$0x3FA8] =	sst s6  }
0xf: {  	[smem:$0x3FA9] =	sst s7  }
0x10: {  	[smem:$0x3FAA] =	sst s8  }
0x11: {  	[smem:$0x3FAB] =	sst s9;
	s0 =	simm.s32 @!p0 $0x0  }
0x12: {  	s1 =	sld [smem:$0x3F91];
	s0 =	simm.s32 @p0 $0x1  }
0x13: {  	[smem:$0x3FAC] =	sst s0;
	s0 =	simm.s32 @!p1 $0x0  }
0x14: {  	s2 =	sld [smem:$0x3F90];
	s0 =	simm.s32 @p1 $0x1  }
0x15: {  	[smem:$0x3FAD] =	sst s0;
	s0 =	simm.s32 @!p2 $0x0  }
0x16: {  	s3 =	sld [smem:$0x3FDB];
	s0 =	simm.s32 @p2 $0x1  }
0x17: {  	s4 =	simm.s32 $0x1BF5;
	[smem:$0x3FAF] =	sst s0  }
0x18: {  	s0 =	sld [smem:$0x3F92];
	_ =	swait.ge [sflag:s4], $0x0  }
0x19: {  	s7 =	sld [smem:$0x3F93]  }
0x1a: {  	s8 =	sadd.s32 $0xFFFFE003, lr  }
0x1b: {  	s9 =	sadd.s32 $0xFFFFFEF7, lr;
	s5 =	simm.s32 $0xFFFFFFFF;
	p2 =	slt.u32 s8, $0xFFFFF086  }
0x1c: {  	p1 =	slt.u32 s9, $0xF7A;
	s5 =	simm.s32 @!p2 $0x0  }
0x1d: {  	s5 =	simm.s32 @p1 $0x1;
	p0 =	seq.s32 s7, s2  }
0x1e: {  	s7 =	smul.u32 @!p0 $0xF7A, s2;
	p2 =	seq.s32 @!p0 s5, $0x0  }
0x1f: {  	s9 =	smul.u32 $0xF7A, s1;
	s8 =	simm.s32 @!p0 $0x1BF5;
	p2 =	por !p2, p0  }
0x20: {  	[sflag:s8] =	ssyncset.s32 @!p0 $0xFFFFF086;
	s6 =	sadd.s32 @!p0 s3, s7;
	s7 =	simm.s32 @!p0 $0x108  }
0x21: {  	s3 =	sadd.s32 s3, s9;
	s6 =	sadd.s32 @!p0 $0x88, s6;
	s7 =	simm.s32 @p2 $0x1082  }
0x22: {  	[simem:s7], [sflag:s8] =	dma.local @!p0 [hbm:s6], $0xF7A  }
0x23: {  	s9 =	sor.u32 $0xD0000000, s2;
	s6 =	simm.s32 $0x108;
	_ =	swait.ge @!p0 [sflag:s8], $0x0  }
0x24: {  	s3 =	sadd.s32 $0x88, s3;
	s6 =	simm.s32 @!p1 $0x1082;
	[sflag:s4] =	ssyncset.s32 $0xFFFFF086  }
0x25: {  	[simem:s6], [sflag:s4] =	dma.local [hbm:s3], $0xF7A  }
0x26: {  	[smem:$0x3F93] =	sst s1;
	(tag) =	ssettag s2;
	_ =	strace s9  }
0x27: {  	s1 =	sld [smem:$0x3FA3]  }
0x28: {  	s2 =	sld [smem:$0x3FA4]  }
0x29: {  	s4 =	sld [smem:$0x3FA6]  }
0x2a: {  	p0 =	seq.s32 s5, $0x0;
	s5 =	sld [smem:$0x3FA7]  }
0x2b: {  	s6 =	sld [smem:$0x3FA8]  }
0x2c: {  	s7 =	sld [smem:$0x3FA9]  }
0x2d: {  	s3 =	simm.s32 $0x108;
	s8 =	sld [smem:$0x3FAA]  }
0x2e: {  	s3 =	simm.s32 @!p0 $0x1082;
	s9 =	sld [smem:$0x3FAB]  }
0x2f: {  	lr =	sadd.s32 s0, s3;
	s0 =	sld [smem:$0x3FA2]  }
0x30: {  	s3 =	sld [smem:$0x3FA5]  }
0x31: {  	[smem:$0x3FAE] =	sst s10  }
0x32: {  	s10 =	sld [smem:$0x3FAC];
	_ =	sdelay $0x3  }
0x33: {  	p0 =	seq.s32 s10, $0x1;
	s10 =	sld [smem:$0x3FAE];
	_ =	sdelay $0x3  }
0x34: {  	[smem:$0x3FAE] =	sst s10  }
0x35: {  	s10 =	sld [smem:$0x3FAD];
	_ =	sdelay $0x3  }
0x36: {  	p1 =	seq.s32 s10, $0x1;
	s10 =	sld [smem:$0x3FAE];
	_ =	sdelay $0x3  }
0x37: {  	[smem:$0x3FAE] =	sst s10  }
0x38: {  	s10 =	sld [smem:$0x3FAF]  }
0x39: {  	_ = 	snop;
	(pc) =	sbr.ind lr, $3  }
0x3a: {  	_ = 	snop  }
0x3b: {  	_ = 	snop  }
0x3c: {  	p2 =	seq.s32 s10, $0x1;
	s10 =	sld [smem:$0x3FAE]  }
0x3d: {  	_ =	shalt  }
0x3e: {  	_ =	shalt  }
0x3f: {  	_ =	shalt  }
0x40: {  	_ =	shalt  }
0x41: {  	_ =	shalt  }
0x42: {  	_ =	shalt  }
0x43: {  	_ =	shalt  }
0x44: {  	_ =	shalt  }
0x45: {  	_ =	shalt  }
0x46: {  	_ =	shalt  }
0x47: {  	_ =	shalt  }
0x48: {  	_ =	shalt  }
0x49: {  	_ =	shalt  }
0x4a: {  	_ =	shalt  }
0x4b: {  	_ =	shalt  }
0x4c: {  	_ =	shalt  }
0x4d: {  	_ =	shalt  }
0x4e: {  	_ =	shalt  }
0x4f: {  	_ =	shalt  }
0x50: {  	_ =	shalt  }
0x51: {  	_ =	shalt  }
0x52: {  	_ =	shalt  }
0x53: {  	_ =	shalt  }
0x54: {  	_ =	shalt  }
0x55: {  	_ =	shalt  }
0x56: {  	_ =	shalt  }
0x57: {  	_ =	shalt  }
0x58: {  	_ =	shalt  }
0x59: {  	_ =	shalt  }
0x5a: {  	_ =	shalt  }
0x5b: {  	_ =	shalt  }
0x5c: {  	_ =	shalt  }
0x5d: {  	_ =	shalt  }
0x5e: {  	_ =	shalt  }
0x5f: {  	_ =	shalt  }
0x60: {  	_ =	shalt  }
0x61: {  	_ =	shalt  }
0x62: {  	_ =	shalt  }
0x63: {  	_ =	shalt  }
0x64: {  	_ =	shalt  }
0x65: {  	_ =	shalt  }
0x66: {  	_ =	shalt  }
0x67: {  	_ =	shalt  }
0x68: {  	_ =	shalt  }
0x69: {  	_ =	shalt  }
0x6a: {  	_ =	shalt  }
0x6b: {  	_ =	shalt  }
0x6c: {  	_ =	shalt  }
0x6d: {  	_ =	shalt  }
0x6e: {  	_ =	shalt  }
0x6f: {  	_ =	shalt  }
0x70: {  	_ =	shalt  }
0x71: {  	_ =	shalt  }
0x72: {  	_ =	shalt  }
0x73: {  	_ =	shalt  }
0x74: {  	_ =	shalt  }
0x75: {  	_ =	shalt  }
0x76: {  	_ =	shalt  }
0x77: {  	_ =	shalt  }
0x78: {  	_ =	shalt  }
0x79: {  	_ =	shalt  }
0x7a: {  	_ =	shalt  }
0x7b: {  	_ =	shalt  }
0x7c: {  	_ =	shalt  }
0x7d: {  	_ =	shalt  }
0x7e: {  	_ =	shalt  }
0x7f: {  	_ =	shalt  }
0x80: {  	_ =	shalt  }
0x81: {  	_ =	shalt  }
0x82: {  	_ =	shalt  }
0x83: {  	_ =	shalt  }
0x84: {  	_ =	shalt  }
0x85: {  	_ =	shalt  }
0x86: {  	_ =	shalt  }
0x87: {  	_ =	shalt  }
.Lfunc_end0:
.L_simem_size_0:
called_computation_lowered:
.L_overlay_start_0:
0x88: {  	s2 =	sld [smem:$0x3FD9]  }
0x89: {  	s3 =	sld [smem:$0x3FFE];
	_ =	sdelay $0x1  }
0x8a: {  	s1 =	srdreg.scid  }
0x8b: {  	s0 =	sand.u32 $0x1, s1  }
0x8c: {  	s17 =	sshll.u32 s0, $0xA;
	s2 =	sadd.s32 s3, s2  }
0x8d: {  	s2 =	sadd.s32 s2, s17  }
0x8e: {  	[smem:$0x3FBA] =	sst s2  }
0x8f: {  	_ = 	snop  }
0x90: {  	s2 =	sld [smem:$0x3FD0];
	(tm) =	ssettm $0x1  }
0x91: {  	s18 =	sld [smem:$0x3FFB];
	_ =	sdelay $0x3  }
0x92: {  	_ =	strace s18  }
0x93: {  	s3 =	sld [smem:$0x3FFC];
	_ =	sdelay $0x3  }
0x94: {  	_ =	strace s3  }
0x95: {  	s3 =	sld [smem:$0x3FFD];
	_ =	sdelay $0x3  }
0x96: {  	_ =	strace s3  }
0x97: {  	_ =	strace $0x8FFFFFFF  }
0x98: {  	s19 =	sld [smem:$0x3FDB];
	_ =	sdelay $0x1  }
0x99: {  	s4 =	simm.s32 $_scs_section_size  }
0x9a: {  	s5 =	simm.s32 $_size__tile_overlayer_lowered;
	s6 =	simm.s32 $_tile_overlayer_lowered  }
0x9b: {  	s22 =	simm.s32 $0x1BFF;
	s21 =	sshll.u32 s6, $0x1;
	s3 =	sadd.s32 s4, s19  }
0x9c: {  	s7 =	simm.s32 $0x0;
	s20 =	sshll.u32 s5, $0x1;
	s5 =	sadd.s32 s21, s3  }
0x9d: {  	[timem:s7], [sflag:s22] =	dma.local [hbm:s5], s20  }
0x9e: {  	_ =	swait.ge [sflag:s22], s20  }
0x9f: {  	s4 =	ssub.s32 $0x0, s20;
	[sflag:s22] =	ssyncset.done $0x0  }
0xa0: {  	[sflag:s22] =	ssyncadd.s32 s4;
	_ =	sdelay $0x1  }
0xa1: {  	s23 =	simm.s32 $0x1B8B  }
0xa2: {  	_ =	swait.ge [sflag:s23], $0x1  }
0xa3: {  	[sflag:s23] =	ssyncset.done $0x0  }
0xa4: {  	s25 =	simm.s32 $0x1B8E;
	s24 =	sld [smem:$0x3FFE];
	[sflag:s23] =	ssyncadd.s32 $0xFFFFFFFF  }
0xa5: {  	s26 =	simm.s32 $execute0_lowered;
	[smem:$0x3FD2] =	sst s25  }
0xa6: {  	s5 =	sshll.u32 s26, $0x1;
	_ =	strace $0x80000046;
	[dreg:$0x1] =	wrdreg $0xFFFFFFFF  }
0xa7: {  	s28 =	simm.s32 $_size_execute0_lowered;
	s3 =	sadd.s32 s3, s5;
	[dreg:$0x0] =	wrdreg $0x0  }
0xa8: {  	s5 =	sshll.u32 s28, $0x1;
	[dreg:$0x2] =	wrdreg s3  }
0xa9: {  	[dreg:$0x3] =	wrdreg s5  }
0xaa: {  	[dreg:$0x4] =	wrdreg $0xC0  }
0xab: {  	_ =	task [dreg:s7], $0x5FFFF  }
0xac: {  	[dreg:$0x1] =	wrdreg $0xFFFFFFFF  }
0xad: {  	[dreg:$0x0] =	wrdreg $0x60  }
0xae: {  	[dreg:$0x2] =	wrdreg s24  }
0xaf: {  	[dreg:$0x3] =	wrdreg s2  }
0xb0: {  	[dreg:$0x4] =	wrdreg $0x50000  }
0xb1: {  	[dreg:$0x5] =	wrdreg $0xEE000  }
0xb2: {  	[dreg:$0x6] =	wrdreg $0x18C000  }
0xb3: {  	[dreg:$0x7] =	wrdreg $0x9  }
0xb4: {  	_ =	task.clear_ibuf [dreg:s7], $0x8FFFF;
	_ =	strace $0x90000046  }
0xb5: {  	s29 =	simm.s32 $0x9;
	_ =	strace $0x80000048  }
0xb6: {  	_ =	swait.ge [sflag:s29], $0x1  }
0xb7: {  	[sflag:s29] =	ssyncadd.s32 $0xFFFFFFFF  }
0xb8: {  	_ =	strace $0x90000048  }
0xb9: {  	_ =	sfence  }
0xba: {  	s30 =	sld [smem:$0x0];
	_ =	sdelay $0x2  }
0xbb: {  	s31 =	sshll.u32 s1, $0xD;
	s1 =	sshrl.u32 s1, $0x2  }
0xbc: {  	s3 =	sand.u32 $0x4000, s31;
	s1 =	sadd.s32 s1, s30  }
0xbd: {  	s0 =	sor.u32 s3, s0;
	s1 =	sshll.u32 s1, $0x11  }
0xbe: {  	s0 =	sor.u32 s1, s0  }
0xbf: {  	s0 =	sadd.s32 $0x8F2B, s0  }
0xc0: {  	[sflag:s0] =	ssyncadd.remote.s32 $0x1  }
0xc1: {  	_ =	sfence.sel $0xFFFF  }
0xc2: {  	[dreg:$0x0] =	wrdreg $0xFFFFFFFF;
	(pc) =	sbr.abs _section_cstart, $3  }
0xc3: {  	[dreg:$0x1] =	wrdreg $0xFFFFFFFF  }
0xc4: {  	_ =	task.clear_ibuf [dreg:s7], $0x2FFFF;
	_ =	strace $0x9FFFFFFF  }
0xc5: {  	(tm) =	ssettm $0x7FFFFFFF  }
tec
execute0_lowered:
.L_overlay_start_1:
0x0: {  	(tag) =	ssettag $0x1  }
0x1: {  	s3 =	rddreg [dreg:$0x0]  }
0x2: {  	s2 =	rddreg [dreg:$0x2]  }
0x3: {  	s4 =	rddreg [dreg:$0x3];
	s19 =	stileid.u32  }
0x4: {  	s0 =	srdreg.scid;
	s5 =	rddreg [dreg:$0x4];
	s29 =	simm.s32 $0x1  }
0x5: {  	s31 =	simm.s32 $0x2800;
	s28 =	simm.s32 $0x380;
	s6 =	smul.u32 $0x278, s19  }
0x6: {  	s30 =	simm.s32 $0x700;
	s0 =	sand.u32 $0x1, s0;
	s11 =	smul.u32 $0x13C00, s19  }
0x7: {  	s7 =	sadd.s32 $0x17800, s3;
	s8 =	sadd.s32 $0x49400, s3;
	s1 =	smul.u32 $0x2780, s0  }
0x8: {  	s9 =	ssub.s32 $0x2, s0;
	s12 =	sshll.u32 s0, $0x6;
	s0 =	smul.u32 $0x500, s0  }
0x9: {  	s18 =	sshrl.u32 s9, $0x1;
	s13 =	sadd.s32 $0x100, s6;
	s11 =	sor.u32 s12, s11  }
0xa: {  	s15 =	sadd.s32 $0x180, s6;
	s10 =	sadd.s32 s6, s1;
	s1 =	ssub.s32 s9, s18  }
0xb: {  	s9 =	sadd.s32 $0x80, s6;
	s11 =	sshrl.u32 s11, $0x3;
	s6 =	sadd.s32 $0x200, s6  }
0xc: {  	s21 =	sshll.u32 s13, $0x7;
	s17 =	sshll.u32 s15, $0x7;
	s14 =	sshll.u32 s9, $0x7  }
0xd: {  	s16 =	sadd.s32 s7, s11;
	s17 =	sor.u32 s12, s17;
	s18 =	sshll.u32 s6, $0x7  }
0xe: {  	s23 =	sadd.s32 s8, s11;
	s11 =	smul.u32 $0xA00, s19;
	s14 =	sor.u32 s12, s14  }
0xf: {  	[dreg:$0x6] =	wrdreg s16;
	s16 =	sor.u32 s12, s21;
	s17 =	sshrl.u32 s17, $0x3  }
0x10: {  	s12 =	sor.u32 s12, s18;
	s18 =	simm.s32 $0x0;
	[dreg:$0xb] =	wrdreg s23  }
0x11: {  	s9 =	sshll.u32 s9, $0x6;
	s22 =	sadd.s32 s7, s17;
	[smem:$0x7FF] =	sst s18  }
0x12: {  	s14 =	sshrl.u32 s14, $0x3;
	s26 =	sadd.s32 s8, s17;
	[dreg:$0x9] =	wrdreg s22  }
0x13: {  	s16 =	sshrl.u32 s16, $0x3;
	s20 =	sadd.s32 s7, s14;
	[dreg:$0xe] =	wrdreg s26  }
0x14: {  	s12 =	sshrl.u32 s12, $0x3;
	s24 =	sadd.s32 s8, s14;
	[dreg:$0x7] =	wrdreg s20  }
0x15: {  	s25 =	sadd.s32 s8, s16;
	s8 =	sadd.s32 s8, s12;
	[dreg:$0xc] =	wrdreg s24  }
0x16: {  	s14 =	sadd.s32 $0x3F000, s3;
	s22 =	sshrl.u32 s9, $0x2;
	[dreg:$0xd] =	wrdreg s25  }
0x17: {  	s20 =	sadd.s32 s7, s16;
	s7 =	sadd.s32 s7, s12;
	[dreg:$0xf] =	wrdreg s8  }
0x18: {  	s12 =	sshll.u32 s10, $0x1;
	s16 =	smul.u32 $0x9E00, s19;
	[dreg:$0x8] =	wrdreg s20  }
0x19: {  	[dreg:$0xa] =	wrdreg s7;
	s7 =	sadd.s32 s11, s3;
	s17 =	sadd.s32 s12, s3  }
0x1a: {  	s3 =	sadd.s32 $0x3F400, s3;
	_ =	strace $0x80000047;
	[dreg:$0x10] =	wrdreg s14  }
0x1b: {  	s19 =	sshll.u32 s13, $0x6;
	s23 =	sadd.s32 s22, s5;
	[dreg:$0x11] =	wrdreg s3  }
0x1c: {  	s6 =	sshll.u32 s6, $0x6;
	s24 =	sadd.s32 s19, s2;
	[dreg:$0x17] =	wrdreg s23  }
0x1d: {  	s1 =	smax.u32 s1, $0x1;
	s25 =	sadd.s32 s19, s4;
	[dreg:$0x18] =	wrdreg s24  }
0x1e: {  	s26 =	sshrl.u32 s19, $0x2;
	s19 =	sadd.s32 s6, s4;
	[dreg:$0x19] =	wrdreg s25  }
0x1f: {  	s10 =	sadd.s32 s6, s2;
	s8 =	simm.s32 $0x40;
	[dreg:$0x1d] =	wrdreg s19  }
0x20: {  	s20 =	sshll.u32 s15, $0x6;
	s6 =	sshrl.u32 s6, $0x2;
	[smem:$0x7FD] =	sst s1  }
0x21: {  	s11 =	simm.s32 $0x500;
	s21 =	sadd.s32 s16, s4;
	[dreg:$0x1c] =	wrdreg s10  }
0x22: {  	s14 =	sadd.s32 s9, s2;
	s9 =	sadd.s32 s9, s4;
	[dreg:$0x13] =	wrdreg s21  }
0x23: {  	s13 =	sadd.s32 s16, s2;
	s12 =	sadd.s32 s20, s2;
	[dreg:$0x15] =	wrdreg s9  }
0x24: {  	s3 =	sshrl.u32 s16, $0x2;
	s15 =	sadd.s32 s20, s4;
	[dreg:$0x1a] =	wrdreg s12  }
0x25: {  	s16 =	sshrl.u32 s20, $0x2;
	s22 =	sadd.s32 $0x3F600, s17;
	[dreg:$0x1b] =	wrdreg s15  }
0x26: {  	s23 =	sadd.s32 $0x3F700, s17;
	s24 =	sadd.s32 $0x3F800, s17;
	[smem:$0x7F8] =	sst s22  }
0x27: {  	s25 =	sadd.s32 $0x3F900, s17;
	s19 =	simm.s32 $0x580;
	[smem:$0x7F9] =	sst s23  }
0x28: {  	s3 =	sadd.s32 s3, s5;
	s20 =	sadd.s32 s16, s5;
	[smem:$0x7FA] =	sst s24  }
0x29: {  	s21 =	sadd.s32 s6, s5;
	s6 =	smov.u32 s14;
	[smem:$0x7FB] =	sst s25  }
0x2a: {  	s1 =	smov.u32 s13;
	s13 =	sadd.s32 $0xD800, s7;
	s14 =	sadd.s32 $0x3800, s7  }
0x2b: {  	s16 =	simm.s32 $0x800;
	s22 =	simm.s32 $0x4800;
	s7 =	simm.s32 $0x2  }
0x2c: {  	s9 =	simm.s32 $0x480;
	s12 =	simm.s32 $0x200;
	[dreg:$0x16] =	wrdreg s3  }
0x2d: {  	s23 =	simm.s32 $0x600;
	s24 =	simm.s32 $0x300;
	[dreg:$0x1f] =	wrdreg s20  }
0x2e: {  	s25 =	simm.s32 $0x680;
	s3 =	sadd.s32 s26, s5;
	[smem:$0x7F7] =	sst s21  }
0x2f: {  	s26 =	sadd.s32 $0x3FA00, s17;
	s15 =	sadd.s32 s0, s13;
	[dreg:$0x12] =	wrdreg s1  }
0x30: {  	s17 =	simm.s32 $0x3;
	s20 =	simm.s32 $0x80;
	[dreg:$0x14] =	wrdreg s6  }
0x31: {  	s21 =	simm.s32 $0x280;
	s0 =	simm.s32 $0x0;
	[dreg:$0x1e] =	wrdreg s3  }
0x32: {  	[smem:$0x7FC] =	sst s26;
	s26 =	simm.s32 $0x400;
	s3 =	simm.s32 $0x780  }
.LBB2_1:
0x33: {  	[smem:$0x7F6] =	sst s0  }
0x34: {  	s0 =	rddreg [dreg:$0x10]  }
0x35: {  	[tilespmem:s16], [sflag:$0x3] =	stream.linear.gather [hbm4b:s0+s18], $0x2000, $0x38;
	[tilespmem:$0x1B380] =	vst v63  }
0x36: {  	_ =	swait.ge [sflag:s17], $0x2000  }
0x37: {  	[sflag:s17] =	ssyncset.done $0x0  }
0x38: {  	[sflag:s17] =	ssyncadd.s32 $0xFFFFE000  }
0x39: {  	[spmem:s1] =	stream.linear.scatter [tilespmem:s16], [sflag:$0x3], $0x2000, $0x38;
	[tilespmem:$0x1B380] =	vst v63  }
0x3a: {  	_ =	swait.ge [sflag:s17], $0x2000  }
0x3b: {  	[sflag:s17] =	ssyncset.done $0x0  }
0x3c: {  	[sflag:s17] =	ssyncadd.s32 $0xFFFFE000  }
0x3d: {  	[spmem:s6] =	stream.linear.scatter [tilespmem:s16], [sflag:$0x3], $0x2000, $0x38;
	[tilespmem:$0x1B380] =	vst v63  }
0x3e: {  	_ =	swait.ge [sflag:s17], $0x2000  }
0x3f: {  	[sflag:s17] =	ssyncset.done $0x0  }
0x40: {  	s6 =	rddreg [dreg:$0x18];
	[sflag:s17] =	ssyncadd.s32 $0xFFFFE000  }
0x41: {  	[spmem:s6] =	stream.linear.scatter [tilespmem:s16], [sflag:$0x3], $0x2000, $0x38;
	[tilespmem:$0x1B380] =	vst v63  }
0x42: {  	_ =	swait.ge [sflag:s17], $0x2000  }
0x43: {  	[sflag:s17] =	ssyncset.done $0x0  }
0x44: {  	s1 =	rddreg [dreg:$0x1a];
	[sflag:s17] =	ssyncadd.s32 $0xFFFFE000  }
0x45: {  	[spmem:s1] =	stream.linear.scatter [tilespmem:s16], [sflag:$0x3], $0x2000, $0x38;
	[tilespmem:$0x1B380] =	vst v63  }
0x46: {  	_ =	swait.ge [sflag:s17], $0x2000  }
0x47: {  	[sflag:s17] =	ssyncset.done $0x0  }
0x48: {  	[sflag:s17] =	ssyncadd.s32 $0xFFFFE000  }
0x49: {  	[spmem:s10] =	stream.linear.scatter [tilespmem:s16], [sflag:$0x3], $0x1E00, $0x38;
	[tilespmem:$0x1B380] =	vst v63  }
0x4a: {  	_ =	swait.ge [sflag:s17], $0x1E00  }
0x4b: {  	[sflag:s17] =	ssyncset.done $0x0  }
0x4c: {  	s6 =	rddreg [dreg:$0x6];
	[sflag:s17] =	ssyncadd.s32 $0xFFFFE200  }
0x4d: {  	[tilespmem:s16], [sflag:$0x3] =	stream.strided.gather [hbm4b:s6+s8], $0x2000, s20, s8, $0x38;
	[tilespmem:$0x1B380] =	vst v63  }
0x4e: {  	_ =	swait.ge [sflag:s17], $0x2000  }
0x4f: {  	[sflag:s17] =	ssyncset.done $0x0  }
0x50: {  	s10 =	rddreg [dreg:$0x13];
	[sflag:s17] =	ssyncadd.s32 $0xFFFFE000  }
0x51: {  	[spmem:s10] =	stream.linear.scatter [tilespmem:s16], [sflag:$0x3], $0x2000, $0x38;
	[tilespmem:$0x1B380] =	vst v63  }
0x52: {  	_ =	swait.ge [sflag:s17], $0x2000  }
0x53: {  	[sflag:s17] =	ssyncset.done $0x0  }
0x54: {  	s1 =	rddreg [dreg:$0x7];
	[sflag:s17] =	ssyncadd.s32 $0xFFFFE000  }
0x55: {  	[tilespmem:s16], [sflag:$0x3] =	stream.strided.gather [hbm4b:s1+s8], $0x2000, s20, s8, $0x38;
	[tilespmem:$0x1B380] =	vst v63  }
0x56: {  	_ =	swait.ge [sflag:s17], $0x2000  }
0x57: {  	[sflag:s17] =	ssyncset.done $0x0  }
0x58: {  	s6 =	rddreg [dreg:$0x15];
	[sflag:s17] =	ssyncadd.s32 $0xFFFFE000  }
0x59: {  	[spmem:s6] =	stream.linear.scatter [tilespmem:s16], [sflag:$0x3], $0x2000, $0x38;
	[tilespmem:$0x1B380] =	vst v63  }
0x5a: {  	_ =	swait.ge [sflag:s17], $0x2000  }
0x5b: {  	[sflag:s17] =	ssyncset.done $0x0  }
0x5c: {  	s10 =	rddreg [dreg:$0x8];
	[sflag:s17] =	ssyncadd.s32 $0xFFFFE000  }
0x5d: {  	[tilespmem:s16], [sflag:$0x3] =	stream.strided.gather [hbm4b:s10+s8], $0x2000, s20, s8, $0x38;
	[tilespmem:$0x1B380] =	vst v63  }
0x5e: {  	_ =	swait.ge [sflag:s17], $0x2000  }
0x5f: {  	[sflag:s17] =	ssyncset.done $0x0  }
0x60: {  	s1 =	rddreg [dreg:$0x19];
	[sflag:s17] =	ssyncadd.s32 $0xFFFFE000  }
0x61: {  	[spmem:s1] =	stream.linear.scatter [tilespmem:s16], [sflag:$0x3], $0x2000, $0x38;
	[tilespmem:$0x1B380] =	vst v63  }
0x62: {  	_ =	swait.ge [sflag:s17], $0x2000  }
0x63: {  	[sflag:s17] =	ssyncset.done $0x0  }
0x64: {  	s6 =	rddreg [dreg:$0x9];
	[sflag:s17] =	ssyncadd.s32 $0xFFFFE000  }
0x65: {  	[tilespmem:s16], [sflag:$0x3] =	stream.strided.gather [hbm4b:s6+s8], $0x2000, s20, s8, $0x38;
	[tilespmem:$0x1B380] =	vst v63  }
0x66: {  	_ =	swait.ge [sflag:s17], $0x2000  }
0x67: {  	[sflag:s17] =	ssyncset.done $0x0  }
0x68: {  	s10 =	rddreg [dreg:$0x1b];
	[sflag:s17] =	ssyncadd.s32 $0xFFFFE000  }
0x69: {  	[spmem:s10] =	stream.linear.scatter [tilespmem:s16], [sflag:$0x3], $0x2000, $0x38;
	[tilespmem:$0x1B380] =	vst v63  }
0x6a: {  	_ =	swait.ge [sflag:s17], $0x2000  }
0x6b: {  	[sflag:s17] =	ssyncset.done $0x0  }
0x6c: {  	s1 =	rddreg [dreg:$0xa];
	[sflag:s17] =	ssyncadd.s32 $0xFFFFE000  }
0x6d: {  	[tilespmem:s16], [sflag:$0x3] =	stream.strided.gather [hbm4b:s1+s8], $0x1E00, s20, s8, $0x38;
	[tilespmem:$0x1B380] =	vst v63  }
0x6e: {  	_ =	swait.ge [sflag:s17], $0x1E00  }
0x6f: {  	[sflag:s17] =	ssyncset.done $0x0  }
0x70: {  	s6 =	rddreg [dreg:$0x1d];
	[sflag:s17] =	ssyncadd.s32 $0xFFFFE200  }
0x71: {  	[spmem:s6] =	stream.linear.scatter [tilespmem:s16], [sflag:$0x3], $0x1E00, $0x38;
	[tilespmem:$0x1B380] =	vst v63  }
0x72: {  	_ =	swait.ge [sflag:s17], $0x1E00  }
0x73: {  	[sflag:s17] =	ssyncset.done $0x0  }
0x74: {  	[sflag:s17] =	ssyncadd.s32 $0xFFFFE200  }
0x75: {  	s8 =	rddreg [dreg:$0x1]  }
0x76: {  	[tilespmem:s22], [sflag:$0x3] =	stream.linear.gather [hbm4b:s8+s18], $0x800, $0x38;
	[tilespmem:$0x1B380] =	vst v63  }
0x77: {  	_ =	swait.ge [sflag:s17], $0x800  }
0x78: {  	[sflag:s17] =	ssyncset.done $0x0  }
0x79: {  	s10 =	rddreg [dreg:$0x16];
	[sflag:s17] =	ssyncadd.s32 $0xFFFFF800  }
0x7a: {  	[spmem:s10] =	stream.linear.scatter [tilespmem:s22], [sflag:$0x3], $0x800, $0x38;
	[tilespmem:$0x1B380] =	vst v63  }
0x7b: {  	_ =	swait.ge [sflag:s17], $0x800  }
0x7c: {  	[sflag:s17] =	ssyncset.done $0x0  }
0x7d: {  	s1 =	rddreg [dreg:$0x17];
	[sflag:s17] =	ssyncadd.s32 $0xFFFFF800  }
0x7e: {  	[spmem:s1] =	stream.linear.scatter [tilespmem:s22], [sflag:$0x3], $0x800, $0x38;
	[tilespmem:$0x1B380] =	vst v63  }
0x7f: {  	_ =	swait.ge [sflag:s17], $0x800  }
0x80: {  	[sflag:s17] =	ssyncset.done $0x0  }
0x81: {  	s6 =	rddreg [dreg:$0x1e];
	[sflag:s17] =	ssyncadd.s32 $0xFFFFF800  }
0x82: {  	[spmem:s6] =	stream.linear.scatter [tilespmem:s22], [sflag:$0x3], $0x800, $0x38;
	[tilespmem:$0x1B380] =	vst v63  }
0x83: {  	_ =	swait.ge [sflag:s17], $0x800  }
0x84: {  	[sflag:s17] =	ssyncset.done $0x0  }
0x85: {  	s8 =	rddreg [dreg:$0x1f];
	[sflag:s17] =	ssyncadd.s32 $0xFFFFF800  }
0x86: {  	[spmem:s8] =	stream.linear.scatter [tilespmem:s22], [sflag:$0x3], $0x800, $0x38;
	[tilespmem:$0x1B380] =	vst v63  }
0x87: {  	_ =	swait.ge [sflag:s17], $0x800  }
0x88: {  	s10 =	sld [smem:$0x7F7]  }
0x89: {  	[sflag:s17] =	ssyncset.done $0x0  }
0x8a: {  	[sflag:s17] =	ssyncadd.s32 $0xFFFFF800  }
0x8b: {  	[spmem:s10] =	stream.linear.scatter [tilespmem:s22], [sflag:$0x3], $0x780, $0x38;
	[tilespmem:$0x1B380] =	vst v63  }
0x8c: {  	_ =	swait.ge [sflag:s17], $0x780  }
0x8d: {  	[sflag:s17] =	ssyncset.done $0x0  }
0x8e: {  	s1 =	rddreg [dreg:$0x11];
	[sflag:s17] =	ssyncadd.s32 $0xFFFFF880  }
0x8f: {  	[tilespmem:s22], [sflag:$0x3] =	stream.linear.gather [hbm4b:s1+s18], $0x800, $0x38;
	[tilespmem:$0x1B380] =	vst v63  }
0x90: {  	_ =	swait.ge [sflag:s17], $0x800  }
0x91: {  	[sflag:s17] =	ssyncset.done $0x0  }
0x92: {  	[sflag:s17] =	ssyncadd.s32 $0xFFFFF800  }
0x93: {  	s6 =	sadd.s32 $0x0, s14;
	[bflag:$0x0] =	sbarrier.arrive $0xFFFF  }
0x94: {  	[tilespmem:s18], [sflag:$0x3] =	stream.linear.gather [hbm4b:s6+s18], $0x400, $0x38;
	[tilespmem:$0x1B380] =	vst v63  }
0x95: {  	_ =	swait.ge [sflag:s17], $0x400  }
0x96: {  	[sflag:s17] =	ssyncset.done $0x0  }
0x97: {  	s8 =	sadd.s32 $0x0, s13;
	[sflag:s17] =	ssyncadd.s32 $0xFFFFFC00  }
0x98: {  	[tilespmem:s26], [sflag:$0x3] =	stream.linear.gather [hbm4b:s8+s18], $0x400, $0x38;
	[tilespmem:$0x1B380] =	vst v63  }
0x99: {  	_ =	swait.ge [sflag:s17], $0x400  }
0x9a: {  	[sflag:s17] =	ssyncset.done $0x0  }
0x9b: {  	[sflag:s17] =	ssyncadd.s32 $0xFFFFFC00  }
0x9c: {  	[tilespmem:s16], [sflag:$0x1] =	stream.indirect.gather [spmem:s4], $0x40, s18, s20, $0xb8;
	[tilespmem:$0x1B380] =	vst v63  }
0x9d: {  	_ =	swait.ge [sflag:s29], $0x2000  }
0x9e: {  	[sflag:s29] =	ssyncset.done $0x0  }
0x9f: {  	[sflag:s29] =	ssyncadd.s32 $0xFFFFE000  }
0xa0: {  	[tilespmem:s31], [sflag:$0x2] =	stream.indirect.gather [spmem:s4], $0x40, s20, s20, $0xb8;
	[tilespmem:$0x1B380] =	vst v63  }
0xa1: {  	_ = 	snop  }
0xa2: {  	[spmem:s2] =	stream.indirect.scatter.add.f32 [tilespmem:s16], [sflag:$0x3], $0x40, s26, s20, $0xb8;
	[tilespmem:$0x1B380] =	vst v63  }
0xa3: {  	_ =	swait.ge [sflag:s17], $0x2000  }
0xa4: {  	[sflag:s17] =	ssyncset.done $0x0  }
0xa5: {  	[sflag:s17] =	ssyncadd.s32 $0xFFFFE000  }
0xa6: {  	_ =	swait.ge [sflag:s7], $0x2000  }
0xa7: {  	[sflag:s7] =	ssyncset.done $0x0  }
0xa8: {  	s10 =	simm.s32 $0x100;
	[sflag:s7] =	ssyncadd.s32 $0xFFFFE000  }
0xa9: {  	[tilespmem:s16], [sflag:$0x1] =	stream.indirect.gather [spmem:s4], $0x40, s10, s20, $0xb8;
	[tilespmem:$0x1B380] =	vst v63  }
0xaa: {  	_ = 	snop  }
0xab: {  	[spmem:s2] =	stream.indirect.scatter.add.f32 [tilespmem:s31], [sflag:$0x3], $0x40, s9, s20, $0xb8;
	[tilespmem:$0x1B380] =	vst v63  }
0xac: {  	_ =	swait.ge [sflag:s17], $0x2000  }
0xad: {  	[sflag:s17] =	ssyncset.done $0x0  }
0xae: {  	[sflag:s17] =	ssyncadd.s32 $0xFFFFE000  }
0xaf: {  	_ =	swait.ge [sflag:s29], $0x2000  }
0xb0: {  	[sflag:s29] =	ssyncset.done $0x0  }
0xb1: {  	s18 =	simm.s32 $0x180;
	[sflag:s29] =	ssyncadd.s32 $0xFFFFE000  }
0xb2: {  	[tilespmem:s31], [sflag:$0x2] =	stream.indirect.gather [spmem:s4], $0x40, s18, s20, $0xb8;
	[tilespmem:$0x1B380] =	vst v63  }
0xb3: {  	_ = 	snop  }
0xb4: {  	[spmem:s2] =	stream.indirect.scatter.add.f32 [tilespmem:s16], [sflag:$0x3], $0x40, s11, s20, $0xb8;
	[tilespmem:$0x1B380] =	vst v63  }
0xb5: {  	_ =	swait.ge [sflag:s17], $0x2000  }
0xb6: {  	[sflag:s17] =	ssyncset.done $0x0  }
0xb7: {  	[sflag:s17] =	ssyncadd.s32 $0xFFFFE000  }
0xb8: {  	_ =	swait.ge [sflag:s7], $0x2000  }
0xb9: {  	[sflag:s7] =	ssyncset.done $0x0  }
0xba: {  	[sflag:s7] =	ssyncadd.s32 $0xFFFFE000  }
0xbb: {  	[tilespmem:s16], [sflag:$0x1] =	stream.indirect.gather [spmem:s4], $0x40, s12, s20, $0xb8;
	[tilespmem:$0x1B380] =	vst v63  }
0xbc: {  	_ = 	snop  }
0xbd: {  	[spmem:s2] =	stream.indirect.scatter.add.f32 [tilespmem:s31], [sflag:$0x3], $0x40, s19, s20, $0xb8;
	[tilespmem:$0x1B380] =	vst v63  }
0xbe: {  	_ =	swait.ge [sflag:s17], $0x2000  }
0xbf: {  	[sflag:s17] =	ssyncset.done $0x0  }
0xc0: {  	[sflag:s17] =	ssyncadd.s32 $0xFFFFE000  }
0xc1: {  	_ =	swait.ge [sflag:s29], $0x2000  }
0xc2: {  	[sflag:s29] =	ssyncset.done $0x0  }
0xc3: {  	[sflag:s29] =	ssyncadd.s32 $0xFFFFE000  }
0xc4: {  	[tilespmem:s31], [sflag:$0x2] =	stream.indirect.gather [spmem:s4], $0x40, s21, s20, $0xb8;
	[tilespmem:$0x1B380] =	vst v63  }
0xc5: {  	_ = 	snop  }
0xc6: {  	[spmem:s2] =	stream.indirect.scatter.add.f32 [tilespmem:s16], [sflag:$0x3], $0x40, s23, s20, $0xb8;
	[tilespmem:$0x1B380] =	vst v63  }
0xc7: {  	_ =	swait.ge [sflag:s17], $0x2000  }
0xc8: {  	[sflag:s17] =	ssyncset.done $0x0  }
0xc9: {  	[sflag:s17] =	ssyncadd.s32 $0xFFFFE000  }
0xca: {  	_ =	swait.ge [sflag:s7], $0x2000  }
0xcb: {  	[sflag:s7] =	ssyncset.done $0x0  }
0xcc: {  	[sflag:s7] =	ssyncadd.s32 $0xFFFFE000  }
0xcd: {  	[tilespmem:s16], [sflag:$0x1] =	stream.indirect.gather [spmem:s4], $0x40, s24, s20, $0xb8;
	[tilespmem:$0x1B380] =	vst v63  }
0xce: {  	_ = 	snop  }
0xcf: {  	[spmem:s2] =	stream.indirect.scatter.add.f32 [tilespmem:s31], [sflag:$0x3], $0x40, s25, s20, $0xb8;
	[tilespmem:$0x1B380] =	vst v63  }
0xd0: {  	_ =	swait.ge [sflag:s17], $0x2000  }
0xd1: {  	[sflag:s17] =	ssyncset.done $0x0  }
0xd2: {  	[sflag:s17] =	ssyncadd.s32 $0xFFFFE000  }
0xd3: {  	_ =	swait.ge [sflag:s29], $0x2000  }
0xd4: {  	[sflag:s29] =	ssyncset.done $0x0  }
0xd5: {  	[sflag:s29] =	ssyncadd.s32 $0xFFFFE000  }
0xd6: {  	[tilespmem:s31], [sflag:$0x2] =	stream.indirect.gather [spmem:s4], $0x40, s28, s20, $0xb8;
	[tilespmem:$0x1B380] =	vst v63  }
0xd7: {  	_ = 	snop  }
0xd8: {  	[spmem:s2] =	stream.indirect.scatter.add.f32 [tilespmem:s16], [sflag:$0x3], $0x40, s30, s20, $0xb8;
	[tilespmem:$0x1B380] =	vst v63  }
0xd9: {  	_ =	swait.ge [sflag:s17], $0x2000  }
0xda: {  	[sflag:s17] =	ssyncset.done $0x0  }
0xdb: {  	[sflag:s17] =	ssyncadd.s32 $0xFFFFE000  }
0xdc: {  	_ =	swait.ge [sflag:s7], $0x2000  }
0xdd: {  	[sflag:s7] =	ssyncset.done $0x0  }
0xde: {  	[sflag:s7] =	ssyncadd.s32 $0xFFFFE000  }
0xdf: {  	[spmem:s2] =	stream.indirect.scatter.add.f32 [tilespmem:s31], [sflag:$0x3], $0x40, s3, s20, $0xb8;
	[tilespmem:$0x1B380] =	vst v63  }
0xe0: {  	s0 =	simm.s32 $0x100;
	_ =	swait.ge [sflag:s17], $0x2000  }
0xe1: {  	s6 =	sadd.s32 $0x80, s14;
	s18 =	simm.s32 $0x80;
	[sflag:s17] =	ssyncset.done $0x0  }
.LBB2_2:
0xe2: {  	s8 =	sadd.s32 s0, s14  }
0xe3: {  	s1 =	simm.s32 $0x0;
	[sflag:s17] =	ssyncadd.s32 $0xFFFFE000;
	s10 =	smov.u32 s0  }
0xe4: {  	[tilespmem:s1], [sflag:$0x3] =	stream.linear.gather [hbm4b:s6+s1], $0x400, $0x38;
	[tilespmem:$0x1B380] =	vst v63  }
0xe5: {  	p0 =	sne.s32 s0, $0x980;
	s0 =	sadd.s32 $0x80, s0;
	_ =	swait.ge [sflag:s17], $0x400  }
0xe6: {  	s6 =	smov.u32 s8;
	s8 =	sadd.s32 s18, s13;
	[sflag:s17] =	ssyncset.done $0x0  }
0xe7: {  	s18 =	smov.u32 s10;
	s10 =	simm.s32 $0x180;
	[sflag:s17] =	ssyncadd.s32 $0xFFFFFC00  }
0xe8: {  	[tilespmem:s26], [sflag:$0x3] =	stream.linear.gather [hbm4b:s8+s1], $0x400, $0x38;
	[tilespmem:$0x1B380] =	vst v63  }
0xe9: {  	s8 =	simm.s32 $0x100  }
0xea: {  	_ =	swait.ge [sflag:s17], $0x400  }
0xeb: {  	[sflag:s17] =	ssyncset.done $0x0  }
0xec: {  	[sflag:s17] =	ssyncadd.s32 $0xFFFFFC00  }
0xed: {  	[tilespmem:s16], [sflag:$0x1] =	stream.indirect.gather [spmem:s4], $0x40, s1, s20, $0xb8;
	[tilespmem:$0x1B380] =	vst v63  }
0xee: {  	_ =	swait.ge [sflag:s29], $0x2000  }
0xef: {  	[sflag:s29] =	ssyncset.done $0x0  }
0xf0: {  	[sflag:s29] =	ssyncadd.s32 $0xFFFFE000  }
0xf1: {  	[tilespmem:s31], [sflag:$0x2] =	stream.indirect.gather [spmem:s4], $0x40, s20, s20, $0xb8;
	[tilespmem:$0x1B380] =	vst v63  }
0xf2: {  	_ = 	snop  }
0xf3: {  	[spmem:s2] =	stream.indirect.scatter.add.f32 [tilespmem:s16], [sflag:$0x3], $0x40, s26, s20, $0xb8;
	[tilespmem:$0x1B380] =	vst v63  }
0xf4: {  	_ =	swait.ge [sflag:s17], $0x2000  }
0xf5: {  	[sflag:s17] =	ssyncset.done $0x0  }
0xf6: {  	[sflag:s17] =	ssyncadd.s32 $0xFFFFE000  }
0xf7: {  	_ =	swait.ge [sflag:s7], $0x2000  }
0xf8: {  	[sflag:s7] =	ssyncset.done $0x0  }
0xf9: {  	[sflag:s7] =	ssyncadd.s32 $0xFFFFE000  }
0xfa: {  	[tilespmem:s16], [sflag:$0x1] =	stream.indirect.gather [spmem:s4], $0x40, s8, s20, $0xb8;
	[tilespmem:$0x1B380] =	vst v63  }
0xfb: {  	_ = 	snop  }
0xfc: {  	[spmem:s2] =	stream.indirect.scatter.add.f32 [tilespmem:s31], [sflag:$0x3], $0x40, s9, s20, $0xb8;
	[tilespmem:$0x1B380] =	vst v63  }
0xfd: {  	_ =	swait.ge [sflag:s17], $0x2000  }
0xfe: {  	[sflag:s17] =	ssyncset.done $0x0  }
0xff: {  	[sflag:s17] =	ssyncadd.s32 $0xFFFFE000  }
0x100: {  	_ =	swait.ge [sflag:s29], $0x2000  }
0x101: {  	[sflag:s29] =	ssyncset.done $0x0  }
0x102: {  	[sflag:s29] =	ssyncadd.s32 $0xFFFFE000  }
0x103: {  	[tilespmem:s31], [sflag:$0x2] =	stream.indirect.gather [spmem:s4], $0x40, s10, s20, $0xb8;
	[tilespmem:$0x1B380] =	vst v63  }
0x104: {  	_ = 	snop  }
0x105: {  	[spmem:s2] =	stream.indirect.scatter.add.f32 [tilespmem:s16], [sflag:$0x3], $0x40, s11, s20, $0xb8;
	[tilespmem:$0x1B380] =	vst v63  }
0x106: {  	_ =	swait.ge [sflag:s17], $0x2000  }
0x107: {  	[sflag:s17] =	ssyncset.done $0x0  }
0x108: {  	[sflag:s17] =	ssyncadd.s32 $0xFFFFE000  }
0x109: {  	_ =	swait.ge [sflag:s7], $0x2000  }
0x10a: {  	[sflag:s7] =	ssyncset.done $0x0  }
0x10b: {  	[sflag:s7] =	ssyncadd.s32 $0xFFFFE000  }
0x10c: {  	[tilespmem:s16], [sflag:$0x1] =	stream.indirect.gather [spmem:s4], $0x40, s12, s20, $0xb8;
	[tilespmem:$0x1B380] =	vst v63  }
0x10d: {  	_ = 	snop  }
0x10e: {  	[spmem:s2] =	stream.indirect.scatter.add.f32 [tilespmem:s31], [sflag:$0x3], $0x40, s19, s20, $0xb8;
	[tilespmem:$0x1B380] =	vst v63  }
0x10f: {  	_ =	swait.ge [sflag:s17], $0x2000  }
0x110: {  	[sflag:s17] =	ssyncset.done $0x0  }
0x111: {  	[sflag:s17] =	ssyncadd.s32 $0xFFFFE000  }
0x112: {  	_ =	swait.ge [sflag:s29], $0x2000  }
0x113: {  	[sflag:s29] =	ssyncset.done $0x0  }
0x114: {  	[sflag:s29] =	ssyncadd.s32 $0xFFFFE000  }
0x115: {  	[tilespmem:s31], [sflag:$0x2] =	stream.indirect.gather [spmem:s4], $0x40, s21, s20, $0xb8;
	[tilespmem:$0x1B380] =	vst v63  }
0x116: {  	_ = 	snop  }
0x117: {  	[spmem:s2] =	stream.indirect.scatter.add.f32 [tilespmem:s16], [sflag:$0x3], $0x40, s23, s20, $0xb8;
	[tilespmem:$0x1B380] =	vst v63  }
0x118: {  	_ =	swait.ge [sflag:s17], $0x2000  }
0x119: {  	[sflag:s17] =	ssyncset.done $0x0  }
0x11a: {  	[sflag:s17] =	ssyncadd.s32 $0xFFFFE000  }
0x11b: {  	_ =	swait.ge [sflag:s7], $0x2000  }
0x11c: {  	[sflag:s7] =	ssyncset.done $0x0  }
0x11d: {  	[sflag:s7] =	ssyncadd.s32 $0xFFFFE000  }
0x11e: {  	[tilespmem:s16], [sflag:$0x1] =	stream.indirect.gather [spmem:s4], $0x40, s24, s20, $0xb8;
	[tilespmem:$0x1B380] =	vst v63  }
0x11f: {  	_ = 	snop  }
0x120: {  	[spmem:s2] =	stream.indirect.scatter.add.f32 [tilespmem:s31], [sflag:$0x3], $0x40, s25, s20, $0xb8;
	[tilespmem:$0x1B380] =	vst v63  }
0x121: {  	_ =	swait.ge [sflag:s17], $0x2000  }
0x122: {  	[sflag:s17] =	ssyncset.done $0x0  }
0x123: {  	[sflag:s17] =	ssyncadd.s32 $0xFFFFE000  }
0x124: {  	_ =	swait.ge [sflag:s29], $0x2000  }
0x125: {  	[sflag:s29] =	ssyncset.done $0x0  }
0x126: {  	[sflag:s29] =	ssyncadd.s32 $0xFFFFE000  }
0x127: {  	[tilespmem:s31], [sflag:$0x2] =	stream.indirect.gather [spmem:s4], $0x40, s28, s20, $0xb8;
	[tilespmem:$0x1B380] =	vst v63  }
0x128: {  	_ = 	snop  }
0x129: {  	[spmem:s2] =	stream.indirect.scatter.add.f32 [tilespmem:s16], [sflag:$0x3], $0x40, s30, s20, $0xb8;
	[tilespmem:$0x1B380] =	vst v63  }
0x12a: {  	_ =	swait.ge [sflag:s17], $0x2000  }
0x12b: {  	[sflag:s17] =	ssyncset.done $0x0  }
0x12c: {  	[sflag:s17] =	ssyncadd.s32 $0xFFFFE000  }
0x12d: {  	_ =	swait.ge [sflag:s7], $0x2000  }
.Ltmp0:
0x12e: {  	[sflag:s7] =	ssyncset.done $0x0;
	(pc) =	sbr.rel @p0 .LBB2_2-.Ltmp0, $4  }
0x12f: {  	[sflag:s7] =	ssyncadd.s32 $0xFFFFE000  }
0x130: {  	[spmem:s2] =	stream.indirect.scatter.add.f32 [tilespmem:s31], [sflag:$0x3], $0x40, s3, s20, $0xb8;
	[tilespmem:$0x1B380] =	vst v63  }
0x131: {  	_ =	swait.ge [sflag:s17], $0x2000  }
0x132: {  	[sflag:s17] =	ssyncset.done $0x0  }
0x133: {  	[sflag:s17] =	ssyncadd.s32 $0xFFFFE000  }
0x134: {  	[tilespmem:s1], [sflag:$0x3] =	stream.linear.gather [hbm4b:s6+s1], $0x400, $0x38;
	[tilespmem:$0x1B380] =	vst v63  }
0x135: {  	_ =	swait.ge [sflag:s17], $0x400  }
0x136: {  	[sflag:s17] =	ssyncset.done $0x0  }
0x137: {  	s0 =	sadd.s32 s18, s13;
	[sflag:s17] =	ssyncadd.s32 $0xFFFFFC00  }
0x138: {  	[tilespmem:s26], [sflag:$0x3] =	stream.linear.gather [hbm4b:s0+s1], $0x400, $0x38;
	[tilespmem:$0x1B380] =	vst v63  }
0x139: {  	_ =	swait.ge [sflag:s17], $0x400  }
0x13a: {  	[sflag:s17] =	ssyncset.done $0x0  }
0x13b: {  	[sflag:s17] =	ssyncadd.s32 $0xFFFFFC00  }
0x13c: {  	[tilespmem:s16], [sflag:$0x1] =	stream.indirect.gather [spmem:s4], $0x40, s1, s20, $0xb8;
	[tilespmem:$0x1B380] =	vst v63  }
0x13d: {  	_ =	swait.ge [sflag:s29], $0x2000  }
0x13e: {  	[sflag:s29] =	ssyncset.done $0x0  }
0x13f: {  	[sflag:s29] =	ssyncadd.s32 $0xFFFFE000  }
0x140: {  	[tilespmem:s31], [sflag:$0x2] =	stream.indirect.gather [spmem:s4], $0x40, s20, s20, $0xb8;
	[tilespmem:$0x1B380] =	vst v63  }
0x141: {  	_ = 	snop  }
0x142: {  	[spmem:s2] =	stream.indirect.scatter.add.f32 [tilespmem:s16], [sflag:$0x3], $0x40, s26, s20, $0xb8;
	[tilespmem:$0x1B380] =	vst v63  }
0x143: {  	_ =	swait.ge [sflag:s17], $0x2000  }
0x144: {  	[sflag:s17] =	ssyncset.done $0x0  }
0x145: {  	[sflag:s17] =	ssyncadd.s32 $0xFFFFE000  }
0x146: {  	_ =	swait.ge [sflag:s7], $0x2000  }
0x147: {  	[sflag:s7] =	ssyncset.done $0x0  }
0x148: {  	[sflag:s7] =	ssyncadd.s32 $0xFFFFE000  }
0x149: {  	[tilespmem:s16], [sflag:$0x1] =	stream.indirect.gather [spmem:s4], $0x40, s8, s20, $0xb8;
	[tilespmem:$0x1B380] =	vst v63  }
0x14a: {  	_ = 	snop  }
0x14b: {  	[spmem:s2] =	stream.indirect.scatter.add.f32 [tilespmem:s31], [sflag:$0x3], $0x40, s9, s20, $0xb8;
	[tilespmem:$0x1B380] =	vst v63  }
0x14c: {  	_ =	swait.ge [sflag:s17], $0x2000  }
0x14d: {  	[sflag:s17] =	ssyncset.done $0x0  }
0x14e: {  	[sflag:s17] =	ssyncadd.s32 $0xFFFFE000  }
0x14f: {  	_ =	swait.ge [sflag:s29], $0x2000  }
0x150: {  	[sflag:s29] =	ssyncset.done $0x0  }
0x151: {  	[sflag:s29] =	ssyncadd.s32 $0xFFFFE000  }
0x152: {  	[tilespmem:s31], [sflag:$0x2] =	stream.indirect.gather [spmem:s4], $0x40, s10, s20, $0xb8;
	[tilespmem:$0x1B380] =	vst v63  }
0x153: {  	_ = 	snop  }
0x154: {  	[spmem:s2] =	stream.indirect.scatter.add.f32 [tilespmem:s16], [sflag:$0x3], $0x40, s11, s20, $0xb8;
	[tilespmem:$0x1B380] =	vst v63  }
0x155: {  	_ =	swait.ge [sflag:s17], $0x2000  }
0x156: {  	[sflag:s17] =	ssyncset.done $0x0  }
0x157: {  	[sflag:s17] =	ssyncadd.s32 $0xFFFFE000  }
0x158: {  	_ =	swait.ge [sflag:s7], $0x2000  }
0x159: {  	[sflag:s7] =	ssyncset.done $0x0  }
0x15a: {  	[sflag:s7] =	ssyncadd.s32 $0xFFFFE000  }
0x15b: {  	[tilespmem:s16], [sflag:$0x1] =	stream.indirect.gather [spmem:s4], $0x40, s12, s20, $0xb8;
	[tilespmem:$0x1B380] =	vst v63  }
0x15c: {  	_ = 	snop  }
0x15d: {  	[spmem:s2] =	stream.indirect.scatter.add.f32 [tilespmem:s31], [sflag:$0x3], $0x40, s19, s20, $0xb8;
	[tilespmem:$0x1B380] =	vst v63  }
0x15e: {  	_ =	swait.ge [sflag:s17], $0x2000  }
0x15f: {  	[sflag:s17] =	ssyncset.done $0x0  }
0x160: {  	[sflag:s17] =	ssyncadd.s32 $0xFFFFE000  }
0x161: {  	_ =	swait.ge [sflag:s29], $0x2000  }
0x162: {  	[sflag:s29] =	ssyncset.done $0x0  }
0x163: {  	[sflag:s29] =	ssyncadd.s32 $0xFFFFE000  }
0x164: {  	[tilespmem:s31], [sflag:$0x2] =	stream.indirect.gather [spmem:s4], $0x40, s21, s20, $0xb8;
	[tilespmem:$0x1B380] =	vst v63  }
0x165: {  	_ = 	snop  }
0x166: {  	[spmem:s2] =	stream.indirect.scatter.add.f32 [tilespmem:s16], [sflag:$0x3], $0x40, s23, s20, $0xb8;
	[tilespmem:$0x1B380] =	vst v63  }
0x167: {  	_ =	swait.ge [sflag:s17], $0x2000  }
0x168: {  	[sflag:s17] =	ssyncset.done $0x0  }
0x169: {  	[sflag:s17] =	ssyncadd.s32 $0xFFFFE000  }
0x16a: {  	_ =	swait.ge [sflag:s7], $0x2000  }
0x16b: {  	[sflag:s7] =	ssyncset.done $0x0  }
0x16c: {  	[sflag:s7] =	ssyncadd.s32 $0xFFFFE000  }
0x16d: {  	[tilespmem:s16], [sflag:$0x1] =	stream.indirect.gather [spmem:s4], $0x40, s24, s20, $0xb8;
	[tilespmem:$0x1B380] =	vst v63  }
0x16e: {  	_ = 	snop  }
0x16f: {  	[spmem:s2] =	stream.indirect.scatter.add.f32 [tilespmem:s31], [sflag:$0x3], $0x40, s25, s20, $0xb8;
	[tilespmem:$0x1B380] =	vst v63  }
0x170: {  	_ =	swait.ge [sflag:s17], $0x2000  }
0x171: {  	[sflag:s17] =	ssyncset.done $0x0  }
0x172: {  	[sflag:s17] =	ssyncadd.s32 $0xFFFFE000  }
0x173: {  	_ =	swait.ge [sflag:s29], $0x2000  }
0x174: {  	[sflag:s29] =	ssyncset.done $0x0  }
0x175: {  	[sflag:s29] =	ssyncadd.s32 $0xFFFFE000  }
0x176: {  	[tilespmem:s31], [sflag:$0x2] =	stream.indirect.gather [spmem:s4], $0x40, s28, s20, $0xb8;
	[tilespmem:$0x1B380] =	vst v63  }
0x177: {  	_ = 	snop  }
0x178: {  	[spmem:s2] =	stream.indirect.scatter.add.f32 [tilespmem:s16], [sflag:$0x3], $0x40, s30, s20, $0xb8;
	[tilespmem:$0x1B380] =	vst v63  }
0x179: {  	_ =	swait.ge [sflag:s17], $0x2000  }
0x17a: {  	[sflag:s17] =	ssyncset.done $0x0  }
0x17b: {  	[sflag:s17] =	ssyncadd.s32 $0xFFFFE000  }
0x17c: {  	_ =	swait.ge [sflag:s7], $0x2000  }
0x17d: {  	p1 =	por $0x1, $0x1;
	[sflag:s7] =	ssyncset.done $0x0  }
.Ltmp1:
0x17e: {  	[sflag:s7] =	ssyncadd.s32 $0xFFFFE000;
	(pc) =	sbr.rel @!p1 .LBB2_8-.Ltmp1, $4  }
0x17f: {  	[spmem:s2] =	stream.indirect.scatter.add.f32 [tilespmem:s31], [sflag:$0x3], $0x40, s3, s20, $0xb8;
	[tilespmem:$0x1B380] =	vst v63  }
0x180: {  	p0 =	por $0x0, $0x0;
	_ =	swait.ge [sflag:s17], $0x2000  }
0x181: {  	s18 =	simm.s32 $0x0;
	s0 =	simm.s32 $0x80;
	[sflag:s17] =	ssyncset.done $0x0  }
0x182: {  	s10 =	simm.s32 $0x40;
	s6 =	sld [smem:$0x7F6];
	[sflag:s17] =	ssyncadd.s32 $0xFFFFE000  }
0x183: {  	s1 =	sadd.s32 $0x0, s15  }
0x184: {  	[tilespmem:s26], [sflag:$0x3] =	stream.linear.gather [hbm4b:s1+s18], $0x400, $0x38;
	[tilespmem:$0x1B380] =	vst v63  }
0x185: {  	_ =	swait.ge [sflag:s17], $0x400  }
0x186: {  	[sflag:s17] =	ssyncset.done $0x0  }
0x187: {  	[sflag:s17] =	ssyncadd.s32 $0xFFFFFC00  }
0x188: {  	[spmem:s5] =	stream.indirect.scatter.add.f32 [tilespmem:s22], [sflag:$0x3], $0x10, s26, s20, $0xb8;
	[tilespmem:$0x1B380] =	vst v63  }
0x189: {  	_ =	swait.ge [sflag:s17], $0x800  }
0x18a: {  	[sflag:s17] =	ssyncset.done $0x0  }
0x18b: {  	[sflag:s17] =	ssyncadd.s32 $0xFFFFF800  }
0x18c: {  	[spmem:s5] =	stream.indirect.scatter.add.f32 [tilespmem:s22], [sflag:$0x3], $0x10, s9, s20, $0xb8;
	[tilespmem:$0x1B380] =	vst v63  }
0x18d: {  	_ =	swait.ge [sflag:s17], $0x800  }
0x18e: {  	[sflag:s17] =	ssyncset.done $0x0  }
0x18f: {  	[sflag:s17] =	ssyncadd.s32 $0xFFFFF800  }
0x190: {  	[spmem:s5] =	stream.indirect.scatter.add.f32 [tilespmem:s22], [sflag:$0x3], $0x10, s11, s20, $0xb8;
	[tilespmem:$0x1B380] =	vst v63  }
0x191: {  	_ =	swait.ge [sflag:s17], $0x800  }
0x192: {  	[sflag:s17] =	ssyncset.done $0x0  }
0x193: {  	[sflag:s17] =	ssyncadd.s32 $0xFFFFF800  }
0x194: {  	[spmem:s5] =	stream.indirect.scatter.add.f32 [tilespmem:s22], [sflag:$0x3], $0x10, s19, s20, $0xb8;
	[tilespmem:$0x1B380] =	vst v63  }
0x195: {  	_ =	swait.ge [sflag:s17], $0x800  }
0x196: {  	[sflag:s17] =	ssyncset.done $0x0  }
0x197: {  	[sflag:s17] =	ssyncadd.s32 $0xFFFFF800  }
0x198: {  	[spmem:s5] =	stream.indirect.scatter.add.f32 [tilespmem:s22], [sflag:$0x3], $0x10, s23, s20, $0xb8;
	[tilespmem:$0x1B380] =	vst v63  }
0x199: {  	_ =	swait.ge [sflag:s17], $0x800  }
0x19a: {  	[sflag:s17] =	ssyncset.done $0x0  }
0x19b: {  	[sflag:s17] =	ssyncadd.s32 $0xFFFFF800  }
0x19c: {  	[spmem:s5] =	stream.indirect.scatter.add.f32 [tilespmem:s22], [sflag:$0x3], $0x10, s25, s20, $0xb8;
	[tilespmem:$0x1B380] =	vst v63  }
0x19d: {  	_ =	swait.ge [sflag:s17], $0x800  }
0x19e: {  	[sflag:s17] =	ssyncset.done $0x0  }
0x19f: {  	[sflag:s17] =	ssyncadd.s32 $0xFFFFF800  }
0x1a0: {  	[spmem:s5] =	stream.indirect.scatter.add.f32 [tilespmem:s22], [sflag:$0x3], $0x10, s30, s20, $0xb8;
	[tilespmem:$0x1B380] =	vst v63  }
0x1a1: {  	p1 =	por $0x1, $0x1;
	_ =	swait.ge [sflag:s17], $0x800  }
.Ltmp2:
0x1a2: {  	[sflag:s17] =	ssyncset.done $0x0;
	(pc) =	sbr.rel @!p1 .LBB2_5-.Ltmp2, $4  }
0x1a3: {  	[sflag:s17] =	ssyncadd.s32 $0xFFFFF800  }
0x1a4: {  	[spmem:s5] =	stream.indirect.scatter.add.f32 [tilespmem:s22], [sflag:$0x3], $0x10, s3, s20, $0xb8;
	[tilespmem:$0x1B380] =	vst v63  }
0x1a5: {  	_ =	swait.ge [sflag:s17], $0x800  }
0x1a6: {  	s6 =	simm.s32 $0x100;
	p0 =	por $0x1, $0x1;
	[sflag:s17] =	ssyncset.done $0x0  }
.LBB2_6:
0x1a7: {  	s8 =	sadd.s32 s0, s15  }
0x1a8: {  	[sflag:s17] =	ssyncadd.s32 $0xFFFFF800;
	s0 =	smov.u32 s6;
	s1 =	sadd.s32 $0x80, s6  }
0x1a9: {  	[tilespmem:s26], [sflag:$0x3] =	stream.linear.gather [hbm4b:s8+s18], $0x400, $0x38;
	[tilespmem:$0x1B380] =	vst v63  }
0x1aa: {  	p1 =	sne.s32 s6, $0x480;
	_ =	swait.ge [sflag:s17], $0x400  }
0x1ab: {  	[sflag:s17] =	ssyncset.done $0x0  }
0x1ac: {  	[sflag:s17] =	ssyncadd.s32 $0xFFFFFC00  }
0x1ad: {  	[spmem:s5] =	stream.indirect.scatter.add.f32 [tilespmem:s22], [sflag:$0x3], $0x10, s26, s20, $0xb8;
	[tilespmem:$0x1B380] =	vst v63  }
0x1ae: {  	_ =	swait.ge [sflag:s17], $0x800  }
0x1af: {  	[sflag:s17] =	ssyncset.done $0x0  }
0x1b0: {  	[sflag:s17] =	ssyncadd.s32 $0xFFFFF800  }
0x1b1: {  	[spmem:s5] =	stream.indirect.scatter.add.f32 [tilespmem:s22], [sflag:$0x3], $0x10, s9, s20, $0xb8;
	[tilespmem:$0x1B380] =	vst v63  }
0x1b2: {  	_ =	swait.ge [sflag:s17], $0x800  }
0x1b3: {  	[sflag:s17] =	ssyncset.done $0x0  }
0x1b4: {  	[sflag:s17] =	ssyncadd.s32 $0xFFFFF800  }
0x1b5: {  	[spmem:s5] =	stream.indirect.scatter.add.f32 [tilespmem:s22], [sflag:$0x3], $0x10, s11, s20, $0xb8;
	[tilespmem:$0x1B380] =	vst v63  }
0x1b6: {  	_ =	swait.ge [sflag:s17], $0x800  }
0x1b7: {  	[sflag:s17] =	ssyncset.done $0x0  }
0x1b8: {  	[sflag:s17] =	ssyncadd.s32 $0xFFFFF800  }
0x1b9: {  	[spmem:s5] =	stream.indirect.scatter.add.f32 [tilespmem:s22], [sflag:$0x3], $0x10, s19, s20, $0xb8;
	[tilespmem:$0x1B380] =	vst v63  }
0x1ba: {  	_ =	swait.ge [sflag:s17], $0x800  }
0x1bb: {  	[sflag:s17] =	ssyncset.done $0x0  }
0x1bc: {  	[sflag:s17] =	ssyncadd.s32 $0xFFFFF800  }
0x1bd: {  	[spmem:s5] =	stream.indirect.scatter.add.f32 [tilespmem:s22], [sflag:$0x3], $0x10, s23, s20, $0xb8;
	[tilespmem:$0x1B380] =	vst v63  }
0x1be: {  	_ =	swait.ge [sflag:s17], $0x800  }
0x1bf: {  	[sflag:s17] =	ssyncset.done $0x0  }
0x1c0: {  	[sflag:s17] =	ssyncadd.s32 $0xFFFFF800  }
0x1c1: {  	[spmem:s5] =	stream.indirect.scatter.add.f32 [tilespmem:s22], [sflag:$0x3], $0x10, s25, s20, $0xb8;
	[tilespmem:$0x1B380] =	vst v63  }
0x1c2: {  	_ =	swait.ge [sflag:s17], $0x800  }
0x1c3: {  	[sflag:s17] =	ssyncset.done $0x0  }
0x1c4: {  	[sflag:s17] =	ssyncadd.s32 $0xFFFFF800  }
0x1c5: {  	[spmem:s5] =	stream.indirect.scatter.add.f32 [tilespmem:s22], [sflag:$0x3], $0x10, s30, s20, $0xb8;
	[tilespmem:$0x1B380] =	vst v63  }
0x1c6: {  	_ =	swait.ge [sflag:s17], $0x800  }
.Ltmp3:
0x1c7: {  	[sflag:s17] =	ssyncset.done $0x0;
	(pc) =	sbr.rel @p1 .LBB2_6-.Ltmp3, $4  }
0x1c8: {  	[sflag:s17] =	ssyncadd.s32 $0xFFFFF800  }
0x1c9: {  	[spmem:s5] =	stream.indirect.scatter.add.f32 [tilespmem:s22], [sflag:$0x3], $0x10, s3, s20, $0xb8;
	[tilespmem:$0x1B380] =	vst v63  }
0x1ca: {  	_ =	swait.ge [sflag:s17], $0x800  }
0x1cb: {  	s6 =	smov.u32 s1;
	[sflag:s17] =	ssyncset.done $0x0  }
0x1cc: {  	s1 =	smov.u32 s0;
	s6 =	sld [smem:$0x7F6]  }
.LBB2_8:
0x1cd: {  	s0 =	sadd.s32 s1, s15;
	[sflag:s17] =	ssyncadd.s32 @p0 $0xFFFFF800  }
0x1ce: {  	[tilespmem:s26], [sflag:$0x3] =	stream.linear.gather [hbm4b:s0+s18], $0x400, $0x38;
	[tilespmem:$0x1B380] =	vst v63  }
0x1cf: {  	_ =	swait.ge [sflag:s17], $0x400  }
0x1d0: {  	[sflag:s17] =	ssyncset.done $0x0  }
0x1d1: {  	[sflag:s17] =	ssyncadd.s32 $0xFFFFFC00  }
0x1d2: {  	[spmem:s5] =	stream.indirect.scatter.add.f32 [tilespmem:s22], [sflag:$0x3], $0x10, s26, s20, $0xb8;
	[tilespmem:$0x1B380] =	vst v63  }
0x1d3: {  	_ =	swait.ge [sflag:s17], $0x800  }
0x1d4: {  	[sflag:s17] =	ssyncset.done $0x0  }
0x1d5: {  	[sflag:s17] =	ssyncadd.s32 $0xFFFFF800  }
0x1d6: {  	[spmem:s5] =	stream.indirect.scatter.add.f32 [tilespmem:s22], [sflag:$0x3], $0x10, s9, s20, $0xb8;
	[tilespmem:$0x1B380] =	vst v63  }
0x1d7: {  	_ =	swait.ge [sflag:s17], $0x800  }
0x1d8: {  	[sflag:s17] =	ssyncset.done $0x0  }
0x1d9: {  	[sflag:s17] =	ssyncadd.s32 $0xFFFFF800  }
0x1da: {  	[spmem:s5] =	stream.indirect.scatter.add.f32 [tilespmem:s22], [sflag:$0x3], $0x10, s11, s20, $0xb8;
	[tilespmem:$0x1B380] =	vst v63  }
0x1db: {  	_ =	swait.ge [sflag:s17], $0x800  }
0x1dc: {  	[sflag:s17] =	ssyncset.done $0x0  }
0x1dd: {  	[sflag:s17] =	ssyncadd.s32 $0xFFFFF800  }
0x1de: {  	[spmem:s5] =	stream.indirect.scatter.add.f32 [tilespmem:s22], [sflag:$0x3], $0x10, s19, s20, $0xb8;
	[tilespmem:$0x1B380] =	vst v63  }
0x1df: {  	_ =	swait.ge [sflag:s17], $0x800  }
0x1e0: {  	[sflag:s17] =	ssyncset.done $0x0  }
0x1e1: {  	[sflag:s17] =	ssyncadd.s32 $0xFFFFF800  }
0x1e2: {  	[spmem:s5] =	stream.indirect.scatter.add.f32 [tilespmem:s22], [sflag:$0x3], $0x10, s23, s20, $0xb8;
	[tilespmem:$0x1B380] =	vst v63  }
0x1e3: {  	_ =	swait.ge [sflag:s17], $0x800  }
0x1e4: {  	[sflag:s17] =	ssyncset.done $0x0  }
0x1e5: {  	[sflag:s17] =	ssyncadd.s32 $0xFFFFF800  }
0x1e6: {  	[spmem:s5] =	stream.indirect.scatter.add.f32 [tilespmem:s22], [sflag:$0x3], $0x10, s25, s20, $0xb8;
	[tilespmem:$0x1B380] =	vst v63  }
0x1e7: {  	_ =	swait.ge [sflag:s17], $0x800  }
0x1e8: {  	[sflag:s17] =	ssyncset.done $0x0  }
0x1e9: {  	[sflag:s17] =	ssyncadd.s32 $0xFFFFF800  }
0x1ea: {  	[spmem:s5] =	stream.indirect.scatter.add.f32 [tilespmem:s22], [sflag:$0x3], $0x10, s30, s20, $0xb8;
	[tilespmem:$0x1B380] =	vst v63  }
0x1eb: {  	_ =	swait.ge [sflag:s17], $0x800  }
0x1ec: {  	[sflag:s17] =	ssyncset.done $0x0  }
0x1ed: {  	[sflag:s17] =	ssyncadd.s32 $0xFFFFF800  }
0x1ee: {  	[spmem:s5] =	stream.indirect.scatter.add.f32 [tilespmem:s22], [sflag:$0x3], $0x10, s3, s20, $0xb8;
	[tilespmem:$0x1B380] =	vst v63  }
0x1ef: {  	_ =	swait.ge [sflag:s17], $0x800  }
0x1f0: {  	[sflag:s17] =	ssyncset.done $0x0  }
0x1f1: {  	[sflag:s17] =	ssyncadd.s32 $0xFFFFF800  }
0x1f2: {  	[bflag:$0x0] =	sbarrier.arrive $0xFFFF  }
0x1f3: {  	s1 =	rddreg [dreg:$0x12]  }
0x1f4: {  	[tilespmem:s16], [sflag:$0x3] =	stream.linear.gather [spmem:s1], $0x2000, $0x38;
	[tilespmem:$0x1B380] =	vst v63  }
0x1f5: {  	_ =	swait.ge [sflag:s17], $0x2000  }
0x1f6: {  	[sflag:s17] =	ssyncset.done $0x0  }
0x1f7: {  	s8 =	rddreg [dreg:$0xb];
	[sflag:s17] =	ssyncadd.s32 $0xFFFFE000  }
0x1f8: {  	[hbm4b:s8+s10] =	stream.strided.scatter [tilespmem:s16], [sflag:$0x3], $0x2000, s20, s10, $0x38;
	[tilespmem:$0x1B380] =	vst v63  }
0x1f9: {  	_ =	swait.ge [sflag:s17], $0x2000  }
0x1fa: {  	[sflag:s17] =	ssyncset.done $0x0  }
0x1fb: {  	s8 =	rddreg [dreg:$0x14];
	[sflag:s17] =	ssyncadd.s32 $0xFFFFE000  }
0x1fc: {  	[tilespmem:s16], [sflag:$0x3] =	stream.linear.gather [spmem:s8], $0x2000, $0x38;
	[tilespmem:$0x1B380] =	vst v63  }
0x1fd: {  	_ =	swait.ge [sflag:s17], $0x2000  }
0x1fe: {  	[sflag:s17] =	ssyncset.done $0x0  }
0x1ff: {  	s8 =	rddreg [dreg:$0xc];
	[sflag:s17] =	ssyncadd.s32 $0xFFFFE000  }
0x200: {  	[hbm4b:s8+s10] =	stream.strided.scatter [tilespmem:s16], [sflag:$0x3], $0x2000, s20, s10, $0x38;
	[tilespmem:$0x1B380] =	vst v63  }
0x201: {  	_ =	swait.ge [sflag:s17], $0x2000  }
0x202: {  	[sflag:s17] =	ssyncset.done $0x0  }
0x203: {  	s8 =	rddreg [dreg:$0x18];
	[sflag:s17] =	ssyncadd.s32 $0xFFFFE000  }
0x204: {  	[tilespmem:s16], [sflag:$0x3] =	stream.linear.gather [spmem:s8], $0x2000, $0x38;
	[tilespmem:$0x1B380] =	vst v63  }
0x205: {  	_ =	swait.ge [sflag:s17], $0x2000  }
0x206: {  	[sflag:s17] =	ssyncset.done $0x0  }
0x207: {  	s8 =	rddreg [dreg:$0xd];
	[sflag:s17] =	ssyncadd.s32 $0xFFFFE000  }
0x208: {  	[hbm4b:s8+s10] =	stream.strided.scatter [tilespmem:s16], [sflag:$0x3], $0x2000, s20, s10, $0x38;
	[tilespmem:$0x1B380] =	vst v63  }
0x209: {  	_ =	swait.ge [sflag:s17], $0x2000  }
0x20a: {  	[sflag:s17] =	ssyncset.done $0x0  }
0x20b: {  	s8 =	rddreg [dreg:$0x1a];
	[sflag:s17] =	ssyncadd.s32 $0xFFFFE000  }
0x20c: {  	[tilespmem:s16], [sflag:$0x3] =	stream.linear.gather [spmem:s8], $0x2000, $0x38;
	[tilespmem:$0x1B380] =	vst v63  }
0x20d: {  	_ =	swait.ge [sflag:s17], $0x2000  }
0x20e: {  	[sflag:s17] =	ssyncset.done $0x0  }
0x20f: {  	s8 =	rddreg [dreg:$0xe];
	[sflag:s17] =	ssyncadd.s32 $0xFFFFE000  }
0x210: {  	[hbm4b:s8+s10] =	stream.strided.scatter [tilespmem:s16], [sflag:$0x3], $0x2000, s20, s10, $0x38;
	[tilespmem:$0x1B380] =	vst v63  }
0x211: {  	_ =	swait.ge [sflag:s17], $0x2000  }
0x212: {  	[sflag:s17] =	ssyncset.done $0x0  }
0x213: {  	s10 =	rddreg [dreg:$0x1c];
	[sflag:s17] =	ssyncadd.s32 $0xFFFFE000  }
0x214: {  	[tilespmem:s16], [sflag:$0x3] =	stream.linear.gather [spmem:s10], $0x1E00, $0x38;
	[tilespmem:$0x1B380] =	vst v63  }
0x215: {  	_ =	swait.ge [sflag:s17], $0x1E00  }
0x216: {  	[sflag:s17] =	ssyncset.done $0x0  }
0x217: {  	s8 =	simm.s32 $0x40;
	s0 =	rddreg [dreg:$0xf];
	[sflag:s17] =	ssyncadd.s32 $0xFFFFE200  }
0x218: {  	[hbm4b:s0+s8] =	stream.strided.scatter [tilespmem:s16], [sflag:$0x3], $0x1E00, s20, s8, $0x38;
	[tilespmem:$0x1B380] =	vst v63  }
0x219: {  	_ =	swait.ge [sflag:s17], $0x1E00  }
0x21a: {  	[sflag:s17] =	ssyncset.done $0x0  }
0x21b: {  	s0 =	rddreg [dreg:$0x16];
	[sflag:s17] =	ssyncadd.s32 $0xFFFFE200  }
0x21c: {  	[tilespmem:s22], [sflag:$0x3] =	stream.linear.gather [spmem:s0], $0x800, $0x38;
	[tilespmem:$0x1B380] =	vst v63  }
0x21d: {  	_ =	swait.ge [sflag:s17], $0x800  }
0x21e: {  	s0 =	sld [smem:$0x7F8]  }
0x21f: {  	[sflag:s17] =	ssyncset.done $0x0  }
0x220: {  	[sflag:s17] =	ssyncadd.s32 $0xFFFFF800  }
0x221: {  	[hbm4b:s0+s18] =	stream.linear.scatter [tilespmem:s22], [sflag:$0x3], $0x800, $0x38;
	[tilespmem:$0x1B380] =	vst v63  }
0x222: {  	_ =	swait.ge [sflag:s17], $0x800  }
0x223: {  	[sflag:s17] =	ssyncset.done $0x0  }
0x224: {  	s0 =	rddreg [dreg:$0x17];
	[sflag:s17] =	ssyncadd.s32 $0xFFFFF800  }
0x225: {  	[tilespmem:s22], [sflag:$0x3] =	stream.linear.gather [spmem:s0], $0x800, $0x38;
	[tilespmem:$0x1B380] =	vst v63  }
0x226: {  	_ =	swait.ge [sflag:s17], $0x800  }
0x227: {  	s0 =	sld [smem:$0x7F9]  }
0x228: {  	[sflag:s17] =	ssyncset.done $0x0  }
0x229: {  	[sflag:s17] =	ssyncadd.s32 $0xFFFFF800  }
0x22a: {  	[hbm4b:s0+s18] =	stream.linear.scatter [tilespmem:s22], [sflag:$0x3], $0x800, $0x38;
	[tilespmem:$0x1B380] =	vst v63  }
0x22b: {  	_ =	swait.ge [sflag:s17], $0x800  }
0x22c: {  	[sflag:s17] =	ssyncset.done $0x0  }
0x22d: {  	s0 =	rddreg [dreg:$0x1e];
	[sflag:s17] =	ssyncadd.s32 $0xFFFFF800  }
0x22e: {  	[tilespmem:s22], [sflag:$0x3] =	stream.linear.gather [spmem:s0], $0x800, $0x38;
	[tilespmem:$0x1B380] =	vst v63  }
0x22f: {  	_ =	swait.ge [sflag:s17], $0x800  }
0x230: {  	s0 =	sld [smem:$0x7FA]  }
0x231: {  	[sflag:s17] =	ssyncset.done $0x0  }
0x232: {  	[sflag:s17] =	ssyncadd.s32 $0xFFFFF800  }
0x233: {  	[hbm4b:s0+s18] =	stream.linear.scatter [tilespmem:s22], [sflag:$0x3], $0x800, $0x38;
	[tilespmem:$0x1B380] =	vst v63  }
0x234: {  	_ =	swait.ge [sflag:s17], $0x800  }
0x235: {  	[sflag:s17] =	ssyncset.done $0x0  }
0x236: {  	s0 =	rddreg [dreg:$0x1f];
	[sflag:s17] =	ssyncadd.s32 $0xFFFFF800  }
0x237: {  	[tilespmem:s22], [sflag:$0x3] =	stream.linear.gather [spmem:s0], $0x800, $0x38;
	[tilespmem:$0x1B380] =	vst v63  }
0x238: {  	_ =	swait.ge [sflag:s17], $0x800  }
0x239: {  	s0 =	sld [smem:$0x7FB]  }
0x23a: {  	[sflag:s17] =	ssyncset.done $0x0  }
0x23b: {  	[sflag:s17] =	ssyncadd.s32 $0xFFFFF800  }
0x23c: {  	[hbm4b:s0+s18] =	stream.linear.scatter [tilespmem:s22], [sflag:$0x3], $0x800, $0x38;
	[tilespmem:$0x1B380] =	vst v63  }
0x23d: {  	_ =	swait.ge [sflag:s17], $0x800  }
0x23e: {  	s0 =	sld [smem:$0x7F7]  }
0x23f: {  	[sflag:s17] =	ssyncset.done $0x0  }
0x240: {  	[sflag:s17] =	ssyncadd.s32 $0xFFFFF800  }
0x241: {  	[tilespmem:s22], [sflag:$0x3] =	stream.linear.gather [spmem:s0], $0x780, $0x38;
	[tilespmem:$0x1B380] =	vst v63  }
0x242: {  	_ =	swait.ge [sflag:s17], $0x780  }
0x243: {  	s0 =	sld [smem:$0x7FC]  }
0x244: {  	[sflag:s17] =	ssyncset.done $0x0  }
0x245: {  	[sflag:s17] =	ssyncadd.s32 $0xFFFFF880  }
0x246: {  	[hbm4b:s0+s18] =	stream.linear.scatter [tilespmem:s22], [sflag:$0x3], $0x780, $0x38;
	[tilespmem:$0x1B380] =	vst v63  }
0x247: {  	_ =	swait.ge [sflag:s17], $0x780  }
0x248: {  	s0 =	sld [smem:$0x7FD];
	_ =	sdelay $0x1  }
0x249: {  	s6 =	sadd.s32 $0x1, s6  }
0x24a: {  	p0 =	sne.s32 s6, s0  }
.Ltmp4:
0x24b: {  	_ = 	snop;
	(pc) =	sbr.rel @p0 .LBB2_1-.Ltmp4, $4  }
.Ltmp5:
0x24c: {  	_ = 	snop;
	(pc) =	sbr.rel @!p0 .LBB2_9-.Ltmp5, $4  }
0x24d: {  	_ = 	snop  }
0x24e: {  	[sflag:s17] =	ssyncset.done $0x0  }
0x24f: {  	[sflag:s17] =	ssyncadd.s32 $0xFFFFF880;
	s0 =	smov.u32 s6;
	s6 =	rddreg [dreg:$0x14]  }
0x250: {  	_ = 	snop  }
.LBB2_5:
.Ltmp6:
0x251: {  	(pc) =	sbr.rel .LBB2_8-.Ltmp6, $2  }
0x252: {  	_ =	sdelay $0x2  }
0x253: {  	s1 =	simm.s32 $0x80;
	s6 =	sld [smem:$0x7F6]  }
.LBB2_9:
0x254: {  	_ =	sfence.sel $0x180000  }
0x255: {  	[bflag:$0x0] =	sbarrier.arrive $0xFFFF  }
0x256: {  	_ =	strace $0x90000047  }
0x257: {  	s0 =	stileid.u32;
	[bflag:$0x2] =	sbarrier.arrive $0xFFFF  }
0x258: {  	p0 =	sne.s32 s0, $0x0;
	s0 =	rddreg [dreg:$0x5]  }
0x259: {  	s0 =	sadd.s32 @!p0 $0x100000, s0  }
0x25a: {  	[sflag:s0] =	ssyncadd.tile.s32 @!p0 $0x1;
	_ =	shalt  }
.Lfunc_end2:
_tile_overlayer_lowered:
.L_overlay_start_2:
0x25b: {  	(tag) =	ssettag $0x2  }
0x25c: {  	s0 =	rddreg [dreg:$0x0];
	s2 =	stileid.u32  }
0x25d: {  	s1 =	rddreg [dreg:$0x1];
	p0 =	sne.s32 s2, $0x0  }
0x25e: {  	s3 =	rddreg [dreg:$0x2];
	[bflag:$0x3] =	sbarrier.arrive $0xFFFF;
	s2 =	simm.s32 @!p0 $0x1C03  }
0x25f: {  	[timem:s3], [sflag:s2] =	dma.local @!p0 [hbm:s0], s1  }
0x260: {  	s0 =	simm.s32 @!p0 $0x3  }
0x261: {  	_ =	swait.ge @!p0 [sflag:s0], s1  }
0x262: {  	s1 =	ssub.s32 @!p0 $0x0, s1;
	[sflag:s0] =	ssyncset.done @!p0 $0x0  }
0x263: {  	[sflag:s0] =	ssyncadd.s32 @!p0 s1  }
0x264: {  	[bflag:$0x3] =	sbarrier.arrive $0xFFFF  }
0x265: {  	_ =	shalt  }

// kernel: kernel.9.cloned.1.call-start
scs
__scs_entry_jumppad:
0x0: {  	(pc) =	sbr.rel $0x88, $3  }
0x1: {  	(tag) =	ssettag $0x0;
	lr =	simm.s32 $0x1  }
0x2: {  	[smem:$0x3F93] =	sst lr;
	_ =	strace $0xD0000000  }
0x3: {  	_ = 	snop  }
0x4: {  	_ = 	snop  }
0x5: {  	_ = 	snop  }
0x6: {  	_ = 	snop  }
0x7: {  	_ = 	snop  }
__scs_overlays_trampoline_lowered:
0x8: {  	[smem:$0x3FA2] =	sst s0  }
0x9: {  	[smem:$0x3FA3] =	sst s1  }
0xa: {  	[smem:$0x3FA4] =	sst s2  }
0xb: {  	[smem:$0x3FA5] =	sst s3  }
0xc: {  	[smem:$0x3FA6] =	sst s4  }
0xd: {  	[smem:$0x3FA7] =	sst s5  }
0xe: {  	[smem:$0x3FA8] =	sst s6  }
0xf: {  	[smem:$0x3FA9] =	sst s7  }
0x10: {  	[smem:$0x3FAA] =	sst s8  }
0x11: {  	[smem:$0x3FAB] =	sst s9;
	s0 =	simm.s32 @!p0 $0x0  }
0x12: {  	s1 =	sld [smem:$0x3F91];
	s0 =	simm.s32 @p0 $0x1  }
0x13: {  	[smem:$0x3FAC] =	sst s0;
	s0 =	simm.s32 @!p1 $0x0  }
0x14: {  	s2 =	sld [smem:$0x3F90];
	s0 =	simm.s32 @p1 $0x1  }
0x15: {  	[smem:$0x3FAD] =	sst s0;
	s0 =	simm.s32 @!p2 $0x0  }
0x16: {  	s3 =	sld [smem:$0x3FDB];
	s0 =	simm.s32 @p2 $0x1  }
0x17: {  	s4 =	simm.s32 $0x1BF5;
	[smem:$0x3FAF] =	sst s0  }
0x18: {  	s0 =	sld [smem:$0x3F92];
	_ =	swait.ge [sflag:s4], $0x0  }
0x19: {  	s7 =	sld [smem:$0x3F93]  }
0x1a: {  	s8 =	sadd.s32 $0xFFFFE003, lr  }
0x1b: {  	s9 =	sadd.s32 $0xFFFFFEF7, lr;
	s5 =	simm.s32 $0xFFFFFFFF;
	p2 =	slt.u32 s8, $0xFFFFF086  }
0x1c: {  	p1 =	slt.u32 s9, $0xF7A;
	s5 =	simm.s32 @!p2 $0x0  }
0x1d: {  	s5 =	simm.s32 @p1 $0x1;
	p0 =	seq.s32 s7, s2  }
0x1e: {  	s7 =	smul.u32 @!p0 $0xF7A, s2;
	p2 =	seq.s32 @!p0 s5, $0x0  }
0x1f: {  	s9 =	smul.u32 $0xF7A, s1;
	s8 =	simm.s32 @!p0 $0x1BF5;
	p2 =	por !p2, p0  }
0x20: {  	[sflag:s8] =	ssyncset.s32 @!p0 $0xFFFFF086;
	s6 =	sadd.s32 @!p0 s3, s7;
	s7 =	simm.s32 @!p0 $0x108  }
0x21: {  	s3 =	sadd.s32 s3, s9;
	s6 =	sadd.s32 @!p0 $0x88, s6;
	s7 =	simm.s32 @p2 $0x1082  }
0x22: {  	[simem:s7], [sflag:s8] =	dma.local @!p0 [hbm:s6], $0xF7A  }
0x23: {  	s9 =	sor.u32 $0xD0000000, s2;
	s6 =	simm.s32 $0x108;
	_ =	swait.ge @!p0 [sflag:s8], $0x0  }
0x24: {  	s3 =	sadd.s32 $0x88, s3;
	s6 =	simm.s32 @!p1 $0x1082;
	[sflag:s4] =	ssyncset.s32 $0xFFFFF086  }
0x25: {  	[simem:s6], [sflag:s4] =	dma.local [hbm:s3], $0xF7A  }
0x26: {  	[smem:$0x3F93] =	sst s1;
	(tag) =	ssettag s2;
	_ =	strace s9  }
0x27: {  	s1 =	sld [smem:$0x3FA3]  }
0x28: {  	s2 =	sld [smem:$0x3FA4]  }
0x29: {  	s4 =	sld [smem:$0x3FA6]  }
0x2a: {  	p0 =	seq.s32 s5, $0x0;
	s5 =	sld [smem:$0x3FA7]  }
0x2b: {  	s6 =	sld [smem:$0x3FA8]  }
0x2c: {  	s7 =	sld [smem:$0x3FA9]  }
0x2d: {  	s3 =	simm.s32 $0x108;
	s8 =	sld [smem:$0x3FAA]  }
0x2e: {  	s3 =	simm.s32 @!p0 $0x1082;
	s9 =	sld [smem:$0x3FAB]  }
0x2f: {  	lr =	sadd.s32 s0, s3;
	s0 =	sld [smem:$0x3FA2]  }
0x30: {  	s3 =	sld [smem:$0x3FA5]  }
0x31: {  	[smem:$0x3FAE] =	sst s10  }
0x32: {  	s10 =	sld [smem:$0x3FAC];
	_ =	sdelay $0x3  }
0x33: {  	p0 =	seq.s32 s10, $0x1;
	s10 =	sld [smem:$0x3FAE];
	_ =	sdelay $0x3  }
0x34: {  	[smem:$0x3FAE] =	sst s10  }
0x35: {  	s10 =	sld [smem:$0x3FAD];
	_ =	sdelay $0x3  }
0x36: {  	p1 =	seq.s32 s10, $0x1;
	s10 =	sld [smem:$0x3FAE];
	_ =	sdelay $0x3  }
0x37: {  	[smem:$0x3FAE] =	sst s10  }
0x38: {  	s10 =	sld [smem:$0x3FAF]  }
0x39: {  	_ = 	snop;
	(pc) =	sbr.ind lr, $3  }
0x3a: {  	_ = 	snop  }
0x3b: {  	_ = 	snop  }
0x3c: {  	p2 =	seq.s32 s10, $0x1;
	s10 =	sld [smem:$0x3FAE]  }
0x3d: {  	_ =	shalt  }
0x3e: {  	_ =	shalt  }
0x3f: {  	_ =	shalt  }
0x40: {  	_ =	shalt  }
0x41: {  	_ =	shalt  }
0x42: {  	_ =	shalt  }
0x43: {  	_ =	shalt  }
0x44: {  	_ =	shalt  }
0x45: {  	_ =	shalt  }
0x46: {  	_ =	shalt  }
0x47: {  	_ =	shalt  }
0x48: {  	_ =	shalt  }
0x49: {  	_ =	shalt  }
0x4a: {  	_ =	shalt  }
0x4b: {  	_ =	shalt  }
0x4c: {  	_ =	shalt  }
0x4d: {  	_ =	shalt  }
0x4e: {  	_ =	shalt  }
0x4f: {  	_ =	shalt  }
0x50: {  	_ =	shalt  }
0x51: {  	_ =	shalt  }
0x52: {  	_ =	shalt  }
0x53: {  	_ =	shalt  }
0x54: {  	_ =	shalt  }
0x55: {  	_ =	shalt  }
0x56: {  	_ =	shalt  }
0x57: {  	_ =	shalt  }
0x58: {  	_ =	shalt  }
0x59: {  	_ =	shalt  }
0x5a: {  	_ =	shalt  }
0x5b: {  	_ =	shalt  }
0x5c: {  	_ =	shalt  }
0x5d: {  	_ =	shalt  }
0x5e: {  	_ =	shalt  }
0x5f: {  	_ =	shalt  }
0x60: {  	_ =	shalt  }
0x61: {  	_ =	shalt  }
0x62: {  	_ =	shalt  }
0x63: {  	_ =	shalt  }
0x64: {  	_ =	shalt  }
0x65: {  	_ =	shalt  }
0x66: {  	_ =	shalt  }
0x67: {  	_ =	shalt  }
0x68: {  	_ =	shalt  }
0x69: {  	_ =	shalt  }
0x6a: {  	_ =	shalt  }
0x6b: {  	_ =	shalt  }
0x6c: {  	_ =	shalt  }
0x6d: {  	_ =	shalt  }
0x6e: {  	_ =	shalt  }
0x6f: {  	_ =	shalt  }
0x70: {  	_ =	shalt  }
0x71: {  	_ =	shalt  }
0x72: {  	_ =	shalt  }
0x73: {  	_ =	shalt  }
0x74: {  	_ =	shalt  }
0x75: {  	_ =	shalt  }
0x76: {  	_ =	shalt  }
0x77: {  	_ =	shalt  }
0x78: {  	_ =	shalt  }
0x79: {  	_ =	shalt  }
0x7a: {  	_ =	shalt  }
0x7b: {  	_ =	shalt  }
0x7c: {  	_ =	shalt  }
0x7d: {  	_ =	shalt  }
0x7e: {  	_ =	shalt  }
0x7f: {  	_ =	shalt  }
0x80: {  	_ =	shalt  }
0x81: {  	_ =	shalt  }
0x82: {  	_ =	shalt  }
0x83: {  	_ =	shalt  }
0x84: {  	_ =	shalt  }
0x85: {  	_ =	shalt  }
0x86: {  	_ =	shalt  }
0x87: {  	_ =	shalt  }
.Lfunc_end0:
.L_simem_size_0:
called_computation.1_lowered:
.L_overlay_start_0:
0x88: {  	s2 =	sld [smem:$0x3FD9]  }
0x89: {  	s3 =	sld [smem:$0x3FFE];
	_ =	sdelay $0x1  }
0x8a: {  	s1 =	srdreg.scid  }
0x8b: {  	s0 =	sand.u32 $0x1, s1  }
0x8c: {  	s16 =	sshll.u32 s0, $0xA;
	s2 =	sadd.s32 s3, s2  }
0x8d: {  	s2 =	sadd.s32 s2, s16  }
0x8e: {  	[smem:$0x3FBA] =	sst s2  }
0x8f: {  	_ = 	snop  }
0x90: {  	(tm) =	ssettm $0x1  }
0x91: {  	s17 =	sld [smem:$0x3FFB];
	_ =	sdelay $0x3  }
0x92: {  	_ =	strace s17  }
0x93: {  	s2 =	sld [smem:$0x3FFC];
	_ =	sdelay $0x3  }
0x94: {  	_ =	strace s2  }
0x95: {  	s2 =	sld [smem:$0x3FFD];
	_ =	sdelay $0x3  }
0x96: {  	_ =	strace s2  }
0x97: {  	_ =	strace $0x8FFFFFFF  }
0x98: {  	s18 =	sld [smem:$0x3FDB];
	_ =	sdelay $0x1  }
0x99: {  	s19 =	simm.s32 $_scs_section_size  }
0x9a: {  	s4 =	simm.s32 $_size__tile_overlayer_lowered;
	s5 =	simm.s32 $_tile_overlayer_lowered  }
0x9b: {  	s22 =	simm.s32 $0x1BFF;
	s21 =	sshll.u32 s5, $0x1;
	s2 =	sadd.s32 s19, s18  }
0x9c: {  	s6 =	simm.s32 $0x0;
	s20 =	sshll.u32 s4, $0x1;
	s4 =	sadd.s32 s21, s2  }
0x9d: {  	[timem:s6], [sflag:s22] =	dma.local [hbm:s4], s20  }
0x9e: {  	_ =	swait.ge [sflag:s22], s20  }
0x9f: {  	s3 =	ssub.s32 $0x0, s20;
	[sflag:s22] =	ssyncset.done $0x0  }
0xa0: {  	[sflag:s22] =	ssyncadd.s32 s3;
	_ =	sdelay $0x1  }
0xa1: {  	s23 =	simm.s32 $0x1B8B  }
0xa2: {  	_ =	swait.ge [sflag:s23], $0x1  }
0xa3: {  	[sflag:s23] =	ssyncset.done $0x0  }
0xa4: {  	s25 =	simm.s32 $0x1B8E;
	s24 =	sld [smem:$0x3FFE];
	[sflag:s23] =	ssyncadd.s32 $0xFFFFFFFF  }
0xa5: {  	s26 =	simm.s32 $execute0_lowered;
	[smem:$0x3FD2] =	sst s25  }
0xa6: {  	s4 =	sshll.u32 s26, $0x1;
	_ =	strace $0x80000049;
	[dreg:$0x1] =	wrdreg $0xFFFFFFFF  }
0xa7: {  	s28 =	simm.s32 $_size_execute0_lowered;
	s2 =	sadd.s32 s2, s4;
	[dreg:$0x0] =	wrdreg $0x0  }
0xa8: {  	s4 =	sshll.u32 s28, $0x1;
	[dreg:$0x2] =	wrdreg s2  }
0xa9: {  	[dreg:$0x3] =	wrdreg s4  }
0xaa: {  	[dreg:$0x4] =	wrdreg $0xC0  }
0xab: {  	_ =	task [dreg:s6], $0x5FFFF  }
0xac: {  	[dreg:$0x1] =	wrdreg $0xFFFFFFFF  }
0xad: {  	[dreg:$0x0] =	wrdreg $0x60  }
0xae: {  	[dreg:$0x2] =	wrdreg s24  }
0xaf: {  	[dreg:$0x3] =	wrdreg $0x48000  }
0xb0: {  	[dreg:$0x4] =	wrdreg $0xE6000  }
0xb1: {  	[dreg:$0x5] =	wrdreg $0x9  }
0xb2: {  	_ =	task.clear_ibuf [dreg:s6], $0x6FFFF;
	_ =	strace $0x90000049  }
0xb3: {  	s29 =	simm.s32 $0x9;
	_ =	strace $0x8000004B  }
0xb4: {  	_ =	swait.ge [sflag:s29], $0x1  }
0xb5: {  	[sflag:s29] =	ssyncadd.s32 $0xFFFFFFFF  }
0xb6: {  	_ =	strace $0x9000004B  }
0xb7: {  	_ =	sfence  }
0xb8: {  	s30 =	sld [smem:$0x0];
	_ =	sdelay $0x2  }
0xb9: {  	s31 =	sshll.u32 s1, $0xD;
	s1 =	sshrl.u32 s1, $0x2  }
0xba: {  	s3 =	sand.u32 $0x4000, s31;
	s1 =	sadd.s32 s1, s30  }
0xbb: {  	s0 =	sor.u32 s3, s0;
	s1 =	sshll.u32 s1, $0x11  }
0xbc: {  	s0 =	sor.u32 s1, s0  }
0xbd: {  	s0 =	sadd.s32 $0x8F2B, s0  }
0xbe: {  	[sflag:s0] =	ssyncadd.remote.s32 $0x1  }
0xbf: {  	_ =	sfence.sel $0xFFFF  }
0xc0: {  	[dreg:$0x0] =	wrdreg $0xFFFFFFFF;
	(pc) =	sbr.abs _section_cstart, $3  }
0xc1: {  	[dreg:$0x1] =	wrdreg $0xFFFFFFFF  }
0xc2: {  	_ =	task.clear_ibuf [dreg:s6], $0x2FFFF;
	_ =	strace $0x9FFFFFFF  }
0xc3: {  	(tm) =	ssettm $0x7FFFFFFF  }
tec
execute0_lowered:
.L_overlay_start_1:
0x0: {  	(tag) =	ssettag $0x1  }
0x1: {  	s0 =	rddreg [dreg:$0x0]  }
0x2: {  	s2 =	rddreg [dreg:$0x1]  }
0x3: {  	s3 =	rddreg [dreg:$0x2]  }
0x4: {  	s4 =	simm.s32 $0x0;
	s13 =	stileid.u32;
	s6 =	srdreg.scid  }
0x5: {  	s30 =	simm.s32 $0x800;
	s31 =	simm.s32 $0x3;
	s1 =	smul.u32 $0xA00, s13  }
0x6: {  	[smem:$0x7FF] =	sst s4;
	s5 =	sadd.s32 $0x17800, s0;
	s7 =	smul.u32 $0x278, s13  }
0x7: {  	s6 =	sand.u32 $0x1, s6;
	s8 =	sadd.s32 $0x3F000, s0;
	s9 =	smul.u32 $0x9E00, s13  }
0x8: {  	s13 =	smul.u32 $0x13C00, s13;
	_ =	strace $0x8000004A;
	[dreg:$0x4] =	wrdreg s8  }
0x9: {  	s19 =	ssub.s32 $0x2, s6;
	s6 =	sshll.u32 s6, $0x6;
	s1 =	sadd.s32 s1, s0  }
0xa: {  	s0 =	sadd.s32 $0x3F400, s0;
	s10 =	sshrl.u32 s19, $0x1;
	s11 =	sadd.s32 $0x80, s7  }
0xb: {  	s22 =	sadd.s32 s9, s2;
	s20 =	sadd.s32 $0x100, s7;
	s15 =	sadd.s32 $0x180, s7  }
0xc: {  	s13 =	sor.u32 s6, s13;
	s7 =	sadd.s32 $0x200, s7;
	s8 =	ssub.s32 s19, s10  }
0xd: {  	s10 =	sshll.u32 s11, $0x6;
	s14 =	sshll.u32 s20, $0x6;
	s11 =	sshll.u32 s11, $0x7  }
0xe: {  	s13 =	sshrl.u32 s13, $0x3;
	s23 =	sshll.u32 s15, $0x7;
	s17 =	sshll.u32 s7, $0x7  }
0xf: {  	s18 =	sshll.u32 s15, $0x6;
	s19 =	sshll.u32 s7, $0x6;
	s28 =	sadd.s32 $0xD800, s1  }
0x10: {  	s29 =	sadd.s32 $0x3800, s1;
	s1 =	simm.s32 $0x80;
	s15 =	simm.s32 $0x200  }
0x11: {  	[dreg:$0x5] =	wrdreg s22;
	s12 =	sadd.s32 s10, s2;
	s11 =	sor.u32 s6, s11  }
0x12: {  	s16 =	sadd.s32 s5, s13;
	s26 =	sadd.s32 s0, s13;
	[dreg:$0x6] =	wrdreg s12  }
0x13: {  	s7 =	sadd.s32 s18, s2;
	s11 =	sshrl.u32 s11, $0x3;
	[dreg:$0x7] =	wrdreg s16  }
0x14: {  	s12 =	sshll.u32 s20, $0x7;
	s16 =	sor.u32 s6, s23;
	[dreg:$0xc] =	wrdreg s26  }
0x15: {  	s20 =	sadd.s32 s9, s3;
	s23 =	sadd.s32 s14, s3;
	s26 =	smax.u32 s8, $0x1  }
0x16: {  	s8 =	simm.s32 $0x1;
	s9 =	simm.s32 $0x2800;
	[dreg:$0x15] =	wrdreg s7  }
0x17: {  	s21 =	sadd.s32 s5, s11;
	s12 =	sor.u32 s6, s12;
	[dreg:$0x12] =	wrdreg s20  }
0x18: {  	s6 =	sor.u32 s6, s17;
	s16 =	sshrl.u32 s16, $0x3;
	[dreg:$0x14] =	wrdreg s23  }
0x19: {  	s11 =	sadd.s32 s0, s11;
	[dreg:$0x19] =	wrdreg s26;
	s20 =	simm.s32 $0x300  }
0x1a: {  	s23 =	simm.s32 $0x380;
	s26 =	simm.s32 $0x780;
	[dreg:$0x8] =	wrdreg s21  }
0x1b: {  	s12 =	sshrl.u32 s12, $0x3;
	s25 =	sadd.s32 s5, s16;
	[dreg:$0xd] =	wrdreg s11  }
0x1c: {  	s6 =	sshrl.u32 s6, $0x3;
	s17 =	sadd.s32 s0, s16;
	[dreg:$0xa] =	wrdreg s25  }
0x1d: {  	s21 =	sadd.s32 s10, s3;
	s10 =	simm.s32 $0x2;
	[dreg:$0xf] =	wrdreg s17  }
0x1e: {  	s11 =	simm.s32 $0x100;
	s24 =	sadd.s32 s5, s12;
	[dreg:$0x13] =	wrdreg s21  }
0x1f: {  	s16 =	simm.s32 $0x580;
	s5 =	sadd.s32 s5, s6;
	[dreg:$0x9] =	wrdreg s24  }
0x20: {  	s13 =	sadd.s32 s0, s12;
	s0 =	sadd.s32 s0, s6;
	[dreg:$0xb] =	wrdreg s5  }
0x21: {  	s6 =	sadd.s32 s19, s2;
	s25 =	sadd.s32 s19, s3;
	[dreg:$0xe] =	wrdreg s13  }
0x22: {  	s12 =	simm.s32 $0x480;
	s17 =	simm.s32 $0x280;
	[dreg:$0x10] =	wrdreg s0  }
0x23: {  	s19 =	simm.s32 $0x600;
	s21 =	simm.s32 $0x680;
	[dreg:$0x18] =	wrdreg s25  }
0x24: {  	s24 =	sadd.s32 s14, s2;
	s0 =	sadd.s32 s18, s3;
	[dreg:$0x17] =	wrdreg s6  }
0x25: {  	s18 =	simm.s32 $0x40;
	s5 =	simm.s32 $0x400;
	[dreg:$0x16] =	wrdreg s0  }
0x26: {  	s13 =	simm.s32 $0x180;
	s0 =	simm.s32 $0x0;
	[dreg:$0x11] =	wrdreg s24  }
0x27: {  	s14 =	simm.s32 $0x500;
	s25 =	simm.s32 $0x700;
	[dreg:$0x1a] =	wrdreg s0  }
.LBB2_1:
0x28: {  	s0 =	rddreg [dreg:$0x4]  }
0x29: {  	[tilespmem:s30], [sflag:$0x3] =	stream.linear.gather [hbm4b:s0+s4], $0x2000, $0x38;
	[tilespmem:$0x18400] =	vst v63  }
0x2a: {  	_ =	swait.ge [sflag:s31], $0x2000  }
0x2b: {  	[sflag:s31] =	ssyncset.done $0x0  }
0x2c: {  	[sflag:s31] =	ssyncadd.s32 $0xFFFFE000  }
0x2d: {  	[spmem:s22] =	stream.linear.scatter [tilespmem:s30], [sflag:$0x3], $0x2000, $0x38;
	[tilespmem:$0x18400] =	vst v63  }
0x2e: {  	_ =	swait.ge [sflag:s31], $0x2000  }
0x2f: {  	[sflag:s31] =	ssyncset.done $0x0  }
0x30: {  	s22 =	rddreg [dreg:$0x6];
	[sflag:s31] =	ssyncadd.s32 $0xFFFFE000  }
0x31: {  	[spmem:s22] =	stream.linear.scatter [tilespmem:s30], [sflag:$0x3], $0x2000, $0x38;
	[tilespmem:$0x18400] =	vst v63  }
0x32: {  	_ =	swait.ge [sflag:s31], $0x2000  }
0x33: {  	[sflag:s31] =	ssyncset.done $0x0  }
0x34: {  	[sflag:s31] =	ssyncadd.s32 $0xFFFFE000  }
0x35: {  	[spmem:s24] =	stream.linear.scatter [tilespmem:s30], [sflag:$0x3], $0x2000, $0x38;
	[tilespmem:$0x18400] =	vst v63  }
0x36: {  	_ =	swait.ge [sflag:s31], $0x2000  }
0x37: {  	[sflag:s31] =	ssyncset.done $0x0  }
0x38: {  	[sflag:s31] =	ssyncadd.s32 $0xFFFFE000  }
0x39: {  	[spmem:s7] =	stream.linear.scatter [tilespmem:s30], [sflag:$0x3], $0x2000, $0x38;
	[tilespmem:$0x18400] =	vst v63  }
0x3a: {  	_ =	swait.ge [sflag:s31], $0x2000  }
0x3b: {  	[sflag:s31] =	ssyncset.done $0x0  }
0x3c: {  	[sflag:s31] =	ssyncadd.s32 $0xFFFFE000  }
0x3d: {  	[spmem:s6] =	stream.linear.scatter [tilespmem:s30], [sflag:$0x3], $0x1E00, $0x38;
	[tilespmem:$0x18400] =	vst v63  }
0x3e: {  	_ =	swait.ge [sflag:s31], $0x1E00  }
0x3f: {  	[sflag:s31] =	ssyncset.done $0x0  }
0x40: {  	s7 =	rddreg [dreg:$0x7];
	[sflag:s31] =	ssyncadd.s32 $0xFFFFE200  }
0x41: {  	[tilespmem:s30], [sflag:$0x3] =	stream.strided.gather [hbm4b:s7+s18], $0x2000, s1, s18, $0x38;
	[tilespmem:$0x18400] =	vst v63  }
0x42: {  	_ =	swait.ge [sflag:s31], $0x2000  }
0x43: {  	[sflag:s31] =	ssyncset.done $0x0  }
0x44: {  	s22 =	rddreg [dreg:$0x12];
	[sflag:s31] =	ssyncadd.s32 $0xFFFFE000  }
0x45: {  	[spmem:s22] =	stream.linear.scatter [tilespmem:s30], [sflag:$0x3], $0x2000, $0x38;
	[tilespmem:$0x18400] =	vst v63  }
0x46: {  	_ =	swait.ge [sflag:s31], $0x2000  }
0x47: {  	[sflag:s31] =	ssyncset.done $0x0  }
0x48: {  	s24 =	rddreg [dreg:$0x8];
	[sflag:s31] =	ssyncadd.s32 $0xFFFFE000  }
0x49: {  	[tilespmem:s30], [sflag:$0x3] =	stream.strided.gather [hbm4b:s24+s18], $0x2000, s1, s18, $0x38;
	[tilespmem:$0x18400] =	vst v63  }
0x4a: {  	_ =	swait.ge [sflag:s31], $0x2000  }
0x4b: {  	[sflag:s31] =	ssyncset.done $0x0  }
0x4c: {  	s6 =	rddreg [dreg:$0x13];
	[sflag:s31] =	ssyncadd.s32 $0xFFFFE000  }
0x4d: {  	[spmem:s6] =	stream.linear.scatter [tilespmem:s30], [sflag:$0x3], $0x2000, $0x38;
	[tilespmem:$0x18400] =	vst v63  }
0x4e: {  	_ =	swait.ge [sflag:s31], $0x2000  }
0x4f: {  	[sflag:s31] =	ssyncset.done $0x0  }
0x50: {  	s7 =	rddreg [dreg:$0x9];
	[sflag:s31] =	ssyncadd.s32 $0xFFFFE000  }
0x51: {  	[tilespmem:s30], [sflag:$0x3] =	stream.strided.gather [hbm4b:s7+s18], $0x2000, s1, s18, $0x38;
	[tilespmem:$0x18400] =	vst v63  }
0x52: {  	_ =	swait.ge [sflag:s31], $0x2000  }
0x53: {  	[sflag:s31] =	ssyncset.done $0x0  }
0x54: {  	s22 =	rddreg [dreg:$0x14];
	[sflag:s31] =	ssyncadd.s32 $0xFFFFE000  }
0x55: {  	[spmem:s22] =	stream.linear.scatter [tilespmem:s30], [sflag:$0x3], $0x2000, $0x38;
	[tilespmem:$0x18400] =	vst v63  }
0x56: {  	_ =	swait.ge [sflag:s31], $0x2000  }
0x57: {  	[sflag:s31] =	ssyncset.done $0x0  }
0x58: {  	s24 =	rddreg [dreg:$0xa];
	[sflag:s31] =	ssyncadd.s32 $0xFFFFE000  }
0x59: {  	[tilespmem:s30], [sflag:$0x3] =	stream.strided.gather [hbm4b:s24+s18], $0x2000, s1, s18, $0x38;
	[tilespmem:$0x18400] =	vst v63  }
0x5a: {  	_ =	swait.ge [sflag:s31], $0x2000  }
0x5b: {  	[sflag:s31] =	ssyncset.done $0x0  }
0x5c: {  	s6 =	rddreg [dreg:$0x16];
	[sflag:s31] =	ssyncadd.s32 $0xFFFFE000  }
0x5d: {  	[spmem:s6] =	stream.linear.scatter [tilespmem:s30], [sflag:$0x3], $0x2000, $0x38;
	[tilespmem:$0x18400] =	vst v63  }
0x5e: {  	_ =	swait.ge [sflag:s31], $0x2000  }
0x5f: {  	[sflag:s31] =	ssyncset.done $0x0  }
0x60: {  	s7 =	rddreg [dreg:$0xb];
	[sflag:s31] =	ssyncadd.s32 $0xFFFFE000  }
0x61: {  	[tilespmem:s30], [sflag:$0x3] =	stream.strided.gather [hbm4b:s7+s18], $0x1E00, s1, s18, $0x38;
	[tilespmem:$0x18400] =	vst v63  }
0x62: {  	_ =	swait.ge [sflag:s31], $0x1E00  }
0x63: {  	[sflag:s31] =	ssyncset.done $0x0  }
0x64: {  	s18 =	rddreg [dreg:$0x18];
	[sflag:s31] =	ssyncadd.s32 $0xFFFFE200  }
0x65: {  	[spmem:s18] =	stream.linear.scatter [tilespmem:s30], [sflag:$0x3], $0x1E00, $0x38;
	[tilespmem:$0x18400] =	vst v63  }
0x66: {  	_ =	swait.ge [sflag:s31], $0x1E00  }
0x67: {  	[sflag:s31] =	ssyncset.done $0x0  }
0x68: {  	[sflag:s31] =	ssyncadd.s32 $0xFFFFE200  }
0x69: {  	s22 =	sadd.s32 $0x0, s29;
	[bflag:$0x0] =	sbarrier.arrive $0xFFFF  }
0x6a: {  	[tilespmem:s4], [sflag:$0x3] =	stream.linear.gather [hbm4b:s22+s4], $0x400, $0x38;
	[tilespmem:$0x18400] =	vst v63  }
0x6b: {  	_ =	swait.ge [sflag:s31], $0x400  }
0x6c: {  	[sflag:s31] =	ssyncset.done $0x0  }
0x6d: {  	s24 =	sadd.s32 $0x0, s28;
	[sflag:s31] =	ssyncadd.s32 $0xFFFFFC00  }
0x6e: {  	[tilespmem:s5], [sflag:$0x3] =	stream.linear.gather [hbm4b:s24+s4], $0x400, $0x38;
	[tilespmem:$0x18400] =	vst v63  }
0x6f: {  	_ =	swait.ge [sflag:s31], $0x400  }
0x70: {  	[sflag:s31] =	ssyncset.done $0x0  }
0x71: {  	[sflag:s31] =	ssyncadd.s32 $0xFFFFFC00  }
0x72: {  	[tilespmem:s30], [sflag:$0x1] =	stream.indirect.gather [spmem:s3], $0x40, s4, s1, $0xb8;
	[tilespmem:$0x18400] =	vst v63  }
0x73: {  	_ =	swait.ge [sflag:s8], $0x2000  }
0x74: {  	[sflag:s8] =	ssyncset.done $0x0  }
0x75: {  	[sflag:s8] =	ssyncadd.s32 $0xFFFFE000  }
0x76: {  	[tilespmem:s9], [sflag:$0x2] =	stream.indirect.gather [spmem:s3], $0x40, s1, s1, $0xb8;
	[tilespmem:$0x18400] =	vst v63  }
0x77: {  	_ = 	snop  }
0x78: {  	[spmem:s2] =	stream.indirect.scatter.add.f32 [tilespmem:s30], [sflag:$0x3], $0x40, s5, s1, $0xb8;
	[tilespmem:$0x18400] =	vst v63  }
0x79: {  	_ =	swait.ge [sflag:s31], $0x2000  }
0x7a: {  	[sflag:s31] =	ssyncset.done $0x0  }
0x7b: {  	[sflag:s31] =	ssyncadd.s32 $0xFFFFE000  }
0x7c: {  	_ =	swait.ge [sflag:s10], $0x2000  }
0x7d: {  	[sflag:s10] =	ssyncset.done $0x0  }
0x7e: {  	[sflag:s10] =	ssyncadd.s32 $0xFFFFE000  }
0x7f: {  	[tilespmem:s30], [sflag:$0x1] =	stream.indirect.gather [spmem:s3], $0x40, s11, s1, $0xb8;
	[tilespmem:$0x18400] =	vst v63  }
0x80: {  	_ = 	snop  }
0x81: {  	[spmem:s2] =	stream.indirect.scatter.add.f32 [tilespmem:s9], [sflag:$0x3], $0x40, s12, s1, $0xb8;
	[tilespmem:$0x18400] =	vst v63  }
0x82: {  	_ =	swait.ge [sflag:s31], $0x2000  }
0x83: {  	[sflag:s31] =	ssyncset.done $0x0  }
0x84: {  	[sflag:s31] =	ssyncadd.s32 $0xFFFFE000  }
0x85: {  	_ =	swait.ge [sflag:s8], $0x2000  }
0x86: {  	[sflag:s8] =	ssyncset.done $0x0  }
0x87: {  	[sflag:s8] =	ssyncadd.s32 $0xFFFFE000  }
0x88: {  	[tilespmem:s9], [sflag:$0x2] =	stream.indirect.gather [spmem:s3], $0x40, s13, s1, $0xb8;
	[tilespmem:$0x18400] =	vst v63  }
0x89: {  	_ = 	snop  }
0x8a: {  	[spmem:s2] =	stream.indirect.scatter.add.f32 [tilespmem:s30], [sflag:$0x3], $0x40, s14, s1, $0xb8;
	[tilespmem:$0x18400] =	vst v63  }
0x8b: {  	_ =	swait.ge [sflag:s31], $0x2000  }
0x8c: {  	[sflag:s31] =	ssyncset.done $0x0  }
0x8d: {  	[sflag:s31] =	ssyncadd.s32 $0xFFFFE000  }
0x8e: {  	_ =	swait.ge [sflag:s10], $0x2000  }
0x8f: {  	[sflag:s10] =	ssyncset.done $0x0  }
0x90: {  	[sflag:s10] =	ssyncadd.s32 $0xFFFFE000  }
0x91: {  	[tilespmem:s30], [sflag:$0x1] =	stream.indirect.gather [spmem:s3], $0x40, s15, s1, $0xb8;
	[tilespmem:$0x18400] =	vst v63  }
0x92: {  	_ = 	snop  }
0x93: {  	[spmem:s2] =	stream.indirect.scatter.add.f32 [tilespmem:s9], [sflag:$0x3], $0x40, s16, s1, $0xb8;
	[tilespmem:$0x18400] =	vst v63  }
0x94: {  	_ =	swait.ge [sflag:s31], $0x2000  }
0x95: {  	[sflag:s31] =	ssyncset.done $0x0  }
0x96: {  	[sflag:s31] =	ssyncadd.s32 $0xFFFFE000  }
0x97: {  	_ =	swait.ge [sflag:s8], $0x2000  }
0x98: {  	[sflag:s8] =	ssyncset.done $0x0  }
0x99: {  	[sflag:s8] =	ssyncadd.s32 $0xFFFFE000  }
0x9a: {  	[tilespmem:s9], [sflag:$0x2] =	stream.indirect.gather [spmem:s3], $0x40, s17, s1, $0xb8;
	[tilespmem:$0x18400] =	vst v63  }
0x9b: {  	_ = 	snop  }
0x9c: {  	[spmem:s2] =	stream.indirect.scatter.add.f32 [tilespmem:s30], [sflag:$0x3], $0x40, s19, s1, $0xb8;
	[tilespmem:$0x18400] =	vst v63  }
0x9d: {  	_ =	swait.ge [sflag:s31], $0x2000  }
0x9e: {  	[sflag:s31] =	ssyncset.done $0x0  }
0x9f: {  	[sflag:s31] =	ssyncadd.s32 $0xFFFFE000  }
0xa0: {  	_ =	swait.ge [sflag:s10], $0x2000  }
0xa1: {  	[sflag:s10] =	ssyncset.done $0x0  }
0xa2: {  	[sflag:s10] =	ssyncadd.s32 $0xFFFFE000  }
0xa3: {  	[tilespmem:s30], [sflag:$0x1] =	stream.indirect.gather [spmem:s3], $0x40, s20, s1, $0xb8;
	[tilespmem:$0x18400] =	vst v63  }
0xa4: {  	_ = 	snop  }
0xa5: {  	[spmem:s2] =	stream.indirect.scatter.add.f32 [tilespmem:s9], [sflag:$0x3], $0x40, s21, s1, $0xb8;
	[tilespmem:$0x18400] =	vst v63  }
0xa6: {  	_ =	swait.ge [sflag:s31], $0x2000  }
0xa7: {  	[sflag:s31] =	ssyncset.done $0x0  }
0xa8: {  	[sflag:s31] =	ssyncadd.s32 $0xFFFFE000  }
0xa9: {  	_ =	swait.ge [sflag:s8], $0x2000  }
0xaa: {  	[sflag:s8] =	ssyncset.done $0x0  }
0xab: {  	[sflag:s8] =	ssyncadd.s32 $0xFFFFE000  }
0xac: {  	[tilespmem:s9], [sflag:$0x2] =	stream.indirect.gather [spmem:s3], $0x40, s23, s1, $0xb8;
	[tilespmem:$0x18400] =	vst v63  }
0xad: {  	_ = 	snop  }
0xae: {  	[spmem:s2] =	stream.indirect.scatter.add.f32 [tilespmem:s30], [sflag:$0x3], $0x40, s25, s1, $0xb8;
	[tilespmem:$0x18400] =	vst v63  }
0xaf: {  	_ =	swait.ge [sflag:s31], $0x2000  }
0xb0: {  	[sflag:s31] =	ssyncset.done $0x0  }
0xb1: {  	[sflag:s31] =	ssyncadd.s32 $0xFFFFE000  }
0xb2: {  	_ =	swait.ge [sflag:s10], $0x2000  }
0xb3: {  	[sflag:s10] =	ssyncset.done $0x0  }
0xb4: {  	[sflag:s10] =	ssyncadd.s32 $0xFFFFE000  }
0xb5: {  	[spmem:s2] =	stream.indirect.scatter.add.f32 [tilespmem:s9], [sflag:$0x3], $0x40, s26, s1, $0xb8;
	[tilespmem:$0x18400] =	vst v63  }
0xb6: {  	s6 =	simm.s32 $0x40;
	_ =	swait.ge [sflag:s31], $0x2000  }
0xb7: {  	s7 =	simm.s32 $0x80;
	s18 =	simm.s32 $0x100;
	[sflag:s31] =	ssyncset.done $0x0  }
.LBB2_2:
0xb8: {  	s24 =	sadd.s32 s7, s29  }
0xb9: {  	[sflag:s31] =	ssyncadd.s32 $0xFFFFE000;
	s0 =	smov.u32 s18;
	s22 =	sadd.s32 $0x80, s18  }
0xba: {  	[tilespmem:s4], [sflag:$0x3] =	stream.linear.gather [hbm4b:s24+s4], $0x400, $0x38;
	[tilespmem:$0x18400] =	vst v63  }
0xbb: {  	p0 =	sne.s32 s18, $0x980;
	_ =	swait.ge [sflag:s31], $0x400  }
0xbc: {  	[sflag:s31] =	ssyncset.done $0x0  }
0xbd: {  	s18 =	sadd.s32 s7, s28;
	s7 =	smov.u32 s0;
	[sflag:s31] =	ssyncadd.s32 $0xFFFFFC00  }
0xbe: {  	[tilespmem:s5], [sflag:$0x3] =	stream.linear.gather [hbm4b:s18+s4], $0x400, $0x38;
	[tilespmem:$0x18400] =	vst v63  }
0xbf: {  	_ =	swait.ge [sflag:s31], $0x400  }
0xc0: {  	[sflag:s31] =	ssyncset.done $0x0  }
0xc1: {  	[sflag:s31] =	ssyncadd.s32 $0xFFFFFC00  }
0xc2: {  	[tilespmem:s30], [sflag:$0x1] =	stream.indirect.gather [spmem:s3], $0x40, s4, s1, $0xb8;
	[tilespmem:$0x18400] =	vst v63  }
0xc3: {  	_ =	swait.ge [sflag:s8], $0x2000  }
0xc4: {  	[sflag:s8] =	ssyncset.done $0x0  }
0xc5: {  	[sflag:s8] =	ssyncadd.s32 $0xFFFFE000  }
0xc6: {  	[tilespmem:s9], [sflag:$0x2] =	stream.indirect.gather [spmem:s3], $0x40, s1, s1, $0xb8;
	[tilespmem:$0x18400] =	vst v63  }
0xc7: {  	_ = 	snop  }
0xc8: {  	[spmem:s2] =	stream.indirect.scatter.add.f32 [tilespmem:s30], [sflag:$0x3], $0x40, s5, s1, $0xb8;
	[tilespmem:$0x18400] =	vst v63  }
0xc9: {  	_ =	swait.ge [sflag:s31], $0x2000  }
0xca: {  	[sflag:s31] =	ssyncset.done $0x0  }
0xcb: {  	[sflag:s31] =	ssyncadd.s32 $0xFFFFE000  }
0xcc: {  	_ =	swait.ge [sflag:s10], $0x2000  }
0xcd: {  	[sflag:s10] =	ssyncset.done $0x0  }
0xce: {  	[sflag:s10] =	ssyncadd.s32 $0xFFFFE000  }
0xcf: {  	[tilespmem:s30], [sflag:$0x1] =	stream.indirect.gather [spmem:s3], $0x40, s11, s1, $0xb8;
	[tilespmem:$0x18400] =	vst v63  }
0xd0: {  	_ = 	snop  }
0xd1: {  	[spmem:s2] =	stream.indirect.scatter.add.f32 [tilespmem:s9], [sflag:$0x3], $0x40, s12, s1, $0xb8;
	[tilespmem:$0x18400] =	vst v63  }
0xd2: {  	_ =	swait.ge [sflag:s31], $0x2000  }
0xd3: {  	[sflag:s31] =	ssyncset.done $0x0  }
0xd4: {  	[sflag:s31] =	ssyncadd.s32 $0xFFFFE000  }
0xd5: {  	_ =	swait.ge [sflag:s8], $0x2000  }
0xd6: {  	[sflag:s8] =	ssyncset.done $0x0  }
0xd7: {  	[sflag:s8] =	ssyncadd.s32 $0xFFFFE000  }
0xd8: {  	[tilespmem:s9], [sflag:$0x2] =	stream.indirect.gather [spmem:s3], $0x40, s13, s1, $0xb8;
	[tilespmem:$0x18400] =	vst v63  }
0xd9: {  	_ = 	snop  }
0xda: {  	[spmem:s2] =	stream.indirect.scatter.add.f32 [tilespmem:s30], [sflag:$0x3], $0x40, s14, s1, $0xb8;
	[tilespmem:$0x18400] =	vst v63  }
0xdb: {  	_ =	swait.ge [sflag:s31], $0x2000  }
0xdc: {  	[sflag:s31] =	ssyncset.done $0x0  }
0xdd: {  	[sflag:s31] =	ssyncadd.s32 $0xFFFFE000  }
0xde: {  	_ =	swait.ge [sflag:s10], $0x2000  }
0xdf: {  	[sflag:s10] =	ssyncset.done $0x0  }
0xe0: {  	[sflag:s10] =	ssyncadd.s32 $0xFFFFE000  }
0xe1: {  	[tilespmem:s30], [sflag:$0x1] =	stream.indirect.gather [spmem:s3], $0x40, s15, s1, $0xb8;
	[tilespmem:$0x18400] =	vst v63  }
0xe2: {  	_ = 	snop  }
0xe3: {  	[spmem:s2] =	stream.indirect.scatter.add.f32 [tilespmem:s9], [sflag:$0x3], $0x40, s16, s1, $0xb8;
	[tilespmem:$0x18400] =	vst v63  }
0xe4: {  	_ =	swait.ge [sflag:s31], $0x2000  }
0xe5: {  	[sflag:s31] =	ssyncset.done $0x0  }
0xe6: {  	[sflag:s31] =	ssyncadd.s32 $0xFFFFE000  }
0xe7: {  	_ =	swait.ge [sflag:s8], $0x2000  }
0xe8: {  	[sflag:s8] =	ssyncset.done $0x0  }
0xe9: {  	[sflag:s8] =	ssyncadd.s32 $0xFFFFE000  }
0xea: {  	[tilespmem:s9], [sflag:$0x2] =	stream.indirect.gather [spmem:s3], $0x40, s17, s1, $0xb8;
	[tilespmem:$0x18400] =	vst v63  }
0xeb: {  	_ = 	snop  }
0xec: {  	[spmem:s2] =	stream.indirect.scatter.add.f32 [tilespmem:s30], [sflag:$0x3], $0x40, s19, s1, $0xb8;
	[tilespmem:$0x18400] =	vst v63  }
0xed: {  	_ =	swait.ge [sflag:s31], $0x2000  }
0xee: {  	[sflag:s31] =	ssyncset.done $0x0  }
0xef: {  	[sflag:s31] =	ssyncadd.s32 $0xFFFFE000  }
0xf0: {  	_ =	swait.ge [sflag:s10], $0x2000  }
0xf1: {  	[sflag:s10] =	ssyncset.done $0x0  }
0xf2: {  	[sflag:s10] =	ssyncadd.s32 $0xFFFFE000  }
0xf3: {  	[tilespmem:s30], [sflag:$0x1] =	stream.indirect.gather [spmem:s3], $0x40, s20, s1, $0xb8;
	[tilespmem:$0x18400] =	vst v63  }
0xf4: {  	_ = 	snop  }
0xf5: {  	[spmem:s2] =	stream.indirect.scatter.add.f32 [tilespmem:s9], [sflag:$0x3], $0x40, s21, s1, $0xb8;
	[tilespmem:$0x18400] =	vst v63  }
0xf6: {  	_ =	swait.ge [sflag:s31], $0x2000  }
0xf7: {  	[sflag:s31] =	ssyncset.done $0x0  }
0xf8: {  	[sflag:s31] =	ssyncadd.s32 $0xFFFFE000  }
0xf9: {  	_ =	swait.ge [sflag:s8], $0x2000  }
0xfa: {  	[sflag:s8] =	ssyncset.done $0x0  }
0xfb: {  	[sflag:s8] =	ssyncadd.s32 $0xFFFFE000  }
0xfc: {  	[tilespmem:s9], [sflag:$0x2] =	stream.indirect.gather [spmem:s3], $0x40, s23, s1, $0xb8;
	[tilespmem:$0x18400] =	vst v63  }
0xfd: {  	_ = 	snop  }
0xfe: {  	[spmem:s2] =	stream.indirect.scatter.add.f32 [tilespmem:s30], [sflag:$0x3], $0x40, s25, s1, $0xb8;
	[tilespmem:$0x18400] =	vst v63  }
0xff: {  	_ =	swait.ge [sflag:s31], $0x2000  }
0x100: {  	[sflag:s31] =	ssyncset.done $0x0  }
0x101: {  	[sflag:s31] =	ssyncadd.s32 $0xFFFFE000  }
0x102: {  	_ =	swait.ge [sflag:s10], $0x2000  }
.Ltmp0:
0x103: {  	[sflag:s10] =	ssyncset.done $0x0;
	(pc) =	sbr.rel @p0 .LBB2_2-.Ltmp0, $4  }
0x104: {  	[sflag:s10] =	ssyncadd.s32 $0xFFFFE000  }
0x105: {  	[spmem:s2] =	stream.indirect.scatter.add.f32 [tilespmem:s9], [sflag:$0x3], $0x40, s26, s1, $0xb8;
	[tilespmem:$0x18400] =	vst v63  }
0x106: {  	_ =	swait.ge [sflag:s31], $0x2000  }
0x107: {  	s18 =	smov.u32 s22;
	[sflag:s31] =	ssyncset.done $0x0  }
0x108: {  	s0 =	sadd.s32 s7, s29;
	[sflag:s31] =	ssyncadd.s32 $0xFFFFE000  }
0x109: {  	[tilespmem:s4], [sflag:$0x3] =	stream.linear.gather [hbm4b:s0+s4], $0x400, $0x38;
	[tilespmem:$0x18400] =	vst v63  }
0x10a: {  	_ =	swait.ge [sflag:s31], $0x400  }
0x10b: {  	[sflag:s31] =	ssyncset.done $0x0  }
0x10c: {  	s24 =	sadd.s32 s7, s28;
	[sflag:s31] =	ssyncadd.s32 $0xFFFFFC00  }
0x10d: {  	[tilespmem:s5], [sflag:$0x3] =	stream.linear.gather [hbm4b:s24+s4], $0x400, $0x38;
	[tilespmem:$0x18400] =	vst v63  }
0x10e: {  	_ =	swait.ge [sflag:s31], $0x400  }
0x10f: {  	[sflag:s31] =	ssyncset.done $0x0  }
0x110: {  	[sflag:s31] =	ssyncadd.s32 $0xFFFFFC00  }
0x111: {  	[tilespmem:s30], [sflag:$0x1] =	stream.indirect.gather [spmem:s3], $0x40, s4, s1, $0xb8;
	[tilespmem:$0x18400] =	vst v63  }
0x112: {  	_ =	swait.ge [sflag:s8], $0x2000  }
0x113: {  	[sflag:s8] =	ssyncset.done $0x0  }
0x114: {  	[sflag:s8] =	ssyncadd.s32 $0xFFFFE000  }
0x115: {  	[tilespmem:s9], [sflag:$0x2] =	stream.indirect.gather [spmem:s3], $0x40, s1, s1, $0xb8;
	[tilespmem:$0x18400] =	vst v63  }
0x116: {  	_ = 	snop  }
0x117: {  	[spmem:s2] =	stream.indirect.scatter.add.f32 [tilespmem:s30], [sflag:$0x3], $0x40, s5, s1, $0xb8;
	[tilespmem:$0x18400] =	vst v63  }
0x118: {  	_ =	swait.ge [sflag:s31], $0x2000  }
0x119: {  	[sflag:s31] =	ssyncset.done $0x0  }
0x11a: {  	[sflag:s31] =	ssyncadd.s32 $0xFFFFE000  }
0x11b: {  	_ =	swait.ge [sflag:s10], $0x2000  }
0x11c: {  	[sflag:s10] =	ssyncset.done $0x0  }
0x11d: {  	[sflag:s10] =	ssyncadd.s32 $0xFFFFE000  }
0x11e: {  	[tilespmem:s30], [sflag:$0x1] =	stream.indirect.gather [spmem:s3], $0x40, s11, s1, $0xb8;
	[tilespmem:$0x18400] =	vst v63  }
0x11f: {  	_ = 	snop  }
0x120: {  	[spmem:s2] =	stream.indirect.scatter.add.f32 [tilespmem:s9], [sflag:$0x3], $0x40, s12, s1, $0xb8;
	[tilespmem:$0x18400] =	vst v63  }
0x121: {  	_ =	swait.ge [sflag:s31], $0x2000  }
0x122: {  	[sflag:s31] =	ssyncset.done $0x0  }
0x123: {  	[sflag:s31] =	ssyncadd.s32 $0xFFFFE000  }
0x124: {  	_ =	swait.ge [sflag:s8], $0x2000  }
0x125: {  	[sflag:s8] =	ssyncset.done $0x0  }
0x126: {  	[sflag:s8] =	ssyncadd.s32 $0xFFFFE000  }
0x127: {  	[tilespmem:s9], [sflag:$0x2] =	stream.indirect.gather [spmem:s3], $0x40, s13, s1, $0xb8;
	[tilespmem:$0x18400] =	vst v63  }
0x128: {  	_ = 	snop  }
0x129: {  	[spmem:s2] =	stream.indirect.scatter.add.f32 [tilespmem:s30], [sflag:$0x3], $0x40, s14, s1, $0xb8;
	[tilespmem:$0x18400] =	vst v63  }
0x12a: {  	_ =	swait.ge [sflag:s31], $0x2000  }
0x12b: {  	[sflag:s31] =	ssyncset.done $0x0  }
0x12c: {  	[sflag:s31] =	ssyncadd.s32 $0xFFFFE000  }
0x12d: {  	_ =	swait.ge [sflag:s10], $0x2000  }
0x12e: {  	[sflag:s10] =	ssyncset.done $0x0  }
0x12f: {  	[sflag:s10] =	ssyncadd.s32 $0xFFFFE000  }
0x130: {  	[tilespmem:s30], [sflag:$0x1] =	stream.indirect.gather [spmem:s3], $0x40, s15, s1, $0xb8;
	[tilespmem:$0x18400] =	vst v63  }
0x131: {  	_ = 	snop  }
0x132: {  	[spmem:s2] =	stream.indirect.scatter.add.f32 [tilespmem:s9], [sflag:$0x3], $0x40, s16, s1, $0xb8;
	[tilespmem:$0x18400] =	vst v63  }
0x133: {  	_ =	swait.ge [sflag:s31], $0x2000  }
0x134: {  	[sflag:s31] =	ssyncset.done $0x0  }
0x135: {  	[sflag:s31] =	ssyncadd.s32 $0xFFFFE000  }
0x136: {  	_ =	swait.ge [sflag:s8], $0x2000  }
0x137: {  	[sflag:s8] =	ssyncset.done $0x0  }
0x138: {  	[sflag:s8] =	ssyncadd.s32 $0xFFFFE000  }
0x139: {  	[tilespmem:s9], [sflag:$0x2] =	stream.indirect.gather [spmem:s3], $0x40, s17, s1, $0xb8;
	[tilespmem:$0x18400] =	vst v63  }
0x13a: {  	_ = 	snop  }
0x13b: {  	[spmem:s2] =	stream.indirect.scatter.add.f32 [tilespmem:s30], [sflag:$0x3], $0x40, s19, s1, $0xb8;
	[tilespmem:$0x18400] =	vst v63  }
0x13c: {  	_ =	swait.ge [sflag:s31], $0x2000  }
0x13d: {  	[sflag:s31] =	ssyncset.done $0x0  }
0x13e: {  	[sflag:s31] =	ssyncadd.s32 $0xFFFFE000  }
0x13f: {  	_ =	swait.ge [sflag:s10], $0x2000  }
0x140: {  	[sflag:s10] =	ssyncset.done $0x0  }
0x141: {  	[sflag:s10] =	ssyncadd.s32 $0xFFFFE000  }
0x142: {  	[tilespmem:s30], [sflag:$0x1] =	stream.indirect.gather [spmem:s3], $0x40, s20, s1, $0xb8;
	[tilespmem:$0x18400] =	vst v63  }
0x143: {  	_ = 	snop  }
0x144: {  	[spmem:s2] =	stream.indirect.scatter.add.f32 [tilespmem:s9], [sflag:$0x3], $0x40, s21, s1, $0xb8;
	[tilespmem:$0x18400] =	vst v63  }
0x145: {  	_ =	swait.ge [sflag:s31], $0x2000  }
0x146: {  	[sflag:s31] =	ssyncset.done $0x0  }
0x147: {  	[sflag:s31] =	ssyncadd.s32 $0xFFFFE000  }
0x148: {  	_ =	swait.ge [sflag:s8], $0x2000  }
0x149: {  	[sflag:s8] =	ssyncset.done $0x0  }
0x14a: {  	[sflag:s8] =	ssyncadd.s32 $0xFFFFE000  }
0x14b: {  	[tilespmem:s9], [sflag:$0x2] =	stream.indirect.gather [spmem:s3], $0x40, s23, s1, $0xb8;
	[tilespmem:$0x18400] =	vst v63  }
0x14c: {  	_ = 	snop  }
0x14d: {  	[spmem:s2] =	stream.indirect.scatter.add.f32 [tilespmem:s30], [sflag:$0x3], $0x40, s25, s1, $0xb8;
	[tilespmem:$0x18400] =	vst v63  }
0x14e: {  	_ =	swait.ge [sflag:s31], $0x2000  }
0x14f: {  	[sflag:s31] =	ssyncset.done $0x0  }
0x150: {  	[sflag:s31] =	ssyncadd.s32 $0xFFFFE000  }
0x151: {  	_ =	swait.ge [sflag:s10], $0x2000  }
0x152: {  	[sflag:s10] =	ssyncset.done $0x0  }
0x153: {  	[sflag:s10] =	ssyncadd.s32 $0xFFFFE000  }
0x154: {  	[spmem:s2] =	stream.indirect.scatter.add.f32 [tilespmem:s9], [sflag:$0x3], $0x40, s26, s1, $0xb8;
	[tilespmem:$0x18400] =	vst v63  }
0x155: {  	_ =	swait.ge [sflag:s31], $0x2000  }
0x156: {  	[sflag:s31] =	ssyncset.done $0x0  }
0x157: {  	[sflag:s31] =	ssyncadd.s32 $0xFFFFE000  }
0x158: {  	[bflag:$0x0] =	sbarrier.arrive $0xFFFF  }
0x159: {  	s7 =	rddreg [dreg:$0x5]  }
0x15a: {  	[tilespmem:s30], [sflag:$0x3] =	stream.linear.gather [spmem:s7], $0x2000, $0x38;
	[tilespmem:$0x18400] =	vst v63  }
0x15b: {  	_ =	swait.ge [sflag:s31], $0x2000  }
0x15c: {  	[sflag:s31] =	ssyncset.done $0x0  }
0x15d: {  	s18 =	rddreg [dreg:$0xc];
	[sflag:s31] =	ssyncadd.s32 $0xFFFFE000  }
0x15e: {  	[hbm4b:s18+s6] =	stream.strided.scatter [tilespmem:s30], [sflag:$0x3], $0x2000, s1, s6, $0x38;
	[tilespmem:$0x18400] =	vst v63  }
0x15f: {  	_ =	swait.ge [sflag:s31], $0x2000  }
0x160: {  	[sflag:s31] =	ssyncset.done $0x0  }
0x161: {  	s22 =	rddreg [dreg:$0x6];
	[sflag:s31] =	ssyncadd.s32 $0xFFFFE000  }
0x162: {  	[tilespmem:s30], [sflag:$0x3] =	stream.linear.gather [spmem:s22], $0x2000, $0x38;
	[tilespmem:$0x18400] =	vst v63  }
0x163: {  	_ =	swait.ge [sflag:s31], $0x2000  }
0x164: {  	[sflag:s31] =	ssyncset.done $0x0  }
0x165: {  	s24 =	rddreg [dreg:$0xd];
	[sflag:s31] =	ssyncadd.s32 $0xFFFFE000  }
0x166: {  	[hbm4b:s24+s6] =	stream.strided.scatter [tilespmem:s30], [sflag:$0x3], $0x2000, s1, s6, $0x38;
	[tilespmem:$0x18400] =	vst v63  }
0x167: {  	_ =	swait.ge [sflag:s31], $0x2000  }
0x168: {  	[sflag:s31] =	ssyncset.done $0x0  }
0x169: {  	s24 =	rddreg [dreg:$0x11];
	[sflag:s31] =	ssyncadd.s32 $0xFFFFE000  }
0x16a: {  	[tilespmem:s30], [sflag:$0x3] =	stream.linear.gather [spmem:s24], $0x2000, $0x38;
	[tilespmem:$0x18400] =	vst v63  }
0x16b: {  	_ =	swait.ge [sflag:s31], $0x2000  }
0x16c: {  	[sflag:s31] =	ssyncset.done $0x0  }
0x16d: {  	s7 =	rddreg [dreg:$0xe];
	[sflag:s31] =	ssyncadd.s32 $0xFFFFE000  }
0x16e: {  	[hbm4b:s7+s6] =	stream.strided.scatter [tilespmem:s30], [sflag:$0x3], $0x2000, s1, s6, $0x38;
	[tilespmem:$0x18400] =	vst v63  }
0x16f: {  	_ =	swait.ge [sflag:s31], $0x2000  }
0x170: {  	[sflag:s31] =	ssyncset.done $0x0  }
0x171: {  	s7 =	rddreg [dreg:$0x15];
	[sflag:s31] =	ssyncadd.s32 $0xFFFFE000  }
0x172: {  	[tilespmem:s30], [sflag:$0x3] =	stream.linear.gather [spmem:s7], $0x2000, $0x38;
	[tilespmem:$0x18400] =	vst v63  }
0x173: {  	_ =	swait.ge [sflag:s31], $0x2000  }
0x174: {  	[sflag:s31] =	ssyncset.done $0x0  }
0x175: {  	s18 =	rddreg [dreg:$0xf];
	[sflag:s31] =	ssyncadd.s32 $0xFFFFE000  }
0x176: {  	[hbm4b:s18+s6] =	stream.strided.scatter [tilespmem:s30], [sflag:$0x3], $0x2000, s1, s6, $0x38;
	[tilespmem:$0x18400] =	vst v63  }
0x177: {  	_ =	swait.ge [sflag:s31], $0x2000  }
0x178: {  	[sflag:s31] =	ssyncset.done $0x0  }
0x179: {  	s6 =	rddreg [dreg:$0x17];
	[sflag:s31] =	ssyncadd.s32 $0xFFFFE000  }
0x17a: {  	[tilespmem:s30], [sflag:$0x3] =	stream.linear.gather [spmem:s6], $0x1E00, $0x38;
	[tilespmem:$0x18400] =	vst v63  }
0x17b: {  	_ =	swait.ge [sflag:s31], $0x1E00  }
0x17c: {  	[sflag:s31] =	ssyncset.done $0x0  }
0x17d: {  	s18 =	simm.s32 $0x40;
	s22 =	rddreg [dreg:$0x10];
	[sflag:s31] =	ssyncadd.s32 $0xFFFFE200  }
0x17e: {  	[hbm4b:s22+s18] =	stream.strided.scatter [tilespmem:s30], [sflag:$0x3], $0x1E00, s1, s18, $0x38;
	[tilespmem:$0x18400] =	vst v63  }
0x17f: {  	_ =	swait.ge [sflag:s31], $0x1E00  }
0x180: {  	s22 =	rddreg [dreg:$0x1a]  }
0x181: {  	s0 =	rddreg [dreg:$0x19];
	s22 =	sadd.s32 $0x1, s22  }
0x182: {  	p0 =	sne.s32 s22, s0  }
.Ltmp1:
0x183: {  	_ = 	snop;
	(pc) =	sbr.rel @p0 .LBB2_1-.Ltmp1, $3  }
0x184: {  	_ =	sdelay $0x1  }
0x185: {  	[sflag:s31] =	ssyncset.done $0x0;
	[dreg:$0x1a] =	wrdreg s22  }
0x186: {  	[sflag:s31] =	ssyncadd.s32 $0xFFFFE200;
	s22 =	rddreg [dreg:$0x5]  }
0x187: {  	_ =	sfence.sel $0x180000  }
0x188: {  	[bflag:$0x0] =	sbarrier.arrive $0xFFFF  }
0x189: {  	_ =	strace $0x9000004A  }
0x18a: {  	s0 =	stileid.u32;
	[bflag:$0x2] =	sbarrier.arrive $0xFFFF  }
0x18b: {  	p0 =	sne.s32 s0, $0x0;
	s0 =	rddreg [dreg:$0x3]  }
0x18c: {  	s0 =	sadd.s32 @!p0 $0x100000, s0  }
0x18d: {  	[sflag:s0] =	ssyncadd.tile.s32 @!p0 $0x1;
	_ =	shalt  }
.Lfunc_end2:
_tile_overlayer_lowered:
.L_overlay_start_2:
0x18e: {  	(tag) =	ssettag $0x2  }
0x18f: {  	s0 =	rddreg [dreg:$0x0];
	s2 =	stileid.u32  }
0x190: {  	s1 =	rddreg [dreg:$0x1];
	p0 =	sne.s32 s2, $0x0  }
0x191: {  	s3 =	rddreg [dreg:$0x2];
	[bflag:$0x3] =	sbarrier.arrive $0xFFFF;
	s2 =	simm.s32 @!p0 $0x1C03  }
0x192: {  	[timem:s3], [sflag:s2] =	dma.local @!p0 [hbm:s0], s1  }
0x193: {  	s0 =	simm.s32 @!p0 $0x3  }
0x194: {  	_ =	swait.ge @!p0 [sflag:s0], s1  }
0x195: {  	s1 =	ssub.s32 @!p0 $0x0, s1;
	[sflag:s0] =	ssyncset.done @!p0 $0x0  }
0x196: {  	[sflag:s0] =	ssyncadd.s32 @!p0 s1  }
0x197: {  	[bflag:$0x3] =	sbarrier.arrive $0xFFFF  }
0x198: {  	_ =	shalt  }

</sc_bundles>
